<compile_context>
chip_gen: v7x
topology: tpu7x:2x2x1
jax: 0.10.2.dev20260603
libtpu: 0.0.44.dev20260713+nightly
codegen_flags: <defaults>
</compile_context>

<pallas_src>
import functools

import jax
import jax.numpy as jnp
import numpy as np
from jax import lax
from jax.experimental import pallas as pl
from jax.experimental.pallas import tpu as pltpu
from jax.experimental.pallas import tpu_sc as plsc

NC = 2
NS = 16
NW = NC * NS
LANES = 16

B = 80
SB = 25
DEPTH = 3
WRITERS = 10
WR = 1000
BL = 2000
GRID = 5


def _deg_body(dst_hbm, ew_hbm, out_hbm, acc_v, dst_v, ew_v, ew_per):
    c = lax.axis_index("c")
    s = lax.axis_index("s")
    wid = c * NS + s
    n = acc_v.shape[0]

    def zero(i, _):
        acc_v[pl.ds(i * LANES, LANES)] = jnp.zeros((LANES,), jnp.float32)
        return _

    lax.fori_loop(0, n // LANES, zero, None)

    pltpu.sync_copy(dst_hbm.at[pl.ds(wid * ew_per, ew_per)], dst_v)
    pltpu.sync_copy(ew_hbm.at[pl.ds(wid * ew_per, ew_per)], ew_v)

    def group(k, _):
        sl = pl.ds(k * LANES, LANES)
        plsc.addupdate_scatter(acc_v, [dst_v[sl]], ew_v[sl])
        return _

    lax.fori_loop(0, ew_per // LANES, group, None)
    for g in range(GRID):
        pltpu.sync_copy(acc_v.at[pl.ds(g * BL, BL)],
                        out_hbm.at[pl.ds((g * NW + wid) * BL, BL)])


def _agg_body(y_hbm, src_hbm, dst_hbm, ew_hbm, z_hbm, out_hbm,
              acc_sh, src_v, dst_v, ew_v, srcq, dstq,
              rows0, rows1, rows2, msg0, msg1,
              gsem0, gsem1, gsem2, msem0, msem1, nsb, n):
    c = lax.axis_index("c")
    s = lax.axis_index("s")
    wid = c * NS + s
    bufs = (rows0, rows1, rows2)
    gsems = (gsem0, gsem1, gsem2)
    msgs = (msg0, msg1)
    msems = (msem0, msem1)
    h = msg0.shape[1]
    nbatch = nsb * SB
    sbw = SB * B

    @pl.when(s < WRITERS)
    def _zero_fill():
        pltpu.sync_copy(z_hbm, acc_sh.at[pl.ds(s * WR, WR)])

    plsc.subcore_barrier()

    def wait_g(t):
        pltpu.make_async_copy(y_hbm.at[srcq.at[pl.ds(0, B)]],
                              bufs[t], gsems[t]).wait()

    def wait_s(i):
        pltpu.make_async_copy(msgs[i], acc_sh.at[dstq.at[0]], msems[i]).wait()

    def issue_gather(t, q):
        qr = lax.rem(q, SB)
        for g in range(B // LANES):
            srcq[pl.ds(t * B + g * LANES, LANES)] = (
                src_v[pl.ds(qr * B + g * LANES, LANES)])
        pltpu.async_copy(y_hbm.at[srcq.at[pl.ds(t * B, B)]], bufs[t], gsems[t])

    pltpu.sync_copy(src_hbm.at[pl.ds(wid * nbatch * B, sbw)], src_v)
    pltpu.sync_copy(dst_hbm.at[pl.ds(wid * nbatch * B, sbw)], dst_v)
    pltpu.sync_copy(ew_hbm.at[pl.ds(wid * nbatch * B, sbw)], ew_v)
    for t in range(2):
        issue_gather(t, t)

    def batch(bi, _):
        k = lax.rem(bi, DEPTH)
        sbi = lax.div(bi, SB)
        r = lax.rem(bi, SB)
        nxt = bi + 2
        m2 = lax.rem(nxt, DEPTH)

        for t in range(DEPTH):
            @pl.when(jnp.logical_and(m2 == t, nxt < nbatch))
            def _refill(t=t):
                issue_gather(t, nxt)

        @pl.when(jnp.logical_and(r == SB - 3, sbi + 1 < nsb))
        def _stage_src():
            pltpu.sync_copy(
                src_hbm.at[pl.ds((wid * nsb + sbi + 1) * sbw, sbw)], src_v)

        for t in range(DEPTH):
            for mi in range(2):
                @pl.when(jnp.logical_and(k == t, lax.rem(bi, 2) == mi))
                def _go(t=t, mi=mi):
                    @pl.when(bi >= 2)
                    def _drain():
                        wait_s(mi)

                    wait_g(t)
                    wbase = r * B
                    buf = bufs[t]
                    msg = msgs[mi]

                    @plsc.parallel_loop(0, B, unroll=2)
                    def _scale(j):
                        w16 = plsc.load_gather(
                            ew_v, [jnp.full((LANES,), wbase + j, jnp.int32)])
                        for f in range(h // 32):
                            vi = buf[j, pl.ds(f * LANES, LANES)]
                            v32 = plsc.bitcast(vi, jnp.bfloat16)
                            va, vb = plsc.unpack(
                                v32, format=plsc.PackFormat.INTERLEAVED)
                            msg[j, pl.ds(f * 32, LANES)] = va * w16
                            msg[j, pl.ds(f * 32 + LANES, LANES)] = vb * w16

                    for g in range(B // LANES):
                        dstq[mi, pl.ds(g * LANES, LANES)] = (
                            dst_v[pl.ds(r * B + g * LANES, LANES)])

                    pltpu.async_copy(msg, acc_sh.at[dstq.at[mi]], msems[mi],
                                     add=True)

                    @pl.when(jnp.logical_and(r == SB - 1, sbi + 1 < nsb))
                    def _stage_dst_ew():
                        off = pl.ds((wid * nsb + sbi + 1) * sbw, sbw)
                        pltpu.sync_copy(dst_hbm.at[off], dst_v)
                        pltpu.sync_copy(ew_hbm.at[off], ew_v)

        return _

    lax.fori_loop(0, nbatch, batch, None)
    wait_s((nbatch - 2) % 2)
    wait_s((nbatch - 1) % 2)
    plsc.subcore_barrier()

    @pl.when(s < WRITERS)
    def _writeout():
        sl = pl.ds(s * WR, WR)
        pltpu.sync_copy(acc_sh.at[sl], out_hbm.at[c, sl])


def _block_dis(degp_ref):
    deg = jnp.sum(degp_ref[0], axis=0) + 1.0
    return lax.rsqrt(deg)


def _prep_body(x_ref, w_ref, wp_ref, degp_ref, y_ref, ybf_ref):
    dis = _block_dis(degp_ref)
    xw = jnp.dot(x_ref[...], w_ref[...], preferred_element_type=jnp.float32)
    y_ref[...] = xw * dis[:, None]
    xwp = jnp.dot(x_ref[...], wp_ref[...], preferred_element_type=jnp.float32)
    ybf_ref[...] = (xwp * dis[:, None]).astype(jnp.bfloat16)


def _final_body(aggp_ref, y_ref, degp_ref, b_ref, emb_ref, relu_ref):
    dis = _block_dis(degp_ref)
    agg = aggp_ref[0] + aggp_ref[1] + y_ref[...]
    emb = agg * dis[:, None] + b_ref[...]
    emb_ref[...] = emb
    relu_ref[...] = jnp.maximum(emb, 0.0)


def kernel(x, level, edge_index, edge_weight, W, b):
    del level
    n, f_in = x.shape
    h = W.shape[1]
    e = edge_weight.shape[0]
    assert e % (NW * B * SB) == 0 and n == WRITERS * WR
    nb = e // (NW * B * SB)

    src_flat = edge_index[0].astype(jnp.int32)
    dst_flat = edge_index[1].astype(jnp.int32)
    ew_per = e // NW

    mesh = plsc.VectorSubcoreMesh(core_axis_name="c", subcore_axis_name="s")

    deg_partial = pl.kernel(
        functools.partial(_deg_body, ew_per=ew_per),
        out_type=jax.ShapeDtypeStruct((NW * n,), jnp.float32),
        mesh=mesh,
        scratch_types=[
            pltpu.VMEM((n,), jnp.float32),
            pltpu.VMEM((ew_per,), jnp.int32),
            pltpu.VMEM((ew_per,), jnp.float32),
        ],
        compiler_params=pltpu.CompilerParams(needs_layout_passes=False),
        name="sc_deg_scatter",
    )(dst_flat, edge_weight)
    bl, grid = BL, GRID
    degp_t = deg_partial.reshape(grid, NW, bl)

    pcols = np.empty(h, np.int32)
    for f0 in range(0, h, 32):
        for i in range(16):
            pcols[f0 + 2 * i] = f0 + i
            pcols[f0 + 2 * i + 1] = f0 + 16 + i

    y, ybf = pl.pallas_call(
        _prep_body,
        grid=(grid,),
        in_specs=[
            pl.BlockSpec((bl, f_in), lambda i: (i, 0)),
            pl.BlockSpec((f_in, h), lambda i: (0, 0)),
            pl.BlockSpec((f_in, h), lambda i: (0, 0)),
            pl.BlockSpec((1, NW, bl), lambda i: (i, 0, 0)),
        ],
        out_specs=[
            pl.BlockSpec((bl, h), lambda i: (i, 0)),
            pl.BlockSpec((bl, h), lambda i: (i, 0)),
        ],
        out_shape=[
            jax.ShapeDtypeStruct((n, h), jnp.float32),
            jax.ShapeDtypeStruct((n, h), jnp.bfloat16),
        ],
        name="tc_prep_matmul",
    )(x, W, W[:, pcols], degp_t)
    ybf32 = lax.bitcast_convert_type(ybf.reshape(n, h // 2, 2), jnp.int32)

    agg_partial = pl.kernel(
        functools.partial(_agg_body, nsb=nb, n=n),
        out_type=jax.ShapeDtypeStruct((NC, n, h), jnp.float32),
        mesh=mesh,
        scratch_types=[
            pltpu.VMEM_SHARED((n, h), jnp.float32),
            pltpu.VMEM((SB * B,), jnp.int32),
            pltpu.VMEM((SB * B,), jnp.int32),
            pltpu.VMEM((SB * B,), jnp.float32),
            pltpu.VMEM((DEPTH * B,), jnp.int32),
            pltpu.VMEM((2, B), jnp.int32),
            pltpu.VMEM((B, h // 2), jnp.int32),
            pltpu.VMEM((B, h // 2), jnp.int32),
            pltpu.VMEM((B, h // 2), jnp.int32),
            pltpu.VMEM((B, h), jnp.float32),
            pltpu.VMEM((B, h), jnp.float32),
            pltpu.SemaphoreType.DMA,
            pltpu.SemaphoreType.DMA,
            pltpu.SemaphoreType.DMA,
            pltpu.SemaphoreType.DMA,
            pltpu.SemaphoreType.DMA,
        ],
        compiler_params=pltpu.CompilerParams(needs_layout_passes=False,
                                             use_tc_tiling_on_sc=False),
        name="sc_edge_aggregate",
    )(ybf32, src_flat, dst_flat, edge_weight, jnp.zeros((WR, h), jnp.float32))

    embedding, to_next = pl.pallas_call(
        _final_body,
        grid=(grid,),
        in_specs=[
            pl.BlockSpec((NC, bl, h), lambda i: (0, i, 0)),
            pl.BlockSpec((bl, h), lambda i: (i, 0)),
            pl.BlockSpec((1, NW, bl), lambda i: (i, 0, 0)),
            pl.BlockSpec((1, h), lambda i: (0, 0)),
        ],
        out_specs=[
            pl.BlockSpec((bl, h), lambda i: (i, 0)),
            pl.BlockSpec((bl, h), lambda i: (i, 0)),
        ],
        out_shape=[
            jax.ShapeDtypeStruct((n, h), jnp.float32),
            jax.ShapeDtypeStruct((n, h), jnp.float32),
        ],
        name="tc_finalize",
    )(agg_partial, y, degp_t, b.reshape(1, h))

    return (embedding, to_next)

# --- scband reference (transcript-rebuilt; emitter-appended) ---
"""Pipeline reference for scband-encoder-33346126086886 (READ-ONLY COPY).

The authoritative reference and input builder live on the scoring server;
editing this copy changes nothing except your own understanding.
"""

import jax, jax.numpy as jnp
import numpy as np

N = 10000
E = 320000
F_IN = 128
H = 128


def setup_inputs(seed: int = 0) -> dict:
    key = jax.random.key(seed)
    k1, k2, k3, k4, k5 = jax.random.split(key, 5)
    x = jax.random.normal(k1, (N, F_IN), dtype=jnp.float32)
    edge_index = jax.random.randint(k2, (2, E), 0, N, dtype=jnp.int64)
    edge_weight = jax.random.uniform(k3, (E,), dtype=jnp.float32)
    # GCNConv level-0 parameters: feat_dim -> hid_dim (glorot-ish init), zero bias
    W = jax.random.normal(k4, (F_IN, H), dtype=jnp.float32) * (1.0 / np.sqrt(F_IN))
    b = jnp.zeros((H,), dtype=jnp.float32)
    return {"x": x, "level": 0, "edge_index": edge_index, "edge_weight": edge_weight, "W": W, "b": b}


def reference(x, level, edge_index, edge_weight, W, b):
    # Faithful GCNConv (PyG) forward with edge_weight:
    # gcn_norm with add_self_loops=True, improved=False, then linear, message = norm * x_j,
    # scatter-add aggregation at dst, plus bias. Encoder applies ReLU for the next level.
    n = x.shape[0]
    src = edge_index[0]
    dst = edge_index[1]
    # add self loops with weight 1.0
    loop = jnp.arange(n, dtype=edge_index.dtype)
    src_full = jnp.concatenate([src, loop])
    dst_full = jnp.concatenate([dst, loop])
    ew_full = jnp.concatenate([edge_weight, jnp.ones((n,), dtype=edge_weight.dtype)])
    # symmetric normalization: deg computed over dst (col) with edge weights
    deg = jnp.zeros((n,), dtype=edge_weight.dtype).at[dst_full].add(ew_full)
    deg_inv_sqrt = jnp.where(deg > 0, deg ** -0.5, 0.0)
    norm = deg_inv_sqrt[src_full] * ew_full * deg_inv_sqrt[dst_full]
    # linear transform then propagate (source_to_target)
    xw = x @ W
    msg = norm[:, None] * jnp.take(xw, src_full, axis=0)
    out = jnp.zeros((n, xw.shape[1]), dtype=xw.dtype).at[dst_full].add(msg)
    embedding = out + b
    to_next = jax.nn.relu(embedding)
    return (embedding, to_next)

if __name__ == "__main__":
    import jax
    _d = setup_inputs()
    print(jax.jit(kernel)(*tuple(_d.values())))

</pallas_src>

<mosaic_0001>
#map = affine_map<(d0, d1) -> (0)>
module attributes {stable_mosaic.version = 14 : i64} {
  func.func @sc_deg_scatter(%arg0: i32, %arg1: i32, %arg2: memref<320000xi32, #tpu.memory_space<hbm>>, %arg3: memref<320000xf32, #tpu.memory_space<hbm>>, %arg4: memref<320000xf32, #tpu.memory_space<hbm>>, %arg5: memref<10000xf32, #tpu.memory_space<vmem>>, %arg6: memref<10000xi32, #tpu.memory_space<vmem>>, %arg7: memref<10000xf32, #tpu.memory_space<vmem>>) attributes {dimension_semantics = [#tpu.dimension_semantics<core_parallel>, #tpu.dimension_semantics<subcore_parallel>], iteration_bounds = array<i64: 2, 16>, scalar_prefetch = 0 : i64, scratch_operands = 3 : i64, tpu.core_type = #tpu.core_type<sc_vector_subcore>, window_params = [{transform_indices = #map}, {transform_indices = #map}, {transform_indices = #map}]} {
    %mul3A = arith.constant 16 : i32
    %mul3A_0 = arith.muli %arg0, %mul3A : i32
    %add3A = arith.addi %mul3A_0, %arg1 : i32
    %scan3A = arith.constant 0 : i32
    %scan3A_1 = arith.constant 625 : i32
    %scan3A_2 = arith.addi %scan3A, %scan3A_1 : i32
    %scan3A_3 = arith.constant 1 : i32
    scf.for %scan3A_34 = %scan3A to %scan3A_2 step %scan3A_3  : i32 {
      %broadcast_in_dim3A = arith.constant 0.000000e+00 : f32
      %broadcast_in_dim3A_35 = vector.broadcast %broadcast_in_dim3A : f32 to vector<16xf32>
      %mul3A_36 = arith.constant 16 : i32
      %mul3A_37 = arith.muli %scan3A_34, %mul3A_36 : i32
      %swap3A = arith.index_cast %mul3A_37 : i32 to index
      %swap3A_38 = tpu.vector_load %arg5[%swap3A] {strides = array<i32>} : memref<10000xf32, #tpu.memory_space<vmem>>, vector<16xf32>,
      tpu.vector_store %arg5[%swap3A], %broadcast_in_dim3A_35 {strides = array<i32>} : memref<10000xf32, #tpu.memory_space<vmem>>, vector<16xf32>,
    }
    %scan3A_4 = arith.constant 625 : i32
    %mul3A_5 = arith.constant 10000 : i32
    %mul3A_6 = arith.muli %add3A, %mul3A_5 : i32
    "tpu.region"() ({
      %run_scoped3A = tpu.sem_alloc : memref<!tpu.dma_semaphore, #tpu.memory_space<semaphore_mem>>
      %dma_start3A = tpu.memref_slice %arg2[%mul3A_6] : memref<320000xi32, #tpu.memory_space<hbm>> -> memref<10000xi32, #tpu.memory_space<hbm>>
      %dma_start3A_34 = tpu.memref_slice %arg2[%mul3A_6] : memref<320000xi32, #tpu.memory_space<hbm>> -> memref<10000xi32, #tpu.memory_space<hbm>>
      tpu.enqueue_dma source(%dma_start3A_34 : memref<10000xi32, #tpu.memory_space<hbm>>) target(%arg6 : memref<10000xi32, #tpu.memory_space<vmem>>) target_semaphore(%run_scoped3A : memref<!tpu.dma_semaphore, #tpu.memory_space<semaphore_mem>>)
      %dma_wait3A = tpu.memref_slice %arg2[%mul3A_6] : memref<320000xi32, #tpu.memory_space<hbm>> -> memref<10000xi32, #tpu.memory_space<hbm>>
      %dma_wait3A_35 = tpu.memref_slice %arg2[%mul3A_6] : memref<320000xi32, #tpu.memory_space<hbm>> -> memref<10000xi32, #tpu.memory_space<hbm>>
      tpu.wait_dma2 semaphore(%run_scoped3A : memref<!tpu.dma_semaphore, #tpu.memory_space<semaphore_mem>>) src(%dma_wait3A_35 : memref<10000xi32, #tpu.memory_space<hbm>>) dst(%arg6 : memref<10000xi32, #tpu.memory_space<vmem>>)
      tpu.yield
    }) : () -> ()
    %mul3A_7 = arith.constant 10000 : i32
    %mul3A_8 = arith.muli %add3A, %mul3A_7 : i32
    "tpu.region"() ({
      %run_scoped3A = tpu.sem_alloc : memref<!tpu.dma_semaphore, #tpu.memory_space<semaphore_mem>>
      %dma_start3A = tpu.memref_slice %arg3[%mul3A_8] : memref<320000xf32, #tpu.memory_space<hbm>> -> memref<10000xf32, #tpu.memory_space<hbm>>
      %dma_start3A_34 = tpu.memref_slice %arg3[%mul3A_8] : memref<320000xf32, #tpu.memory_space<hbm>> -> memref<10000xf32, #tpu.memory_space<hbm>>
      tpu.enqueue_dma source(%dma_start3A_34 : memref<10000xf32, #tpu.memory_space<hbm>>) target(%arg7 : memref<10000xf32, #tpu.memory_space<vmem>>) target_semaphore(%run_scoped3A : memref<!tpu.dma_semaphore, #tpu.memory_space<semaphore_mem>>)
      %dma_wait3A = tpu.memref_slice %arg3[%mul3A_8] : memref<320000xf32, #tpu.memory_space<hbm>> -> memref<10000xf32, #tpu.memory_space<hbm>>
      %dma_wait3A_35 = tpu.memref_slice %arg3[%mul3A_8] : memref<320000xf32, #tpu.memory_space<hbm>> -> memref<10000xf32, #tpu.memory_space<hbm>>
      tpu.wait_dma2 semaphore(%run_scoped3A : memref<!tpu.dma_semaphore, #tpu.memory_space<semaphore_mem>>) src(%dma_wait3A_35 : memref<10000xf32, #tpu.memory_space<hbm>>) dst(%arg7 : memref<10000xf32, #tpu.memory_space<vmem>>)
      tpu.yield
    }) : () -> ()
    %scan3A_9 = arith.constant 0 : i32
    %scan3A_10 = arith.constant 625 : i32
    %scan3A_11 = arith.addi %scan3A_9, %scan3A_10 : i32
    %scan3A_12 = arith.constant 1 : i32
    scf.for %scan3A_34 = %scan3A_9 to %scan3A_11 step %scan3A_12  : i32 {
      %mul3A_35 = arith.constant 16 : i32
      %mul3A_36 = arith.muli %scan3A_34, %mul3A_35 : i32
      %get3A = arith.index_cast %mul3A_36 : i32 to index
      %get3A_37 = tpu.vector_load %arg6[%get3A] {strides = array<i32>} : memref<10000xi32, #tpu.memory_space<vmem>>, vector<16xi32>,
      %get3A_38 = arith.index_cast %mul3A_36 : i32 to index
      %get3A_39 = tpu.vector_load %arg7[%get3A_38] {strides = array<i32>} : memref<10000xf32, #tpu.memory_space<vmem>>, vector<16xf32>,
      tpu.vector_store_idx %arg5[%get3A_37], %get3A_39 {add = true} : memref<10000xf32, #tpu.memory_space<vmem>>[vector<16xi32>], vector<16xf32>,
    }
    %scan3A_13 = arith.constant 625 : i32
    %add3A_14 = arith.constant 0 : i32
    %add3A_15 = arith.addi %add3A_14, %add3A : i32
    %mul3A_16 = arith.constant 2000 : i32
    %mul3A_17 = arith.muli %add3A_15, %mul3A_16 : i32
    "tpu.region"() ({
      %run_scoped3A = tpu.sem_alloc : memref<!tpu.dma_semaphore, #tpu.memory_space<semaphore_mem>>
      %dma_start3A = arith.constant 0 : i32
      %dma_start3A_34 = tpu.memref_slice %arg5[%dma_start3A] : memref<10000xf32, #tpu.memory_space<vmem>> -> memref<2000xf32, #tpu.memory_space<vmem>>
      %dma_start3A_35 = tpu.memref_slice %arg4[%mul3A_17] : memref<320000xf32, #tpu.memory_space<hbm>> -> memref<2000xf32, #tpu.memory_space<hbm>>
      %dma_start3A_36 = tpu.memref_slice %arg4[%mul3A_17] : memref<320000xf32, #tpu.memory_space<hbm>> -> memref<2000xf32, #tpu.memory_space<hbm>>
      %dma_start3A_37 = arith.constant 0 : i32
      %dma_start3A_38 = tpu.memref_slice %arg5[%dma_start3A_37] : memref<10000xf32, #tpu.memory_space<vmem>> -> memref<2000xf32, #tpu.memory_space<vmem>>
      tpu.enqueue_dma source(%dma_start3A_38 : memref<2000xf32, #tpu.memory_space<vmem>>) target(%dma_start3A_36 : memref<2000xf32, #tpu.memory_space<hbm>>) target_semaphore(%run_scoped3A : memref<!tpu.dma_semaphore, #tpu.memory_space<semaphore_mem>>)
      %dma_wait3A = arith.constant 0 : i32
      %dma_wait3A_39 = tpu.memref_slice %arg5[%dma_wait3A] : memref<10000xf32, #tpu.memory_space<vmem>> -> memref<2000xf32, #tpu.memory_space<vmem>>
      %dma_wait3A_40 = tpu.memref_slice %arg4[%mul3A_17] : memref<320000xf32, #tpu.memory_space<hbm>> -> memref<2000xf32, #tpu.memory_space<hbm>>
      %dma_wait3A_41 = tpu.memref_slice %arg4[%mul3A_17] : memref<320000xf32, #tpu.memory_space<hbm>> -> memref<2000xf32, #tpu.memory_space<hbm>>
      %dma_wait3A_42 = arith.constant 0 : i32
      %dma_wait3A_43 = tpu.memref_slice %arg5[%dma_wait3A_42] : memref<10000xf32, #tpu.memory_space<vmem>> -> memref<2000xf32, #tpu.memory_space<vmem>>
      tpu.wait_dma2 semaphore(%run_scoped3A : memref<!tpu.dma_semaphore, #tpu.memory_space<semaphore_mem>>) src(%dma_wait3A_43 : memref<2000xf32, #tpu.memory_space<vmem>>) dst(%dma_wait3A_41 : memref<2000xf32, #tpu.memory_space<hbm>>)
      tpu.yield
    }) : () -> ()
    %add3A_18 = arith.constant 32 : i32
    %add3A_19 = arith.addi %add3A_18, %add3A : i32
    %mul3A_20 = arith.constant 2000 : i32
    %mul3A_21 = arith.muli %add3A_19, %mul3A_20 : i32
    "tpu.region"() ({
      %run_scoped3A = tpu.sem_alloc : memref<!tpu.dma_semaphore, #tpu.memory_space<semaphore_mem>>
      %dma_start3A = arith.constant 2000 : i32
      %dma_start3A_34 = tpu.memref_slice %arg5[%dma_start3A] : memref<10000xf32, #tpu.memory_space<vmem>> -> memref<2000xf32, #tpu.memory_space<vmem>>
      %dma_start3A_35 = tpu.memref_slice %arg4[%mul3A_21] : memref<320000xf32, #tpu.memory_space<hbm>> -> memref<2000xf32, #tpu.memory_space<hbm>>
      %dma_start3A_36 = tpu.memref_slice %arg4[%mul3A_21] : memref<320000xf32, #tpu.memory_space<hbm>> -> memref<2000xf32, #tpu.memory_space<hbm>>
      %dma_start3A_37 = arith.constant 2000 : i32
      %dma_start3A_38 = tpu.memref_slice %arg5[%dma_start3A_37] : memref<10000xf32, #tpu.memory_space<vmem>> -> memref<2000xf32, #tpu.memory_space<vmem>>
      tpu.enqueue_dma source(%dma_start3A_38 : memref<2000xf32, #tpu.memory_space<vmem>>) target(%dma_start3A_36 : memref<2000xf32, #tpu.memory_space<hbm>>) target_semaphore(%run_scoped3A : memref<!tpu.dma_semaphore, #tpu.memory_space<semaphore_mem>>)
      %dma_wait3A = arith.constant 2000 : i32
      %dma_wait3A_39 = tpu.memref_slice %arg5[%dma_wait3A] : memref<10000xf32, #tpu.memory_space<vmem>> -> memref<2000xf32, #tpu.memory_space<vmem>>
      %dma_wait3A_40 = tpu.memref_slice %arg4[%mul3A_21] : memref<320000xf32, #tpu.memory_space<hbm>> -> memref<2000xf32, #tpu.memory_space<hbm>>
      %dma_wait3A_41 = tpu.memref_slice %arg4[%mul3A_21] : memref<320000xf32, #tpu.memory_space<hbm>> -> memref<2000xf32, #tpu.memory_space<hbm>>
      %dma_wait3A_42 = arith.constant 2000 : i32
      %dma_wait3A_43 = tpu.memref_slice %arg5[%dma_wait3A_42] : memref<10000xf32, #tpu.memory_space<vmem>> -> memref<2000xf32, #tpu.memory_space<vmem>>
      tpu.wait_dma2 semaphore(%run_scoped3A : memref<!tpu.dma_semaphore, #tpu.memory_space<semaphore_mem>>) src(%dma_wait3A_43 : memref<2000xf32, #tpu.memory_space<vmem>>) dst(%dma_wait3A_41 : memref<2000xf32, #tpu.memory_space<hbm>>)
      tpu.yield
    }) : () -> ()
    %add3A_22 = arith.constant 64 : i32
    %add3A_23 = arith.addi %add3A_22, %add3A : i32
    %mul3A_24 = arith.constant 2000 : i32
    %mul3A_25 = arith.muli %add3A_23, %mul3A_24 : i32
    "tpu.region"() ({
      %run_scoped3A = tpu.sem_alloc : memref<!tpu.dma_semaphore, #tpu.memory_space<semaphore_mem>>
      %dma_start3A = arith.constant 4000 : i32
      %dma_start3A_34 = tpu.memref_slice %arg5[%dma_start3A] : memref<10000xf32, #tpu.memory_space<vmem>> -> memref<2000xf32, #tpu.memory_space<vmem>>
      %dma_start3A_35 = tpu.memref_slice %arg4[%mul3A_25] : memref<320000xf32, #tpu.memory_space<hbm>> -> memref<2000xf32, #tpu.memory_space<hbm>>
      %dma_start3A_36 = tpu.memref_slice %arg4[%mul3A_25] : memref<320000xf32, #tpu.memory_space<hbm>> -> memref<2000xf32, #tpu.memory_space<hbm>>
      %dma_start3A_37 = arith.constant 4000 : i32
      %dma_start3A_38 = tpu.memref_slice %arg5[%dma_start3A_37] : memref<10000xf32, #tpu.memory_space<vmem>> -> memref<2000xf32, #tpu.memory_space<vmem>>
      tpu.enqueue_dma source(%dma_start3A_38 : memref<2000xf32, #tpu.memory_space<vmem>>) target(%dma_start3A_36 : memref<2000xf32, #tpu.memory_space<hbm>>) target_semaphore(%run_scoped3A : memref<!tpu.dma_semaphore, #tpu.memory_space<semaphore_mem>>)
      %dma_wait3A = arith.constant 4000 : i32
      %dma_wait3A_39 = tpu.memref_slice %arg5[%dma_wait3A] : memref<10000xf32, #tpu.memory_space<vmem>> -> memref<2000xf32, #tpu.memory_space<vmem>>
      %dma_wait3A_40 = tpu.memref_slice %arg4[%mul3A_25] : memref<320000xf32, #tpu.memory_space<hbm>> -> memref<2000xf32, #tpu.memory_space<hbm>>
      %dma_wait3A_41 = tpu.memref_slice %arg4[%mul3A_25] : memref<320000xf32, #tpu.memory_space<hbm>> -> memref<2000xf32, #tpu.memory_space<hbm>>
      %dma_wait3A_42 = arith.constant 4000 : i32
      %dma_wait3A_43 = tpu.memref_slice %arg5[%dma_wait3A_42] : memref<10000xf32, #tpu.memory_space<vmem>> -> memref<2000xf32, #tpu.memory_space<vmem>>
      tpu.wait_dma2 semaphore(%run_scoped3A : memref<!tpu.dma_semaphore, #tpu.memory_space<semaphore_mem>>) src(%dma_wait3A_43 : memref<2000xf32, #tpu.memory_space<vmem>>) dst(%dma_wait3A_41 : memref<2000xf32, #tpu.memory_space<hbm>>)
      tpu.yield
    }) : () -> ()
    %add3A_26 = arith.constant 96 : i32
    %add3A_27 = arith.addi %add3A_26, %add3A : i32
    %mul3A_28 = arith.constant 2000 : i32
    %mul3A_29 = arith.muli %add3A_27, %mul3A_28 : i32
    "tpu.region"() ({
      %run_scoped3A = tpu.sem_alloc : memref<!tpu.dma_semaphore, #tpu.memory_space<semaphore_mem>>
      %dma_start3A = arith.constant 6000 : i32
      %dma_start3A_34 = tpu.memref_slice %arg5[%dma_start3A] : memref<10000xf32, #tpu.memory_space<vmem>> -> memref<2000xf32, #tpu.memory_space<vmem>>
      %dma_start3A_35 = tpu.memref_slice %arg4[%mul3A_29] : memref<320000xf32, #tpu.memory_space<hbm>> -> memref<2000xf32, #tpu.memory_space<hbm>>
      %dma_start3A_36 = tpu.memref_slice %arg4[%mul3A_29] : memref<320000xf32, #tpu.memory_space<hbm>> -> memref<2000xf32, #tpu.memory_space<hbm>>
      %dma_start3A_37 = arith.constant 6000 : i32
      %dma_start3A_38 = tpu.memref_slice %arg5[%dma_start3A_37] : memref<10000xf32, #tpu.memory_space<vmem>> -> memref<2000xf32, #tpu.memory_space<vmem>>
      tpu.enqueue_dma source(%dma_start3A_38 : memref<2000xf32, #tpu.memory_space<vmem>>) target(%dma_start3A_36 : memref<2000xf32, #tpu.memory_space<hbm>>) target_semaphore(%run_scoped3A : memref<!tpu.dma_semaphore, #tpu.memory_space<semaphore_mem>>)
      %dma_wait3A = arith.constant 6000 : i32
      %dma_wait3A_39 = tpu.memref_slice %arg5[%dma_wait3A] : memref<10000xf32, #tpu.memory_space<vmem>> -> memref<2000xf32, #tpu.memory_space<vmem>>
      %dma_wait3A_40 = tpu.memref_slice %arg4[%mul3A_29] : memref<320000xf32, #tpu.memory_space<hbm>> -> memref<2000xf32, #tpu.memory_space<hbm>>
      %dma_wait3A_41 = tpu.memref_slice %arg4[%mul3A_29] : memref<320000xf32, #tpu.memory_space<hbm>> -> memref<2000xf32, #tpu.memory_space<hbm>>
      %dma_wait3A_42 = arith.constant 6000 : i32
      %dma_wait3A_43 = tpu.memref_slice %arg5[%dma_wait3A_42] : memref<10000xf32, #tpu.memory_space<vmem>> -> memref<2000xf32, #tpu.memory_space<vmem>>
      tpu.wait_dma2 semaphore(%run_scoped3A : memref<!tpu.dma_semaphore, #tpu.memory_space<semaphore_mem>>) src(%dma_wait3A_43 : memref<2000xf32, #tpu.memory_space<vmem>>) dst(%dma_wait3A_41 : memref<2000xf32, #tpu.memory_space<hbm>>)
      tpu.yield
    }) : () -> ()
    %add3A_30 = arith.constant 128 : i32
    %add3A_31 = arith.addi %add3A_30, %add3A : i32
    %mul3A_32 = arith.constant 2000 : i32
    %mul3A_33 = arith.muli %add3A_31, %mul3A_32 : i32
    "tpu.region"() ({
      %run_scoped3A = tpu.sem_alloc : memref<!tpu.dma_semaphore, #tpu.memory_space<semaphore_mem>>
      %dma_start3A = arith.constant 8000 : i32
      %dma_start3A_34 = tpu.memref_slice %arg5[%dma_start3A] : memref<10000xf32, #tpu.memory_space<vmem>> -> memref<2000xf32, #tpu.memory_space<vmem>>
      %dma_start3A_35 = tpu.memref_slice %arg4[%mul3A_33] : memref<320000xf32, #tpu.memory_space<hbm>> -> memref<2000xf32, #tpu.memory_space<hbm>>
      %dma_start3A_36 = tpu.memref_slice %arg4[%mul3A_33] : memref<320000xf32, #tpu.memory_space<hbm>> -> memref<2000xf32, #tpu.memory_space<hbm>>
      %dma_start3A_37 = arith.constant 8000 : i32
      %dma_start3A_38 = tpu.memref_slice %arg5[%dma_start3A_37] : memref<10000xf32, #tpu.memory_space<vmem>> -> memref<2000xf32, #tpu.memory_space<vmem>>
      tpu.enqueue_dma source(%dma_start3A_38 : memref<2000xf32, #tpu.memory_space<vmem>>) target(%dma_start3A_36 : memref<2000xf32, #tpu.memory_space<hbm>>) target_semaphore(%run_scoped3A : memref<!tpu.dma_semaphore, #tpu.memory_space<semaphore_mem>>)
      %dma_wait3A = arith.constant 8000 : i32
      %dma_wait3A_39 = tpu.memref_slice %arg5[%dma_wait3A] : memref<10000xf32, #tpu.memory_space<vmem>> -> memref<2000xf32, #tpu.memory_space<vmem>>
      %dma_wait3A_40 = tpu.memref_slice %arg4[%mul3A_33] : memref<320000xf32, #tpu.memory_space<hbm>> -> memref<2000xf32, #tpu.memory_space<hbm>>
      %dma_wait3A_41 = tpu.memref_slice %arg4[%mul3A_33] : memref<320000xf32, #tpu.memory_space<hbm>> -> memref<2000xf32, #tpu.memory_space<hbm>>
      %dma_wait3A_42 = arith.constant 8000 : i32
      %dma_wait3A_43 = tpu.memref_slice %arg5[%dma_wait3A_42] : memref<10000xf32, #tpu.memory_space<vmem>> -> memref<2000xf32, #tpu.memory_space<vmem>>
      tpu.wait_dma2 semaphore(%run_scoped3A : memref<!tpu.dma_semaphore, #tpu.memory_space<semaphore_mem>>) src(%dma_wait3A_43 : memref<2000xf32, #tpu.memory_space<vmem>>) dst(%dma_wait3A_41 : memref<2000xf32, #tpu.memory_space<hbm>>)
      tpu.yield
    }) : () -> ()
    return
  }
}

#map = affine_map<(d0, d1) -> (0, 0)>
#map1 = affine_map<(d0, d1) -> (0)>
#map2 = affine_map<(d0, d1) -> (0, 0, 0)>
module attributes {stable_mosaic.version = 14 : i64} {
  func.func @sc_edge_aggregate(%arg0: i32, %arg1: i32, %arg2: memref<10000x64xi32, #tpu.memory_space<hbm>>, %arg3: memref<320000xi32, #tpu.memory_space<hbm>>, %arg4: memref<320000xi32, #tpu.memory_space<hbm>>, %arg5: memref<320000xf32, #tpu.memory_space<hbm>>, %arg6: memref<1000x128xf32, #tpu.memory_space<hbm>>, %arg7: memref<2x10000x128xf32, #tpu.memory_space<hbm>>, %arg8: memref<10000x128xf32, #tpu.memory_space<vmem_shared>>, %arg9: memref<2000xi32, #tpu.memory_space<vmem>>, %arg10: memref<2000xi32, #tpu.memory_space<vmem>>, %arg11: memref<2000xf32, #tpu.memory_space<vmem>>, %arg12: memref<240xi32, #tpu.memory_space<vmem>>, %arg13: memref<2x80xi32, #tpu.memory_space<vmem>>, %arg14: memref<80x64xi32, #tpu.memory_space<vmem>>, %arg15: memref<80x64xi32, #tpu.memory_space<vmem>>, %arg16: memref<80x64xi32, #tpu.memory_space<vmem>>, %arg17: memref<80x128xf32, #tpu.memory_space<vmem>>, %arg18: memref<80x128xf32, #tpu.memory_space<vmem>>, %arg19: memref<!tpu.dma_semaphore, #tpu.memory_space<semaphore_mem>>, %arg20: memref<!tpu.dma_semaphore, #tpu.memory_space<semaphore_mem>>, %arg21: memref<!tpu.dma_semaphore, #tpu.memory_space<semaphore_mem>>, %arg22: memref<!tpu.dma_semaphore, #tpu.memory_space<semaphore_mem>>, %arg23: memref<!tpu.dma_semaphore, #tpu.memory_space<semaphore_mem>>) attributes {dimension_semantics = [#tpu.dimension_semantics<core_parallel>, #tpu.dimension_semantics<subcore_parallel>], iteration_bounds = array<i64: 2, 16>, scalar_prefetch = 0 : i64, scratch_operands = 16 : i64, tpu.core_type = #tpu.core_type<sc_vector_subcore>, window_params = [{transform_indices = #map}, {transform_indices = #map1}, {transform_indices = #map1}, {transform_indices = #map1}, {transform_indices = #map}, {transform_indices = #map2}]} {
    %mul3A = arith.constant 16 : i32
    %mul3A_0 = arith.muli %arg0, %mul3A : i32
    %add3A = arith.addi %mul3A_0, %arg1 : i32
    %lt3A = arith.constant 10 : i32
    %lt3A_1 = arith.cmpi slt, %arg1, %lt3A : i32
    %convert_element_type3A = arith.extui %lt3A_1 : i1 to i32
    %cond3A = arith.constant 0 : i32
    %cond3A_2 = arith.cmpi ne, %convert_element_type3A, %cond3A : i32
    scf.if %cond3A_2 {
      %mul3A_130 = arith.constant 1000 : i32
      %mul3A_131 = arith.muli %arg1, %mul3A_130 : i32
      "tpu.region"() ({
        %run_scoped3A = tpu.sem_alloc : memref<!tpu.dma_semaphore, #tpu.memory_space<semaphore_mem>>
        %dma_start3A_132 = arith.constant 0 : i32
        %dma_start3A_133 = tpu.memref_slice %arg8[%mul3A_131, %dma_start3A_132] : memref<10000x128xf32, #tpu.memory_space<vmem_shared>> -> memref<1000x128xf32, #tpu.memory_space<vmem_shared>>
        tpu.enqueue_dma source(%arg6 : memref<1000x128xf32, #tpu.memory_space<hbm>>) target(%dma_start3A_133 : memref<1000x128xf32, #tpu.memory_space<vmem_shared>>) target_semaphore(%run_scoped3A : memref<!tpu.dma_semaphore, #tpu.memory_space<semaphore_mem>>)
        %dma_wait3A_134 = arith.constant 0 : i32
        %dma_wait3A_135 = tpu.memref_slice %arg8[%mul3A_131, %dma_wait3A_134] : memref<10000x128xf32, #tpu.memory_space<vmem_shared>> -> memref<1000x128xf32, #tpu.memory_space<vmem_shared>>
        tpu.wait_dma2 semaphore(%run_scoped3A : memref<!tpu.dma_semaphore, #tpu.memory_space<semaphore_mem>>) src(%arg6 : memref<1000x128xf32, #tpu.memory_space<hbm>>) dst(%dma_wait3A_135 : memref<1000x128xf32, #tpu.memory_space<vmem_shared>>)
        tpu.yield
      }) : () -> ()
    } else {
    }
    %barrier3A = arith.constant 0 : index
    tpu.barrier barrier_id(%barrier3A)
    %mul3A_3 = arith.constant 125 : i32
    %mul3A_4 = arith.muli %add3A, %mul3A_3 : i32
    %mul3A_5 = arith.constant 80 : i32
    %mul3A_6 = arith.muli %mul3A_4, %mul3A_5 : i32
    "tpu.region"() ({
      %run_scoped3A = tpu.sem_alloc : memref<!tpu.dma_semaphore, #tpu.memory_space<semaphore_mem>>
      %dma_start3A_130 = tpu.memref_slice %arg3[%mul3A_6] : memref<320000xi32, #tpu.memory_space<hbm>> -> memref<2000xi32, #tpu.memory_space<hbm>>
      %dma_start3A_131 = tpu.memref_slice %arg3[%mul3A_6] : memref<320000xi32, #tpu.memory_space<hbm>> -> memref<2000xi32, #tpu.memory_space<hbm>>
      tpu.enqueue_dma source(%dma_start3A_131 : memref<2000xi32, #tpu.memory_space<hbm>>) target(%arg9 : memref<2000xi32, #tpu.memory_space<vmem>>) target_semaphore(%run_scoped3A : memref<!tpu.dma_semaphore, #tpu.memory_space<semaphore_mem>>)
      %dma_wait3A_132 = tpu.memref_slice %arg3[%mul3A_6] : memref<320000xi32, #tpu.memory_space<hbm>> -> memref<2000xi32, #tpu.memory_space<hbm>>
      %dma_wait3A_133 = tpu.memref_slice %arg3[%mul3A_6] : memref<320000xi32, #tpu.memory_space<hbm>> -> memref<2000xi32, #tpu.memory_space<hbm>>
      tpu.wait_dma2 semaphore(%run_scoped3A : memref<!tpu.dma_semaphore, #tpu.memory_space<semaphore_mem>>) src(%dma_wait3A_133 : memref<2000xi32, #tpu.memory_space<hbm>>) dst(%arg9 : memref<2000xi32, #tpu.memory_space<vmem>>)
      tpu.yield
    }) : () -> ()
    %mul3A_7 = arith.constant 125 : i32
    %mul3A_8 = arith.muli %add3A, %mul3A_7 : i32
    %mul3A_9 = arith.constant 80 : i32
    %mul3A_10 = arith.muli %mul3A_8, %mul3A_9 : i32
    "tpu.region"() ({
      %run_scoped3A = tpu.sem_alloc : memref<!tpu.dma_semaphore, #tpu.memory_space<semaphore_mem>>
      %dma_start3A_130 = tpu.memref_slice %arg4[%mul3A_10] : memref<320000xi32, #tpu.memory_space<hbm>> -> memref<2000xi32, #tpu.memory_space<hbm>>
      %dma_start3A_131 = tpu.memref_slice %arg4[%mul3A_10] : memref<320000xi32, #tpu.memory_space<hbm>> -> memref<2000xi32, #tpu.memory_space<hbm>>
      tpu.enqueue_dma source(%dma_start3A_131 : memref<2000xi32, #tpu.memory_space<hbm>>) target(%arg10 : memref<2000xi32, #tpu.memory_space<vmem>>) target_semaphore(%run_scoped3A : memref<!tpu.dma_semaphore, #tpu.memory_space<semaphore_mem>>)
      %dma_wait3A_132 = tpu.memref_slice %arg4[%mul3A_10] : memref<320000xi32, #tpu.memory_space<hbm>> -> memref<2000xi32, #tpu.memory_space<hbm>>
      %dma_wait3A_133 = tpu.memref_slice %arg4[%mul3A_10] : memref<320000xi32, #tpu.memory_space<hbm>> -> memref<2000xi32, #tpu.memory_space<hbm>>
      tpu.wait_dma2 semaphore(%run_scoped3A : memref<!tpu.dma_semaphore, #tpu.memory_space<semaphore_mem>>) src(%dma_wait3A_133 : memref<2000xi32, #tpu.memory_space<hbm>>) dst(%arg10 : memref<2000xi32, #tpu.memory_space<vmem>>)
      tpu.yield
    }) : () -> ()
    %mul3A_11 = arith.constant 125 : i32
    %mul3A_12 = arith.muli %add3A, %mul3A_11 : i32
    %mul3A_13 = arith.constant 80 : i32
    %mul3A_14 = arith.muli %mul3A_12, %mul3A_13 : i32
    "tpu.region"() ({
      %run_scoped3A = tpu.sem_alloc : memref<!tpu.dma_semaphore, #tpu.memory_space<semaphore_mem>>
      %dma_start3A_130 = tpu.memref_slice %arg5[%mul3A_14] : memref<320000xf32, #tpu.memory_space<hbm>> -> memref<2000xf32, #tpu.memory_space<hbm>>
      %dma_start3A_131 = tpu.memref_slice %arg5[%mul3A_14] : memref<320000xf32, #tpu.memory_space<hbm>> -> memref<2000xf32, #tpu.memory_space<hbm>>
      tpu.enqueue_dma source(%dma_start3A_131 : memref<2000xf32, #tpu.memory_space<hbm>>) target(%arg11 : memref<2000xf32, #tpu.memory_space<vmem>>) target_semaphore(%run_scoped3A : memref<!tpu.dma_semaphore, #tpu.memory_space<semaphore_mem>>)
      %dma_wait3A_132 = tpu.memref_slice %arg5[%mul3A_14] : memref<320000xf32, #tpu.memory_space<hbm>> -> memref<2000xf32, #tpu.memory_space<hbm>>
      %dma_wait3A_133 = tpu.memref_slice %arg5[%mul3A_14] : memref<320000xf32, #tpu.memory_space<hbm>> -> memref<2000xf32, #tpu.memory_space<hbm>>
      tpu.wait_dma2 semaphore(%run_scoped3A : memref<!tpu.dma_semaphore, #tpu.memory_space<semaphore_mem>>) src(%dma_wait3A_133 : memref<2000xf32, #tpu.memory_space<hbm>>) dst(%arg11 : memref<2000xf32, #tpu.memory_space<vmem>>)
      tpu.yield
    }) : () -> ()
    %rem3A = arith.constant 0 : i32
    %rem3A_15 = arith.constant 25 : i32
    %rem3A_16 = arith.remsi %rem3A, %rem3A_15 : i32
    %mul3A_17 = arith.constant 80 : i32
    %mul3A_18 = arith.muli %rem3A_16, %mul3A_17 : i32
    %add3A_19 = arith.constant 0 : i32
    %add3A_20 = arith.addi %mul3A_18, %add3A_19 : i32
    %get3A = arith.index_cast %add3A_20 : i32 to index
    %get3A_21 = tpu.vector_load %arg9[%get3A] {strides = array<i32>} : memref<2000xi32, #tpu.memory_space<vmem>>, vector<16xi32>,
    %swap3A = arith.constant 0 : index
    %swap3A_22 = tpu.vector_load %arg12[%swap3A] {strides = array<i32>} : memref<240xi32, #tpu.memory_space<vmem>>, vector<16xi32>,
    tpu.vector_store %arg12[%swap3A], %get3A_21 {strides = array<i32>} : memref<240xi32, #tpu.memory_space<vmem>>, vector<16xi32>,
    %mul3A_23 = arith.constant 80 : i32
    %mul3A_24 = arith.muli %rem3A_16, %mul3A_23 : i32
    %add3A_25 = arith.constant 16 : i32
    %add3A_26 = arith.addi %mul3A_24, %add3A_25 : i32
    %get3A_27 = arith.index_cast %add3A_26 : i32 to index
    %get3A_28 = tpu.vector_load %arg9[%get3A_27] {strides = array<i32>} : memref<2000xi32, #tpu.memory_space<vmem>>, vector<16xi32>,
    %swap3A_29 = arith.constant 16 : index
    %swap3A_30 = tpu.vector_load %arg12[%swap3A_29] {strides = array<i32>} : memref<240xi32, #tpu.memory_space<vmem>>, vector<16xi32>,
    tpu.vector_store %arg12[%swap3A_29], %get3A_28 {strides = array<i32>} : memref<240xi32, #tpu.memory_space<vmem>>, vector<16xi32>,
    %mul3A_31 = arith.constant 80 : i32
    %mul3A_32 = arith.muli %rem3A_16, %mul3A_31 : i32
    %add3A_33 = arith.constant 32 : i32
    %add3A_34 = arith.addi %mul3A_32, %add3A_33 : i32
    %get3A_35 = arith.index_cast %add3A_34 : i32 to index
    %get3A_36 = tpu.vector_load %arg9[%get3A_35] {strides = array<i32>} : memref<2000xi32, #tpu.memory_space<vmem>>, vector<16xi32>,
    %swap3A_37 = arith.constant 32 : index
    %swap3A_38 = tpu.vector_load %arg12[%swap3A_37] {strides = array<i32>} : memref<240xi32, #tpu.memory_space<vmem>>, vector<16xi32>,
    tpu.vector_store %arg12[%swap3A_37], %get3A_36 {strides = array<i32>} : memref<240xi32, #tpu.memory_space<vmem>>, vector<16xi32>,
    %mul3A_39 = arith.constant 80 : i32
    %mul3A_40 = arith.muli %rem3A_16, %mul3A_39 : i32
    %add3A_41 = arith.constant 48 : i32
    %add3A_42 = arith.addi %mul3A_40, %add3A_41 : i32
    %get3A_43 = arith.index_cast %add3A_42 : i32 to index
    %get3A_44 = tpu.vector_load %arg9[%get3A_43] {strides = array<i32>} : memref<2000xi32, #tpu.memory_space<vmem>>, vector<16xi32>,
    %swap3A_45 = arith.constant 48 : index
    %swap3A_46 = tpu.vector_load %arg12[%swap3A_45] {strides = array<i32>} : memref<240xi32, #tpu.memory_space<vmem>>, vector<16xi32>,
    tpu.vector_store %arg12[%swap3A_45], %get3A_44 {strides = array<i32>} : memref<240xi32, #tpu.memory_space<vmem>>, vector<16xi32>,
    %mul3A_47 = arith.constant 80 : i32
    %mul3A_48 = arith.muli %rem3A_16, %mul3A_47 : i32
    %add3A_49 = arith.constant 64 : i32
    %add3A_50 = arith.addi %mul3A_48, %add3A_49 : i32
    %get3A_51 = arith.index_cast %add3A_50 : i32 to index
    %get3A_52 = tpu.vector_load %arg9[%get3A_51] {strides = array<i32>} : memref<2000xi32, #tpu.memory_space<vmem>>, vector<16xi32>,
    %swap3A_53 = arith.constant 64 : index
    %swap3A_54 = tpu.vector_load %arg12[%swap3A_53] {strides = array<i32>} : memref<240xi32, #tpu.memory_space<vmem>>, vector<16xi32>,
    tpu.vector_store %arg12[%swap3A_53], %get3A_52 {strides = array<i32>} : memref<240xi32, #tpu.memory_space<vmem>>, vector<16xi32>,
    %dma_start3A = arith.constant 0 : i32
    %dma_start3A_55 = tpu.memref_slice %arg12[%dma_start3A] : memref<240xi32, #tpu.memory_space<vmem>> -> memref<80xi32, #tpu.memory_space<vmem>>
    %dma_start3A_56 = arith.constant 0 : i32
    %dma_start3A_57 = arith.constant 0 : i32
    %dma_start3A_58 = tpu.memref_slice %arg2[%dma_start3A_56, %dma_start3A_57] : memref<10000x64xi32, #tpu.memory_space<hbm>> -> memref<10000x64xi32, #tpu.memory_space<hbm>>
    tpu.enqueue_indirect_dma source(%dma_start3A_58 : memref<10000x64xi32, #tpu.memory_space<hbm>>) target(%arg14 : memref<80x64xi32, #tpu.memory_space<vmem>>) offsets(%dma_start3A_55 : memref<80xi32, #tpu.memory_space<vmem>>) semaphore(%arg19 : memref<!tpu.dma_semaphore, #tpu.memory_space<semaphore_mem>>)
    %rem3A_59 = arith.constant 1 : i32
    %rem3A_60 = arith.constant 25 : i32
    %rem3A_61 = arith.remsi %rem3A_59, %rem3A_60 : i32
    %mul3A_62 = arith.constant 80 : i32
    %mul3A_63 = arith.muli %rem3A_61, %mul3A_62 : i32
    %add3A_64 = arith.constant 0 : i32
    %add3A_65 = arith.addi %mul3A_63, %add3A_64 : i32
    %get3A_66 = arith.index_cast %add3A_65 : i32 to index
    %get3A_67 = tpu.vector_load %arg9[%get3A_66] {strides = array<i32>} : memref<2000xi32, #tpu.memory_space<vmem>>, vector<16xi32>,
    %swap3A_68 = arith.constant 80 : index
    %swap3A_69 = tpu.vector_load %arg12[%swap3A_68] {strides = array<i32>} : memref<240xi32, #tpu.memory_space<vmem>>, vector<16xi32>,
    tpu.vector_store %arg12[%swap3A_68], %get3A_67 {strides = array<i32>} : memref<240xi32, #tpu.memory_space<vmem>>, vector<16xi32>,
    %mul3A_70 = arith.constant 80 : i32
    %mul3A_71 = arith.muli %rem3A_61, %mul3A_70 : i32
    %add3A_72 = arith.constant 16 : i32
    %add3A_73 = arith.addi %mul3A_71, %add3A_72 : i32
    %get3A_74 = arith.index_cast %add3A_73 : i32 to index
    %get3A_75 = tpu.vector_load %arg9[%get3A_74] {strides = array<i32>} : memref<2000xi32, #tpu.memory_space<vmem>>, vector<16xi32>,
    %swap3A_76 = arith.constant 96 : index
    %swap3A_77 = tpu.vector_load %arg12[%swap3A_76] {strides = array<i32>} : memref<240xi32, #tpu.memory_space<vmem>>, vector<16xi32>,
    tpu.vector_store %arg12[%swap3A_76], %get3A_75 {strides = array<i32>} : memref<240xi32, #tpu.memory_space<vmem>>, vector<16xi32>,
    %mul3A_78 = arith.constant 80 : i32
    %mul3A_79 = arith.muli %rem3A_61, %mul3A_78 : i32
    %add3A_80 = arith.constant 32 : i32
    %add3A_81 = arith.addi %mul3A_79, %add3A_80 : i32
    %get3A_82 = arith.index_cast %add3A_81 : i32 to index
    %get3A_83 = tpu.vector_load %arg9[%get3A_82] {strides = array<i32>} : memref<2000xi32, #tpu.memory_space<vmem>>, vector<16xi32>,
    %swap3A_84 = arith.constant 112 : index
    %swap3A_85 = tpu.vector_load %arg12[%swap3A_84] {strides = array<i32>} : memref<240xi32, #tpu.memory_space<vmem>>, vector<16xi32>,
    tpu.vector_store %arg12[%swap3A_84], %get3A_83 {strides = array<i32>} : memref<240xi32, #tpu.memory_space<vmem>>, vector<16xi32>,
    %mul3A_86 = arith.constant 80 : i32
    %mul3A_87 = arith.muli %rem3A_61, %mul3A_86 : i32
    %add3A_88 = arith.constant 48 : i32
    %add3A_89 = arith.addi %mul3A_87, %add3A_88 : i32
    %get3A_90 = arith.index_cast %add3A_89 : i32 to index
    %get3A_91 = tpu.vector_load %arg9[%get3A_90] {strides = array<i32>} : memref<2000xi32, #tpu.memory_space<vmem>>, vector<16xi32>,
    %swap3A_92 = arith.constant 128 : index
    %swap3A_93 = tpu.vector_load %arg12[%swap3A_92] {strides = array<i32>} : memref<240xi32, #tpu.memory_space<vmem>>, vector<16xi32>,
    tpu.vector_store %arg12[%swap3A_92], %get3A_91 {strides = array<i32>} : memref<240xi32, #tpu.memory_space<vmem>>, vector<16xi32>,
    %mul3A_94 = arith.constant 80 : i32
    %mul3A_95 = arith.muli %rem3A_61, %mul3A_94 : i32
    %add3A_96 = arith.constant 64 : i32
    %add3A_97 = arith.addi %mul3A_95, %add3A_96 : i32
    %get3A_98 = arith.index_cast %add3A_97 : i32 to index
    %get3A_99 = tpu.vector_load %arg9[%get3A_98] {strides = array<i32>} : memref<2000xi32, #tpu.memory_space<vmem>>, vector<16xi32>,
    %swap3A_100 = arith.constant 144 : index
    %swap3A_101 = tpu.vector_load %arg12[%swap3A_100] {strides = array<i32>} : memref<240xi32, #tpu.memory_space<vmem>>, vector<16xi32>,
    tpu.vector_store %arg12[%swap3A_100], %get3A_99 {strides = array<i32>} : memref<240xi32, #tpu.memory_space<vmem>>, vector<16xi32>,
    %dma_start3A_102 = arith.constant 80 : i32
    %dma_start3A_103 = tpu.memref_slice %arg12[%dma_start3A_102] : memref<240xi32, #tpu.memory_space<vmem>> -> memref<80xi32, #tpu.memory_space<vmem>>
    %dma_start3A_104 = arith.constant 0 : i32
    %dma_start3A_105 = arith.constant 0 : i32
    %dma_start3A_106 = tpu.memref_slice %arg2[%dma_start3A_104, %dma_start3A_105] : memref<10000x64xi32, #tpu.memory_space<hbm>> -> memref<10000x64xi32, #tpu.memory_space<hbm>>
    tpu.enqueue_indirect_dma source(%dma_start3A_106 : memref<10000x64xi32, #tpu.memory_space<hbm>>) target(%arg15 : memref<80x64xi32, #tpu.memory_space<vmem>>) offsets(%dma_start3A_103 : memref<80xi32, #tpu.memory_space<vmem>>) semaphore(%arg20 : memref<!tpu.dma_semaphore, #tpu.memory_space<semaphore_mem>>)
    %scan3A = arith.constant 0 : i32
    %scan3A_107 = arith.constant 125 : i32
    %scan3A_108 = arith.addi %scan3A, %scan3A_107 : i32
    %scan3A_109 = arith.constant 1 : i32
    scf.for %scan3A_130 = %scan3A to %scan3A_108 step %scan3A_109  : i32 {
      %rem3A_131 = arith.constant 3 : i32
      %rem3A_132 = arith.remsi %scan3A_130, %rem3A_131 : i32
      %div3A = arith.constant 25 : i32
      %div3A_133 = arith.divsi %scan3A_130, %div3A : i32
      %rem3A_134 = arith.constant 25 : i32
      %rem3A_135 = arith.remsi %scan3A_130, %rem3A_134 : i32
      %add3A_136 = arith.constant 2 : i32
      %add3A_137 = arith.addi %scan3A_130, %add3A_136 : i32
      %rem3A_138 = arith.constant 3 : i32
      %rem3A_139 = arith.remsi %add3A_137, %rem3A_138 : i32
      %eq3A = arith.constant 0 : i32
      %eq3A_140 = arith.cmpi eq, %rem3A_139, %eq3A : i32
      %lt3A_141 = arith.constant 125 : i32
      %lt3A_142 = arith.cmpi slt, %add3A_137, %lt3A_141 : i32
      %and3A = arith.andi %eq3A_140, %lt3A_142 : i1
      %convert_element_type3A_143 = arith.extui %and3A : i1 to i32
      %cond3A_144 = arith.constant 0 : i32
      %cond3A_145 = arith.cmpi ne, %convert_element_type3A_143, %cond3A_144 : i32
      scf.if %cond3A_145 {
        %rem3A_232 = arith.constant 25 : i32
        %rem3A_233 = arith.remsi %add3A_137, %rem3A_232 : i32
        %mul3A_234 = arith.constant 80 : i32
        %mul3A_235 = arith.muli %rem3A_233, %mul3A_234 : i32
        %add3A_236 = arith.constant 0 : i32
        %add3A_237 = arith.addi %mul3A_235, %add3A_236 : i32
        %get3A_238 = arith.index_cast %add3A_237 : i32 to index
        %get3A_239 = tpu.vector_load %arg9[%get3A_238] {strides = array<i32>} : memref<2000xi32, #tpu.memory_space<vmem>>, vector<16xi32>,
        %swap3A_240 = arith.constant 0 : index
        %swap3A_241 = tpu.vector_load %arg12[%swap3A_240] {strides = array<i32>} : memref<240xi32, #tpu.memory_space<vmem>>, vector<16xi32>,
        tpu.vector_store %arg12[%swap3A_240], %get3A_239 {strides = array<i32>} : memref<240xi32, #tpu.memory_space<vmem>>, vector<16xi32>,
        %mul3A_242 = arith.constant 80 : i32
        %mul3A_243 = arith.muli %rem3A_233, %mul3A_242 : i32
        %add3A_244 = arith.constant 16 : i32
        %add3A_245 = arith.addi %mul3A_243, %add3A_244 : i32
        %get3A_246 = arith.index_cast %add3A_245 : i32 to index
        %get3A_247 = tpu.vector_load %arg9[%get3A_246] {strides = array<i32>} : memref<2000xi32, #tpu.memory_space<vmem>>, vector<16xi32>,
        %swap3A_248 = arith.constant 16 : index
        %swap3A_249 = tpu.vector_load %arg12[%swap3A_248] {strides = array<i32>} : memref<240xi32, #tpu.memory_space<vmem>>, vector<16xi32>,
        tpu.vector_store %arg12[%swap3A_248], %get3A_247 {strides = array<i32>} : memref<240xi32, #tpu.memory_space<vmem>>, vector<16xi32>,
        %mul3A_250 = arith.constant 80 : i32
        %mul3A_251 = arith.muli %rem3A_233, %mul3A_250 : i32
        %add3A_252 = arith.constant 32 : i32
        %add3A_253 = arith.addi %mul3A_251, %add3A_252 : i32
        %get3A_254 = arith.index_cast %add3A_253 : i32 to index
        %get3A_255 = tpu.vector_load %arg9[%get3A_254] {strides = array<i32>} : memref<2000xi32, #tpu.memory_space<vmem>>, vector<16xi32>,
        %swap3A_256 = arith.constant 32 : index
        %swap3A_257 = tpu.vector_load %arg12[%swap3A_256] {strides = array<i32>} : memref<240xi32, #tpu.memory_space<vmem>>, vector<16xi32>,
        tpu.vector_store %arg12[%swap3A_256], %get3A_255 {strides = array<i32>} : memref<240xi32, #tpu.memory_space<vmem>>, vector<16xi32>,
        %mul3A_258 = arith.constant 80 : i32
        %mul3A_259 = arith.muli %rem3A_233, %mul3A_258 : i32
        %add3A_260 = arith.constant 48 : i32
        %add3A_261 = arith.addi %mul3A_259, %add3A_260 : i32
        %get3A_262 = arith.index_cast %add3A_261 : i32 to index
        %get3A_263 = tpu.vector_load %arg9[%get3A_262] {strides = array<i32>} : memref<2000xi32, #tpu.memory_space<vmem>>, vector<16xi32>,
        %swap3A_264 = arith.constant 48 : index
        %swap3A_265 = tpu.vector_load %arg12[%swap3A_264] {strides = array<i32>} : memref<240xi32, #tpu.memory_space<vmem>>, vector<16xi32>,
        tpu.vector_store %arg12[%swap3A_264], %get3A_263 {strides = array<i32>} : memref<240xi32, #tpu.memory_space<vmem>>, vector<16xi32>,
        %mul3A_266 = arith.constant 80 : i32
        %mul3A_267 = arith.muli %rem3A_233, %mul3A_266 : i32
        %add3A_268 = arith.constant 64 : i32
        %add3A_269 = arith.addi %mul3A_267, %add3A_268 : i32
        %get3A_270 = arith.index_cast %add3A_269 : i32 to index
        %get3A_271 = tpu.vector_load %arg9[%get3A_270] {strides = array<i32>} : memref<2000xi32, #tpu.memory_space<vmem>>, vector<16xi32>,
        %swap3A_272 = arith.constant 64 : index
        %swap3A_273 = tpu.vector_load %arg12[%swap3A_272] {strides = array<i32>} : memref<240xi32, #tpu.memory_space<vmem>>, vector<16xi32>,
        tpu.vector_store %arg12[%swap3A_272], %get3A_271 {strides = array<i32>} : memref<240xi32, #tpu.memory_space<vmem>>, vector<16xi32>,
        %dma_start3A_274 = arith.constant 0 : i32
        %dma_start3A_275 = tpu.memref_slice %arg12[%dma_start3A_274] : memref<240xi32, #tpu.memory_space<vmem>> -> memref<80xi32, #tpu.memory_space<vmem>>
        %dma_start3A_276 = arith.constant 0 : i32
        %dma_start3A_277 = arith.constant 0 : i32
        %dma_start3A_278 = tpu.memref_slice %arg2[%dma_start3A_276, %dma_start3A_277] : memref<10000x64xi32, #tpu.memory_space<hbm>> -> memref<10000x64xi32, #tpu.memory_space<hbm>>
        tpu.enqueue_indirect_dma source(%dma_start3A_278 : memref<10000x64xi32, #tpu.memory_space<hbm>>) target(%arg14 : memref<80x64xi32, #tpu.memory_space<vmem>>) offsets(%dma_start3A_275 : memref<80xi32, #tpu.memory_space<vmem>>) semaphore(%arg19 : memref<!tpu.dma_semaphore, #tpu.memory_space<semaphore_mem>>)
      } else {
      }
      %eq3A_146 = arith.constant 1 : i32
      %eq3A_147 = arith.cmpi eq, %rem3A_139, %eq3A_146 : i32
      %lt3A_148 = arith.constant 125 : i32
      %lt3A_149 = arith.cmpi slt, %add3A_137, %lt3A_148 : i32
      %and3A_150 = arith.andi %eq3A_147, %lt3A_149 : i1
      %convert_element_type3A_151 = arith.extui %and3A_150 : i1 to i32
      %cond3A_152 = arith.constant 0 : i32
      %cond3A_153 = arith.cmpi ne, %convert_element_type3A_151, %cond3A_152 : i32
      scf.if %cond3A_153 {
        %rem3A_232 = arith.constant 25 : i32
        %rem3A_233 = arith.remsi %add3A_137, %rem3A_232 : i32
        %mul3A_234 = arith.constant 80 : i32
        %mul3A_235 = arith.muli %rem3A_233, %mul3A_234 : i32
        %add3A_236 = arith.constant 0 : i32
        %add3A_237 = arith.addi %mul3A_235, %add3A_236 : i32
        %get3A_238 = arith.index_cast %add3A_237 : i32 to index
        %get3A_239 = tpu.vector_load %arg9[%get3A_238] {strides = array<i32>} : memref<2000xi32, #tpu.memory_space<vmem>>, vector<16xi32>,
        %swap3A_240 = arith.constant 80 : index
        %swap3A_241 = tpu.vector_load %arg12[%swap3A_240] {strides = array<i32>} : memref<240xi32, #tpu.memory_space<vmem>>, vector<16xi32>,
        tpu.vector_store %arg12[%swap3A_240], %get3A_239 {strides = array<i32>} : memref<240xi32, #tpu.memory_space<vmem>>, vector<16xi32>,
        %mul3A_242 = arith.constant 80 : i32
        %mul3A_243 = arith.muli %rem3A_233, %mul3A_242 : i32
        %add3A_244 = arith.constant 16 : i32
        %add3A_245 = arith.addi %mul3A_243, %add3A_244 : i32
        %get3A_246 = arith.index_cast %add3A_245 : i32 to index
        %get3A_247 = tpu.vector_load %arg9[%get3A_246] {strides = array<i32>} : memref<2000xi32, #tpu.memory_space<vmem>>, vector<16xi32>,
        %swap3A_248 = arith.constant 96 : index
        %swap3A_249 = tpu.vector_load %arg12[%swap3A_248] {strides = array<i32>} : memref<240xi32, #tpu.memory_space<vmem>>, vector<16xi32>,
        tpu.vector_store %arg12[%swap3A_248], %get3A_247 {strides = array<i32>} : memref<240xi32, #tpu.memory_space<vmem>>, vector<16xi32>,
        %mul3A_250 = arith.constant 80 : i32
        %mul3A_251 = arith.muli %rem3A_233, %mul3A_250 : i32
        %add3A_252 = arith.constant 32 : i32
        %add3A_253 = arith.addi %mul3A_251, %add3A_252 : i32
        %get3A_254 = arith.index_cast %add3A_253 : i32 to index
        %get3A_255 = tpu.vector_load %arg9[%get3A_254] {strides = array<i32>} : memref<2000xi32, #tpu.memory_space<vmem>>, vector<16xi32>,
        %swap3A_256 = arith.constant 112 : index
        %swap3A_257 = tpu.vector_load %arg12[%swap3A_256] {strides = array<i32>} : memref<240xi32, #tpu.memory_space<vmem>>, vector<16xi32>,
        tpu.vector_store %arg12[%swap3A_256], %get3A_255 {strides = array<i32>} : memref<240xi32, #tpu.memory_space<vmem>>, vector<16xi32>,
        %mul3A_258 = arith.constant 80 : i32
        %mul3A_259 = arith.muli %rem3A_233, %mul3A_258 : i32
        %add3A_260 = arith.constant 48 : i32
        %add3A_261 = arith.addi %mul3A_259, %add3A_260 : i32
        %get3A_262 = arith.index_cast %add3A_261 : i32 to index
        %get3A_263 = tpu.vector_load %arg9[%get3A_262] {strides = array<i32>} : memref<2000xi32, #tpu.memory_space<vmem>>, vector<16xi32>,
        %swap3A_264 = arith.constant 128 : index
        %swap3A_265 = tpu.vector_load %arg12[%swap3A_264] {strides = array<i32>} : memref<240xi32, #tpu.memory_space<vmem>>, vector<16xi32>,
        tpu.vector_store %arg12[%swap3A_264], %get3A_263 {strides = array<i32>} : memref<240xi32, #tpu.memory_space<vmem>>, vector<16xi32>,
        %mul3A_266 = arith.constant 80 : i32
        %mul3A_267 = arith.muli %rem3A_233, %mul3A_266 : i32
        %add3A_268 = arith.constant 64 : i32
        %add3A_269 = arith.addi %mul3A_267, %add3A_268 : i32
        %get3A_270 = arith.index_cast %add3A_269 : i32 to index
        %get3A_271 = tpu.vector_load %arg9[%get3A_270] {strides = array<i32>} : memref<2000xi32, #tpu.memory_space<vmem>>, vector<16xi32>,
        %swap3A_272 = arith.constant 144 : index
        %swap3A_273 = tpu.vector_load %arg12[%swap3A_272] {strides = array<i32>} : memref<240xi32, #tpu.memory_space<vmem>>, vector<16xi32>,
        tpu.vector_store %arg12[%swap3A_272], %get3A_271 {strides = array<i32>} : memref<240xi32, #tpu.memory_space<vmem>>, vector<16xi32>,
        %dma_start3A_274 = arith.constant 80 : i32
        %dma_start3A_275 = tpu.memref_slice %arg12[%dma_start3A_274] : memref<240xi32, #tpu.memory_space<vmem>> -> memref<80xi32, #tpu.memory_space<vmem>>
        %dma_start3A_276 = arith.constant 0 : i32
        %dma_start3A_277 = arith.constant 0 : i32
        %dma_start3A_278 = tpu.memref_slice %arg2[%dma_start3A_276, %dma_start3A_277] : memref<10000x64xi32, #tpu.memory_space<hbm>> -> memref<10000x64xi32, #tpu.memory_space<hbm>>
        tpu.enqueue_indirect_dma source(%dma_start3A_278 : memref<10000x64xi32, #tpu.memory_space<hbm>>) target(%arg15 : memref<80x64xi32, #tpu.memory_space<vmem>>) offsets(%dma_start3A_275 : memref<80xi32, #tpu.memory_space<vmem>>) semaphore(%arg20 : memref<!tpu.dma_semaphore, #tpu.memory_space<semaphore_mem>>)
      } else {
      }
      %eq3A_154 = arith.constant 2 : i32
      %eq3A_155 = arith.cmpi eq, %rem3A_139, %eq3A_154 : i32
      %lt3A_156 = arith.constant 125 : i32
      %lt3A_157 = arith.cmpi slt, %add3A_137, %lt3A_156 : i32
      %and3A_158 = arith.andi %eq3A_155, %lt3A_157 : i1
      %convert_element_type3A_159 = arith.extui %and3A_158 : i1 to i32
      %cond3A_160 = arith.constant 0 : i32
      %cond3A_161 = arith.cmpi ne, %convert_element_type3A_159, %cond3A_160 : i32
      scf.if %cond3A_161 {
        %rem3A_232 = arith.constant 25 : i32
        %rem3A_233 = arith.remsi %add3A_137, %rem3A_232 : i32
        %mul3A_234 = arith.constant 80 : i32
        %mul3A_235 = arith.muli %rem3A_233, %mul3A_234 : i32
        %add3A_236 = arith.constant 0 : i32
        %add3A_237 = arith.addi %mul3A_235, %add3A_236 : i32
        %get3A_238 = arith.index_cast %add3A_237 : i32 to index
        %get3A_239 = tpu.vector_load %arg9[%get3A_238] {strides = array<i32>} : memref<2000xi32, #tpu.memory_space<vmem>>, vector<16xi32>,
        %swap3A_240 = arith.constant 160 : index
        %swap3A_241 = tpu.vector_load %arg12[%swap3A_240] {strides = array<i32>} : memref<240xi32, #tpu.memory_space<vmem>>, vector<16xi32>,
        tpu.vector_store %arg12[%swap3A_240], %get3A_239 {strides = array<i32>} : memref<240xi32, #tpu.memory_space<vmem>>, vector<16xi32>,
        %mul3A_242 = arith.constant 80 : i32
        %mul3A_243 = arith.muli %rem3A_233, %mul3A_242 : i32
        %add3A_244 = arith.constant 16 : i32
        %add3A_245 = arith.addi %mul3A_243, %add3A_244 : i32
        %get3A_246 = arith.index_cast %add3A_245 : i32 to index
        %get3A_247 = tpu.vector_load %arg9[%get3A_246] {strides = array<i32>} : memref<2000xi32, #tpu.memory_space<vmem>>, vector<16xi32>,
        %swap3A_248 = arith.constant 176 : index
        %swap3A_249 = tpu.vector_load %arg12[%swap3A_248] {strides = array<i32>} : memref<240xi32, #tpu.memory_space<vmem>>, vector<16xi32>,
        tpu.vector_store %arg12[%swap3A_248], %get3A_247 {strides = array<i32>} : memref<240xi32, #tpu.memory_space<vmem>>, vector<16xi32>,
        %mul3A_250 = arith.constant 80 : i32
        %mul3A_251 = arith.muli %rem3A_233, %mul3A_250 : i32
        %add3A_252 = arith.constant 32 : i32
        %add3A_253 = arith.addi %mul3A_251, %add3A_252 : i32
        %get3A_254 = arith.index_cast %add3A_253 : i32 to index
        %get3A_255 = tpu.vector_load %arg9[%get3A_254] {strides = array<i32>} : memref<2000xi32, #tpu.memory_space<vmem>>, vector<16xi32>,
        %swap3A_256 = arith.constant 192 : index
        %swap3A_257 = tpu.vector_load %arg12[%swap3A_256] {strides = array<i32>} : memref<240xi32, #tpu.memory_space<vmem>>, vector<16xi32>,
        tpu.vector_store %arg12[%swap3A_256], %get3A_255 {strides = array<i32>} : memref<240xi32, #tpu.memory_space<vmem>>, vector<16xi32>,
        %mul3A_258 = arith.constant 80 : i32
        %mul3A_259 = arith.muli %rem3A_233, %mul3A_258 : i32
        %add3A_260 = arith.constant 48 : i32
        %add3A_261 = arith.addi %mul3A_259, %add3A_260 : i32
        %get3A_262 = arith.index_cast %add3A_261 : i32 to index
        %get3A_263 = tpu.vector_load %arg9[%get3A_262] {strides = array<i32>} : memref<2000xi32, #tpu.memory_space<vmem>>, vector<16xi32>,
        %swap3A_264 = arith.constant 208 : index
        %swap3A_265 = tpu.vector_load %arg12[%swap3A_264] {strides = array<i32>} : memref<240xi32, #tpu.memory_space<vmem>>, vector<16xi32>,
        tpu.vector_store %arg12[%swap3A_264], %get3A_263 {strides = array<i32>} : memref<240xi32, #tpu.memory_space<vmem>>, vector<16xi32>,
        %mul3A_266 = arith.constant 80 : i32
        %mul3A_267 = arith.muli %rem3A_233, %mul3A_266 : i32
        %add3A_268 = arith.constant 64 : i32
        %add3A_269 = arith.addi %mul3A_267, %add3A_268 : i32
        %get3A_270 = arith.index_cast %add3A_269 : i32 to index
        %get3A_271 = tpu.vector_load %arg9[%get3A_270] {strides = array<i32>} : memref<2000xi32, #tpu.memory_space<vmem>>, vector<16xi32>,
        %swap3A_272 = arith.constant 224 : index
        %swap3A_273 = tpu.vector_load %arg12[%swap3A_272] {strides = array<i32>} : memref<240xi32, #tpu.memory_space<vmem>>, vector<16xi32>,
        tpu.vector_store %arg12[%swap3A_272], %get3A_271 {strides = array<i32>} : memref<240xi32, #tpu.memory_space<vmem>>, vector<16xi32>,
        %dma_start3A_274 = arith.constant 160 : i32
        %dma_start3A_275 = tpu.memref_slice %arg12[%dma_start3A_274] : memref<240xi32, #tpu.memory_space<vmem>> -> memref<80xi32, #tpu.memory_space<vmem>>
        %dma_start3A_276 = arith.constant 0 : i32
        %dma_start3A_277 = arith.constant 0 : i32
        %dma_start3A_278 = tpu.memref_slice %arg2[%dma_start3A_276, %dma_start3A_277] : memref<10000x64xi32, #tpu.memory_space<hbm>> -> memref<10000x64xi32, #tpu.memory_space<hbm>>
        tpu.enqueue_indirect_dma source(%dma_start3A_278 : memref<10000x64xi32, #tpu.memory_space<hbm>>) target(%arg16 : memref<80x64xi32, #tpu.memory_space<vmem>>) offsets(%dma_start3A_275 : memref<80xi32, #tpu.memory_space<vmem>>) semaphore(%arg21 : memref<!tpu.dma_semaphore, #tpu.memory_space<semaphore_mem>>)
      } else {
      }
      %eq3A_162 = arith.constant 22 : i32
      %eq3A_163 = arith.cmpi eq, %rem3A_135, %eq3A_162 : i32
      %add3A_164 = arith.constant 1 : i32
      %add3A_165 = arith.addi %div3A_133, %add3A_164 : i32
      %lt3A_166 = arith.constant 5 : i32
      %lt3A_167 = arith.cmpi slt, %add3A_165, %lt3A_166 : i32
      %and3A_168 = arith.andi %eq3A_163, %lt3A_167 : i1
      %convert_element_type3A_169 = arith.extui %and3A_168 : i1 to i32
      %cond3A_170 = arith.constant 0 : i32
      %cond3A_171 = arith.cmpi ne, %convert_element_type3A_169, %cond3A_170 : i32
      scf.if %cond3A_171 {
        %mul3A_232 = arith.constant 5 : i32
        %mul3A_233 = arith.muli %add3A, %mul3A_232 : i32
        %add3A_234 = arith.addi %mul3A_233, %div3A_133 : i32
        %add3A_235 = arith.constant 1 : i32
        %add3A_236 = arith.addi %add3A_234, %add3A_235 : i32
        %mul3A_237 = arith.constant 2000 : i32
        %mul3A_238 = arith.muli %add3A_236, %mul3A_237 : i32
        "tpu.region"() ({
          %run_scoped3A = tpu.sem_alloc : memref<!tpu.dma_semaphore, #tpu.memory_space<semaphore_mem>>
          %dma_start3A_239 = tpu.memref_slice %arg3[%mul3A_238] : memref<320000xi32, #tpu.memory_space<hbm>> -> memref<2000xi32, #tpu.memory_space<hbm>>
          %dma_start3A_240 = tpu.memref_slice %arg3[%mul3A_238] : memref<320000xi32, #tpu.memory_space<hbm>> -> memref<2000xi32, #tpu.memory_space<hbm>>
          tpu.enqueue_dma source(%dma_start3A_240 : memref<2000xi32, #tpu.memory_space<hbm>>) target(%arg9 : memref<2000xi32, #tpu.memory_space<vmem>>) target_semaphore(%run_scoped3A : memref<!tpu.dma_semaphore, #tpu.memory_space<semaphore_mem>>)
          %dma_wait3A_241 = tpu.memref_slice %arg3[%mul3A_238] : memref<320000xi32, #tpu.memory_space<hbm>> -> memref<2000xi32, #tpu.memory_space<hbm>>
          %dma_wait3A_242 = tpu.memref_slice %arg3[%mul3A_238] : memref<320000xi32, #tpu.memory_space<hbm>> -> memref<2000xi32, #tpu.memory_space<hbm>>
          tpu.wait_dma2 semaphore(%run_scoped3A : memref<!tpu.dma_semaphore, #tpu.memory_space<semaphore_mem>>) src(%dma_wait3A_242 : memref<2000xi32, #tpu.memory_space<hbm>>) dst(%arg9 : memref<2000xi32, #tpu.memory_space<vmem>>)
          tpu.yield
        }) : () -> ()
      } else {
      }
      %eq3A_172 = arith.constant 0 : i32
      %eq3A_173 = arith.cmpi eq, %rem3A_132, %eq3A_172 : i32
      %rem3A_174 = arith.constant 2 : i32
      %rem3A_175 = arith.remsi %scan3A_130, %rem3A_174 : i32
      %eq3A_176 = arith.constant 0 : i32
      %eq3A_177 = arith.cmpi eq, %rem3A_175, %eq3A_176 : i32
      %and3A_178 = arith.andi %eq3A_173, %eq3A_177 : i1
      %convert_element_type3A_179 = arith.extui %and3A_178 : i1 to i32
      %cond3A_180 = arith.constant 0 : i32
      %cond3A_181 = arith.cmpi ne, %convert_element_type3A_179, %cond3A_180 : i32
      scf.if %cond3A_181 {
        %ge3A = arith.constant 2 : i32
        %ge3A_232 = arith.cmpi sge, %scan3A_130, %ge3A : i32
        %convert_element_type3A_233 = arith.extui %ge3A_232 : i1 to i32
        %cond3A_234 = arith.constant 0 : i32
        %cond3A_235 = arith.cmpi ne, %convert_element_type3A_233, %cond3A_234 : i32
        scf.if %cond3A_235 {
          %dma_wait3A_312 = arith.constant 0 : i32
          %dma_wait3A_313 = arith.constant 0 : i32
          %dma_wait3A_314 = tpu.memref_slice %arg13[%dma_wait3A_312, %dma_wait3A_313] : memref<2x80xi32, #tpu.memory_space<vmem>> -> memref<1x80xi32, #tpu.memory_space<vmem>>
          %dma_wait3A_315 = tpu.memref_squeeze %dma_wait3A_314 : memref<1x80xi32, #tpu.memory_space<vmem>> -> memref<80xi32, #tpu.memory_space<vmem>>
          %dma_wait3A_316 = arith.constant 0 : i32
          %dma_wait3A_317 = arith.constant 0 : i32
          %dma_wait3A_318 = tpu.memref_slice %arg8[%dma_wait3A_316, %dma_wait3A_317] : memref<10000x128xf32, #tpu.memory_space<vmem_shared>> -> memref<10000x128xf32, #tpu.memory_space<vmem_shared>>
          tpu.wait_indirect_dma semaphore(%arg22 : memref<!tpu.dma_semaphore, #tpu.memory_space<semaphore_mem>>) src(%arg17 : memref<80x128xf32, #tpu.memory_space<vmem>>) dst(%dma_wait3A_318 : memref<10000x128xf32, #tpu.memory_space<vmem_shared>>)
        } else {
        }
        %dma_wait3A_236 = arith.constant 0 : i32
        %dma_wait3A_237 = tpu.memref_slice %arg12[%dma_wait3A_236] : memref<240xi32, #tpu.memory_space<vmem>> -> memref<80xi32, #tpu.memory_space<vmem>>
        %dma_wait3A_238 = arith.constant 0 : i32
        %dma_wait3A_239 = arith.constant 0 : i32
        %dma_wait3A_240 = tpu.memref_slice %arg2[%dma_wait3A_238, %dma_wait3A_239] : memref<10000x64xi32, #tpu.memory_space<hbm>> -> memref<10000x64xi32, #tpu.memory_space<hbm>>
        tpu.wait_indirect_dma semaphore(%arg19 : memref<!tpu.dma_semaphore, #tpu.memory_space<semaphore_mem>>) src(%dma_wait3A_240 : memref<10000x64xi32, #tpu.memory_space<hbm>>) dst(%arg14 : memref<80x64xi32, #tpu.memory_space<vmem>>)
        %mul3A_241 = arith.constant 80 : i32
        %mul3A_242 = arith.muli %rem3A_135, %mul3A_241 : i32
        %parallel_loop3A = arith.constant 0 : i32
        %parallel_loop3A_243 = arith.constant 80 : i32
        %parallel_loop3A_244 = arith.constant 1 : i32
        scf.for %parallel_loop3A_312 = %parallel_loop3A to %parallel_loop3A_243 step %parallel_loop3A_244  : i32 {
          %parallel_loop3A_313 = arith.addi %mul3A_242, %parallel_loop3A_312 : i32
          %parallel_loop3A_314 = vector.broadcast %parallel_loop3A_313 : i32 to vector<16xi32>
          %parallel_loop3A_315 = tpu.vector_load_idx %arg11[%parallel_loop3A_314] : memref<2000xf32, #tpu.memory_space<vmem>>[vector<16xi32>], vector<16xf32>,
          %parallel_loop3A_316 = arith.index_cast %parallel_loop3A_312 : i32 to index
          %parallel_loop3A_317 = arith.constant 0 : index
          %parallel_loop3A_318 = tpu.vector_load %arg14[%parallel_loop3A_316, %parallel_loop3A_317] {strides = array<i32>} : memref<80x64xi32, #tpu.memory_space<vmem>>, vector<16xi32>,
          %parallel_loop3A_319 = vector.bitcast %parallel_loop3A_318 : vector<16xi32> to vector<32xbf16>
          %parallel_loop3A_320 = tpu.unpack_subelements %parallel_loop3A_319, 0 {pack_format = #tpu.pack_format<interleaved>} : vector<32xbf16> -> vector<16xf32>
          %parallel_loop3A_321 = tpu.unpack_subelements %parallel_loop3A_319, 1 {pack_format = #tpu.pack_format<interleaved>} : vector<32xbf16> -> vector<16xf32>
          %parallel_loop3A_322 = arith.mulf %parallel_loop3A_320, %parallel_loop3A_315 : vector<16xf32>
          %parallel_loop3A_323 = arith.index_cast %parallel_loop3A_312 : i32 to index
          %parallel_loop3A_324 = arith.constant 0 : index
          %parallel_loop3A_325 = tpu.vector_load %arg17[%parallel_loop3A_323, %parallel_loop3A_324] {strides = array<i32>} : memref<80x128xf32, #tpu.memory_space<vmem>>, vector<16xf32>,
          tpu.vector_store %arg17[%parallel_loop3A_323, %parallel_loop3A_324], %parallel_loop3A_322 {strides = array<i32>} : memref<80x128xf32, #tpu.memory_space<vmem>>, vector<16xf32>,
          %parallel_loop3A_326 = arith.mulf %parallel_loop3A_321, %parallel_loop3A_315 : vector<16xf32>
          %parallel_loop3A_327 = arith.index_cast %parallel_loop3A_312 : i32 to index
          %parallel_loop3A_328 = arith.constant 16 : index
          %parallel_loop3A_329 = tpu.vector_load %arg17[%parallel_loop3A_327, %parallel_loop3A_328] {strides = array<i32>} : memref<80x128xf32, #tpu.memory_space<vmem>>, vector<16xf32>,
          tpu.vector_store %arg17[%parallel_loop3A_327, %parallel_loop3A_328], %parallel_loop3A_326 {strides = array<i32>} : memref<80x128xf32, #tpu.memory_space<vmem>>, vector<16xf32>,
          %parallel_loop3A_330 = arith.index_cast %parallel_loop3A_312 : i32 to index
          %parallel_loop3A_331 = arith.constant 16 : index
          %parallel_loop3A_332 = tpu.vector_load %arg14[%parallel_loop3A_330, %parallel_loop3A_331] {strides = array<i32>} : memref<80x64xi32, #tpu.memory_space<vmem>>, vector<16xi32>,
          %parallel_loop3A_333 = vector.bitcast %parallel_loop3A_332 : vector<16xi32> to vector<32xbf16>
          %parallel_loop3A_334 = tpu.unpack_subelements %parallel_loop3A_333, 0 {pack_format = #tpu.pack_format<interleaved>} : vector<32xbf16> -> vector<16xf32>
          %parallel_loop3A_335 = tpu.unpack_subelements %parallel_loop3A_333, 1 {pack_format = #tpu.pack_format<interleaved>} : vector<32xbf16> -> vector<16xf32>
          %parallel_loop3A_336 = arith.mulf %parallel_loop3A_334, %parallel_loop3A_315 : vector<16xf32>
          %parallel_loop3A_337 = arith.index_cast %parallel_loop3A_312 : i32 to index
          %parallel_loop3A_338 = arith.constant 32 : index
          %parallel_loop3A_339 = tpu.vector_load %arg17[%parallel_loop3A_337, %parallel_loop3A_338] {strides = array<i32>} : memref<80x128xf32, #tpu.memory_space<vmem>>, vector<16xf32>,
          tpu.vector_store %arg17[%parallel_loop3A_337, %parallel_loop3A_338], %parallel_loop3A_336 {strides = array<i32>} : memref<80x128xf32, #tpu.memory_space<vmem>>, vector<16xf32>,
          %parallel_loop3A_340 = arith.mulf %parallel_loop3A_335, %parallel_loop3A_315 : vector<16xf32>
          %parallel_loop3A_341 = arith.index_cast %parallel_loop3A_312 : i32 to index
          %parallel_loop3A_342 = arith.constant 48 : index
          %parallel_loop3A_343 = tpu.vector_load %arg17[%parallel_loop3A_341, %parallel_loop3A_342] {strides = array<i32>} : memref<80x128xf32, #tpu.memory_space<vmem>>, vector<16xf32>,
          tpu.vector_store %arg17[%parallel_loop3A_341, %parallel_loop3A_342], %parallel_loop3A_340 {strides = array<i32>} : memref<80x128xf32, #tpu.memory_space<vmem>>, vector<16xf32>,
          %parallel_loop3A_344 = arith.index_cast %parallel_loop3A_312 : i32 to index
          %parallel_loop3A_345 = arith.constant 32 : index
          %parallel_loop3A_346 = tpu.vector_load %arg14[%parallel_loop3A_344, %parallel_loop3A_345] {strides = array<i32>} : memref<80x64xi32, #tpu.memory_space<vmem>>, vector<16xi32>,
          %parallel_loop3A_347 = vector.bitcast %parallel_loop3A_346 : vector<16xi32> to vector<32xbf16>
          %parallel_loop3A_348 = tpu.unpack_subelements %parallel_loop3A_347, 0 {pack_format = #tpu.pack_format<interleaved>} : vector<32xbf16> -> vector<16xf32>
          %parallel_loop3A_349 = tpu.unpack_subelements %parallel_loop3A_347, 1 {pack_format = #tpu.pack_format<interleaved>} : vector<32xbf16> -> vector<16xf32>
          %parallel_loop3A_350 = arith.mulf %parallel_loop3A_348, %parallel_loop3A_315 : vector<16xf32>
          %parallel_loop3A_351 = arith.index_cast %parallel_loop3A_312 : i32 to index
          %parallel_loop3A_352 = arith.constant 64 : index
          %parallel_loop3A_353 = tpu.vector_load %arg17[%parallel_loop3A_351, %parallel_loop3A_352] {strides = array<i32>} : memref<80x128xf32, #tpu.memory_space<vmem>>, vector<16xf32>,
          tpu.vector_store %arg17[%parallel_loop3A_351, %parallel_loop3A_352], %parallel_loop3A_350 {strides = array<i32>} : memref<80x128xf32, #tpu.memory_space<vmem>>, vector<16xf32>,
          %parallel_loop3A_354 = arith.mulf %parallel_loop3A_349, %parallel_loop3A_315 : vector<16xf32>
          %parallel_loop3A_355 = arith.index_cast %parallel_loop3A_312 : i32 to index
          %parallel_loop3A_356 = arith.constant 80 : index
          %parallel_loop3A_357 = tpu.vector_load %arg17[%parallel_loop3A_355, %parallel_loop3A_356] {strides = array<i32>} : memref<80x128xf32, #tpu.memory_space<vmem>>, vector<16xf32>,
          tpu.vector_store %arg17[%parallel_loop3A_355, %parallel_loop3A_356], %parallel_loop3A_354 {strides = array<i32>} : memref<80x128xf32, #tpu.memory_space<vmem>>, vector<16xf32>,
          %parallel_loop3A_358 = arith.index_cast %parallel_loop3A_312 : i32 to index
          %parallel_loop3A_359 = arith.constant 48 : index
          %parallel_loop3A_360 = tpu.vector_load %arg14[%parallel_loop3A_358, %parallel_loop3A_359] {strides = array<i32>} : memref<80x64xi32, #tpu.memory_space<vmem>>, vector<16xi32>,
          %parallel_loop3A_361 = vector.bitcast %parallel_loop3A_360 : vector<16xi32> to vector<32xbf16>
          %parallel_loop3A_362 = tpu.unpack_subelements %parallel_loop3A_361, 0 {pack_format = #tpu.pack_format<interleaved>} : vector<32xbf16> -> vector<16xf32>
          %parallel_loop3A_363 = tpu.unpack_subelements %parallel_loop3A_361, 1 {pack_format = #tpu.pack_format<interleaved>} : vector<32xbf16> -> vector<16xf32>
          %parallel_loop3A_364 = arith.mulf %parallel_loop3A_362, %parallel_loop3A_315 : vector<16xf32>
          %parallel_loop3A_365 = arith.index_cast %parallel_loop3A_312 : i32 to index
          %parallel_loop3A_366 = arith.constant 96 : index
          %parallel_loop3A_367 = tpu.vector_load %arg17[%parallel_loop3A_365, %parallel_loop3A_366] {strides = array<i32>} : memref<80x128xf32, #tpu.memory_space<vmem>>, vector<16xf32>,
          tpu.vector_store %arg17[%parallel_loop3A_365, %parallel_loop3A_366], %parallel_loop3A_364 {strides = array<i32>} : memref<80x128xf32, #tpu.memory_space<vmem>>, vector<16xf32>,
          %parallel_loop3A_368 = arith.mulf %parallel_loop3A_363, %parallel_loop3A_315 : vector<16xf32>
          %parallel_loop3A_369 = arith.index_cast %parallel_loop3A_312 : i32 to index
          %parallel_loop3A_370 = arith.constant 112 : index
          %parallel_loop3A_371 = tpu.vector_load %arg17[%parallel_loop3A_369, %parallel_loop3A_370] {strides = array<i32>} : memref<80x128xf32, #tpu.memory_space<vmem>>, vector<16xf32>,
          tpu.vector_store %arg17[%parallel_loop3A_369, %parallel_loop3A_370], %parallel_loop3A_368 {strides = array<i32>} : memref<80x128xf32, #tpu.memory_space<vmem>>, vector<16xf32>,
        } {sc.loop_unroll_factor = 2 : i64, sc.parallel_access}
        %mul3A_245 = arith.constant 80 : i32
        %mul3A_246 = arith.muli %rem3A_135, %mul3A_245 : i32
        %add3A_247 = arith.constant 0 : i32
        %add3A_248 = arith.addi %mul3A_246, %add3A_247 : i32
        %get3A_249 = arith.index_cast %add3A_248 : i32 to index
        %get3A_250 = tpu.vector_load %arg10[%get3A_249] {strides = array<i32>} : memref<2000xi32, #tpu.memory_space<vmem>>, vector<16xi32>,
        %swap3A_251 = arith.constant 0 : i32
        %swap3A_252 = arith.index_cast %swap3A_251 : i32 to index
        %swap3A_253 = arith.constant 0 : index
        %swap3A_254 = tpu.vector_load %arg13[%swap3A_252, %swap3A_253] {strides = array<i32>} : memref<2x80xi32, #tpu.memory_space<vmem>>, vector<16xi32>,
        tpu.vector_store %arg13[%swap3A_252, %swap3A_253], %get3A_250 {strides = array<i32>} : memref<2x80xi32, #tpu.memory_space<vmem>>, vector<16xi32>,
        %mul3A_255 = arith.constant 80 : i32
        %mul3A_256 = arith.muli %rem3A_135, %mul3A_255 : i32
        %add3A_257 = arith.constant 16 : i32
        %add3A_258 = arith.addi %mul3A_256, %add3A_257 : i32
        %get3A_259 = arith.index_cast %add3A_258 : i32 to index
        %get3A_260 = tpu.vector_load %arg10[%get3A_259] {strides = array<i32>} : memref<2000xi32, #tpu.memory_space<vmem>>, vector<16xi32>,
        %swap3A_261 = arith.constant 0 : i32
        %swap3A_262 = arith.index_cast %swap3A_261 : i32 to index
        %swap3A_263 = arith.constant 16 : index
        %swap3A_264 = tpu.vector_load %arg13[%swap3A_262, %swap3A_263] {strides = array<i32>} : memref<2x80xi32, #tpu.memory_space<vmem>>, vector<16xi32>,
        tpu.vector_store %arg13[%swap3A_262, %swap3A_263], %get3A_260 {strides = array<i32>} : memref<2x80xi32, #tpu.memory_space<vmem>>, vector<16xi32>,
        %mul3A_265 = arith.constant 80 : i32
        %mul3A_266 = arith.muli %rem3A_135, %mul3A_265 : i32
        %add3A_267 = arith.constant 32 : i32
        %add3A_268 = arith.addi %mul3A_266, %add3A_267 : i32
        %get3A_269 = arith.index_cast %add3A_268 : i32 to index
        %get3A_270 = tpu.vector_load %arg10[%get3A_269] {strides = array<i32>} : memref<2000xi32, #tpu.memory_space<vmem>>, vector<16xi32>,
        %swap3A_271 = arith.constant 0 : i32
        %swap3A_272 = arith.index_cast %swap3A_271 : i32 to index
        %swap3A_273 = arith.constant 32 : index
        %swap3A_274 = tpu.vector_load %arg13[%swap3A_272, %swap3A_273] {strides = array<i32>} : memref<2x80xi32, #tpu.memory_space<vmem>>, vector<16xi32>,
        tpu.vector_store %arg13[%swap3A_272, %swap3A_273], %get3A_270 {strides = array<i32>} : memref<2x80xi32, #tpu.memory_space<vmem>>, vector<16xi32>,
        %mul3A_275 = arith.constant 80 : i32
        %mul3A_276 = arith.muli %rem3A_135, %mul3A_275 : i32
        %add3A_277 = arith.constant 48 : i32
        %add3A_278 = arith.addi %mul3A_276, %add3A_277 : i32
        %get3A_279 = arith.index_cast %add3A_278 : i32 to index
        %get3A_280 = tpu.vector_load %arg10[%get3A_279] {strides = array<i32>} : memref<2000xi32, #tpu.memory_space<vmem>>, vector<16xi32>,
        %swap3A_281 = arith.constant 0 : i32
        %swap3A_282 = arith.index_cast %swap3A_281 : i32 to index
        %swap3A_283 = arith.constant 48 : index
        %swap3A_284 = tpu.vector_load %arg13[%swap3A_282, %swap3A_283] {strides = array<i32>} : memref<2x80xi32, #tpu.memory_space<vmem>>, vector<16xi32>,
        tpu.vector_store %arg13[%swap3A_282, %swap3A_283], %get3A_280 {strides = array<i32>} : memref<2x80xi32, #tpu.memory_space<vmem>>, vector<16xi32>,
        %mul3A_285 = arith.constant 80 : i32
        %mul3A_286 = arith.muli %rem3A_135, %mul3A_285 : i32
        %add3A_287 = arith.constant 64 : i32
        %add3A_288 = arith.addi %mul3A_286, %add3A_287 : i32
        %get3A_289 = arith.index_cast %add3A_288 : i32 to index
        %get3A_290 = tpu.vector_load %arg10[%get3A_289] {strides = array<i32>} : memref<2000xi32, #tpu.memory_space<vmem>>, vector<16xi32>,
        %swap3A_291 = arith.constant 0 : i32
        %swap3A_292 = arith.index_cast %swap3A_291 : i32 to index
        %swap3A_293 = arith.constant 64 : index
        %swap3A_294 = tpu.vector_load %arg13[%swap3A_292, %swap3A_293] {strides = array<i32>} : memref<2x80xi32, #tpu.memory_space<vmem>>, vector<16xi32>,
        tpu.vector_store %arg13[%swap3A_292, %swap3A_293], %get3A_290 {strides = array<i32>} : memref<2x80xi32, #tpu.memory_space<vmem>>, vector<16xi32>,
        %dma_start3A_295 = arith.constant 0 : i32
        %dma_start3A_296 = arith.constant 0 : i32
        %dma_start3A_297 = tpu.memref_slice %arg13[%dma_start3A_295, %dma_start3A_296] : memref<2x80xi32, #tpu.memory_space<vmem>> -> memref<1x80xi32, #tpu.memory_space<vmem>>
        %dma_start3A_298 = tpu.memref_squeeze %dma_start3A_297 : memref<1x80xi32, #tpu.memory_space<vmem>> -> memref<80xi32, #tpu.memory_space<vmem>>
        %dma_start3A_299 = arith.constant 0 : i32
        %dma_start3A_300 = arith.constant 0 : i32
        %dma_start3A_301 = tpu.memref_slice %arg8[%dma_start3A_299, %dma_start3A_300] : memref<10000x128xf32, #tpu.memory_space<vmem_shared>> -> memref<10000x128xf32, #tpu.memory_space<vmem_shared>>
        tpu.enqueue_indirect_dma source(%arg17 : memref<80x128xf32, #tpu.memory_space<vmem>>) target(%dma_start3A_301 : memref<10000x128xf32, #tpu.memory_space<vmem_shared>>) offsets(%dma_start3A_298 : memref<80xi32, #tpu.memory_space<vmem>>) semaphore(%arg22 : memref<!tpu.dma_semaphore, #tpu.memory_space<semaphore_mem>>) {add = true}
        %eq3A_302 = arith.constant 24 : i32
        %eq3A_303 = arith.cmpi eq, %rem3A_135, %eq3A_302 : i32
        %add3A_304 = arith.constant 1 : i32
        %add3A_305 = arith.addi %div3A_133, %add3A_304 : i32
        %lt3A_306 = arith.constant 5 : i32
        %lt3A_307 = arith.cmpi slt, %add3A_305, %lt3A_306 : i32
        %and3A_308 = arith.andi %eq3A_303, %lt3A_307 : i1
        %convert_element_type3A_309 = arith.extui %and3A_308 : i1 to i32
        %cond3A_310 = arith.constant 0 : i32
        %cond3A_311 = arith.cmpi ne, %convert_element_type3A_309, %cond3A_310 : i32
        scf.if %cond3A_311 {
          %mul3A_312 = arith.constant 5 : i32
          %mul3A_313 = arith.muli %add3A, %mul3A_312 : i32
          %add3A_314 = arith.addi %mul3A_313, %div3A_133 : i32
          %add3A_315 = arith.constant 1 : i32
          %add3A_316 = arith.addi %add3A_314, %add3A_315 : i32
          %mul3A_317 = arith.constant 2000 : i32
          %mul3A_318 = arith.muli %add3A_316, %mul3A_317 : i32
          "tpu.region"() ({
            %run_scoped3A = tpu.sem_alloc : memref<!tpu.dma_semaphore, #tpu.memory_space<semaphore_mem>>
            %dma_start3A_319 = tpu.memref_slice %arg4[%mul3A_318] : memref<320000xi32, #tpu.memory_space<hbm>> -> memref<2000xi32, #tpu.memory_space<hbm>>
            %dma_start3A_320 = tpu.memref_slice %arg4[%mul3A_318] : memref<320000xi32, #tpu.memory_space<hbm>> -> memref<2000xi32, #tpu.memory_space<hbm>>
            tpu.enqueue_dma source(%dma_start3A_320 : memref<2000xi32, #tpu.memory_space<hbm>>) target(%arg10 : memref<2000xi32, #tpu.memory_space<vmem>>) target_semaphore(%run_scoped3A : memref<!tpu.dma_semaphore, #tpu.memory_space<semaphore_mem>>)
            %dma_wait3A_321 = tpu.memref_slice %arg4[%mul3A_318] : memref<320000xi32, #tpu.memory_space<hbm>> -> memref<2000xi32, #tpu.memory_space<hbm>>
            %dma_wait3A_322 = tpu.memref_slice %arg4[%mul3A_318] : memref<320000xi32, #tpu.memory_space<hbm>> -> memref<2000xi32, #tpu.memory_space<hbm>>
            tpu.wait_dma2 semaphore(%run_scoped3A : memref<!tpu.dma_semaphore, #tpu.memory_space<semaphore_mem>>) src(%dma_wait3A_322 : memref<2000xi32, #tpu.memory_space<hbm>>) dst(%arg10 : memref<2000xi32, #tpu.memory_space<vmem>>)
            tpu.yield
          }) : () -> ()
          "tpu.region"() ({
            %run_scoped3A = tpu.sem_alloc : memref<!tpu.dma_semaphore, #tpu.memory_space<semaphore_mem>>
            %dma_start3A_319 = tpu.memref_slice %arg5[%mul3A_318] : memref<320000xf32, #tpu.memory_space<hbm>> -> memref<2000xf32, #tpu.memory_space<hbm>>
            %dma_start3A_320 = tpu.memref_slice %arg5[%mul3A_318] : memref<320000xf32, #tpu.memory_space<hbm>> -> memref<2000xf32, #tpu.memory_space<hbm>>
            tpu.enqueue_dma source(%dma_start3A_320 : memref<2000xf32, #tpu.memory_space<hbm>>) target(%arg11 : memref<2000xf32, #tpu.memory_space<vmem>>) target_semaphore(%run_scoped3A : memref<!tpu.dma_semaphore, #tpu.memory_space<semaphore_mem>>)
            %dma_wait3A_321 = tpu.memref_slice %arg5[%mul3A_318] : memref<320000xf32, #tpu.memory_space<hbm>> -> memref<2000xf32, #tpu.memory_space<hbm>>
            %dma_wait3A_322 = tpu.memref_slice %arg5[%mul3A_318] : memref<320000xf32, #tpu.memory_space<hbm>> -> memref<2000xf32, #tpu.memory_space<hbm>>
            tpu.wait_dma2 semaphore(%run_scoped3A : memref<!tpu.dma_semaphore, #tpu.memory_space<semaphore_mem>>) src(%dma_wait3A_322 : memref<2000xf32, #tpu.memory_space<hbm>>) dst(%arg11 : memref<2000xf32, #tpu.memory_space<vmem>>)
            tpu.yield
          }) : () -> ()
        } else {
        }
      } else {
      }
      %eq3A_182 = arith.constant 0 : i32
      %eq3A_183 = arith.cmpi eq, %rem3A_132, %eq3A_182 : i32
      %rem3A_184 = arith.constant 2 : i32
      %rem3A_185 = arith.remsi %scan3A_130, %rem3A_184 : i32
      %eq3A_186 = arith.constant 1 : i32
      %eq3A_187 = arith.cmpi eq, %rem3A_185, %eq3A_186 : i32
      %and3A_188 = arith.andi %eq3A_183, %eq3A_187 : i1
      %convert_element_type3A_189 = arith.extui %and3A_188 : i1 to i32
      %cond3A_190 = arith.constant 0 : i32
      %cond3A_191 = arith.cmpi ne, %convert_element_type3A_189, %cond3A_190 : i32
      scf.if %cond3A_191 {
        %ge3A = arith.constant 2 : i32
        %ge3A_232 = arith.cmpi sge, %scan3A_130, %ge3A : i32
        %convert_element_type3A_233 = arith.extui %ge3A_232 : i1 to i32
        %cond3A_234 = arith.constant 0 : i32
        %cond3A_235 = arith.cmpi ne, %convert_element_type3A_233, %cond3A_234 : i32
        scf.if %cond3A_235 {
          %dma_wait3A_312 = arith.constant 0 : i32
          %dma_wait3A_313 = arith.constant 0 : i32
          %dma_wait3A_314 = tpu.memref_slice %arg13[%dma_wait3A_312, %dma_wait3A_313] : memref<2x80xi32, #tpu.memory_space<vmem>> -> memref<1x80xi32, #tpu.memory_space<vmem>>
          %dma_wait3A_315 = tpu.memref_squeeze %dma_wait3A_314 : memref<1x80xi32, #tpu.memory_space<vmem>> -> memref<80xi32, #tpu.memory_space<vmem>>
          %dma_wait3A_316 = arith.constant 0 : i32
          %dma_wait3A_317 = arith.constant 0 : i32
          %dma_wait3A_318 = tpu.memref_slice %arg8[%dma_wait3A_316, %dma_wait3A_317] : memref<10000x128xf32, #tpu.memory_space<vmem_shared>> -> memref<10000x128xf32, #tpu.memory_space<vmem_shared>>
          tpu.wait_indirect_dma semaphore(%arg23 : memref<!tpu.dma_semaphore, #tpu.memory_space<semaphore_mem>>) src(%arg18 : memref<80x128xf32, #tpu.memory_space<vmem>>) dst(%dma_wait3A_318 : memref<10000x128xf32, #tpu.memory_space<vmem_shared>>)
        } else {
        }
        %dma_wait3A_236 = arith.constant 0 : i32
        %dma_wait3A_237 = tpu.memref_slice %arg12[%dma_wait3A_236] : memref<240xi32, #tpu.memory_space<vmem>> -> memref<80xi32, #tpu.memory_space<vmem>>
        %dma_wait3A_238 = arith.constant 0 : i32
        %dma_wait3A_239 = arith.constant 0 : i32
        %dma_wait3A_240 = tpu.memref_slice %arg2[%dma_wait3A_238, %dma_wait3A_239] : memref<10000x64xi32, #tpu.memory_space<hbm>> -> memref<10000x64xi32, #tpu.memory_space<hbm>>
        tpu.wait_indirect_dma semaphore(%arg19 : memref<!tpu.dma_semaphore, #tpu.memory_space<semaphore_mem>>) src(%dma_wait3A_240 : memref<10000x64xi32, #tpu.memory_space<hbm>>) dst(%arg14 : memref<80x64xi32, #tpu.memory_space<vmem>>)
        %mul3A_241 = arith.constant 80 : i32
        %mul3A_242 = arith.muli %rem3A_135, %mul3A_241 : i32
        %parallel_loop3A = arith.constant 0 : i32
        %parallel_loop3A_243 = arith.constant 80 : i32
        %parallel_loop3A_244 = arith.constant 1 : i32
        scf.for %parallel_loop3A_312 = %parallel_loop3A to %parallel_loop3A_243 step %parallel_loop3A_244  : i32 {
          %parallel_loop3A_313 = arith.addi %mul3A_242, %parallel_loop3A_312 : i32
          %parallel_loop3A_314 = vector.broadcast %parallel_loop3A_313 : i32 to vector<16xi32>
          %parallel_loop3A_315 = tpu.vector_load_idx %arg11[%parallel_loop3A_314] : memref<2000xf32, #tpu.memory_space<vmem>>[vector<16xi32>], vector<16xf32>,
          %parallel_loop3A_316 = arith.index_cast %parallel_loop3A_312 : i32 to index
          %parallel_loop3A_317 = arith.constant 0 : index
          %parallel_loop3A_318 = tpu.vector_load %arg14[%parallel_loop3A_316, %parallel_loop3A_317] {strides = array<i32>} : memref<80x64xi32, #tpu.memory_space<vmem>>, vector<16xi32>,
          %parallel_loop3A_319 = vector.bitcast %parallel_loop3A_318 : vector<16xi32> to vector<32xbf16>
          %parallel_loop3A_320 = tpu.unpack_subelements %parallel_loop3A_319, 0 {pack_format = #tpu.pack_format<interleaved>} : vector<32xbf16> -> vector<16xf32>
          %parallel_loop3A_321 = tpu.unpack_subelements %parallel_loop3A_319, 1 {pack_format = #tpu.pack_format<interleaved>} : vector<32xbf16> -> vector<16xf32>
          %parallel_loop3A_322 = arith.mulf %parallel_loop3A_320, %parallel_loop3A_315 : vector<16xf32>
          %parallel_loop3A_323 = arith.index_cast %parallel_loop3A_312 : i32 to index
          %parallel_loop3A_324 = arith.constant 0 : index
          %parallel_loop3A_325 = tpu.vector_load %arg18[%parallel_loop3A_323, %parallel_loop3A_324] {strides = array<i32>} : memref<80x128xf32, #tpu.memory_space<vmem>>, vector<16xf32>,
          tpu.vector_store %arg18[%parallel_loop3A_323, %parallel_loop3A_324], %parallel_loop3A_322 {strides = array<i32>} : memref<80x128xf32, #tpu.memory_space<vmem>>, vector<16xf32>,
          %parallel_loop3A_326 = arith.mulf %parallel_loop3A_321, %parallel_loop3A_315 : vector<16xf32>
          %parallel_loop3A_327 = arith.index_cast %parallel_loop3A_312 : i32 to index
          %parallel_loop3A_328 = arith.constant 16 : index
          %parallel_loop3A_329 = tpu.vector_load %arg18[%parallel_loop3A_327, %parallel_loop3A_328] {strides = array<i32>} : memref<80x128xf32, #tpu.memory_space<vmem>>, vector<16xf32>,
          tpu.vector_store %arg18[%parallel_loop3A_327, %parallel_loop3A_328], %parallel_loop3A_326 {strides = array<i32>} : memref<80x128xf32, #tpu.memory_space<vmem>>, vector<16xf32>,
          %parallel_loop3A_330 = arith.index_cast %parallel_loop3A_312 : i32 to index
          %parallel_loop3A_331 = arith.constant 16 : index
          %parallel_loop3A_332 = tpu.vector_load %arg14[%parallel_loop3A_330, %parallel_loop3A_331] {strides = array<i32>} : memref<80x64xi32, #tpu.memory_space<vmem>>, vector<16xi32>,
          %parallel_loop3A_333 = vector.bitcast %parallel_loop3A_332 : vector<16xi32> to vector<32xbf16>
          %parallel_loop3A_334 = tpu.unpack_subelements %parallel_loop3A_333, 0 {pack_format = #tpu.pack_format<interleaved>} : vector<32xbf16> -> vector<16xf32>
          %parallel_loop3A_335 = tpu.unpack_subelements %parallel_loop3A_333, 1 {pack_format = #tpu.pack_format<interleaved>} : vector<32xbf16> -> vector<16xf32>
          %parallel_loop3A_336 = arith.mulf %parallel_loop3A_334, %parallel_loop3A_315 : vector<16xf32>
          %parallel_loop3A_337 = arith.index_cast %parallel_loop3A_312 : i32 to index
          %parallel_loop3A_338 = arith.constant 32 : index
          %parallel_loop3A_339 = tpu.vector_load %arg18[%parallel_loop3A_337, %parallel_loop3A_338] {strides = array<i32>} : memref<80x128xf32, #tpu.memory_space<vmem>>, vector<16xf32>,
          tpu.vector_store %arg18[%parallel_loop3A_337, %parallel_loop3A_338], %parallel_loop3A_336 {strides = array<i32>} : memref<80x128xf32, #tpu.memory_space<vmem>>, vector<16xf32>,
          %parallel_loop3A_340 = arith.mulf %parallel_loop3A_335, %parallel_loop3A_315 : vector<16xf32>
          %parallel_loop3A_341 = arith.index_cast %parallel_loop3A_312 : i32 to index
          %parallel_loop3A_342 = arith.constant 48 : index
          %parallel_loop3A_343 = tpu.vector_load %arg18[%parallel_loop3A_341, %parallel_loop3A_342] {strides = array<i32>} : memref<80x128xf32, #tpu.memory_space<vmem>>, vector<16xf32>,
          tpu.vector_store %arg18[%parallel_loop3A_341, %parallel_loop3A_342], %parallel_loop3A_340 {strides = array<i32>} : memref<80x128xf32, #tpu.memory_space<vmem>>, vector<16xf32>,
          %parallel_loop3A_344 = arith.index_cast %parallel_loop3A_312 : i32 to index
          %parallel_loop3A_345 = arith.constant 32 : index
          %parallel_loop3A_346 = tpu.vector_load %arg14[%parallel_loop3A_344, %parallel_loop3A_345] {strides = array<i32>} : memref<80x64xi32, #tpu.memory_space<vmem>>, vector<16xi32>,
          %parallel_loop3A_347 = vector.bitcast %parallel_loop3A_346 : vector<16xi32> to vector<32xbf16>
          %parallel_loop3A_348 = tpu.unpack_subelements %parallel_loop3A_347, 0 {pack_format = #tpu.pack_format<interleaved>} : vector<32xbf16> -> vector<16xf32>
          %parallel_loop3A_349 = tpu.unpack_subelements %parallel_loop3A_347, 1 {pack_format = #tpu.pack_format<interleaved>} : vector<32xbf16> -> vector<16xf32>
          %parallel_loop3A_350 = arith.mulf %parallel_loop3A_348, %parallel_loop3A_315 : vector<16xf32>
          %parallel_loop3A_351 = arith.index_cast %parallel_loop3A_312 : i32 to index
          %parallel_loop3A_352 = arith.constant 64 : index
          %parallel_loop3A_353 = tpu.vector_load %arg18[%parallel_loop3A_351, %parallel_loop3A_352] {strides = array<i32>} : memref<80x128xf32, #tpu.memory_space<vmem>>, vector<16xf32>,
          tpu.vector_store %arg18[%parallel_loop3A_351, %parallel_loop3A_352], %parallel_loop3A_350 {strides = array<i32>} : memref<80x128xf32, #tpu.memory_space<vmem>>, vector<16xf32>,
          %parallel_loop3A_354 = arith.mulf %parallel_loop3A_349, %parallel_loop3A_315 : vector<16xf32>
          %parallel_loop3A_355 = arith.index_cast %parallel_loop3A_312 : i32 to index
          %parallel_loop3A_356 = arith.constant 80 : index
          %parallel_loop3A_357 = tpu.vector_load %arg18[%parallel_loop3A_355, %parallel_loop3A_356] {strides = array<i32>} : memref<80x128xf32, #tpu.memory_space<vmem>>, vector<16xf32>,
          tpu.vector_store %arg18[%parallel_loop3A_355, %parallel_loop3A_356], %parallel_loop3A_354 {strides = array<i32>} : memref<80x128xf32, #tpu.memory_space<vmem>>, vector<16xf32>,
          %parallel_loop3A_358 = arith.index_cast %parallel_loop3A_312 : i32 to index
          %parallel_loop3A_359 = arith.constant 48 : index
          %parallel_loop3A_360 = tpu.vector_load %arg14[%parallel_loop3A_358, %parallel_loop3A_359] {strides = array<i32>} : memref<80x64xi32, #tpu.memory_space<vmem>>, vector<16xi32>,
          %parallel_loop3A_361 = vector.bitcast %parallel_loop3A_360 : vector<16xi32> to vector<32xbf16>
          %parallel_loop3A_362 = tpu.unpack_subelements %parallel_loop3A_361, 0 {pack_format = #tpu.pack_format<interleaved>} : vector<32xbf16> -> vector<16xf32>
          %parallel_loop3A_363 = tpu.unpack_subelements %parallel_loop3A_361, 1 {pack_format = #tpu.pack_format<interleaved>} : vector<32xbf16> -> vector<16xf32>
          %parallel_loop3A_364 = arith.mulf %parallel_loop3A_362, %parallel_loop3A_315 : vector<16xf32>
          %parallel_loop3A_365 = arith.index_cast %parallel_loop3A_312 : i32 to index
          %parallel_loop3A_366 = arith.constant 96 : index
          %parallel_loop3A_367 = tpu.vector_load %arg18[%parallel_loop3A_365, %parallel_loop3A_366] {strides = array<i32>} : memref<80x128xf32, #tpu.memory_space<vmem>>, vector<16xf32>,
          tpu.vector_store %arg18[%parallel_loop3A_365, %parallel_loop3A_366], %parallel_loop3A_364 {strides = array<i32>} : memref<80x128xf32, #tpu.memory_space<vmem>>, vector<16xf32>,
          %parallel_loop3A_368 = arith.mulf %parallel_loop3A_363, %parallel_loop3A_315 : vector<16xf32>
          %parallel_loop3A_369 = arith.index_cast %parallel_loop3A_312 : i32 to index
          %parallel_loop3A_370 = arith.constant 112 : index
          %parallel_loop3A_371 = tpu.vector_load %arg18[%parallel_loop3A_369, %parallel_loop3A_370] {strides = array<i32>} : memref<80x128xf32, #tpu.memory_space<vmem>>, vector<16xf32>,
          tpu.vector_store %arg18[%parallel_loop3A_369, %parallel_loop3A_370], %parallel_loop3A_368 {strides = array<i32>} : memref<80x128xf32, #tpu.memory_space<vmem>>, vector<16xf32>,
        } {sc.loop_unroll_factor = 2 : i64, sc.parallel_access}
        %mul3A_245 = arith.constant 80 : i32
        %mul3A_246 = arith.muli %rem3A_135, %mul3A_245 : i32
        %add3A_247 = arith.constant 0 : i32
        %add3A_248 = arith.addi %mul3A_246, %add3A_247 : i32
        %get3A_249 = arith.index_cast %add3A_248 : i32 to index
        %get3A_250 = tpu.vector_load %arg10[%get3A_249] {strides = array<i32>} : memref<2000xi32, #tpu.memory_space<vmem>>, vector<16xi32>,
        %swap3A_251 = arith.constant 1 : i32
        %swap3A_252 = arith.index_cast %swap3A_251 : i32 to index
        %swap3A_253 = arith.constant 0 : index
        %swap3A_254 = tpu.vector_load %arg13[%swap3A_252, %swap3A_253] {strides = array<i32>} : memref<2x80xi32, #tpu.memory_space<vmem>>, vector<16xi32>,
        tpu.vector_store %arg13[%swap3A_252, %swap3A_253], %get3A_250 {strides = array<i32>} : memref<2x80xi32, #tpu.memory_space<vmem>>, vector<16xi32>,
        %mul3A_255 = arith.constant 80 : i32
        %mul3A_256 = arith.muli %rem3A_135, %mul3A_255 : i32
        %add3A_257 = arith.constant 16 : i32
        %add3A_258 = arith.addi %mul3A_256, %add3A_257 : i32
        %get3A_259 = arith.index_cast %add3A_258 : i32 to index
        %get3A_260 = tpu.vector_load %arg10[%get3A_259] {strides = array<i32>} : memref<2000xi32, #tpu.memory_space<vmem>>, vector<16xi32>,
        %swap3A_261 = arith.constant 1 : i32
        %swap3A_262 = arith.index_cast %swap3A_261 : i32 to index
        %swap3A_263 = arith.constant 16 : index
        %swap3A_264 = tpu.vector_load %arg13[%swap3A_262, %swap3A_263] {strides = array<i32>} : memref<2x80xi32, #tpu.memory_space<vmem>>, vector<16xi32>,
        tpu.vector_store %arg13[%swap3A_262, %swap3A_263], %get3A_260 {strides = array<i32>} : memref<2x80xi32, #tpu.memory_space<vmem>>, vector<16xi32>,
        %mul3A_265 = arith.constant 80 : i32
        %mul3A_266 = arith.muli %rem3A_135, %mul3A_265 : i32
        %add3A_267 = arith.constant 32 : i32
        %add3A_268 = arith.addi %mul3A_266, %add3A_267 : i32
        %get3A_269 = arith.index_cast %add3A_268 : i32 to index
        %get3A_270 = tpu.vector_load %arg10[%get3A_269] {strides = array<i32>} : memref<2000xi32, #tpu.memory_space<vmem>>, vector<16xi32>,
        %swap3A_271 = arith.constant 1 : i32
        %swap3A_272 = arith.index_cast %swap3A_271 : i32 to index
        %swap3A_273 = arith.constant 32 : index
        %swap3A_274 = tpu.vector_load %arg13[%swap3A_272, %swap3A_273] {strides = array<i32>} : memref<2x80xi32, #tpu.memory_space<vmem>>, vector<16xi32>,
        tpu.vector_store %arg13[%swap3A_272, %swap3A_273], %get3A_270 {strides = array<i32>} : memref<2x80xi32, #tpu.memory_space<vmem>>, vector<16xi32>,
        %mul3A_275 = arith.constant 80 : i32
        %mul3A_276 = arith.muli %rem3A_135, %mul3A_275 : i32
        %add3A_277 = arith.constant 48 : i32
        %add3A_278 = arith.addi %mul3A_276, %add3A_277 : i32
        %get3A_279 = arith.index_cast %add3A_278 : i32 to index
        %get3A_280 = tpu.vector_load %arg10[%get3A_279] {strides = array<i32>} : memref<2000xi32, #tpu.memory_space<vmem>>, vector<16xi32>,
        %swap3A_281 = arith.constant 1 : i32
        %swap3A_282 = arith.index_cast %swap3A_281 : i32 to index
        %swap3A_283 = arith.constant 48 : index
        %swap3A_284 = tpu.vector_load %arg13[%swap3A_282, %swap3A_283] {strides = array<i32>} : memref<2x80xi32, #tpu.memory_space<vmem>>, vector<16xi32>,
        tpu.vector_store %arg13[%swap3A_282, %swap3A_283], %get3A_280 {strides = array<i32>} : memref<2x80xi32, #tpu.memory_space<vmem>>, vector<16xi32>,
        %mul3A_285 = arith.constant 80 : i32
        %mul3A_286 = arith.muli %rem3A_135, %mul3A_285 : i32
        %add3A_287 = arith.constant 64 : i32
        %add3A_288 = arith.addi %mul3A_286, %add3A_287 : i32
        %get3A_289 = arith.index_cast %add3A_288 : i32 to index
        %get3A_290 = tpu.vector_load %arg10[%get3A_289] {strides = array<i32>} : memref<2000xi32, #tpu.memory_space<vmem>>, vector<16xi32>,
        %swap3A_291 = arith.constant 1 : i32
        %swap3A_292 = arith.index_cast %swap3A_291 : i32 to index
        %swap3A_293 = arith.constant 64 : index
        %swap3A_294 = tpu.vector_load %arg13[%swap3A_292, %swap3A_293] {strides = array<i32>} : memref<2x80xi32, #tpu.memory_space<vmem>>, vector<16xi32>,
        tpu.vector_store %arg13[%swap3A_292, %swap3A_293], %get3A_290 {strides = array<i32>} : memref<2x80xi32, #tpu.memory_space<vmem>>, vector<16xi32>,
        %dma_start3A_295 = arith.constant 1 : i32
        %dma_start3A_296 = arith.constant 0 : i32
        %dma_start3A_297 = tpu.memref_slice %arg13[%dma_start3A_295, %dma_start3A_296] : memref<2x80xi32, #tpu.memory_space<vmem>> -> memref<1x80xi32, #tpu.memory_space<vmem>>
        %dma_start3A_298 = tpu.memref_squeeze %dma_start3A_297 : memref<1x80xi32, #tpu.memory_space<vmem>> -> memref<80xi32, #tpu.memory_space<vmem>>
        %dma_start3A_299 = arith.constant 0 : i32
        %dma_start3A_300 = arith.constant 0 : i32
        %dma_start3A_301 = tpu.memref_slice %arg8[%dma_start3A_299, %dma_start3A_300] : memref<10000x128xf32, #tpu.memory_space<vmem_shared>> -> memref<10000x128xf32, #tpu.memory_space<vmem_shared>>
        tpu.enqueue_indirect_dma source(%arg18 : memref<80x128xf32, #tpu.memory_space<vmem>>) target(%dma_start3A_301 : memref<10000x128xf32, #tpu.memory_space<vmem_shared>>) offsets(%dma_start3A_298 : memref<80xi32, #tpu.memory_space<vmem>>) semaphore(%arg23 : memref<!tpu.dma_semaphore, #tpu.memory_space<semaphore_mem>>) {add = true}
        %eq3A_302 = arith.constant 24 : i32
        %eq3A_303 = arith.cmpi eq, %rem3A_135, %eq3A_302 : i32
        %add3A_304 = arith.constant 1 : i32
        %add3A_305 = arith.addi %div3A_133, %add3A_304 : i32
        %lt3A_306 = arith.constant 5 : i32
        %lt3A_307 = arith.cmpi slt, %add3A_305, %lt3A_306 : i32
        %and3A_308 = arith.andi %eq3A_303, %lt3A_307 : i1
        %convert_element_type3A_309 = arith.extui %and3A_308 : i1 to i32
        %cond3A_310 = arith.constant 0 : i32
        %cond3A_311 = arith.cmpi ne, %convert_element_type3A_309, %cond3A_310 : i32
        scf.if %cond3A_311 {
          %mul3A_312 = arith.constant 5 : i32
          %mul3A_313 = arith.muli %add3A, %mul3A_312 : i32
          %add3A_314 = arith.addi %mul3A_313, %div3A_133 : i32
          %add3A_315 = arith.constant 1 : i32
          %add3A_316 = arith.addi %add3A_314, %add3A_315 : i32
          %mul3A_317 = arith.constant 2000 : i32
          %mul3A_318 = arith.muli %add3A_316, %mul3A_317 : i32
          "tpu.region"() ({
            %run_scoped3A = tpu.sem_alloc : memref<!tpu.dma_semaphore, #tpu.memory_space<semaphore_mem>>
            %dma_start3A_319 = tpu.memref_slice %arg4[%mul3A_318] : memref<320000xi32, #tpu.memory_space<hbm>> -> memref<2000xi32, #tpu.memory_space<hbm>>
            %dma_start3A_320 = tpu.memref_slice %arg4[%mul3A_318] : memref<320000xi32, #tpu.memory_space<hbm>> -> memref<2000xi32, #tpu.memory_space<hbm>>
            tpu.enqueue_dma source(%dma_start3A_320 : memref<2000xi32, #tpu.memory_space<hbm>>) target(%arg10 : memref<2000xi32, #tpu.memory_space<vmem>>) target_semaphore(%run_scoped3A : memref<!tpu.dma_semaphore, #tpu.memory_space<semaphore_mem>>)
            %dma_wait3A_321 = tpu.memref_slice %arg4[%mul3A_318] : memref<320000xi32, #tpu.memory_space<hbm>> -> memref<2000xi32, #tpu.memory_space<hbm>>
            %dma_wait3A_322 = tpu.memref_slice %arg4[%mul3A_318] : memref<320000xi32, #tpu.memory_space<hbm>> -> memref<2000xi32, #tpu.memory_space<hbm>>
            tpu.wait_dma2 semaphore(%run_scoped3A : memref<!tpu.dma_semaphore, #tpu.memory_space<semaphore_mem>>) src(%dma_wait3A_322 : memref<2000xi32, #tpu.memory_space<hbm>>) dst(%arg10 : memref<2000xi32, #tpu.memory_space<vmem>>)
            tpu.yield
          }) : () -> ()
          "tpu.region"() ({
            %run_scoped3A = tpu.sem_alloc : memref<!tpu.dma_semaphore, #tpu.memory_space<semaphore_mem>>
            %dma_start3A_319 = tpu.memref_slice %arg5[%mul3A_318] : memref<320000xf32, #tpu.memory_space<hbm>> -> memref<2000xf32, #tpu.memory_space<hbm>>
            %dma_start3A_320 = tpu.memref_slice %arg5[%mul3A_318] : memref<320000xf32, #tpu.memory_space<hbm>> -> memref<2000xf32, #tpu.memory_space<hbm>>
            tpu.enqueue_dma source(%dma_start3A_320 : memref<2000xf32, #tpu.memory_space<hbm>>) target(%arg11 : memref<2000xf32, #tpu.memory_space<vmem>>) target_semaphore(%run_scoped3A : memref<!tpu.dma_semaphore, #tpu.memory_space<semaphore_mem>>)
            %dma_wait3A_321 = tpu.memref_slice %arg5[%mul3A_318] : memref<320000xf32, #tpu.memory_space<hbm>> -> memref<2000xf32, #tpu.memory_space<hbm>>
            %dma_wait3A_322 = tpu.memref_slice %arg5[%mul3A_318] : memref<320000xf32, #tpu.memory_space<hbm>> -> memref<2000xf32, #tpu.memory_space<hbm>>
            tpu.wait_dma2 semaphore(%run_scoped3A : memref<!tpu.dma_semaphore, #tpu.memory_space<semaphore_mem>>) src(%dma_wait3A_322 : memref<2000xf32, #tpu.memory_space<hbm>>) dst(%arg11 : memref<2000xf32, #tpu.memory_space<vmem>>)
            tpu.yield
          }) : () -> ()
        } else {
        }
      } else {
      }
      %eq3A_192 = arith.constant 1 : i32
      %eq3A_193 = arith.cmpi eq, %rem3A_132, %eq3A_192 : i32
      %rem3A_194 = arith.constant 2 : i32
      %rem3A_195 = arith.remsi %scan3A_130, %rem3A_194 : i32
      %eq3A_196 = arith.constant 0 : i32
      %eq3A_197 = arith.cmpi eq, %rem3A_195, %eq3A_196 : i32
      %and3A_198 = arith.andi %eq3A_193, %eq3A_197 : i1
      %convert_element_type3A_199 = arith.extui %and3A_198 : i1 to i32
      %cond3A_200 = arith.constant 0 : i32
      %cond3A_201 = arith.cmpi ne, %convert_element_type3A_199, %cond3A_200 : i32
      scf.if %cond3A_201 {
        %ge3A = arith.constant 2 : i32
        %ge3A_232 = arith.cmpi sge, %scan3A_130, %ge3A : i32
        %convert_element_type3A_233 = arith.extui %ge3A_232 : i1 to i32
        %cond3A_234 = arith.constant 0 : i32
        %cond3A_235 = arith.cmpi ne, %convert_element_type3A_233, %cond3A_234 : i32
        scf.if %cond3A_235 {
          %dma_wait3A_312 = arith.constant 0 : i32
          %dma_wait3A_313 = arith.constant 0 : i32
          %dma_wait3A_314 = tpu.memref_slice %arg13[%dma_wait3A_312, %dma_wait3A_313] : memref<2x80xi32, #tpu.memory_space<vmem>> -> memref<1x80xi32, #tpu.memory_space<vmem>>
          %dma_wait3A_315 = tpu.memref_squeeze %dma_wait3A_314 : memref<1x80xi32, #tpu.memory_space<vmem>> -> memref<80xi32, #tpu.memory_space<vmem>>
          %dma_wait3A_316 = arith.constant 0 : i32
          %dma_wait3A_317 = arith.constant 0 : i32
          %dma_wait3A_318 = tpu.memref_slice %arg8[%dma_wait3A_316, %dma_wait3A_317] : memref<10000x128xf32, #tpu.memory_space<vmem_shared>> -> memref<10000x128xf32, #tpu.memory_space<vmem_shared>>
          tpu.wait_indirect_dma semaphore(%arg22 : memref<!tpu.dma_semaphore, #tpu.memory_space<semaphore_mem>>) src(%arg17 : memref<80x128xf32, #tpu.memory_space<vmem>>) dst(%dma_wait3A_318 : memref<10000x128xf32, #tpu.memory_space<vmem_shared>>)
        } else {
        }
        %dma_wait3A_236 = arith.constant 0 : i32
        %dma_wait3A_237 = tpu.memref_slice %arg12[%dma_wait3A_236] : memref<240xi32, #tpu.memory_space<vmem>> -> memref<80xi32, #tpu.memory_space<vmem>>
        %dma_wait3A_238 = arith.constant 0 : i32
        %dma_wait3A_239 = arith.constant 0 : i32
        %dma_wait3A_240 = tpu.memref_slice %arg2[%dma_wait3A_238, %dma_wait3A_239] : memref<10000x64xi32, #tpu.memory_space<hbm>> -> memref<10000x64xi32, #tpu.memory_space<hbm>>
        tpu.wait_indirect_dma semaphore(%arg20 : memref<!tpu.dma_semaphore, #tpu.memory_space<semaphore_mem>>) src(%dma_wait3A_240 : memref<10000x64xi32, #tpu.memory_space<hbm>>) dst(%arg15 : memref<80x64xi32, #tpu.memory_space<vmem>>)
        %mul3A_241 = arith.constant 80 : i32
        %mul3A_242 = arith.muli %rem3A_135, %mul3A_241 : i32
        %parallel_loop3A = arith.constant 0 : i32
        %parallel_loop3A_243 = arith.constant 80 : i32
        %parallel_loop3A_244 = arith.constant 1 : i32
        scf.for %parallel_loop3A_312 = %parallel_loop3A to %parallel_loop3A_243 step %parallel_loop3A_244  : i32 {
          %parallel_loop3A_313 = arith.addi %mul3A_242, %parallel_loop3A_312 : i32
          %parallel_loop3A_314 = vector.broadcast %parallel_loop3A_313 : i32 to vector<16xi32>
          %parallel_loop3A_315 = tpu.vector_load_idx %arg11[%parallel_loop3A_314] : memref<2000xf32, #tpu.memory_space<vmem>>[vector<16xi32>], vector<16xf32>,
          %parallel_loop3A_316 = arith.index_cast %parallel_loop3A_312 : i32 to index
          %parallel_loop3A_317 = arith.constant 0 : index
          %parallel_loop3A_318 = tpu.vector_load %arg15[%parallel_loop3A_316, %parallel_loop3A_317] {strides = array<i32>} : memref<80x64xi32, #tpu.memory_space<vmem>>, vector<16xi32>,
          %parallel_loop3A_319 = vector.bitcast %parallel_loop3A_318 : vector<16xi32> to vector<32xbf16>
          %parallel_loop3A_320 = tpu.unpack_subelements %parallel_loop3A_319, 0 {pack_format = #tpu.pack_format<interleaved>} : vector<32xbf16> -> vector<16xf32>
          %parallel_loop3A_321 = tpu.unpack_subelements %parallel_loop3A_319, 1 {pack_format = #tpu.pack_format<interleaved>} : vector<32xbf16> -> vector<16xf32>
          %parallel_loop3A_322 = arith.mulf %parallel_loop3A_320, %parallel_loop3A_315 : vector<16xf32>
          %parallel_loop3A_323 = arith.index_cast %parallel_loop3A_312 : i32 to index
          %parallel_loop3A_324 = arith.constant 0 : index
          %parallel_loop3A_325 = tpu.vector_load %arg17[%parallel_loop3A_323, %parallel_loop3A_324] {strides = array<i32>} : memref<80x128xf32, #tpu.memory_space<vmem>>, vector<16xf32>,
          tpu.vector_store %arg17[%parallel_loop3A_323, %parallel_loop3A_324], %parallel_loop3A_322 {strides = array<i32>} : memref<80x128xf32, #tpu.memory_space<vmem>>, vector<16xf32>,
          %parallel_loop3A_326 = arith.mulf %parallel_loop3A_321, %parallel_loop3A_315 : vector<16xf32>
          %parallel_loop3A_327 = arith.index_cast %parallel_loop3A_312 : i32 to index
          %parallel_loop3A_328 = arith.constant 16 : index
          %parallel_loop3A_329 = tpu.vector_load %arg17[%parallel_loop3A_327, %parallel_loop3A_328] {strides = array<i32>} : memref<80x128xf32, #tpu.memory_space<vmem>>, vector<16xf32>,
          tpu.vector_store %arg17[%parallel_loop3A_327, %parallel_loop3A_328], %parallel_loop3A_326 {strides = array<i32>} : memref<80x128xf32, #tpu.memory_space<vmem>>, vector<16xf32>,
          %parallel_loop3A_330 = arith.index_cast %parallel_loop3A_312 : i32 to index
          %parallel_loop3A_331 = arith.constant 16 : index
          %parallel_loop3A_332 = tpu.vector_load %arg15[%parallel_loop3A_330, %parallel_loop3A_331] {strides = array<i32>} : memref<80x64xi32, #tpu.memory_space<vmem>>, vector<16xi32>,
          %parallel_loop3A_333 = vector.bitcast %parallel_loop3A_332 : vector<16xi32> to vector<32xbf16>
          %parallel_loop3A_334 = tpu.unpack_subelements %parallel_loop3A_333, 0 {pack_format = #tpu.pack_format<interleaved>} : vector<32xbf16> -> vector<16xf32>
          %parallel_loop3A_335 = tpu.unpack_subelements %parallel_loop3A_333, 1 {pack_format = #tpu.pack_format<interleaved>} : vector<32xbf16> -> vector<16xf32>
          %parallel_loop3A_336 = arith.mulf %parallel_loop3A_334, %parallel_loop3A_315 : vector<16xf32>
          %parallel_loop3A_337 = arith.index_cast %parallel_loop3A_312 : i32 to index
          %parallel_loop3A_338 = arith.constant 32 : index
          %parallel_loop3A_339 = tpu.vector_load %arg17[%parallel_loop3A_337, %parallel_loop3A_338] {strides = array<i32>} : memref<80x128xf32, #tpu.memory_space<vmem>>, vector<16xf32>,
          tpu.vector_store %arg17[%parallel_loop3A_337, %parallel_loop3A_338], %parallel_loop3A_336 {strides = array<i32>} : memref<80x128xf32, #tpu.memory_space<vmem>>, vector<16xf32>,
          %parallel_loop3A_340 = arith.mulf %parallel_loop3A_335, %parallel_loop3A_315 : vector<16xf32>
          %parallel_loop3A_341 = arith.index_cast %parallel_loop3A_312 : i32 to index
          %parallel_loop3A_342 = arith.constant 48 : index
          %parallel_loop3A_343 = tpu.vector_load %arg17[%parallel_loop3A_341, %parallel_loop3A_342] {strides = array<i32>} : memref<80x128xf32, #tpu.memory_space<vmem>>, vector<16xf32>,
          tpu.vector_store %arg17[%parallel_loop3A_341, %parallel_loop3A_342], %parallel_loop3A_340 {strides = array<i32>} : memref<80x128xf32, #tpu.memory_space<vmem>>, vector<16xf32>,
          %parallel_loop3A_344 = arith.index_cast %parallel_loop3A_312 : i32 to index
          %parallel_loop3A_345 = arith.constant 32 : index
          %parallel_loop3A_346 = tpu.vector_load %arg15[%parallel_loop3A_344, %parallel_loop3A_345] {strides = array<i32>} : memref<80x64xi32, #tpu.memory_space<vmem>>, vector<16xi32>,
          %parallel_loop3A_347 = vector.bitcast %parallel_loop3A_346 : vector<16xi32> to vector<32xbf16>
          %parallel_loop3A_348 = tpu.unpack_subelements %parallel_loop3A_347, 0 {pack_format = #tpu.pack_format<interleaved>} : vector<32xbf16> -> vector<16xf32>
          %parallel_loop3A_349 = tpu.unpack_subelements %parallel_loop3A_347, 1 {pack_format = #tpu.pack_format<interleaved>} : vector<32xbf16> -> vector<16xf32>
          %parallel_loop3A_350 = arith.mulf %parallel_loop3A_348, %parallel_loop3A_315 : vector<16xf32>
          %parallel_loop3A_351 = arith.index_cast %parallel_loop3A_312 : i32 to index
          %parallel_loop3A_352 = arith.constant 64 : index
          %parallel_loop3A_353 = tpu.vector_load %arg17[%parallel_loop3A_351, %parallel_loop3A_352] {strides = array<i32>} : memref<80x128xf32, #tpu.memory_space<vmem>>, vector<16xf32>,
          tpu.vector_store %arg17[%parallel_loop3A_351, %parallel_loop3A_352], %parallel_loop3A_350 {strides = array<i32>} : memref<80x128xf32, #tpu.memory_space<vmem>>, vector<16xf32>,
          %parallel_loop3A_354 = arith.mulf %parallel_loop3A_349, %parallel_loop3A_315 : vector<16xf32>
          %parallel_loop3A_355 = arith.index_cast %parallel_loop3A_312 : i32 to index
          %parallel_loop3A_356 = arith.constant 80 : index
          %parallel_loop3A_357 = tpu.vector_load %arg17[%parallel_loop3A_355, %parallel_loop3A_356] {strides = array<i32>} : memref<80x128xf32, #tpu.memory_space<vmem>>, vector<16xf32>,
          tpu.vector_store %arg17[%parallel_loop3A_355, %parallel_loop3A_356], %parallel_loop3A_354 {strides = array<i32>} : memref<80x128xf32, #tpu.memory_space<vmem>>, vector<16xf32>,
          %parallel_loop3A_358 = arith.index_cast %parallel_loop3A_312 : i32 to index
          %parallel_loop3A_359 = arith.constant 48 : index
          %parallel_loop3A_360 = tpu.vector_load %arg15[%parallel_loop3A_358, %parallel_loop3A_359] {strides = array<i32>} : memref<80x64xi32, #tpu.memory_space<vmem>>, vector<16xi32>,
          %parallel_loop3A_361 = vector.bitcast %parallel_loop3A_360 : vector<16xi32> to vector<32xbf16>
          %parallel_loop3A_362 = tpu.unpack_subelements %parallel_loop3A_361, 0 {pack_format = #tpu.pack_format<interleaved>} : vector<32xbf16> -> vector<16xf32>
          %parallel_loop3A_363 = tpu.unpack_subelements %parallel_loop3A_361, 1 {pack_format = #tpu.pack_format<interleaved>} : vector<32xbf16> -> vector<16xf32>
          %parallel_loop3A_364 = arith.mulf %parallel_loop3A_362, %parallel_loop3A_315 : vector<16xf32>
          %parallel_loop3A_365 = arith.index_cast %parallel_loop3A_312 : i32 to index
          %parallel_loop3A_366 = arith.constant 96 : index
          %parallel_loop3A_367 = tpu.vector_load %arg17[%parallel_loop3A_365, %parallel_loop3A_366] {strides = array<i32>} : memref<80x128xf32, #tpu.memory_space<vmem>>, vector<16xf32>,
          tpu.vector_store %arg17[%parallel_loop3A_365, %parallel_loop3A_366], %parallel_loop3A_364 {strides = array<i32>} : memref<80x128xf32, #tpu.memory_space<vmem>>, vector<16xf32>,
          %parallel_loop3A_368 = arith.mulf %parallel_loop3A_363, %parallel_loop3A_315 : vector<16xf32>
          %parallel_loop3A_369 = arith.index_cast %parallel_loop3A_312 : i32 to index
          %parallel_loop3A_370 = arith.constant 112 : index
          %parallel_loop3A_371 = tpu.vector_load %arg17[%parallel_loop3A_369, %parallel_loop3A_370] {strides = array<i32>} : memref<80x128xf32, #tpu.memory_space<vmem>>, vector<16xf32>,
          tpu.vector_store %arg17[%parallel_loop3A_369, %parallel_loop3A_370], %parallel_loop3A_368 {strides = array<i32>} : memref<80x128xf32, #tpu.memory_space<vmem>>, vector<16xf32>,
        } {sc.loop_unroll_factor = 2 : i64, sc.parallel_access}
        %mul3A_245 = arith.constant 80 : i32
        %mul3A_246 = arith.muli %rem3A_135, %mul3A_245 : i32
        %add3A_247 = arith.constant 0 : i32
        %add3A_248 = arith.addi %mul3A_246, %add3A_247 : i32
        %get3A_249 = arith.index_cast %add3A_248 : i32 to index
        %get3A_250 = tpu.vector_load %arg10[%get3A_249] {strides = array<i32>} : memref<2000xi32, #tpu.memory_space<vmem>>, vector<16xi32>,
        %swap3A_251 = arith.constant 0 : i32
        %swap3A_252 = arith.index_cast %swap3A_251 : i32 to index
        %swap3A_253 = arith.constant 0 : index
        %swap3A_254 = tpu.vector_load %arg13[%swap3A_252, %swap3A_253] {strides = array<i32>} : memref<2x80xi32, #tpu.memory_space<vmem>>, vector<16xi32>,
        tpu.vector_store %arg13[%swap3A_252, %swap3A_253], %get3A_250 {strides = array<i32>} : memref<2x80xi32, #tpu.memory_space<vmem>>, vector<16xi32>,
        %mul3A_255 = arith.constant 80 : i32
        %mul3A_256 = arith.muli %rem3A_135, %mul3A_255 : i32
        %add3A_257 = arith.constant 16 : i32
        %add3A_258 = arith.addi %mul3A_256, %add3A_257 : i32
        %get3A_259 = arith.index_cast %add3A_258 : i32 to index
        %get3A_260 = tpu.vector_load %arg10[%get3A_259] {strides = array<i32>} : memref<2000xi32, #tpu.memory_space<vmem>>, vector<16xi32>,
        %swap3A_261 = arith.constant 0 : i32
        %swap3A_262 = arith.index_cast %swap3A_261 : i32 to index
        %swap3A_263 = arith.constant 16 : index
        %swap3A_264 = tpu.vector_load %arg13[%swap3A_262, %swap3A_263] {strides = array<i32>} : memref<2x80xi32, #tpu.memory_space<vmem>>, vector<16xi32>,
        tpu.vector_store %arg13[%swap3A_262, %swap3A_263], %get3A_260 {strides = array<i32>} : memref<2x80xi32, #tpu.memory_space<vmem>>, vector<16xi32>,
        %mul3A_265 = arith.constant 80 : i32
        %mul3A_266 = arith.muli %rem3A_135, %mul3A_265 : i32
        %add3A_267 = arith.constant 32 : i32
        %add3A_268 = arith.addi %mul3A_266, %add3A_267 : i32
        %get3A_269 = arith.index_cast %add3A_268 : i32 to index
        %get3A_270 = tpu.vector_load %arg10[%get3A_269] {strides = array<i32>} : memref<2000xi32, #tpu.memory_space<vmem>>, vector<16xi32>,
        %swap3A_271 = arith.constant 0 : i32
        %swap3A_272 = arith.index_cast %swap3A_271 : i32 to index
        %swap3A_273 = arith.constant 32 : index
        %swap3A_274 = tpu.vector_load %arg13[%swap3A_272, %swap3A_273] {strides = array<i32>} : memref<2x80xi32, #tpu.memory_space<vmem>>, vector<16xi32>,
        tpu.vector_store %arg13[%swap3A_272, %swap3A_273], %get3A_270 {strides = array<i32>} : memref<2x80xi32, #tpu.memory_space<vmem>>, vector<16xi32>,
        %mul3A_275 = arith.constant 80 : i32
        %mul3A_276 = arith.muli %rem3A_135, %mul3A_275 : i32
        %add3A_277 = arith.constant 48 : i32
        %add3A_278 = arith.addi %mul3A_276, %add3A_277 : i32
        %get3A_279 = arith.index_cast %add3A_278 : i32 to index
        %get3A_280 = tpu.vector_load %arg10[%get3A_279] {strides = array<i32>} : memref<2000xi32, #tpu.memory_space<vmem>>, vector<16xi32>,
        %swap3A_281 = arith.constant 0 : i32
        %swap3A_282 = arith.index_cast %swap3A_281 : i32 to index
        %swap3A_283 = arith.constant 48 : index
        %swap3A_284 = tpu.vector_load %arg13[%swap3A_282, %swap3A_283] {strides = array<i32>} : memref<2x80xi32, #tpu.memory_space<vmem>>, vector<16xi32>,
        tpu.vector_store %arg13[%swap3A_282, %swap3A_283], %get3A_280 {strides = array<i32>} : memref<2x80xi32, #tpu.memory_space<vmem>>, vector<16xi32>,
        %mul3A_285 = arith.constant 80 : i32
        %mul3A_286 = arith.muli %rem3A_135, %mul3A_285 : i32
        %add3A_287 = arith.constant 64 : i32
        %add3A_288 = arith.addi %mul3A_286, %add3A_287 : i32
        %get3A_289 = arith.index_cast %add3A_288 : i32 to index
        %get3A_290 = tpu.vector_load %arg10[%get3A_289] {strides = array<i32>} : memref<2000xi32, #tpu.memory_space<vmem>>, vector<16xi32>,
        %swap3A_291 = arith.constant 0 : i32
        %swap3A_292 = arith.index_cast %swap3A_291 : i32 to index
        %swap3A_293 = arith.constant 64 : index
        %swap3A_294 = tpu.vector_load %arg13[%swap3A_292, %swap3A_293] {strides = array<i32>} : memref<2x80xi32, #tpu.memory_space<vmem>>, vector<16xi32>,
        tpu.vector_store %arg13[%swap3A_292, %swap3A_293], %get3A_290 {strides = array<i32>} : memref<2x80xi32, #tpu.memory_space<vmem>>, vector<16xi32>,
        %dma_start3A_295 = arith.constant 0 : i32
        %dma_start3A_296 = arith.constant 0 : i32
        %dma_start3A_297 = tpu.memref_slice %arg13[%dma_start3A_295, %dma_start3A_296] : memref<2x80xi32, #tpu.memory_space<vmem>> -> memref<1x80xi32, #tpu.memory_space<vmem>>
        %dma_start3A_298 = tpu.memref_squeeze %dma_start3A_297 : memref<1x80xi32, #tpu.memory_space<vmem>> -> memref<80xi32, #tpu.memory_space<vmem>>
        %dma_start3A_299 = arith.constant 0 : i32
        %dma_start3A_300 = arith.constant 0 : i32
        %dma_start3A_301 = tpu.memref_slice %arg8[%dma_start3A_299, %dma_start3A_300] : memref<10000x128xf32, #tpu.memory_space<vmem_shared>> -> memref<10000x128xf32, #tpu.memory_space<vmem_shared>>
        tpu.enqueue_indirect_dma source(%arg17 : memref<80x128xf32, #tpu.memory_space<vmem>>) target(%dma_start3A_301 : memref<10000x128xf32, #tpu.memory_space<vmem_shared>>) offsets(%dma_start3A_298 : memref<80xi32, #tpu.memory_space<vmem>>) semaphore(%arg22 : memref<!tpu.dma_semaphore, #tpu.memory_space<semaphore_mem>>) {add = true}
        %eq3A_302 = arith.constant 24 : i32
        %eq3A_303 = arith.cmpi eq, %rem3A_135, %eq3A_302 : i32
        %add3A_304 = arith.constant 1 : i32
        %add3A_305 = arith.addi %div3A_133, %add3A_304 : i32
        %lt3A_306 = arith.constant 5 : i32
        %lt3A_307 = arith.cmpi slt, %add3A_305, %lt3A_306 : i32
        %and3A_308 = arith.andi %eq3A_303, %lt3A_307 : i1
        %convert_element_type3A_309 = arith.extui %and3A_308 : i1 to i32
        %cond3A_310 = arith.constant 0 : i32
        %cond3A_311 = arith.cmpi ne, %convert_element_type3A_309, %cond3A_310 : i32
        scf.if %cond3A_311 {
          %mul3A_312 = arith.constant 5 : i32
          %mul3A_313 = arith.muli %add3A, %mul3A_312 : i32
          %add3A_314 = arith.addi %mul3A_313, %div3A_133 : i32
          %add3A_315 = arith.constant 1 : i32
          %add3A_316 = arith.addi %add3A_314, %add3A_315 : i32
          %mul3A_317 = arith.constant 2000 : i32
          %mul3A_318 = arith.muli %add3A_316, %mul3A_317 : i32
          "tpu.region"() ({
            %run_scoped3A = tpu.sem_alloc : memref<!tpu.dma_semaphore, #tpu.memory_space<semaphore_mem>>
            %dma_start3A_319 = tpu.memref_slice %arg4[%mul3A_318] : memref<320000xi32, #tpu.memory_space<hbm>> -> memref<2000xi32, #tpu.memory_space<hbm>>
            %dma_start3A_320 = tpu.memref_slice %arg4[%mul3A_318] : memref<320000xi32, #tpu.memory_space<hbm>> -> memref<2000xi32, #tpu.memory_space<hbm>>
            tpu.enqueue_dma source(%dma_start3A_320 : memref<2000xi32, #tpu.memory_space<hbm>>) target(%arg10 : memref<2000xi32, #tpu.memory_space<vmem>>) target_semaphore(%run_scoped3A : memref<!tpu.dma_semaphore, #tpu.memory_space<semaphore_mem>>)
            %dma_wait3A_321 = tpu.memref_slice %arg4[%mul3A_318] : memref<320000xi32, #tpu.memory_space<hbm>> -> memref<2000xi32, #tpu.memory_space<hbm>>
            %dma_wait3A_322 = tpu.memref_slice %arg4[%mul3A_318] : memref<320000xi32, #tpu.memory_space<hbm>> -> memref<2000xi32, #tpu.memory_space<hbm>>
            tpu.wait_dma2 semaphore(%run_scoped3A : memref<!tpu.dma_semaphore, #tpu.memory_space<semaphore_mem>>) src(%dma_wait3A_322 : memref<2000xi32, #tpu.memory_space<hbm>>) dst(%arg10 : memref<2000xi32, #tpu.memory_space<vmem>>)
            tpu.yield
          }) : () -> ()
          "tpu.region"() ({
            %run_scoped3A = tpu.sem_alloc : memref<!tpu.dma_semaphore, #tpu.memory_space<semaphore_mem>>
            %dma_start3A_319 = tpu.memref_slice %arg5[%mul3A_318] : memref<320000xf32, #tpu.memory_space<hbm>> -> memref<2000xf32, #tpu.memory_space<hbm>>
            %dma_start3A_320 = tpu.memref_slice %arg5[%mul3A_318] : memref<320000xf32, #tpu.memory_space<hbm>> -> memref<2000xf32, #tpu.memory_space<hbm>>
            tpu.enqueue_dma source(%dma_start3A_320 : memref<2000xf32, #tpu.memory_space<hbm>>) target(%arg11 : memref<2000xf32, #tpu.memory_space<vmem>>) target_semaphore(%run_scoped3A : memref<!tpu.dma_semaphore, #tpu.memory_space<semaphore_mem>>)
            %dma_wait3A_321 = tpu.memref_slice %arg5[%mul3A_318] : memref<320000xf32, #tpu.memory_space<hbm>> -> memref<2000xf32, #tpu.memory_space<hbm>>
            %dma_wait3A_322 = tpu.memref_slice %arg5[%mul3A_318] : memref<320000xf32, #tpu.memory_space<hbm>> -> memref<2000xf32, #tpu.memory_space<hbm>>
            tpu.wait_dma2 semaphore(%run_scoped3A : memref<!tpu.dma_semaphore, #tpu.memory_space<semaphore_mem>>) src(%dma_wait3A_322 : memref<2000xf32, #tpu.memory_space<hbm>>) dst(%arg11 : memref<2000xf32, #tpu.memory_space<vmem>>)
            tpu.yield
          }) : () -> ()
        } else {
        }
      } else {
      }
      %eq3A_202 = arith.constant 1 : i32
      %eq3A_203 = arith.cmpi eq, %rem3A_132, %eq3A_202 : i32
      %rem3A_204 = arith.constant 2 : i32
      %rem3A_205 = arith.remsi %scan3A_130, %rem3A_204 : i32
      %eq3A_206 = arith.constant 1 : i32
      %eq3A_207 = arith.cmpi eq, %rem3A_205, %eq3A_206 : i32
      %and3A_208 = arith.andi %eq3A_203, %eq3A_207 : i1
      %convert_element_type3A_209 = arith.extui %and3A_208 : i1 to i32
      %cond3A_210 = arith.constant 0 : i32
      %cond3A_211 = arith.cmpi ne, %convert_element_type3A_209, %cond3A_210 : i32
      scf.if %cond3A_211 {
        %ge3A = arith.constant 2 : i32
        %ge3A_232 = arith.cmpi sge, %scan3A_130, %ge3A : i32
        %convert_element_type3A_233 = arith.extui %ge3A_232 : i1 to i32
        %cond3A_234 = arith.constant 0 : i32
        %cond3A_235 = arith.cmpi ne, %convert_element_type3A_233, %cond3A_234 : i32
        scf.if %cond3A_235 {
          %dma_wait3A_312 = arith.constant 0 : i32
          %dma_wait3A_313 = arith.constant 0 : i32
          %dma_wait3A_314 = tpu.memref_slice %arg13[%dma_wait3A_312, %dma_wait3A_313] : memref<2x80xi32, #tpu.memory_space<vmem>> -> memref<1x80xi32, #tpu.memory_space<vmem>>
          %dma_wait3A_315 = tpu.memref_squeeze %dma_wait3A_314 : memref<1x80xi32, #tpu.memory_space<vmem>> -> memref<80xi32, #tpu.memory_space<vmem>>
          %dma_wait3A_316 = arith.constant 0 : i32
          %dma_wait3A_317 = arith.constant 0 : i32
          %dma_wait3A_318 = tpu.memref_slice %arg8[%dma_wait3A_316, %dma_wait3A_317] : memref<10000x128xf32, #tpu.memory_space<vmem_shared>> -> memref<10000x128xf32, #tpu.memory_space<vmem_shared>>
          tpu.wait_indirect_dma semaphore(%arg23 : memref<!tpu.dma_semaphore, #tpu.memory_space<semaphore_mem>>) src(%arg18 : memref<80x128xf32, #tpu.memory_space<vmem>>) dst(%dma_wait3A_318 : memref<10000x128xf32, #tpu.memory_space<vmem_shared>>)
        } else {
        }
        %dma_wait3A_236 = arith.constant 0 : i32
        %dma_wait3A_237 = tpu.memref_slice %arg12[%dma_wait3A_236] : memref<240xi32, #tpu.memory_space<vmem>> -> memref<80xi32, #tpu.memory_space<vmem>>
        %dma_wait3A_238 = arith.constant 0 : i32
        %dma_wait3A_239 = arith.constant 0 : i32
        %dma_wait3A_240 = tpu.memref_slice %arg2[%dma_wait3A_238, %dma_wait3A_239] : memref<10000x64xi32, #tpu.memory_space<hbm>> -> memref<10000x64xi32, #tpu.memory_space<hbm>>
        tpu.wait_indirect_dma semaphore(%arg20 : memref<!tpu.dma_semaphore, #tpu.memory_space<semaphore_mem>>) src(%dma_wait3A_240 : memref<10000x64xi32, #tpu.memory_space<hbm>>) dst(%arg15 : memref<80x64xi32, #tpu.memory_space<vmem>>)
        %mul3A_241 = arith.constant 80 : i32
        %mul3A_242 = arith.muli %rem3A_135, %mul3A_241 : i32
        %parallel_loop3A = arith.constant 0 : i32
        %parallel_loop3A_243 = arith.constant 80 : i32
        %parallel_loop3A_244 = arith.constant 1 : i32
        scf.for %parallel_loop3A_312 = %parallel_loop3A to %parallel_loop3A_243 step %parallel_loop3A_244  : i32 {
          %parallel_loop3A_313 = arith.addi %mul3A_242, %parallel_loop3A_312 : i32
          %parallel_loop3A_314 = vector.broadcast %parallel_loop3A_313 : i32 to vector<16xi32>
          %parallel_loop3A_315 = tpu.vector_load_idx %arg11[%parallel_loop3A_314] : memref<2000xf32, #tpu.memory_space<vmem>>[vector<16xi32>], vector<16xf32>,
          %parallel_loop3A_316 = arith.index_cast %parallel_loop3A_312 : i32 to index
          %parallel_loop3A_317 = arith.constant 0 : index
          %parallel_loop3A_318 = tpu.vector_load %arg15[%parallel_loop3A_316, %parallel_loop3A_317] {strides = array<i32>} : memref<80x64xi32, #tpu.memory_space<vmem>>, vector<16xi32>,
          %parallel_loop3A_319 = vector.bitcast %parallel_loop3A_318 : vector<16xi32> to vector<32xbf16>
          %parallel_loop3A_320 = tpu.unpack_subelements %parallel_loop3A_319, 0 {pack_format = #tpu.pack_format<interleaved>} : vector<32xbf16> -> vector<16xf32>
          %parallel_loop3A_321 = tpu.unpack_subelements %parallel_loop3A_319, 1 {pack_format = #tpu.pack_format<interleaved>} : vector<32xbf16> -> vector<16xf32>
          %parallel_loop3A_322 = arith.mulf %parallel_loop3A_320, %parallel_loop3A_315 : vector<16xf32>
          %parallel_loop3A_323 = arith.index_cast %parallel_loop3A_312 : i32 to index
          %parallel_loop3A_324 = arith.constant 0 : index
          %parallel_loop3A_325 = tpu.vector_load %arg18[%parallel_loop3A_323, %parallel_loop3A_324] {strides = array<i32>} : memref<80x128xf32, #tpu.memory_space<vmem>>, vector<16xf32>,
          tpu.vector_store %arg18[%parallel_loop3A_323, %parallel_loop3A_324], %parallel_loop3A_322 {strides = array<i32>} : memref<80x128xf32, #tpu.memory_space<vmem>>, vector<16xf32>,
          %parallel_loop3A_326 = arith.mulf %parallel_loop3A_321, %parallel_loop3A_315 : vector<16xf32>
          %parallel_loop3A_327 = arith.index_cast %parallel_loop3A_312 : i32 to index
          %parallel_loop3A_328 = arith.constant 16 : index
          %parallel_loop3A_329 = tpu.vector_load %arg18[%parallel_loop3A_327, %parallel_loop3A_328] {strides = array<i32>} : memref<80x128xf32, #tpu.memory_space<vmem>>, vector<16xf32>,
          tpu.vector_store %arg18[%parallel_loop3A_327, %parallel_loop3A_328], %parallel_loop3A_326 {strides = array<i32>} : memref<80x128xf32, #tpu.memory_space<vmem>>, vector<16xf32>,
          %parallel_loop3A_330 = arith.index_cast %parallel_loop3A_312 : i32 to index
          %parallel_loop3A_331 = arith.constant 16 : index
          %parallel_loop3A_332 = tpu.vector_load %arg15[%parallel_loop3A_330, %parallel_loop3A_331] {strides = array<i32>} : memref<80x64xi32, #tpu.memory_space<vmem>>, vector<16xi32>,
          %parallel_loop3A_333 = vector.bitcast %parallel_loop3A_332 : vector<16xi32> to vector<32xbf16>
          %parallel_loop3A_334 = tpu.unpack_subelements %parallel_loop3A_333, 0 {pack_format = #tpu.pack_format<interleaved>} : vector<32xbf16> -> vector<16xf32>
          %parallel_loop3A_335 = tpu.unpack_subelements %parallel_loop3A_333, 1 {pack_format = #tpu.pack_format<interleaved>} : vector<32xbf16> -> vector<16xf32>
          %parallel_loop3A_336 = arith.mulf %parallel_loop3A_334, %parallel_loop3A_315 : vector<16xf32>
          %parallel_loop3A_337 = arith.index_cast %parallel_loop3A_312 : i32 to index
          %parallel_loop3A_338 = arith.constant 32 : index
          %parallel_loop3A_339 = tpu.vector_load %arg18[%parallel_loop3A_337, %parallel_loop3A_338] {strides = array<i32>} : memref<80x128xf32, #tpu.memory_space<vmem>>, vector<16xf32>,
          tpu.vector_store %arg18[%parallel_loop3A_337, %parallel_loop3A_338], %parallel_loop3A_336 {strides = array<i32>} : memref<80x128xf32, #tpu.memory_space<vmem>>, vector<16xf32>,
          %parallel_loop3A_340 = arith.mulf %parallel_loop3A_335, %parallel_loop3A_315 : vector<16xf32>
          %parallel_loop3A_341 = arith.index_cast %parallel_loop3A_312 : i32 to index
          %parallel_loop3A_342 = arith.constant 48 : index
          %parallel_loop3A_343 = tpu.vector_load %arg18[%parallel_loop3A_341, %parallel_loop3A_342] {strides = array<i32>} : memref<80x128xf32, #tpu.memory_space<vmem>>, vector<16xf32>,
          tpu.vector_store %arg18[%parallel_loop3A_341, %parallel_loop3A_342], %parallel_loop3A_340 {strides = array<i32>} : memref<80x128xf32, #tpu.memory_space<vmem>>, vector<16xf32>,
          %parallel_loop3A_344 = arith.index_cast %parallel_loop3A_312 : i32 to index
          %parallel_loop3A_345 = arith.constant 32 : index
          %parallel_loop3A_346 = tpu.vector_load %arg15[%parallel_loop3A_344, %parallel_loop3A_345] {strides = array<i32>} : memref<80x64xi32, #tpu.memory_space<vmem>>, vector<16xi32>,
          %parallel_loop3A_347 = vector.bitcast %parallel_loop3A_346 : vector<16xi32> to vector<32xbf16>
          %parallel_loop3A_348 = tpu.unpack_subelements %parallel_loop3A_347, 0 {pack_format = #tpu.pack_format<interleaved>} : vector<32xbf16> -> vector<16xf32>
          %parallel_loop3A_349 = tpu.unpack_subelements %parallel_loop3A_347, 1 {pack_format = #tpu.pack_format<interleaved>} : vector<32xbf16> -> vector<16xf32>
          %parallel_loop3A_350 = arith.mulf %parallel_loop3A_348, %parallel_loop3A_315 : vector<16xf32>
          %parallel_loop3A_351 = arith.index_cast %parallel_loop3A_312 : i32 to index
          %parallel_loop3A_352 = arith.constant 64 : index
          %parallel_loop3A_353 = tpu.vector_load %arg18[%parallel_loop3A_351, %parallel_loop3A_352] {strides = array<i32>} : memref<80x128xf32, #tpu.memory_space<vmem>>, vector<16xf32>,
          tpu.vector_store %arg18[%parallel_loop3A_351, %parallel_loop3A_352], %parallel_loop3A_350 {strides = array<i32>} : memref<80x128xf32, #tpu.memory_space<vmem>>, vector<16xf32>,
          %parallel_loop3A_354 = arith.mulf %parallel_loop3A_349, %parallel_loop3A_315 : vector<16xf32>
          %parallel_loop3A_355 = arith.index_cast %parallel_loop3A_312 : i32 to index
          %parallel_loop3A_356 = arith.constant 80 : index
          %parallel_loop3A_357 = tpu.vector_load %arg18[%parallel_loop3A_355, %parallel_loop3A_356] {strides = array<i32>} : memref<80x128xf32, #tpu.memory_space<vmem>>, vector<16xf32>,
          tpu.vector_store %arg18[%parallel_loop3A_355, %parallel_loop3A_356], %parallel_loop3A_354 {strides = array<i32>} : memref<80x128xf32, #tpu.memory_space<vmem>>, vector<16xf32>,
          %parallel_loop3A_358 = arith.index_cast %parallel_loop3A_312 : i32 to index
          %parallel_loop3A_359 = arith.constant 48 : index
          %parallel_loop3A_360 = tpu.vector_load %arg15[%parallel_loop3A_358, %parallel_loop3A_359] {strides = array<i32>} : memref<80x64xi32, #tpu.memory_space<vmem>>, vector<16xi32>,
          %parallel_loop3A_361 = vector.bitcast %parallel_loop3A_360 : vector<16xi32> to vector<32xbf16>
          %parallel_loop3A_362 = tpu.unpack_subelements %parallel_loop3A_361, 0 {pack_format = #tpu.pack_format<interleaved>} : vector<32xbf16> -> vector<16xf32>
          %parallel_loop3A_363 = tpu.unpack_subelements %parallel_loop3A_361, 1 {pack_format = #tpu.pack_format<interleaved>} : vector<32xbf16> -> vector<16xf32>
          %parallel_loop3A_364 = arith.mulf %parallel_loop3A_362, %parallel_loop3A_315 : vector<16xf32>
          %parallel_loop3A_365 = arith.index_cast %parallel_loop3A_312 : i32 to index
          %parallel_loop3A_366 = arith.constant 96 : index
          %parallel_loop3A_367 = tpu.vector_load %arg18[%parallel_loop3A_365, %parallel_loop3A_366] {strides = array<i32>} : memref<80x128xf32, #tpu.memory_space<vmem>>, vector<16xf32>,
          tpu.vector_store %arg18[%parallel_loop3A_365, %parallel_loop3A_366], %parallel_loop3A_364 {strides = array<i32>} : memref<80x128xf32, #tpu.memory_space<vmem>>, vector<16xf32>,
          %parallel_loop3A_368 = arith.mulf %parallel_loop3A_363, %parallel_loop3A_315 : vector<16xf32>
          %parallel_loop3A_369 = arith.index_cast %parallel_loop3A_312 : i32 to index
          %parallel_loop3A_370 = arith.constant 112 : index
          %parallel_loop3A_371 = tpu.vector_load %arg18[%parallel_loop3A_369, %parallel_loop3A_370] {strides = array<i32>} : memref<80x128xf32, #tpu.memory_space<vmem>>, vector<16xf32>,
          tpu.vector_store %arg18[%parallel_loop3A_369, %parallel_loop3A_370], %parallel_loop3A_368 {strides = array<i32>} : memref<80x128xf32, #tpu.memory_space<vmem>>, vector<16xf32>,
        } {sc.loop_unroll_factor = 2 : i64, sc.parallel_access}
        %mul3A_245 = arith.constant 80 : i32
        %mul3A_246 = arith.muli %rem3A_135, %mul3A_245 : i32
        %add3A_247 = arith.constant 0 : i32
        %add3A_248 = arith.addi %mul3A_246, %add3A_247 : i32
        %get3A_249 = arith.index_cast %add3A_248 : i32 to index
        %get3A_250 = tpu.vector_load %arg10[%get3A_249] {strides = array<i32>} : memref<2000xi32, #tpu.memory_space<vmem>>, vector<16xi32>,
        %swap3A_251 = arith.constant 1 : i32
        %swap3A_252 = arith.index_cast %swap3A_251 : i32 to index
        %swap3A_253 = arith.constant 0 : index
        %swap3A_254 = tpu.vector_load %arg13[%swap3A_252, %swap3A_253] {strides = array<i32>} : memref<2x80xi32, #tpu.memory_space<vmem>>, vector<16xi32>,
        tpu.vector_store %arg13[%swap3A_252, %swap3A_253], %get3A_250 {strides = array<i32>} : memref<2x80xi32, #tpu.memory_space<vmem>>, vector<16xi32>,
        %mul3A_255 = arith.constant 80 : i32
        %mul3A_256 = arith.muli %rem3A_135, %mul3A_255 : i32
        %add3A_257 = arith.constant 16 : i32
        %add3A_258 = arith.addi %mul3A_256, %add3A_257 : i32
        %get3A_259 = arith.index_cast %add3A_258 : i32 to index
        %get3A_260 = tpu.vector_load %arg10[%get3A_259] {strides = array<i32>} : memref<2000xi32, #tpu.memory_space<vmem>>, vector<16xi32>,
        %swap3A_261 = arith.constant 1 : i32
        %swap3A_262 = arith.index_cast %swap3A_261 : i32 to index
        %swap3A_263 = arith.constant 16 : index
        %swap3A_264 = tpu.vector_load %arg13[%swap3A_262, %swap3A_263] {strides = array<i32>} : memref<2x80xi32, #tpu.memory_space<vmem>>, vector<16xi32>,
        tpu.vector_store %arg13[%swap3A_262, %swap3A_263], %get3A_260 {strides = array<i32>} : memref<2x80xi32, #tpu.memory_space<vmem>>, vector<16xi32>,
        %mul3A_265 = arith.constant 80 : i32
        %mul3A_266 = arith.muli %rem3A_135, %mul3A_265 : i32
        %add3A_267 = arith.constant 32 : i32
        %add3A_268 = arith.addi %mul3A_266, %add3A_267 : i32
        %get3A_269 = arith.index_cast %add3A_268 : i32 to index
        %get3A_270 = tpu.vector_load %arg10[%get3A_269] {strides = array<i32>} : memref<2000xi32, #tpu.memory_space<vmem>>, vector<16xi32>,
        %swap3A_271 = arith.constant 1 : i32
        %swap3A_272 = arith.index_cast %swap3A_271 : i32 to index
        %swap3A_273 = arith.constant 32 : index
        %swap3A_274 = tpu.vector_load %arg13[%swap3A_272, %swap3A_273] {strides = array<i32>} : memref<2x80xi32, #tpu.memory_space<vmem>>, vector<16xi32>,
        tpu.vector_store %arg13[%swap3A_272, %swap3A_273], %get3A_270 {strides = array<i32>} : memref<2x80xi32, #tpu.memory_space<vmem>>, vector<16xi32>,
        %mul3A_275 = arith.constant 80 : i32
        %mul3A_276 = arith.muli %rem3A_135, %mul3A_275 : i32
        %add3A_277 = arith.constant 48 : i32
        %add3A_278 = arith.addi %mul3A_276, %add3A_277 : i32
        %get3A_279 = arith.index_cast %add3A_278 : i32 to index
        %get3A_280 = tpu.vector_load %arg10[%get3A_279] {strides = array<i32>} : memref<2000xi32, #tpu.memory_space<vmem>>, vector<16xi32>,
        %swap3A_281 = arith.constant 1 : i32
        %swap3A_282 = arith.index_cast %swap3A_281 : i32 to index
        %swap3A_283 = arith.constant 48 : index
        %swap3A_284 = tpu.vector_load %arg13[%swap3A_282, %swap3A_283] {strides = array<i32>} : memref<2x80xi32, #tpu.memory_space<vmem>>, vector<16xi32>,
        tpu.vector_store %arg13[%swap3A_282, %swap3A_283], %get3A_280 {strides = array<i32>} : memref<2x80xi32, #tpu.memory_space<vmem>>, vector<16xi32>,
        %mul3A_285 = arith.constant 80 : i32
        %mul3A_286 = arith.muli %rem3A_135, %mul3A_285 : i32
        %add3A_287 = arith.constant 64 : i32
        %add3A_288 = arith.addi %mul3A_286, %add3A_287 : i32
        %get3A_289 = arith.index_cast %add3A_288 : i32 to index
        %get3A_290 = tpu.vector_load %arg10[%get3A_289] {strides = array<i32>} : memref<2000xi32, #tpu.memory_space<vmem>>, vector<16xi32>,
        %swap3A_291 = arith.constant 1 : i32
        %swap3A_292 = arith.index_cast %swap3A_291 : i32 to index
        %swap3A_293 = arith.constant 64 : index
        %swap3A_294 = tpu.vector_load %arg13[%swap3A_292, %swap3A_293] {strides = array<i32>} : memref<2x80xi32, #tpu.memory_space<vmem>>, vector<16xi32>,
        tpu.vector_store %arg13[%swap3A_292, %swap3A_293], %get3A_290 {strides = array<i32>} : memref<2x80xi32, #tpu.memory_space<vmem>>, vector<16xi32>,
        %dma_start3A_295 = arith.constant 1 : i32
        %dma_start3A_296 = arith.constant 0 : i32
        %dma_start3A_297 = tpu.memref_slice %arg13[%dma_start3A_295, %dma_start3A_296] : memref<2x80xi32, #tpu.memory_space<vmem>> -> memref<1x80xi32, #tpu.memory_space<vmem>>
        %dma_start3A_298 = tpu.memref_squeeze %dma_start3A_297 : memref<1x80xi32, #tpu.memory_space<vmem>> -> memref<80xi32, #tpu.memory_space<vmem>>
        %dma_start3A_299 = arith.constant 0 : i32
        %dma_start3A_300 = arith.constant 0 : i32
        %dma_start3A_301 = tpu.memref_slice %arg8[%dma_start3A_299, %dma_start3A_300] : memref<10000x128xf32, #tpu.memory_space<vmem_shared>> -> memref<10000x128xf32, #tpu.memory_space<vmem_shared>>
        tpu.enqueue_indirect_dma source(%arg18 : memref<80x128xf32, #tpu.memory_space<vmem>>) target(%dma_start3A_301 : memref<10000x128xf32, #tpu.memory_space<vmem_shared>>) offsets(%dma_start3A_298 : memref<80xi32, #tpu.memory_space<vmem>>) semaphore(%arg23 : memref<!tpu.dma_semaphore, #tpu.memory_space<semaphore_mem>>) {add = true}
        %eq3A_302 = arith.constant 24 : i32
        %eq3A_303 = arith.cmpi eq, %rem3A_135, %eq3A_302 : i32
        %add3A_304 = arith.constant 1 : i32
        %add3A_305 = arith.addi %div3A_133, %add3A_304 : i32
        %lt3A_306 = arith.constant 5 : i32
        %lt3A_307 = arith.cmpi slt, %add3A_305, %lt3A_306 : i32
        %and3A_308 = arith.andi %eq3A_303, %lt3A_307 : i1
        %convert_element_type3A_309 = arith.extui %and3A_308 : i1 to i32
        %cond3A_310 = arith.constant 0 : i32
        %cond3A_311 = arith.cmpi ne, %convert_element_type3A_309, %cond3A_310 : i32
        scf.if %cond3A_311 {
          %mul3A_312 = arith.constant 5 : i32
          %mul3A_313 = arith.muli %add3A, %mul3A_312 : i32
          %add3A_314 = arith.addi %mul3A_313, %div3A_133 : i32
          %add3A_315 = arith.constant 1 : i32
          %add3A_316 = arith.addi %add3A_314, %add3A_315 : i32
          %mul3A_317 = arith.constant 2000 : i32
          %mul3A_318 = arith.muli %add3A_316, %mul3A_317 : i32
          "tpu.region"() ({
            %run_scoped3A = tpu.sem_alloc : memref<!tpu.dma_semaphore, #tpu.memory_space<semaphore_mem>>
            %dma_start3A_319 = tpu.memref_slice %arg4[%mul3A_318] : memref<320000xi32, #tpu.memory_space<hbm>> -> memref<2000xi32, #tpu.memory_space<hbm>>
            %dma_start3A_320 = tpu.memref_slice %arg4[%mul3A_318] : memref<320000xi32, #tpu.memory_space<hbm>> -> memref<2000xi32, #tpu.memory_space<hbm>>
            tpu.enqueue_dma source(%dma_start3A_320 : memref<2000xi32, #tpu.memory_space<hbm>>) target(%arg10 : memref<2000xi32, #tpu.memory_space<vmem>>) target_semaphore(%run_scoped3A : memref<!tpu.dma_semaphore, #tpu.memory_space<semaphore_mem>>)
            %dma_wait3A_321 = tpu.memref_slice %arg4[%mul3A_318] : memref<320000xi32, #tpu.memory_space<hbm>> -> memref<2000xi32, #tpu.memory_space<hbm>>
            %dma_wait3A_322 = tpu.memref_slice %arg4[%mul3A_318] : memref<320000xi32, #tpu.memory_space<hbm>> -> memref<2000xi32, #tpu.memory_space<hbm>>
            tpu.wait_dma2 semaphore(%run_scoped3A : memref<!tpu.dma_semaphore, #tpu.memory_space<semaphore_mem>>) src(%dma_wait3A_322 : memref<2000xi32, #tpu.memory_space<hbm>>) dst(%arg10 : memref<2000xi32, #tpu.memory_space<vmem>>)
            tpu.yield
          }) : () -> ()
          "tpu.region"() ({
            %run_scoped3A = tpu.sem_alloc : memref<!tpu.dma_semaphore, #tpu.memory_space<semaphore_mem>>
            %dma_start3A_319 = tpu.memref_slice %arg5[%mul3A_318] : memref<320000xf32, #tpu.memory_space<hbm>> -> memref<2000xf32, #tpu.memory_space<hbm>>
            %dma_start3A_320 = tpu.memref_slice %arg5[%mul3A_318] : memref<320000xf32, #tpu.memory_space<hbm>> -> memref<2000xf32, #tpu.memory_space<hbm>>
            tpu.enqueue_dma source(%dma_start3A_320 : memref<2000xf32, #tpu.memory_space<hbm>>) target(%arg11 : memref<2000xf32, #tpu.memory_space<vmem>>) target_semaphore(%run_scoped3A : memref<!tpu.dma_semaphore, #tpu.memory_space<semaphore_mem>>)
            %dma_wait3A_321 = tpu.memref_slice %arg5[%mul3A_318] : memref<320000xf32, #tpu.memory_space<hbm>> -> memref<2000xf32, #tpu.memory_space<hbm>>
            %dma_wait3A_322 = tpu.memref_slice %arg5[%mul3A_318] : memref<320000xf32, #tpu.memory_space<hbm>> -> memref<2000xf32, #tpu.memory_space<hbm>>
            tpu.wait_dma2 semaphore(%run_scoped3A : memref<!tpu.dma_semaphore, #tpu.memory_space<semaphore_mem>>) src(%dma_wait3A_322 : memref<2000xf32, #tpu.memory_space<hbm>>) dst(%arg11 : memref<2000xf32, #tpu.memory_space<vmem>>)
            tpu.yield
          }) : () -> ()
        } else {
        }
      } else {
      }
      %eq3A_212 = arith.constant 2 : i32
      %eq3A_213 = arith.cmpi eq, %rem3A_132, %eq3A_212 : i32
      %rem3A_214 = arith.constant 2 : i32
      %rem3A_215 = arith.remsi %scan3A_130, %rem3A_214 : i32
      %eq3A_216 = arith.constant 0 : i32
      %eq3A_217 = arith.cmpi eq, %rem3A_215, %eq3A_216 : i32
      %and3A_218 = arith.andi %eq3A_213, %eq3A_217 : i1
      %convert_element_type3A_219 = arith.extui %and3A_218 : i1 to i32
      %cond3A_220 = arith.constant 0 : i32
      %cond3A_221 = arith.cmpi ne, %convert_element_type3A_219, %cond3A_220 : i32
      scf.if %cond3A_221 {
        %ge3A = arith.constant 2 : i32
        %ge3A_232 = arith.cmpi sge, %scan3A_130, %ge3A : i32
        %convert_element_type3A_233 = arith.extui %ge3A_232 : i1 to i32
        %cond3A_234 = arith.constant 0 : i32
        %cond3A_235 = arith.cmpi ne, %convert_element_type3A_233, %cond3A_234 : i32
        scf.if %cond3A_235 {
          %dma_wait3A_312 = arith.constant 0 : i32
          %dma_wait3A_313 = arith.constant 0 : i32
          %dma_wait3A_314 = tpu.memref_slice %arg13[%dma_wait3A_312, %dma_wait3A_313] : memref<2x80xi32, #tpu.memory_space<vmem>> -> memref<1x80xi32, #tpu.memory_space<vmem>>
          %dma_wait3A_315 = tpu.memref_squeeze %dma_wait3A_314 : memref<1x80xi32, #tpu.memory_space<vmem>> -> memref<80xi32, #tpu.memory_space<vmem>>
          %dma_wait3A_316 = arith.constant 0 : i32
          %dma_wait3A_317 = arith.constant 0 : i32
          %dma_wait3A_318 = tpu.memref_slice %arg8[%dma_wait3A_316, %dma_wait3A_317] : memref<10000x128xf32, #tpu.memory_space<vmem_shared>> -> memref<10000x128xf32, #tpu.memory_space<vmem_shared>>
          tpu.wait_indirect_dma semaphore(%arg22 : memref<!tpu.dma_semaphore, #tpu.memory_space<semaphore_mem>>) src(%arg17 : memref<80x128xf32, #tpu.memory_space<vmem>>) dst(%dma_wait3A_318 : memref<10000x128xf32, #tpu.memory_space<vmem_shared>>)
        } else {
        }
        %dma_wait3A_236 = arith.constant 0 : i32
        %dma_wait3A_237 = tpu.memref_slice %arg12[%dma_wait3A_236] : memref<240xi32, #tpu.memory_space<vmem>> -> memref<80xi32, #tpu.memory_space<vmem>>
        %dma_wait3A_238 = arith.constant 0 : i32
        %dma_wait3A_239 = arith.constant 0 : i32
        %dma_wait3A_240 = tpu.memref_slice %arg2[%dma_wait3A_238, %dma_wait3A_239] : memref<10000x64xi32, #tpu.memory_space<hbm>> -> memref<10000x64xi32, #tpu.memory_space<hbm>>
        tpu.wait_indirect_dma semaphore(%arg21 : memref<!tpu.dma_semaphore, #tpu.memory_space<semaphore_mem>>) src(%dma_wait3A_240 : memref<10000x64xi32, #tpu.memory_space<hbm>>) dst(%arg16 : memref<80x64xi32, #tpu.memory_space<vmem>>)
        %mul3A_241 = arith.constant 80 : i32
        %mul3A_242 = arith.muli %rem3A_135, %mul3A_241 : i32
        %parallel_loop3A = arith.constant 0 : i32
        %parallel_loop3A_243 = arith.constant 80 : i32
        %parallel_loop3A_244 = arith.constant 1 : i32
        scf.for %parallel_loop3A_312 = %parallel_loop3A to %parallel_loop3A_243 step %parallel_loop3A_244  : i32 {
          %parallel_loop3A_313 = arith.addi %mul3A_242, %parallel_loop3A_312 : i32
          %parallel_loop3A_314 = vector.broadcast %parallel_loop3A_313 : i32 to vector<16xi32>
          %parallel_loop3A_315 = tpu.vector_load_idx %arg11[%parallel_loop3A_314] : memref<2000xf32, #tpu.memory_space<vmem>>[vector<16xi32>], vector<16xf32>,
          %parallel_loop3A_316 = arith.index_cast %parallel_loop3A_312 : i32 to index
          %parallel_loop3A_317 = arith.constant 0 : index
          %parallel_loop3A_318 = tpu.vector_load %arg16[%parallel_loop3A_316, %parallel_loop3A_317] {strides = array<i32>} : memref<80x64xi32, #tpu.memory_space<vmem>>, vector<16xi32>,
          %parallel_loop3A_319 = vector.bitcast %parallel_loop3A_318 : vector<16xi32> to vector<32xbf16>
          %parallel_loop3A_320 = tpu.unpack_subelements %parallel_loop3A_319, 0 {pack_format = #tpu.pack_format<interleaved>} : vector<32xbf16> -> vector<16xf32>
          %parallel_loop3A_321 = tpu.unpack_subelements %parallel_loop3A_319, 1 {pack_format = #tpu.pack_format<interleaved>} : vector<32xbf16> -> vector<16xf32>
          %parallel_loop3A_322 = arith.mulf %parallel_loop3A_320, %parallel_loop3A_315 : vector<16xf32>
          %parallel_loop3A_323 = arith.index_cast %parallel_loop3A_312 : i32 to index
          %parallel_loop3A_324 = arith.constant 0 : index
          %parallel_loop3A_325 = tpu.vector_load %arg17[%parallel_loop3A_323, %parallel_loop3A_324] {strides = array<i32>} : memref<80x128xf32, #tpu.memory_space<vmem>>, vector<16xf32>,
          tpu.vector_store %arg17[%parallel_loop3A_323, %parallel_loop3A_324], %parallel_loop3A_322 {strides = array<i32>} : memref<80x128xf32, #tpu.memory_space<vmem>>, vector<16xf32>,
          %parallel_loop3A_326 = arith.mulf %parallel_loop3A_321, %parallel_loop3A_315 : vector<16xf32>
          %parallel_loop3A_327 = arith.index_cast %parallel_loop3A_312 : i32 to index
          %parallel_loop3A_328 = arith.constant 16 : index
          %parallel_loop3A_329 = tpu.vector_load %arg17[%parallel_loop3A_327, %parallel_loop3A_328] {strides = array<i32>} : memref<80x128xf32, #tpu.memory_space<vmem>>, vector<16xf32>,
          tpu.vector_store %arg17[%parallel_loop3A_327, %parallel_loop3A_328], %parallel_loop3A_326 {strides = array<i32>} : memref<80x128xf32, #tpu.memory_space<vmem>>, vector<16xf32>,
          %parallel_loop3A_330 = arith.index_cast %parallel_loop3A_312 : i32 to index
          %parallel_loop3A_331 = arith.constant 16 : index
          %parallel_loop3A_332 = tpu.vector_load %arg16[%parallel_loop3A_330, %parallel_loop3A_331] {strides = array<i32>} : memref<80x64xi32, #tpu.memory_space<vmem>>, vector<16xi32>,
          %parallel_loop3A_333 = vector.bitcast %parallel_loop3A_332 : vector<16xi32> to vector<32xbf16>
          %parallel_loop3A_334 = tpu.unpack_subelements %parallel_loop3A_333, 0 {pack_format = #tpu.pack_format<interleaved>} : vector<32xbf16> -> vector<16xf32>
          %parallel_loop3A_335 = tpu.unpack_subelements %parallel_loop3A_333, 1 {pack_format = #tpu.pack_format<interleaved>} : vector<32xbf16> -> vector<16xf32>
          %parallel_loop3A_336 = arith.mulf %parallel_loop3A_334, %parallel_loop3A_315 : vector<16xf32>
          %parallel_loop3A_337 = arith.index_cast %parallel_loop3A_312 : i32 to index
          %parallel_loop3A_338 = arith.constant 32 : index
          %parallel_loop3A_339 = tpu.vector_load %arg17[%parallel_loop3A_337, %parallel_loop3A_338] {strides = array<i32>} : memref<80x128xf32, #tpu.memory_space<vmem>>, vector<16xf32>,
          tpu.vector_store %arg17[%parallel_loop3A_337, %parallel_loop3A_338], %parallel_loop3A_336 {strides = array<i32>} : memref<80x128xf32, #tpu.memory_space<vmem>>, vector<16xf32>,
          %parallel_loop3A_340 = arith.mulf %parallel_loop3A_335, %parallel_loop3A_315 : vector<16xf32>
          %parallel_loop3A_341 = arith.index_cast %parallel_loop3A_312 : i32 to index
          %parallel_loop3A_342 = arith.constant 48 : index
          %parallel_loop3A_343 = tpu.vector_load %arg17[%parallel_loop3A_341, %parallel_loop3A_342] {strides = array<i32>} : memref<80x128xf32, #tpu.memory_space<vmem>>, vector<16xf32>,
          tpu.vector_store %arg17[%parallel_loop3A_341, %parallel_loop3A_342], %parallel_loop3A_340 {strides = array<i32>} : memref<80x128xf32, #tpu.memory_space<vmem>>, vector<16xf32>,
          %parallel_loop3A_344 = arith.index_cast %parallel_loop3A_312 : i32 to index
          %parallel_loop3A_345 = arith.constant 32 : index
          %parallel_loop3A_346 = tpu.vector_load %arg16[%parallel_loop3A_344, %parallel_loop3A_345] {strides = array<i32>} : memref<80x64xi32, #tpu.memory_space<vmem>>, vector<16xi32>,
          %parallel_loop3A_347 = vector.bitcast %parallel_loop3A_346 : vector<16xi32> to vector<32xbf16>
          %parallel_loop3A_348 = tpu.unpack_subelements %parallel_loop3A_347, 0 {pack_format = #tpu.pack_format<interleaved>} : vector<32xbf16> -> vector<16xf32>
          %parallel_loop3A_349 = tpu.unpack_subelements %parallel_loop3A_347, 1 {pack_format = #tpu.pack_format<interleaved>} : vector<32xbf16> -> vector<16xf32>
          %parallel_loop3A_350 = arith.mulf %parallel_loop3A_348, %parallel_loop3A_315 : vector<16xf32>
          %parallel_loop3A_351 = arith.index_cast %parallel_loop3A_312 : i32 to index
          %parallel_loop3A_352 = arith.constant 64 : index
          %parallel_loop3A_353 = tpu.vector_load %arg17[%parallel_loop3A_351, %parallel_loop3A_352] {strides = array<i32>} : memref<80x128xf32, #tpu.memory_space<vmem>>, vector<16xf32>,
          tpu.vector_store %arg17[%parallel_loop3A_351, %parallel_loop3A_352], %parallel_loop3A_350 {strides = array<i32>} : memref<80x128xf32, #tpu.memory_space<vmem>>, vector<16xf32>,
          %parallel_loop3A_354 = arith.mulf %parallel_loop3A_349, %parallel_loop3A_315 : vector<16xf32>
          %parallel_loop3A_355 = arith.index_cast %parallel_loop3A_312 : i32 to index
          %parallel_loop3A_356 = arith.constant 80 : index
          %parallel_loop3A_357 = tpu.vector_load %arg17[%parallel_loop3A_355, %parallel_loop3A_356] {strides = array<i32>} : memref<80x128xf32, #tpu.memory_space<vmem>>, vector<16xf32>,
          tpu.vector_store %arg17[%parallel_loop3A_355, %parallel_loop3A_356], %parallel_loop3A_354 {strides = array<i32>} : memref<80x128xf32, #tpu.memory_space<vmem>>, vector<16xf32>,
          %parallel_loop3A_358 = arith.index_cast %parallel_loop3A_312 : i32 to index
          %parallel_loop3A_359 = arith.constant 48 : index
          %parallel_loop3A_360 = tpu.vector_load %arg16[%parallel_loop3A_358, %parallel_loop3A_359] {strides = array<i32>} : memref<80x64xi32, #tpu.memory_space<vmem>>, vector<16xi32>,
          %parallel_loop3A_361 = vector.bitcast %parallel_loop3A_360 : vector<16xi32> to vector<32xbf16>
          %parallel_loop3A_362 = tpu.unpack_subelements %parallel_loop3A_361, 0 {pack_format = #tpu.pack_format<interleaved>} : vector<32xbf16> -> vector<16xf32>
          %parallel_loop3A_363 = tpu.unpack_subelements %parallel_loop3A_361, 1 {pack_format = #tpu.pack_format<interleaved>} : vector<32xbf16> -> vector<16xf32>
          %parallel_loop3A_364 = arith.mulf %parallel_loop3A_362, %parallel_loop3A_315 : vector<16xf32>
          %parallel_loop3A_365 = arith.index_cast %parallel_loop3A_312 : i32 to index
          %parallel_loop3A_366 = arith.constant 96 : index
          %parallel_loop3A_367 = tpu.vector_load %arg17[%parallel_loop3A_365, %parallel_loop3A_366] {strides = array<i32>} : memref<80x128xf32, #tpu.memory_space<vmem>>, vector<16xf32>,
          tpu.vector_store %arg17[%parallel_loop3A_365, %parallel_loop3A_366], %parallel_loop3A_364 {strides = array<i32>} : memref<80x128xf32, #tpu.memory_space<vmem>>, vector<16xf32>,
          %parallel_loop3A_368 = arith.mulf %parallel_loop3A_363, %parallel_loop3A_315 : vector<16xf32>
          %parallel_loop3A_369 = arith.index_cast %parallel_loop3A_312 : i32 to index
          %parallel_loop3A_370 = arith.constant 112 : index
          %parallel_loop3A_371 = tpu.vector_load %arg17[%parallel_loop3A_369, %parallel_loop3A_370] {strides = array<i32>} : memref<80x128xf32, #tpu.memory_space<vmem>>, vector<16xf32>,
          tpu.vector_store %arg17[%parallel_loop3A_369, %parallel_loop3A_370], %parallel_loop3A_368 {strides = array<i32>} : memref<80x128xf32, #tpu.memory_space<vmem>>, vector<16xf32>,
        } {sc.loop_unroll_factor = 2 : i64, sc.parallel_access}
        %mul3A_245 = arith.constant 80 : i32
        %mul3A_246 = arith.muli %rem3A_135, %mul3A_245 : i32
        %add3A_247 = arith.constant 0 : i32
        %add3A_248 = arith.addi %mul3A_246, %add3A_247 : i32
        %get3A_249 = arith.index_cast %add3A_248 : i32 to index
        %get3A_250 = tpu.vector_load %arg10[%get3A_249] {strides = array<i32>} : memref<2000xi32, #tpu.memory_space<vmem>>, vector<16xi32>,
        %swap3A_251 = arith.constant 0 : i32
        %swap3A_252 = arith.index_cast %swap3A_251 : i32 to index
        %swap3A_253 = arith.constant 0 : index
        %swap3A_254 = tpu.vector_load %arg13[%swap3A_252, %swap3A_253] {strides = array<i32>} : memref<2x80xi32, #tpu.memory_space<vmem>>, vector<16xi32>,
        tpu.vector_store %arg13[%swap3A_252, %swap3A_253], %get3A_250 {strides = array<i32>} : memref<2x80xi32, #tpu.memory_space<vmem>>, vector<16xi32>,
        %mul3A_255 = arith.constant 80 : i32
        %mul3A_256 = arith.muli %rem3A_135, %mul3A_255 : i32
        %add3A_257 = arith.constant 16 : i32
        %add3A_258 = arith.addi %mul3A_256, %add3A_257 : i32
        %get3A_259 = arith.index_cast %add3A_258 : i32 to index
        %get3A_260 = tpu.vector_load %arg10[%get3A_259] {strides = array<i32>} : memref<2000xi32, #tpu.memory_space<vmem>>, vector<16xi32>,
        %swap3A_261 = arith.constant 0 : i32
        %swap3A_262 = arith.index_cast %swap3A_261 : i32 to index
        %swap3A_263 = arith.constant 16 : index
        %swap3A_264 = tpu.vector_load %arg13[%swap3A_262, %swap3A_263] {strides = array<i32>} : memref<2x80xi32, #tpu.memory_space<vmem>>, vector<16xi32>,
        tpu.vector_store %arg13[%swap3A_262, %swap3A_263], %get3A_260 {strides = array<i32>} : memref<2x80xi32, #tpu.memory_space<vmem>>, vector<16xi32>,
        %mul3A_265 = arith.constant 80 : i32
        %mul3A_266 = arith.muli %rem3A_135, %mul3A_265 : i32
        %add3A_267 = arith.constant 32 : i32
        %add3A_268 = arith.addi %mul3A_266, %add3A_267 : i32
        %get3A_269 = arith.index_cast %add3A_268 : i32 to index
        %get3A_270 = tpu.vector_load %arg10[%get3A_269] {strides = array<i32>} : memref<2000xi32, #tpu.memory_space<vmem>>, vector<16xi32>,
        %swap3A_271 = arith.constant 0 : i32
        %swap3A_272 = arith.index_cast %swap3A_271 : i32 to index
        %swap3A_273 = arith.constant 32 : index
        %swap3A_274 = tpu.vector_load %arg13[%swap3A_272, %swap3A_273] {strides = array<i32>} : memref<2x80xi32, #tpu.memory_space<vmem>>, vector<16xi32>,
        tpu.vector_store %arg13[%swap3A_272, %swap3A_273], %get3A_270 {strides = array<i32>} : memref<2x80xi32, #tpu.memory_space<vmem>>, vector<16xi32>,
        %mul3A_275 = arith.constant 80 : i32
        %mul3A_276 = arith.muli %rem3A_135, %mul3A_275 : i32
        %add3A_277 = arith.constant 48 : i32
        %add3A_278 = arith.addi %mul3A_276, %add3A_277 : i32
        %get3A_279 = arith.index_cast %add3A_278 : i32 to index
        %get3A_280 = tpu.vector_load %arg10[%get3A_279] {strides = array<i32>} : memref<2000xi32, #tpu.memory_space<vmem>>, vector<16xi32>,
        %swap3A_281 = arith.constant 0 : i32
        %swap3A_282 = arith.index_cast %swap3A_281 : i32 to index
        %swap3A_283 = arith.constant 48 : index
        %swap3A_284 = tpu.vector_load %arg13[%swap3A_282, %swap3A_283] {strides = array<i32>} : memref<2x80xi32, #tpu.memory_space<vmem>>, vector<16xi32>,
        tpu.vector_store %arg13[%swap3A_282, %swap3A_283], %get3A_280 {strides = array<i32>} : memref<2x80xi32, #tpu.memory_space<vmem>>, vector<16xi32>,
        %mul3A_285 = arith.constant 80 : i32
        %mul3A_286 = arith.muli %rem3A_135, %mul3A_285 : i32
        %add3A_287 = arith.constant 64 : i32
        %add3A_288 = arith.addi %mul3A_286, %add3A_287 : i32
        %get3A_289 = arith.index_cast %add3A_288 : i32 to index
        %get3A_290 = tpu.vector_load %arg10[%get3A_289] {strides = array<i32>} : memref<2000xi32, #tpu.memory_space<vmem>>, vector<16xi32>,
        %swap3A_291 = arith.constant 0 : i32
        %swap3A_292 = arith.index_cast %swap3A_291 : i32 to index
        %swap3A_293 = arith.constant 64 : index
        %swap3A_294 = tpu.vector_load %arg13[%swap3A_292, %swap3A_293] {strides = array<i32>} : memref<2x80xi32, #tpu.memory_space<vmem>>, vector<16xi32>,
        tpu.vector_store %arg13[%swap3A_292, %swap3A_293], %get3A_290 {strides = array<i32>} : memref<2x80xi32, #tpu.memory_space<vmem>>, vector<16xi32>,
        %dma_start3A_295 = arith.constant 0 : i32
        %dma_start3A_296 = arith.constant 0 : i32
        %dma_start3A_297 = tpu.memref_slice %arg13[%dma_start3A_295, %dma_start3A_296] : memref<2x80xi32, #tpu.memory_space<vmem>> -> memref<1x80xi32, #tpu.memory_space<vmem>>
        %dma_start3A_298 = tpu.memref_squeeze %dma_start3A_297 : memref<1x80xi32, #tpu.memory_space<vmem>> -> memref<80xi32, #tpu.memory_space<vmem>>
        %dma_start3A_299 = arith.constant 0 : i32
        %dma_start3A_300 = arith.constant 0 : i32
        %dma_start3A_301 = tpu.memref_slice %arg8[%dma_start3A_299, %dma_start3A_300] : memref<10000x128xf32, #tpu.memory_space<vmem_shared>> -> memref<10000x128xf32, #tpu.memory_space<vmem_shared>>
        tpu.enqueue_indirect_dma source(%arg17 : memref<80x128xf32, #tpu.memory_space<vmem>>) target(%dma_start3A_301 : memref<10000x128xf32, #tpu.memory_space<vmem_shared>>) offsets(%dma_start3A_298 : memref<80xi32, #tpu.memory_space<vmem>>) semaphore(%arg22 : memref<!tpu.dma_semaphore, #tpu.memory_space<semaphore_mem>>) {add = true}
        %eq3A_302 = arith.constant 24 : i32
        %eq3A_303 = arith.cmpi eq, %rem3A_135, %eq3A_302 : i32
        %add3A_304 = arith.constant 1 : i32
        %add3A_305 = arith.addi %div3A_133, %add3A_304 : i32
        %lt3A_306 = arith.constant 5 : i32
        %lt3A_307 = arith.cmpi slt, %add3A_305, %lt3A_306 : i32
        %and3A_308 = arith.andi %eq3A_303, %lt3A_307 : i1
        %convert_element_type3A_309 = arith.extui %and3A_308 : i1 to i32
        %cond3A_310 = arith.constant 0 : i32
        %cond3A_311 = arith.cmpi ne, %convert_element_type3A_309, %cond3A_310 : i32
        scf.if %cond3A_311 {
          %mul3A_312 = arith.constant 5 : i32
          %mul3A_313 = arith.muli %add3A, %mul3A_312 : i32
          %add3A_314 = arith.addi %mul3A_313, %div3A_133 : i32
          %add3A_315 = arith.constant 1 : i32
          %add3A_316 = arith.addi %add3A_314, %add3A_315 : i32
          %mul3A_317 = arith.constant 2000 : i32
          %mul3A_318 = arith.muli %add3A_316, %mul3A_317 : i32
          "tpu.region"() ({
            %run_scoped3A = tpu.sem_alloc : memref<!tpu.dma_semaphore, #tpu.memory_space<semaphore_mem>>
            %dma_start3A_319 = tpu.memref_slice %arg4[%mul3A_318] : memref<320000xi32, #tpu.memory_space<hbm>> -> memref<2000xi32, #tpu.memory_space<hbm>>
            %dma_start3A_320 = tpu.memref_slice %arg4[%mul3A_318] : memref<320000xi32, #tpu.memory_space<hbm>> -> memref<2000xi32, #tpu.memory_space<hbm>>
            tpu.enqueue_dma source(%dma_start3A_320 : memref<2000xi32, #tpu.memory_space<hbm>>) target(%arg10 : memref<2000xi32, #tpu.memory_space<vmem>>) target_semaphore(%run_scoped3A : memref<!tpu.dma_semaphore, #tpu.memory_space<semaphore_mem>>)
            %dma_wait3A_321 = tpu.memref_slice %arg4[%mul3A_318] : memref<320000xi32, #tpu.memory_space<hbm>> -> memref<2000xi32, #tpu.memory_space<hbm>>
            %dma_wait3A_322 = tpu.memref_slice %arg4[%mul3A_318] : memref<320000xi32, #tpu.memory_space<hbm>> -> memref<2000xi32, #tpu.memory_space<hbm>>
            tpu.wait_dma2 semaphore(%run_scoped3A : memref<!tpu.dma_semaphore, #tpu.memory_space<semaphore_mem>>) src(%dma_wait3A_322 : memref<2000xi32, #tpu.memory_space<hbm>>) dst(%arg10 : memref<2000xi32, #tpu.memory_space<vmem>>)
            tpu.yield
          }) : () -> ()
          "tpu.region"() ({
            %run_scoped3A = tpu.sem_alloc : memref<!tpu.dma_semaphore, #tpu.memory_space<semaphore_mem>>
            %dma_start3A_319 = tpu.memref_slice %arg5[%mul3A_318] : memref<320000xf32, #tpu.memory_space<hbm>> -> memref<2000xf32, #tpu.memory_space<hbm>>
            %dma_start3A_320 = tpu.memref_slice %arg5[%mul3A_318] : memref<320000xf32, #tpu.memory_space<hbm>> -> memref<2000xf32, #tpu.memory_space<hbm>>
            tpu.enqueue_dma source(%dma_start3A_320 : memref<2000xf32, #tpu.memory_space<hbm>>) target(%arg11 : memref<2000xf32, #tpu.memory_space<vmem>>) target_semaphore(%run_scoped3A : memref<!tpu.dma_semaphore, #tpu.memory_space<semaphore_mem>>)
            %dma_wait3A_321 = tpu.memref_slice %arg5[%mul3A_318] : memref<320000xf32, #tpu.memory_space<hbm>> -> memref<2000xf32, #tpu.memory_space<hbm>>
            %dma_wait3A_322 = tpu.memref_slice %arg5[%mul3A_318] : memref<320000xf32, #tpu.memory_space<hbm>> -> memref<2000xf32, #tpu.memory_space<hbm>>
            tpu.wait_dma2 semaphore(%run_scoped3A : memref<!tpu.dma_semaphore, #tpu.memory_space<semaphore_mem>>) src(%dma_wait3A_322 : memref<2000xf32, #tpu.memory_space<hbm>>) dst(%arg11 : memref<2000xf32, #tpu.memory_space<vmem>>)
            tpu.yield
          }) : () -> ()
        } else {
        }
      } else {
      }
      %eq3A_222 = arith.constant 2 : i32
      %eq3A_223 = arith.cmpi eq, %rem3A_132, %eq3A_222 : i32
      %rem3A_224 = arith.constant 2 : i32
      %rem3A_225 = arith.remsi %scan3A_130, %rem3A_224 : i32
      %eq3A_226 = arith.constant 1 : i32
      %eq3A_227 = arith.cmpi eq, %rem3A_225, %eq3A_226 : i32
      %and3A_228 = arith.andi %eq3A_223, %eq3A_227 : i1
      %convert_element_type3A_229 = arith.extui %and3A_228 : i1 to i32
      %cond3A_230 = arith.constant 0 : i32
      %cond3A_231 = arith.cmpi ne, %convert_element_type3A_229, %cond3A_230 : i32
      scf.if %cond3A_231 {
        %ge3A = arith.constant 2 : i32
        %ge3A_232 = arith.cmpi sge, %scan3A_130, %ge3A : i32
        %convert_element_type3A_233 = arith.extui %ge3A_232 : i1 to i32
        %cond3A_234 = arith.constant 0 : i32
        %cond3A_235 = arith.cmpi ne, %convert_element_type3A_233, %cond3A_234 : i32
        scf.if %cond3A_235 {
          %dma_wait3A_312 = arith.constant 0 : i32
          %dma_wait3A_313 = arith.constant 0 : i32
          %dma_wait3A_314 = tpu.memref_slice %arg13[%dma_wait3A_312, %dma_wait3A_313] : memref<2x80xi32, #tpu.memory_space<vmem>> -> memref<1x80xi32, #tpu.memory_space<vmem>>
          %dma_wait3A_315 = tpu.memref_squeeze %dma_wait3A_314 : memref<1x80xi32, #tpu.memory_space<vmem>> -> memref<80xi32, #tpu.memory_space<vmem>>
          %dma_wait3A_316 = arith.constant 0 : i32
          %dma_wait3A_317 = arith.constant 0 : i32
          %dma_wait3A_318 = tpu.memref_slice %arg8[%dma_wait3A_316, %dma_wait3A_317] : memref<10000x128xf32, #tpu.memory_space<vmem_shared>> -> memref<10000x128xf32, #tpu.memory_space<vmem_shared>>
          tpu.wait_indirect_dma semaphore(%arg23 : memref<!tpu.dma_semaphore, #tpu.memory_space<semaphore_mem>>) src(%arg18 : memref<80x128xf32, #tpu.memory_space<vmem>>) dst(%dma_wait3A_318 : memref<10000x128xf32, #tpu.memory_space<vmem_shared>>)
        } else {
        }
        %dma_wait3A_236 = arith.constant 0 : i32
        %dma_wait3A_237 = tpu.memref_slice %arg12[%dma_wait3A_236] : memref<240xi32, #tpu.memory_space<vmem>> -> memref<80xi32, #tpu.memory_space<vmem>>
        %dma_wait3A_238 = arith.constant 0 : i32
        %dma_wait3A_239 = arith.constant 0 : i32
        %dma_wait3A_240 = tpu.memref_slice %arg2[%dma_wait3A_238, %dma_wait3A_239] : memref<10000x64xi32, #tpu.memory_space<hbm>> -> memref<10000x64xi32, #tpu.memory_space<hbm>>
        tpu.wait_indirect_dma semaphore(%arg21 : memref<!tpu.dma_semaphore, #tpu.memory_space<semaphore_mem>>) src(%dma_wait3A_240 : memref<10000x64xi32, #tpu.memory_space<hbm>>) dst(%arg16 : memref<80x64xi32, #tpu.memory_space<vmem>>)
        %mul3A_241 = arith.constant 80 : i32
        %mul3A_242 = arith.muli %rem3A_135, %mul3A_241 : i32
        %parallel_loop3A = arith.constant 0 : i32
        %parallel_loop3A_243 = arith.constant 80 : i32
        %parallel_loop3A_244 = arith.constant 1 : i32
        scf.for %parallel_loop3A_312 = %parallel_loop3A to %parallel_loop3A_243 step %parallel_loop3A_244  : i32 {
          %parallel_loop3A_313 = arith.addi %mul3A_242, %parallel_loop3A_312 : i32
          %parallel_loop3A_314 = vector.broadcast %parallel_loop3A_313 : i32 to vector<16xi32>
          %parallel_loop3A_315 = tpu.vector_load_idx %arg11[%parallel_loop3A_314] : memref<2000xf32, #tpu.memory_space<vmem>>[vector<16xi32>], vector<16xf32>,
          %parallel_loop3A_316 = arith.index_cast %parallel_loop3A_312 : i32 to index
          %parallel_loop3A_317 = arith.constant 0 : index
          %parallel_loop3A_318 = tpu.vector_load %arg16[%parallel_loop3A_316, %parallel_loop3A_317] {strides = array<i32>} : memref<80x64xi32, #tpu.memory_space<vmem>>, vector<16xi32>,
          %parallel_loop3A_319 = vector.bitcast %parallel_loop3A_318 : vector<16xi32> to vector<32xbf16>
          %parallel_loop3A_320 = tpu.unpack_subelements %parallel_loop3A_319, 0 {pack_format = #tpu.pack_format<interleaved>} : vector<32xbf16> -> vector<16xf32>
          %parallel_loop3A_321 = tpu.unpack_subelements %parallel_loop3A_319, 1 {pack_format = #tpu.pack_format<interleaved>} : vector<32xbf16> -> vector<16xf32>
          %parallel_loop3A_322 = arith.mulf %parallel_loop3A_320, %parallel_loop3A_315 : vector<16xf32>
          %parallel_loop3A_323 = arith.index_cast %parallel_loop3A_312 : i32 to index
          %parallel_loop3A_324 = arith.constant 0 : index
          %parallel_loop3A_325 = tpu.vector_load %arg18[%parallel_loop3A_323, %parallel_loop3A_324] {strides = array<i32>} : memref<80x128xf32, #tpu.memory_space<vmem>>, vector<16xf32>,
          tpu.vector_store %arg18[%parallel_loop3A_323, %parallel_loop3A_324], %parallel_loop3A_322 {strides = array<i32>} : memref<80x128xf32, #tpu.memory_space<vmem>>, vector<16xf32>,
          %parallel_loop3A_326 = arith.mulf %parallel_loop3A_321, %parallel_loop3A_315 : vector<16xf32>
          %parallel_loop3A_327 = arith.index_cast %parallel_loop3A_312 : i32 to index
          %parallel_loop3A_328 = arith.constant 16 : index
          %parallel_loop3A_329 = tpu.vector_load %arg18[%parallel_loop3A_327, %parallel_loop3A_328] {strides = array<i32>} : memref<80x128xf32, #tpu.memory_space<vmem>>, vector<16xf32>,
          tpu.vector_store %arg18[%parallel_loop3A_327, %parallel_loop3A_328], %parallel_loop3A_326 {strides = array<i32>} : memref<80x128xf32, #tpu.memory_space<vmem>>, vector<16xf32>,
          %parallel_loop3A_330 = arith.index_cast %parallel_loop3A_312 : i32 to index
          %parallel_loop3A_331 = arith.constant 16 : index
          %parallel_loop3A_332 = tpu.vector_load %arg16[%parallel_loop3A_330, %parallel_loop3A_331] {strides = array<i32>} : memref<80x64xi32, #tpu.memory_space<vmem>>, vector<16xi32>,
          %parallel_loop3A_333 = vector.bitcast %parallel_loop3A_332 : vector<16xi32> to vector<32xbf16>
          %parallel_loop3A_334 = tpu.unpack_subelements %parallel_loop3A_333, 0 {pack_format = #tpu.pack_format<interleaved>} : vector<32xbf16> -> vector<16xf32>
          %parallel_loop3A_335 = tpu.unpack_subelements %parallel_loop3A_333, 1 {pack_format = #tpu.pack_format<interleaved>} : vector<32xbf16> -> vector<16xf32>
          %parallel_loop3A_336 = arith.mulf %parallel_loop3A_334, %parallel_loop3A_315 : vector<16xf32>
          %parallel_loop3A_337 = arith.index_cast %parallel_loop3A_312 : i32 to index
          %parallel_loop3A_338 = arith.constant 32 : index
          %parallel_loop3A_339 = tpu.vector_load %arg18[%parallel_loop3A_337, %parallel_loop3A_338] {strides = array<i32>} : memref<80x128xf32, #tpu.memory_space<vmem>>, vector<16xf32>,
          tpu.vector_store %arg18[%parallel_loop3A_337, %parallel_loop3A_338], %parallel_loop3A_336 {strides = array<i32>} : memref<80x128xf32, #tpu.memory_space<vmem>>, vector<16xf32>,
          %parallel_loop3A_340 = arith.mulf %parallel_loop3A_335, %parallel_loop3A_315 : vector<16xf32>
          %parallel_loop3A_341 = arith.index_cast %parallel_loop3A_312 : i32 to index
          %parallel_loop3A_342 = arith.constant 48 : index
          %parallel_loop3A_343 = tpu.vector_load %arg18[%parallel_loop3A_341, %parallel_loop3A_342] {strides = array<i32>} : memref<80x128xf32, #tpu.memory_space<vmem>>, vector<16xf32>,
          tpu.vector_store %arg18[%parallel_loop3A_341, %parallel_loop3A_342], %parallel_loop3A_340 {strides = array<i32>} : memref<80x128xf32, #tpu.memory_space<vmem>>, vector<16xf32>,
          %parallel_loop3A_344 = arith.index_cast %parallel_loop3A_312 : i32 to index
          %parallel_loop3A_345 = arith.constant 32 : index
          %parallel_loop3A_346 = tpu.vector_load %arg16[%parallel_loop3A_344, %parallel_loop3A_345] {strides = array<i32>} : memref<80x64xi32, #tpu.memory_space<vmem>>, vector<16xi32>,
          %parallel_loop3A_347 = vector.bitcast %parallel_loop3A_346 : vector<16xi32> to vector<32xbf16>
          %parallel_loop3A_348 = tpu.unpack_subelements %parallel_loop3A_347, 0 {pack_format = #tpu.pack_format<interleaved>} : vector<32xbf16> -> vector<16xf32>
          %parallel_loop3A_349 = tpu.unpack_subelements %parallel_loop3A_347, 1 {pack_format = #tpu.pack_format<interleaved>} : vector<32xbf16> -> vector<16xf32>
          %parallel_loop3A_350 = arith.mulf %parallel_loop3A_348, %parallel_loop3A_315 : vector<16xf32>
          %parallel_loop3A_351 = arith.index_cast %parallel_loop3A_312 : i32 to index
          %parallel_loop3A_352 = arith.constant 64 : index
          %parallel_loop3A_353 = tpu.vector_load %arg18[%parallel_loop3A_351, %parallel_loop3A_352] {strides = array<i32>} : memref<80x128xf32, #tpu.memory_space<vmem>>, vector<16xf32>,
          tpu.vector_store %arg18[%parallel_loop3A_351, %parallel_loop3A_352], %parallel_loop3A_350 {strides = array<i32>} : memref<80x128xf32, #tpu.memory_space<vmem>>, vector<16xf32>,
          %parallel_loop3A_354 = arith.mulf %parallel_loop3A_349, %parallel_loop3A_315 : vector<16xf32>
          %parallel_loop3A_355 = arith.index_cast %parallel_loop3A_312 : i32 to index
          %parallel_loop3A_356 = arith.constant 80 : index
          %parallel_loop3A_357 = tpu.vector_load %arg18[%parallel_loop3A_355, %parallel_loop3A_356] {strides = array<i32>} : memref<80x128xf32, #tpu.memory_space<vmem>>, vector<16xf32>,
          tpu.vector_store %arg18[%parallel_loop3A_355, %parallel_loop3A_356], %parallel_loop3A_354 {strides = array<i32>} : memref<80x128xf32, #tpu.memory_space<vmem>>, vector<16xf32>,
          %parallel_loop3A_358 = arith.index_cast %parallel_loop3A_312 : i32 to index
          %parallel_loop3A_359 = arith.constant 48 : index
          %parallel_loop3A_360 = tpu.vector_load %arg16[%parallel_loop3A_358, %parallel_loop3A_359] {strides = array<i32>} : memref<80x64xi32, #tpu.memory_space<vmem>>, vector<16xi32>,
          %parallel_loop3A_361 = vector.bitcast %parallel_loop3A_360 : vector<16xi32> to vector<32xbf16>
          %parallel_loop3A_362 = tpu.unpack_subelements %parallel_loop3A_361, 0 {pack_format = #tpu.pack_format<interleaved>} : vector<32xbf16> -> vector<16xf32>
          %parallel_loop3A_363 = tpu.unpack_subelements %parallel_loop3A_361, 1 {pack_format = #tpu.pack_format<interleaved>} : vector<32xbf16> -> vector<16xf32>
          %parallel_loop3A_364 = arith.mulf %parallel_loop3A_362, %parallel_loop3A_315 : vector<16xf32>
          %parallel_loop3A_365 = arith.index_cast %parallel_loop3A_312 : i32 to index
          %parallel_loop3A_366 = arith.constant 96 : index
          %parallel_loop3A_367 = tpu.vector_load %arg18[%parallel_loop3A_365, %parallel_loop3A_366] {strides = array<i32>} : memref<80x128xf32, #tpu.memory_space<vmem>>, vector<16xf32>,
          tpu.vector_store %arg18[%parallel_loop3A_365, %parallel_loop3A_366], %parallel_loop3A_364 {strides = array<i32>} : memref<80x128xf32, #tpu.memory_space<vmem>>, vector<16xf32>,
          %parallel_loop3A_368 = arith.mulf %parallel_loop3A_363, %parallel_loop3A_315 : vector<16xf32>
          %parallel_loop3A_369 = arith.index_cast %parallel_loop3A_312 : i32 to index
          %parallel_loop3A_370 = arith.constant 112 : index
          %parallel_loop3A_371 = tpu.vector_load %arg18[%parallel_loop3A_369, %parallel_loop3A_370] {strides = array<i32>} : memref<80x128xf32, #tpu.memory_space<vmem>>, vector<16xf32>,
          tpu.vector_store %arg18[%parallel_loop3A_369, %parallel_loop3A_370], %parallel_loop3A_368 {strides = array<i32>} : memref<80x128xf32, #tpu.memory_space<vmem>>, vector<16xf32>,
        } {sc.loop_unroll_factor = 2 : i64, sc.parallel_access}
        %mul3A_245 = arith.constant 80 : i32
        %mul3A_246 = arith.muli %rem3A_135, %mul3A_245 : i32
        %add3A_247 = arith.constant 0 : i32
        %add3A_248 = arith.addi %mul3A_246, %add3A_247 : i32
        %get3A_249 = arith.index_cast %add3A_248 : i32 to index
        %get3A_250 = tpu.vector_load %arg10[%get3A_249] {strides = array<i32>} : memref<2000xi32, #tpu.memory_space<vmem>>, vector<16xi32>,
        %swap3A_251 = arith.constant 1 : i32
        %swap3A_252 = arith.index_cast %swap3A_251 : i32 to index
        %swap3A_253 = arith.constant 0 : index
        %swap3A_254 = tpu.vector_load %arg13[%swap3A_252, %swap3A_253] {strides = array<i32>} : memref<2x80xi32, #tpu.memory_space<vmem>>, vector<16xi32>,
        tpu.vector_store %arg13[%swap3A_252, %swap3A_253], %get3A_250 {strides = array<i32>} : memref<2x80xi32, #tpu.memory_space<vmem>>, vector<16xi32>,
        %mul3A_255 = arith.constant 80 : i32
        %mul3A_256 = arith.muli %rem3A_135, %mul3A_255 : i32
        %add3A_257 = arith.constant 16 : i32
        %add3A_258 = arith.addi %mul3A_256, %add3A_257 : i32
        %get3A_259 = arith.index_cast %add3A_258 : i32 to index
        %get3A_260 = tpu.vector_load %arg10[%get3A_259] {strides = array<i32>} : memref<2000xi32, #tpu.memory_space<vmem>>, vector<16xi32>,
        %swap3A_261 = arith.constant 1 : i32
        %swap3A_262 = arith.index_cast %swap3A_261 : i32 to index
        %swap3A_263 = arith.constant 16 : index
        %swap3A_264 = tpu.vector_load %arg13[%swap3A_262, %swap3A_263] {strides = array<i32>} : memref<2x80xi32, #tpu.memory_space<vmem>>, vector<16xi32>,
        tpu.vector_store %arg13[%swap3A_262, %swap3A_263], %get3A_260 {strides = array<i32>} : memref<2x80xi32, #tpu.memory_space<vmem>>, vector<16xi32>,
        %mul3A_265 = arith.constant 80 : i32
        %mul3A_266 = arith.muli %rem3A_135, %mul3A_265 : i32
        %add3A_267 = arith.constant 32 : i32
        %add3A_268 = arith.addi %mul3A_266, %add3A_267 : i32
        %get3A_269 = arith.index_cast %add3A_268 : i32 to index
        %get3A_270 = tpu.vector_load %arg10[%get3A_269] {strides = array<i32>} : memref<2000xi32, #tpu.memory_space<vmem>>, vector<16xi32>,
        %swap3A_271 = arith.constant 1 : i32
        %swap3A_272 = arith.index_cast %swap3A_271 : i32 to index
        %swap3A_273 = arith.constant 32 : index
        %swap3A_274 = tpu.vector_load %arg13[%swap3A_272, %swap3A_273] {strides = array<i32>} : memref<2x80xi32, #tpu.memory_space<vmem>>, vector<16xi32>,
        tpu.vector_store %arg13[%swap3A_272, %swap3A_273], %get3A_270 {strides = array<i32>} : memref<2x80xi32, #tpu.memory_space<vmem>>, vector<16xi32>,
        %mul3A_275 = arith.constant 80 : i32
        %mul3A_276 = arith.muli %rem3A_135, %mul3A_275 : i32
        %add3A_277 = arith.constant 48 : i32
        %add3A_278 = arith.addi %mul3A_276, %add3A_277 : i32
        %get3A_279 = arith.index_cast %add3A_278 : i32 to index
        %get3A_280 = tpu.vector_load %arg10[%get3A_279] {strides = array<i32>} : memref<2000xi32, #tpu.memory_space<vmem>>, vector<16xi32>,
        %swap3A_281 = arith.constant 1 : i32
        %swap3A_282 = arith.index_cast %swap3A_281 : i32 to index
        %swap3A_283 = arith.constant 48 : index
        %swap3A_284 = tpu.vector_load %arg13[%swap3A_282, %swap3A_283] {strides = array<i32>} : memref<2x80xi32, #tpu.memory_space<vmem>>, vector<16xi32>,
        tpu.vector_store %arg13[%swap3A_282, %swap3A_283], %get3A_280 {strides = array<i32>} : memref<2x80xi32, #tpu.memory_space<vmem>>, vector<16xi32>,
        %mul3A_285 = arith.constant 80 : i32
        %mul3A_286 = arith.muli %rem3A_135, %mul3A_285 : i32
        %add3A_287 = arith.constant 64 : i32
        %add3A_288 = arith.addi %mul3A_286, %add3A_287 : i32
        %get3A_289 = arith.index_cast %add3A_288 : i32 to index
        %get3A_290 = tpu.vector_load %arg10[%get3A_289] {strides = array<i32>} : memref<2000xi32, #tpu.memory_space<vmem>>, vector<16xi32>,
        %swap3A_291 = arith.constant 1 : i32
        %swap3A_292 = arith.index_cast %swap3A_291 : i32 to index
        %swap3A_293 = arith.constant 64 : index
        %swap3A_294 = tpu.vector_load %arg13[%swap3A_292, %swap3A_293] {strides = array<i32>} : memref<2x80xi32, #tpu.memory_space<vmem>>, vector<16xi32>,
        tpu.vector_store %arg13[%swap3A_292, %swap3A_293], %get3A_290 {strides = array<i32>} : memref<2x80xi32, #tpu.memory_space<vmem>>, vector<16xi32>,
        %dma_start3A_295 = arith.constant 1 : i32
        %dma_start3A_296 = arith.constant 0 : i32
        %dma_start3A_297 = tpu.memref_slice %arg13[%dma_start3A_295, %dma_start3A_296] : memref<2x80xi32, #tpu.memory_space<vmem>> -> memref<1x80xi32, #tpu.memory_space<vmem>>
        %dma_start3A_298 = tpu.memref_squeeze %dma_start3A_297 : memref<1x80xi32, #tpu.memory_space<vmem>> -> memref<80xi32, #tpu.memory_space<vmem>>
        %dma_start3A_299 = arith.constant 0 : i32
        %dma_start3A_300 = arith.constant 0 : i32
        %dma_start3A_301 = tpu.memref_slice %arg8[%dma_start3A_299, %dma_start3A_300] : memref<10000x128xf32, #tpu.memory_space<vmem_shared>> -> memref<10000x128xf32, #tpu.memory_space<vmem_shared>>
        tpu.enqueue_indirect_dma source(%arg18 : memref<80x128xf32, #tpu.memory_space<vmem>>) target(%dma_start3A_301 : memref<10000x128xf32, #tpu.memory_space<vmem_shared>>) offsets(%dma_start3A_298 : memref<80xi32, #tpu.memory_space<vmem>>) semaphore(%arg23 : memref<!tpu.dma_semaphore, #tpu.memory_space<semaphore_mem>>) {add = true}
        %eq3A_302 = arith.constant 24 : i32
        %eq3A_303 = arith.cmpi eq, %rem3A_135, %eq3A_302 : i32
        %add3A_304 = arith.constant 1 : i32
        %add3A_305 = arith.addi %div3A_133, %add3A_304 : i32
        %lt3A_306 = arith.constant 5 : i32
        %lt3A_307 = arith.cmpi slt, %add3A_305, %lt3A_306 : i32
        %and3A_308 = arith.andi %eq3A_303, %lt3A_307 : i1
        %convert_element_type3A_309 = arith.extui %and3A_308 : i1 to i32
        %cond3A_310 = arith.constant 0 : i32
        %cond3A_311 = arith.cmpi ne, %convert_element_type3A_309, %cond3A_310 : i32
        scf.if %cond3A_311 {
          %mul3A_312 = arith.constant 5 : i32
          %mul3A_313 = arith.muli %add3A, %mul3A_312 : i32
          %add3A_314 = arith.addi %mul3A_313, %div3A_133 : i32
          %add3A_315 = arith.constant 1 : i32
          %add3A_316 = arith.addi %add3A_314, %add3A_315 : i32
          %mul3A_317 = arith.constant 2000 : i32
          %mul3A_318 = arith.muli %add3A_316, %mul3A_317 : i32
          "tpu.region"() ({
            %run_scoped3A = tpu.sem_alloc : memref<!tpu.dma_semaphore, #tpu.memory_space<semaphore_mem>>
            %dma_start3A_319 = tpu.memref_slice %arg4[%mul3A_318] : memref<320000xi32, #tpu.memory_space<hbm>> -> memref<2000xi32, #tpu.memory_space<hbm>>
            %dma_start3A_320 = tpu.memref_slice %arg4[%mul3A_318] : memref<320000xi32, #tpu.memory_space<hbm>> -> memref<2000xi32, #tpu.memory_space<hbm>>
            tpu.enqueue_dma source(%dma_start3A_320 : memref<2000xi32, #tpu.memory_space<hbm>>) target(%arg10 : memref<2000xi32, #tpu.memory_space<vmem>>) target_semaphore(%run_scoped3A : memref<!tpu.dma_semaphore, #tpu.memory_space<semaphore_mem>>)
            %dma_wait3A_321 = tpu.memref_slice %arg4[%mul3A_318] : memref<320000xi32, #tpu.memory_space<hbm>> -> memref<2000xi32, #tpu.memory_space<hbm>>
            %dma_wait3A_322 = tpu.memref_slice %arg4[%mul3A_318] : memref<320000xi32, #tpu.memory_space<hbm>> -> memref<2000xi32, #tpu.memory_space<hbm>>
            tpu.wait_dma2 semaphore(%run_scoped3A : memref<!tpu.dma_semaphore, #tpu.memory_space<semaphore_mem>>) src(%dma_wait3A_322 : memref<2000xi32, #tpu.memory_space<hbm>>) dst(%arg10 : memref<2000xi32, #tpu.memory_space<vmem>>)
            tpu.yield
          }) : () -> ()
          "tpu.region"() ({
            %run_scoped3A = tpu.sem_alloc : memref<!tpu.dma_semaphore, #tpu.memory_space<semaphore_mem>>
            %dma_start3A_319 = tpu.memref_slice %arg5[%mul3A_318] : memref<320000xf32, #tpu.memory_space<hbm>> -> memref<2000xf32, #tpu.memory_space<hbm>>
            %dma_start3A_320 = tpu.memref_slice %arg5[%mul3A_318] : memref<320000xf32, #tpu.memory_space<hbm>> -> memref<2000xf32, #tpu.memory_space<hbm>>
            tpu.enqueue_dma source(%dma_start3A_320 : memref<2000xf32, #tpu.memory_space<hbm>>) target(%arg11 : memref<2000xf32, #tpu.memory_space<vmem>>) target_semaphore(%run_scoped3A : memref<!tpu.dma_semaphore, #tpu.memory_space<semaphore_mem>>)
            %dma_wait3A_321 = tpu.memref_slice %arg5[%mul3A_318] : memref<320000xf32, #tpu.memory_space<hbm>> -> memref<2000xf32, #tpu.memory_space<hbm>>
            %dma_wait3A_322 = tpu.memref_slice %arg5[%mul3A_318] : memref<320000xf32, #tpu.memory_space<hbm>> -> memref<2000xf32, #tpu.memory_space<hbm>>
            tpu.wait_dma2 semaphore(%run_scoped3A : memref<!tpu.dma_semaphore, #tpu.memory_space<semaphore_mem>>) src(%dma_wait3A_322 : memref<2000xf32, #tpu.memory_space<hbm>>) dst(%arg11 : memref<2000xf32, #tpu.memory_space<vmem>>)
            tpu.yield
          }) : () -> ()
        } else {
        }
      } else {
      }
    }
    %scan3A_110 = arith.constant 125 : i32
    %dma_wait3A = arith.constant 0 : i32
    %dma_wait3A_111 = arith.constant 0 : i32
    %dma_wait3A_112 = tpu.memref_slice %arg13[%dma_wait3A, %dma_wait3A_111] : memref<2x80xi32, #tpu.memory_space<vmem>> -> memref<1x80xi32, #tpu.memory_space<vmem>>
    %dma_wait3A_113 = tpu.memref_squeeze %dma_wait3A_112 : memref<1x80xi32, #tpu.memory_space<vmem>> -> memref<80xi32, #tpu.memory_space<vmem>>
    %dma_wait3A_114 = arith.constant 0 : i32
    %dma_wait3A_115 = arith.constant 0 : i32
    %dma_wait3A_116 = tpu.memref_slice %arg8[%dma_wait3A_114, %dma_wait3A_115] : memref<10000x128xf32, #tpu.memory_space<vmem_shared>> -> memref<10000x128xf32, #tpu.memory_space<vmem_shared>>
    tpu.wait_indirect_dma semaphore(%arg23 : memref<!tpu.dma_semaphore, #tpu.memory_space<semaphore_mem>>) src(%arg18 : memref<80x128xf32, #tpu.memory_space<vmem>>) dst(%dma_wait3A_116 : memref<10000x128xf32, #tpu.memory_space<vmem_shared>>)
    %dma_wait3A_117 = arith.constant 0 : i32
    %dma_wait3A_118 = arith.constant 0 : i32
    %dma_wait3A_119 = tpu.memref_slice %arg13[%dma_wait3A_117, %dma_wait3A_118] : memref<2x80xi32, #tpu.memory_space<vmem>> -> memref<1x80xi32, #tpu.memory_space<vmem>>
    %dma_wait3A_120 = tpu.memref_squeeze %dma_wait3A_119 : memref<1x80xi32, #tpu.memory_space<vmem>> -> memref<80xi32, #tpu.memory_space<vmem>>
    %dma_wait3A_121 = arith.constant 0 : i32
    %dma_wait3A_122 = arith.constant 0 : i32
    %dma_wait3A_123 = tpu.memref_slice %arg8[%dma_wait3A_121, %dma_wait3A_122] : memref<10000x128xf32, #tpu.memory_space<vmem_shared>> -> memref<10000x128xf32, #tpu.memory_space<vmem_shared>>
    tpu.wait_indirect_dma semaphore(%arg22 : memref<!tpu.dma_semaphore, #tpu.memory_space<semaphore_mem>>) src(%arg17 : memref<80x128xf32, #tpu.memory_space<vmem>>) dst(%dma_wait3A_123 : memref<10000x128xf32, #tpu.memory_space<vmem_shared>>)
    %barrier3A_124 = arith.constant 0 : index
    tpu.barrier barrier_id(%barrier3A_124)
    %lt3A_125 = arith.constant 10 : i32
    %lt3A_126 = arith.cmpi slt, %arg1, %lt3A_125 : i32
    %convert_element_type3A_127 = arith.extui %lt3A_126 : i1 to i32
    %cond3A_128 = arith.constant 0 : i32
    %cond3A_129 = arith.cmpi ne, %convert_element_type3A_127, %cond3A_128 : i32
    scf.if %cond3A_129 {
      %mul3A_130 = arith.constant 1000 : i32
      %mul3A_131 = arith.muli %arg1, %mul3A_130 : i32
      "tpu.region"() ({
        %run_scoped3A = tpu.sem_alloc : memref<!tpu.dma_semaphore, #tpu.memory_space<semaphore_mem>>
        %dma_start3A_132 = arith.constant 0 : i32
        %dma_start3A_133 = tpu.memref_slice %arg7[%arg0, %mul3A_131, %dma_start3A_132] : memref<2x10000x128xf32, #tpu.memory_space<hbm>> -> memref<1x1000x128xf32, #tpu.memory_space<hbm>>
        %dma_start3A_134 = tpu.memref_squeeze %dma_start3A_133 : memref<1x1000x128xf32, #tpu.memory_space<hbm>> -> memref<1000x128xf32, #tpu.memory_space<hbm>>
        %dma_start3A_135 = arith.constant 0 : i32
        %dma_start3A_136 = tpu.memref_slice %arg8[%mul3A_131, %dma_start3A_135] : memref<10000x128xf32, #tpu.memory_space<vmem_shared>> -> memref<1000x128xf32, #tpu.memory_space<vmem_shared>>
        tpu.enqueue_dma source(%dma_start3A_136 : memref<1000x128xf32, #tpu.memory_space<vmem_shared>>) target(%dma_start3A_134 : memref<1000x128xf32, #tpu.memory_space<hbm>>) target_semaphore(%run_scoped3A : memref<!tpu.dma_semaphore, #tpu.memory_space<semaphore_mem>>)
        %dma_wait3A_137 = arith.constant 0 : i32
        %dma_wait3A_138 = tpu.memref_slice %arg7[%arg0, %mul3A_131, %dma_wait3A_137] : memref<2x10000x128xf32, #tpu.memory_space<hbm>> -> memref<1x1000x128xf32, #tpu.memory_space<hbm>>
        %dma_wait3A_139 = tpu.memref_squeeze %dma_wait3A_138 : memref<1x1000x128xf32, #tpu.memory_space<hbm>> -> memref<1000x128xf32, #tpu.memory_space<hbm>>
        %dma_wait3A_140 = arith.constant 0 : i32
        %dma_wait3A_141 = tpu.memref_slice %arg8[%mul3A_131, %dma_wait3A_140] : memref<10000x128xf32, #tpu.memory_space<vmem_shared>> -> memref<1000x128xf32, #tpu.memory_space<vmem_shared>>
        tpu.wait_dma2 semaphore(%run_scoped3A : memref<!tpu.dma_semaphore, #tpu.memory_space<semaphore_mem>>) src(%dma_wait3A_141 : memref<1000x128xf32, #tpu.memory_space<vmem_shared>>) dst(%dma_wait3A_139 : memref<1000x128xf32, #tpu.memory_space<hbm>>)
        tpu.yield
      }) : () -> ()
    } else {
    }
    return
  }
}

module attributes {stable_mosaic.version = 14 : i64} {
  func.func @tc_prep_matmul(%arg0: i32, %arg1: memref<2000x128xf32, #tpu.memory_space<vmem>>, %arg2: memref<128x128xf32, #tpu.memory_space<vmem>>, %arg3: memref<128x128xf32, #tpu.memory_space<vmem>>, %arg4: memref<1x32x2000xf32, #tpu.memory_space<vmem>>, %arg5: memref<2000x128xf32, #tpu.memory_space<vmem>>, %arg6: memref<2000x128xbf16, #tpu.memory_space<vmem>>) attributes {dimension_semantics = [#tpu.dimension_semantics<arbitrary>], iteration_bounds = array<i64: 5>, scalar_prefetch = 0 : i64, scratch_operands = 0 : i64, tpu.core_type = #tpu.core_type<tc>, window_params = [{transform_indices = @transform_0, window_bounds = array<i64: 2000, 128>}, {pipeline_mode = #tpu.pipeline_mode<synchronous>, transform_indices = @transform_1, window_bounds = array<i64: 128, 128>}, {pipeline_mode = #tpu.pipeline_mode<synchronous>, transform_indices = @transform_2, window_bounds = array<i64: 128, 128>}, {transform_indices = @transform_3, window_bounds = array<i64: 1, 32, 2000>}, {transform_indices = @transform_4, window_bounds = array<i64: 2000, 128>}, {transform_indices = @transform_5, window_bounds = array<i64: 2000, 128>}]} {
    %get3A = arith.constant 0 : index
    %get3A_0 = arith.constant 0 : index
    %get3A_1 = arith.constant 0 : index
    %get3A_2 = vector.load %arg4[%get3A, %get3A_0, %get3A_1] : memref<1x32x2000xf32, #tpu.memory_space<vmem>>, vector<1x32x2000xf32>
    %get3A_3 = vector.shape_cast %get3A_2 : vector<1x32x2000xf32> to vector<32x2000xf32>
    %reduce_sum3A = arith.constant dense<0.000000e+00> : vector<2000xf32>
    %reduce_sum3A_4 = vector.multi_reduction <add>, %get3A_3, %reduce_sum3A [0] : vector<32x2000xf32> to vector<2000xf32>
    %add3A = arith.constant 1.000000e+00 : f32
    %add3A_5 = vector.broadcast %add3A : f32 to vector<2000xf32>
    %add3A_6 = arith.addf %reduce_sum3A_4, %add3A_5 : vector<2000xf32>
    %rsqrt3A = math.rsqrt %add3A_6 : vector<2000xf32>
    %get3A_7 = arith.constant 0 : index
    %get3A_8 = arith.constant 0 : index
    %get3A_9 = vector.load %arg1[%get3A_7, %get3A_8] : memref<2000x128xf32, #tpu.memory_space<vmem>>, vector<2000x128xf32>
    %get3A_10 = arith.constant 0 : index
    %get3A_11 = arith.constant 0 : index
    %get3A_12 = vector.load %arg2[%get3A_10, %get3A_11] : memref<128x128xf32, #tpu.memory_space<vmem>>, vector<128x128xf32>
    %dot_general3A = arith.constant dense<0.000000e+00> : vector<2000x128xf32>
    %dot_general3A_13 = tpu.matmul %get3A_9, %get3A_12, %dot_general3A {dimension_numbers = #tpu.dot_dimension_numbers<[1], [0], [0], [1], [0, 0, 1, 1], [], []>, transpose_lhs_hint = false} : vector<2000x128xf32>, vector<128x128xf32>, vector<2000x128xf32> -> vector<2000x128xf32>
    %broadcast_in_dim3A = vector.shape_cast %rsqrt3A : vector<2000xf32> to vector<2000x1xf32>
    %mul3A = vector.broadcast %broadcast_in_dim3A : vector<2000x1xf32> to vector<2000x128xf32>
    %mul3A_14 = arith.mulf %dot_general3A_13, %mul3A : vector<2000x128xf32>
    %swap3A = arith.constant 0 : index
    %swap3A_15 = arith.constant 0 : index
    %swap3A_16 = vector.load %arg5[%swap3A, %swap3A_15] : memref<2000x128xf32, #tpu.memory_space<vmem>>, vector<2000x128xf32>
    tpu.vector_store %arg5[%swap3A, %swap3A_15], %mul3A_14 {strides = array<i32>} : memref<2000x128xf32, #tpu.memory_space<vmem>>, vector<2000x128xf32>,
    %get3A_17 = arith.constant 0 : index
    %get3A_18 = arith.constant 0 : index
    %get3A_19 = vector.load %arg1[%get3A_17, %get3A_18] : memref<2000x128xf32, #tpu.memory_space<vmem>>, vector<2000x128xf32>
    %get3A_20 = arith.constant 0 : index
    %get3A_21 = arith.constant 0 : index
    %get3A_22 = vector.load %arg3[%get3A_20, %get3A_21] : memref<128x128xf32, #tpu.memory_space<vmem>>, vector<128x128xf32>
    %dot_general3A_23 = arith.constant dense<0.000000e+00> : vector<2000x128xf32>
    %dot_general3A_24 = tpu.matmul %get3A_19, %get3A_22, %dot_general3A_23 {dimension_numbers = #tpu.dot_dimension_numbers<[1], [0], [0], [1], [0, 0, 1, 1], [], []>, transpose_lhs_hint = false} : vector<2000x128xf32>, vector<128x128xf32>, vector<2000x128xf32> -> vector<2000x128xf32>
    %broadcast_in_dim3A_25 = vector.shape_cast %rsqrt3A : vector<2000xf32> to vector<2000x1xf32>
    %mul3A_26 = vector.broadcast %broadcast_in_dim3A_25 : vector<2000x1xf32> to vector<2000x128xf32>
    %mul3A_27 = arith.mulf %dot_general3A_24, %mul3A_26 : vector<2000x128xf32>
    %convert_element_type3A = arith.truncf %mul3A_27 : vector<2000x128xf32> to vector<2000x128xbf16>
    %swap3A_28 = arith.constant 0 : index
    %swap3A_29 = arith.constant 0 : index
    %swap3A_30 = vector.load %arg6[%swap3A_28, %swap3A_29] : memref<2000x128xbf16, #tpu.memory_space<vmem>>, vector<2000x128xbf16>
    tpu.vector_store %arg6[%swap3A_28, %swap3A_29], %convert_element_type3A {strides = array<i32>} : memref<2000x128xbf16, #tpu.memory_space<vmem>>, vector<2000x128xbf16>,
    return
  }
  func.func @transform_0(%arg0: i32) -> (i32, i32) {
    %c0_i32 = arith.constant 0 : i32
    %c0_i32_0 = arith.constant 0 : i32
    return %arg0, %c0_i32 : i32, i32
  }
  func.func @transform_1(%arg0: i32) -> (i32, i32) {
    %c0_i32 = arith.constant 0 : i32
    %c0_i32_0 = arith.constant 0 : i32
    %c0_i32_1 = arith.constant 0 : i32
    return %c0_i32, %c0_i32_0 : i32, i32
  }
  func.func @transform_2(%arg0: i32) -> (i32, i32) {
    %c0_i32 = arith.constant 0 : i32
    %c0_i32_0 = arith.constant 0 : i32
    %c0_i32_1 = arith.constant 0 : i32
    return %c0_i32, %c0_i32_0 : i32, i32
  }
  func.func @transform_3(%arg0: i32) -> (i32, i32, i32) {
    %c0_i32 = arith.constant 0 : i32
    %c0_i32_0 = arith.constant 0 : i32
    %c0_i32_1 = arith.constant 0 : i32
    return %arg0, %c0_i32, %c0_i32_0 : i32, i32, i32
  }
  func.func @transform_4(%arg0: i32) -> (i32, i32) {
    %c0_i32 = arith.constant 0 : i32
    %c0_i32_0 = arith.constant 0 : i32
    return %arg0, %c0_i32 : i32, i32
  }
  func.func @transform_5(%arg0: i32) -> (i32, i32) {
    %c0_i32 = arith.constant 0 : i32
    %c0_i32_0 = arith.constant 0 : i32
    return %arg0, %c0_i32 : i32, i32
  }
}

module attributes {stable_mosaic.version = 14 : i64} {
  func.func @tc_finalize(%arg0: i32, %arg1: memref<2x2000x128xf32, #tpu.memory_space<vmem>>, %arg2: memref<2000x128xf32, #tpu.memory_space<vmem>>, %arg3: memref<1x32x2000xf32, #tpu.memory_space<vmem>>, %arg4: memref<1x128xf32, #tpu.memory_space<vmem>>, %arg5: memref<2000x128xf32, #tpu.memory_space<vmem>>, %arg6: memref<2000x128xf32, #tpu.memory_space<vmem>>) attributes {dimension_semantics = [#tpu.dimension_semantics<arbitrary>], iteration_bounds = array<i64: 5>, scalar_prefetch = 0 : i64, scratch_operands = 0 : i64, tpu.core_type = #tpu.core_type<tc>, window_params = [{transform_indices = @transform_0, window_bounds = array<i64: 2, 2000, 128>}, {transform_indices = @transform_1, window_bounds = array<i64: 2000, 128>}, {transform_indices = @transform_2, window_bounds = array<i64: 1, 32, 2000>}, {pipeline_mode = #tpu.pipeline_mode<synchronous>, transform_indices = @transform_3, window_bounds = array<i64: 1, 128>}, {transform_indices = @transform_4, window_bounds = array<i64: 2000, 128>}, {transform_indices = @transform_5, window_bounds = array<i64: 2000, 128>}]} {
    %get3A = arith.constant 0 : index
    %get3A_0 = arith.constant 0 : index
    %get3A_1 = arith.constant 0 : index
    %get3A_2 = vector.load %arg3[%get3A, %get3A_0, %get3A_1] : memref<1x32x2000xf32, #tpu.memory_space<vmem>>, vector<1x32x2000xf32>
    %get3A_3 = vector.shape_cast %get3A_2 : vector<1x32x2000xf32> to vector<32x2000xf32>
    %reduce_sum3A = arith.constant dense<0.000000e+00> : vector<2000xf32>
    %reduce_sum3A_4 = vector.multi_reduction <add>, %get3A_3, %reduce_sum3A [0] : vector<32x2000xf32> to vector<2000xf32>
    %add3A = arith.constant 1.000000e+00 : f32
    %add3A_5 = vector.broadcast %add3A : f32 to vector<2000xf32>
    %add3A_6 = arith.addf %reduce_sum3A_4, %add3A_5 : vector<2000xf32>
    %rsqrt3A = math.rsqrt %add3A_6 : vector<2000xf32>
    %get3A_7 = arith.constant 0 : index
    %get3A_8 = arith.constant 0 : index
    %get3A_9 = arith.constant 0 : index
    %get3A_10 = vector.load %arg1[%get3A_7, %get3A_8, %get3A_9] : memref<2x2000x128xf32, #tpu.memory_space<vmem>>, vector<1x2000x128xf32>
    %get3A_11 = vector.shape_cast %get3A_10 : vector<1x2000x128xf32> to vector<2000x128xf32>
    %get3A_12 = arith.constant 1 : index
    %get3A_13 = arith.constant 0 : index
    %get3A_14 = arith.constant 0 : index
    %get3A_15 = vector.load %arg1[%get3A_12, %get3A_13, %get3A_14] : memref<2x2000x128xf32, #tpu.memory_space<vmem>>, vector<1x2000x128xf32>
    %get3A_16 = vector.shape_cast %get3A_15 : vector<1x2000x128xf32> to vector<2000x128xf32>
    %add3A_17 = arith.addf %get3A_11, %get3A_16 : vector<2000x128xf32>
    %get3A_18 = arith.constant 0 : index
    %get3A_19 = arith.constant 0 : index
    %get3A_20 = vector.load %arg2[%get3A_18, %get3A_19] : memref<2000x128xf32, #tpu.memory_space<vmem>>, vector<2000x128xf32>
    %add3A_21 = arith.addf %add3A_17, %get3A_20 : vector<2000x128xf32>
    %broadcast_in_dim3A = vector.shape_cast %rsqrt3A : vector<2000xf32> to vector<2000x1xf32>
    %mul3A = vector.broadcast %broadcast_in_dim3A : vector<2000x1xf32> to vector<2000x128xf32>
    %mul3A_22 = arith.mulf %add3A_21, %mul3A : vector<2000x128xf32>
    %get3A_23 = arith.constant 0 : index
    %get3A_24 = arith.constant 0 : index
    %get3A_25 = vector.load %arg4[%get3A_23, %get3A_24] : memref<1x128xf32, #tpu.memory_space<vmem>>, vector<1x128xf32>
    %add3A_26 = vector.broadcast %get3A_25 : vector<1x128xf32> to vector<2000x128xf32>
    %add3A_27 = arith.addf %mul3A_22, %add3A_26 : vector<2000x128xf32>
    %swap3A = arith.constant 0 : index
    %swap3A_28 = arith.constant 0 : index
    %swap3A_29 = vector.load %arg5[%swap3A, %swap3A_28] : memref<2000x128xf32, #tpu.memory_space<vmem>>, vector<2000x128xf32>
    tpu.vector_store %arg5[%swap3A, %swap3A_28], %add3A_27 {strides = array<i32>} : memref<2000x128xf32, #tpu.memory_space<vmem>>, vector<2000x128xf32>,
    %max3A = arith.constant 0.000000e+00 : f32
    %max3A_30 = vector.broadcast %max3A : f32 to vector<2000x128xf32>
    %max3A_31 = arith.maximumf %add3A_27, %max3A_30 : vector<2000x128xf32>
    %swap3A_32 = arith.constant 0 : index
    %swap3A_33 = arith.constant 0 : index
    %swap3A_34 = vector.load %arg6[%swap3A_32, %swap3A_33] : memref<2000x128xf32, #tpu.memory_space<vmem>>, vector<2000x128xf32>
    tpu.vector_store %arg6[%swap3A_32, %swap3A_33], %max3A_31 {strides = array<i32>} : memref<2000x128xf32, #tpu.memory_space<vmem>>, vector<2000x128xf32>,
    return
  }
  func.func @transform_0(%arg0: i32) -> (i32, i32, i32) {
    %c0_i32 = arith.constant 0 : i32
    %c0_i32_0 = arith.constant 0 : i32
    %c0_i32_1 = arith.constant 0 : i32
    return %c0_i32, %arg0, %c0_i32_0 : i32, i32, i32
  }
  func.func @transform_1(%arg0: i32) -> (i32, i32) {
    %c0_i32 = arith.constant 0 : i32
    %c0_i32_0 = arith.constant 0 : i32
    return %arg0, %c0_i32 : i32, i32
  }
  func.func @transform_2(%arg0: i32) -> (i32, i32, i32) {
    %c0_i32 = arith.constant 0 : i32
    %c0_i32_0 = arith.constant 0 : i32
    %c0_i32_1 = arith.constant 0 : i32
    return %arg0, %c0_i32, %c0_i32_0 : i32, i32, i32
  }
  func.func @transform_3(%arg0: i32) -> (i32, i32) {
    %c0_i32 = arith.constant 0 : i32
    %c0_i32_0 = arith.constant 0 : i32
    %c0_i32_1 = arith.constant 0 : i32
    return %c0_i32, %c0_i32_0 : i32, i32
  }
  func.func @transform_4(%arg0: i32) -> (i32, i32) {
    %c0_i32 = arith.constant 0 : i32
    %c0_i32_0 = arith.constant 0 : i32
    return %arg0, %c0_i32 : i32, i32
  }
  func.func @transform_5(%arg0: i32) -> (i32, i32) {
    %c0_i32 = arith.constant 0 : i32
    %c0_i32_0 = arith.constant 0 : i32
    return %arg0, %c0_i32 : i32, i32
  }
}

</mosaic_0001>

<sc_bundles>
// kernel: sc_deg_scatter.3.cloned.1.call-start
scs
__scs_entry_jumppad:
0x0: {  	(pc) =	sbr.rel $0x88, $3  }
0x1: {  	(tag) =	ssettag $0x0;
	lr =	simm.s32 $0x1  }
0x2: {  	[smem:$0x3F9C] =	sst lr;
	_ =	strace $0xD0000000  }
0x3: {  	_ = 	snop  }
0x4: {  	_ = 	snop  }
0x5: {  	_ = 	snop  }
0x6: {  	_ = 	snop  }
0x7: {  	_ = 	snop  }
__scs_overlays_trampoline_lowered:
0x8: {  	[smem:$0x3FAB] =	sst s0  }
0x9: {  	[smem:$0x3FAC] =	sst s1  }
0xa: {  	[smem:$0x3FAD] =	sst s2  }
0xb: {  	[smem:$0x3FAE] =	sst s3  }
0xc: {  	[smem:$0x3FAF] =	sst s4  }
0xd: {  	[smem:$0x3FB0] =	sst s5  }
0xe: {  	[smem:$0x3FB1] =	sst s6  }
0xf: {  	[smem:$0x3FB2] =	sst s7  }
0x10: {  	[smem:$0x3FB3] =	sst s8  }
0x11: {  	[smem:$0x3FB4] =	sst s9;
	s0 =	simm.s32 @!p0 $0x0  }
0x12: {  	s1 =	sld [smem:$0x3F9A];
	s0 =	simm.s32 @p0 $0x1  }
0x13: {  	[smem:$0x3FB5] =	sst s0;
	s0 =	simm.s32 @!p1 $0x0  }
0x14: {  	s2 =	sld [smem:$0x3F99];
	s0 =	simm.s32 @p1 $0x1  }
0x15: {  	[smem:$0x3FB6] =	sst s0;
	s0 =	simm.s32 @!p2 $0x0  }
0x16: {  	s3 =	sld [smem:$0x3FDB];
	s0 =	simm.s32 @p2 $0x1  }
0x17: {  	s4 =	simm.s32 $0x1BF5;
	[smem:$0x3FB8] =	sst s0  }
0x18: {  	s0 =	sld [smem:$0x3F9B];
	_ =	swait.ge [sflag:s4], $0x0  }
0x19: {  	s7 =	sld [smem:$0x3F9C]  }
0x1a: {  	s8 =	sadd.s32 $0xFFFFE003, lr  }
0x1b: {  	s9 =	sadd.s32 $0xFFFFFEF7, lr;
	s5 =	simm.s32 $0xFFFFFFFF;
	p2 =	slt.u32 s8, $0xFFFFF086  }
0x1c: {  	p1 =	slt.u32 s9, $0xF7A;
	s5 =	simm.s32 @!p2 $0x0  }
0x1d: {  	s5 =	simm.s32 @p1 $0x1;
	p0 =	seq.s32 s7, s2  }
0x1e: {  	s7 =	smul.u32 @!p0 $0xF7A, s2;
	p2 =	seq.s32 @!p0 s5, $0x0  }
0x1f: {  	s9 =	smul.u32 $0xF7A, s1;
	s8 =	simm.s32 @!p0 $0x1BF5;
	p2 =	por !p2, p0  }
0x20: {  	[sflag:s8] =	ssyncset.s32 @!p0 $0xFFFFF086;
	s6 =	sadd.s32 @!p0 s3, s7;
	s7 =	simm.s32 @!p0 $0x108  }
0x21: {  	s3 =	sadd.s32 s3, s9;
	s6 =	sadd.s32 @!p0 $0x88, s6;
	s7 =	simm.s32 @p2 $0x1082  }
0x22: {  	[simem:s7], [sflag:s8] =	dma.local @!p0 [hbm:s6], $0xF7A  }
0x23: {  	s9 =	sor.u32 $0xD0000000, s2;
	s6 =	simm.s32 $0x108;
	_ =	swait.ge @!p0 [sflag:s8], $0x0  }
0x24: {  	s3 =	sadd.s32 $0x88, s3;
	s6 =	simm.s32 @!p1 $0x1082;
	[sflag:s4] =	ssyncset.s32 $0xFFFFF086  }
0x25: {  	[simem:s6], [sflag:s4] =	dma.local [hbm:s3], $0xF7A  }
0x26: {  	[smem:$0x3F9C] =	sst s1;
	(tag) =	ssettag s2;
	_ =	strace s9  }
0x27: {  	s1 =	sld [smem:$0x3FAC]  }
0x28: {  	s2 =	sld [smem:$0x3FAD]  }
0x29: {  	s4 =	sld [smem:$0x3FAF]  }
0x2a: {  	p0 =	seq.s32 s5, $0x0;
	s5 =	sld [smem:$0x3FB0]  }
0x2b: {  	s6 =	sld [smem:$0x3FB1]  }
0x2c: {  	s7 =	sld [smem:$0x3FB2]  }
0x2d: {  	s3 =	simm.s32 $0x108;
	s8 =	sld [smem:$0x3FB3]  }
0x2e: {  	s3 =	simm.s32 @!p0 $0x1082;
	s9 =	sld [smem:$0x3FB4]  }
0x2f: {  	lr =	sadd.s32 s0, s3;
	s0 =	sld [smem:$0x3FAB]  }
0x30: {  	s3 =	sld [smem:$0x3FAE]  }
0x31: {  	[smem:$0x3FB7] =	sst s10  }
0x32: {  	s10 =	sld [smem:$0x3FB5];
	_ =	sdelay $0x3  }
0x33: {  	p0 =	seq.s32 s10, $0x1;
	s10 =	sld [smem:$0x3FB7];
	_ =	sdelay $0x3  }
0x34: {  	[smem:$0x3FB7] =	sst s10  }
0x35: {  	s10 =	sld [smem:$0x3FB6];
	_ =	sdelay $0x3  }
0x36: {  	p1 =	seq.s32 s10, $0x1;
	s10 =	sld [smem:$0x3FB7];
	_ =	sdelay $0x3  }
0x37: {  	[smem:$0x3FB7] =	sst s10  }
0x38: {  	s10 =	sld [smem:$0x3FB8]  }
0x39: {  	_ = 	snop;
	(pc) =	sbr.ind lr, $3  }
0x3a: {  	_ = 	snop  }
0x3b: {  	_ = 	snop  }
0x3c: {  	p2 =	seq.s32 s10, $0x1;
	s10 =	sld [smem:$0x3FB7]  }
0x3d: {  	_ =	shalt  }
0x3e: {  	_ =	shalt  }
0x3f: {  	_ =	shalt  }
0x40: {  	_ =	shalt  }
0x41: {  	_ =	shalt  }
0x42: {  	_ =	shalt  }
0x43: {  	_ =	shalt  }
0x44: {  	_ =	shalt  }
0x45: {  	_ =	shalt  }
0x46: {  	_ =	shalt  }
0x47: {  	_ =	shalt  }
0x48: {  	_ =	shalt  }
0x49: {  	_ =	shalt  }
0x4a: {  	_ =	shalt  }
0x4b: {  	_ =	shalt  }
0x4c: {  	_ =	shalt  }
0x4d: {  	_ =	shalt  }
0x4e: {  	_ =	shalt  }
0x4f: {  	_ =	shalt  }
0x50: {  	_ =	shalt  }
0x51: {  	_ =	shalt  }
0x52: {  	_ =	shalt  }
0x53: {  	_ =	shalt  }
0x54: {  	_ =	shalt  }
0x55: {  	_ =	shalt  }
0x56: {  	_ =	shalt  }
0x57: {  	_ =	shalt  }
0x58: {  	_ =	shalt  }
0x59: {  	_ =	shalt  }
0x5a: {  	_ =	shalt  }
0x5b: {  	_ =	shalt  }
0x5c: {  	_ =	shalt  }
0x5d: {  	_ =	shalt  }
0x5e: {  	_ =	shalt  }
0x5f: {  	_ =	shalt  }
0x60: {  	_ =	shalt  }
0x61: {  	_ =	shalt  }
0x62: {  	_ =	shalt  }
0x63: {  	_ =	shalt  }
0x64: {  	_ =	shalt  }
0x65: {  	_ =	shalt  }
0x66: {  	_ =	shalt  }
0x67: {  	_ =	shalt  }
0x68: {  	_ =	shalt  }
0x69: {  	_ =	shalt  }
0x6a: {  	_ =	shalt  }
0x6b: {  	_ =	shalt  }
0x6c: {  	_ =	shalt  }
0x6d: {  	_ =	shalt  }
0x6e: {  	_ =	shalt  }
0x6f: {  	_ =	shalt  }
0x70: {  	_ =	shalt  }
0x71: {  	_ =	shalt  }
0x72: {  	_ =	shalt  }
0x73: {  	_ =	shalt  }
0x74: {  	_ =	shalt  }
0x75: {  	_ =	shalt  }
0x76: {  	_ =	shalt  }
0x77: {  	_ =	shalt  }
0x78: {  	_ =	shalt  }
0x79: {  	_ =	shalt  }
0x7a: {  	_ =	shalt  }
0x7b: {  	_ =	shalt  }
0x7c: {  	_ =	shalt  }
0x7d: {  	_ =	shalt  }
0x7e: {  	_ =	shalt  }
0x7f: {  	_ =	shalt  }
0x80: {  	_ =	shalt  }
0x81: {  	_ =	shalt  }
0x82: {  	_ =	shalt  }
0x83: {  	_ =	shalt  }
0x84: {  	_ =	shalt  }
0x85: {  	_ =	shalt  }
0x86: {  	_ =	shalt  }
0x87: {  	_ =	shalt  }
.Lfunc_end0:
.L_simem_size_0:
called_computation_lowered:
.L_overlay_start_0:
0x88: {  	s2 =	sld [smem:$0x3FD9]  }
0x89: {  	s3 =	sld [smem:$0x3FFE];
	_ =	sdelay $0x1  }
0x8a: {  	s1 =	srdreg.scid  }
0x8b: {  	s0 =	sand.u32 $0x1, s1  }
0x8c: {  	s14 =	sshll.u32 s0, $0xA;
	s2 =	sadd.s32 s3, s2  }
0x8d: {  	s2 =	sadd.s32 s2, s14  }
0x8e: {  	[smem:$0x3FC3] =	sst s2  }
0x8f: {  	_ = 	snop  }
0x90: {  	s2 =	sld [smem:$0x3FD0];
	_ =	sdelay $0x2  }
0x91: {  	s4 =	simm.s32 $0xA;
	s5 =	simm.s32 $0x10;
	s15 =	sld [smem:$0x3FC7]  }
0x92: {  	[smem:s5], [sflag:s4] =	dma.local [hbm:s2], $0x1  }
0x93: {  	_ =	swait.eq [sflag:s4], $0x1  }
0x94: {  	[sflag:s4] =	ssyncset.done $0x0  }
0x95: {  	[sflag:s4] =	ssyncadd.s32 $0xFFFFFFFF  }
0x96: {  	s16 =	sld [smem:$0x11];
	(tm) =	ssettm $0x1  }
0x97: {  	s17 =	sld [smem:$0x3FFB];
	_ =	sdelay $0x3  }
0x98: {  	_ =	strace s17  }
0x99: {  	s4 =	sld [smem:$0x3FFC];
	_ =	sdelay $0x3  }
0x9a: {  	_ =	strace s4  }
0x9b: {  	s4 =	sld [smem:$0x3FFD];
	_ =	sdelay $0x3  }
0x9c: {  	_ =	strace s4  }
0x9d: {  	_ =	strace $0x8FFFFFFF  }
0x9e: {  	s18 =	sld [smem:$0x3FDB];
	_ =	sdelay $0x1  }
0x9f: {  	s19 =	simm.s32 $_scs_section_size  }
0xa0: {  	s6 =	simm.s32 $_size__tile_overlayer_lowered;
	s7 =	simm.s32 $_tile_overlayer_lowered  }
0xa1: {  	s22 =	simm.s32 $0x1BFF;
	s21 =	sshll.u32 s7, $0x1;
	s4 =	sadd.s32 s19, s18  }
0xa2: {  	s8 =	simm.s32 $0x0;
	s20 =	sshll.u32 s6, $0x1;
	s6 =	sadd.s32 s21, s4  }
0xa3: {  	[timem:s8], [sflag:s22] =	dma.local [hbm:s6], s20  }
0xa4: {  	_ =	swait.ge [sflag:s22], s20  }
0xa5: {  	s5 =	ssub.s32 $0x0, s20;
	[sflag:s22] =	ssyncset.done $0x0  }
0xa6: {  	[sflag:s22] =	ssyncadd.s32 s5;
	_ =	sdelay $0x1  }
0xa7: {  	s23 =	simm.s32 $0x1B8B  }
0xa8: {  	_ =	swait.ge [sflag:s23], $0x1  }
0xa9: {  	[sflag:s23] =	ssyncset.done $0x0  }
0xaa: {  	s25 =	simm.s32 $0x1B8E;
	s24 =	sld [smem:$0x3FFE];
	[sflag:s23] =	ssyncadd.s32 $0xFFFFFFFF  }
0xab: {  	s26 =	simm.s32 $execute0_lowered;
	[smem:$0x3FD2] =	sst s25  }
0xac: {  	s6 =	sshll.u32 s26, $0x1;
	_ =	strace $0x80000046;
	[dreg:$0x1] =	wrdreg $0xFFFFFFFF  }
0xad: {  	s28 =	simm.s32 $_size_execute0_lowered;
	s4 =	sadd.s32 s4, s6;
	[dreg:$0x0] =	wrdreg $0x0  }
0xae: {  	s6 =	sshll.u32 s28, $0x1;
	[dreg:$0x2] =	wrdreg s4  }
0xaf: {  	[dreg:$0x3] =	wrdreg s6  }
0xb0: {  	[dreg:$0x4] =	wrdreg $0xC0  }
0xb1: {  	_ =	task [dreg:s8], $0x5FFFF  }
0xb2: {  	[dreg:$0x1] =	wrdreg $0xFFFFFFFF  }
0xb3: {  	[dreg:$0x0] =	wrdreg $0x60  }
0xb4: {  	[dreg:$0x2] =	wrdreg s24  }
0xb5: {  	[dreg:$0x3] =	wrdreg s15  }
0xb6: {  	[dreg:$0x4] =	wrdreg s16  }
0xb7: {  	[dreg:$0x5] =	wrdreg $0x9  }
0xb8: {  	_ =	task.clear_ibuf [dreg:s8], $0x6FFFF;
	_ =	strace $0x90000046  }
0xb9: {  	s29 =	simm.s32 $0x9;
	_ =	strace $0x80000048  }
0xba: {  	_ =	swait.ge [sflag:s29], $0x1  }
0xbb: {  	[sflag:s29] =	ssyncadd.s32 $0xFFFFFFFF  }
0xbc: {  	_ =	strace $0x90000048  }
0xbd: {  	_ =	sfence  }
0xbe: {  	s30 =	sld [smem:$0x0];
	_ =	sdelay $0x2  }
0xbf: {  	s31 =	sshll.u32 s1, $0xD;
	s1 =	sshrl.u32 s1, $0x2  }
0xc0: {  	s3 =	sand.u32 $0x4000, s31;
	s1 =	sadd.s32 s1, s30  }
0xc1: {  	s0 =	sor.u32 s3, s0;
	s1 =	sshll.u32 s1, $0x11  }
0xc2: {  	s0 =	sor.u32 s1, s0  }
0xc3: {  	s0 =	sadd.s32 $0x8F2B, s0  }
0xc4: {  	[sflag:s0] =	ssyncadd.remote.s32 $0x1  }
0xc5: {  	_ =	sfence.sel $0xFFFF  }
0xc6: {  	[dreg:$0x0] =	wrdreg $0xFFFFFFFF;
	(pc) =	sbr.abs _section_cstart, $3  }
0xc7: {  	[dreg:$0x1] =	wrdreg $0xFFFFFFFF  }
0xc8: {  	_ =	task.clear_ibuf [dreg:s8], $0x2FFFF;
	_ =	strace $0x9FFFFFFF  }
0xc9: {  	(tm) =	ssettm $0x7FFFFFFF  }
tec
execute0_lowered:
.L_overlay_start_1:
0x0: {  	(tag) =	ssettag $0x1  }
0x1: {  	s3 =	rddreg [dreg:$0x0]  }
0x2: {  	s5 =	rddreg [dreg:$0x1]  }
0x3: {  	s0 =	srdreg.scid;
	s6 =	rddreg [dreg:$0x2]  }
0x4: {  	s2 =	simm.s32 $0x0;
	s11 =	simm.s32 $0x2780;
	s12 =	simm.s32 $0x1  }
0x5: {  	s13 =	simm.s32 $0x4F00;
	s14 =	simm.s32 $0x7D0;
	s15 =	simm.s32 $0xFA0  }
0x6: {  	s16 =	simm.s32 $0x1770;
	s17 =	simm.s32 $0x1F40;
	s4 =	sand.u32 $0x1, s0  }
0x7: {  	s18 =	simm.s32 $0x0;
	s0 =	stileid.u32;
	s1 =	sshll.u32 s4, $0x4  }
0x8: {  	[smem:$0x7FF] =	sst s2;
	s4 =	ssub.s32 $0x2, s4;
	s7 =	sor.u32 s0, s1  }
0x9: {  	s1 =	rddreg [dreg:$0x3];
	s10 =	sshrl.u32 s4, $0x1;
	s9 =	smul.u32 $0x7D0, s7  }
0xa: {  	_ =	strace $0x80000047;
	s8 =	smul.u32 $0x4E2, s7;
	s10 =	ssub.s32 s4, s10  }
0xb: {  	s7 =	smul.u32 $0xFA, s7;
	s10 =	smax.u32 s10, $0x1;
	s9 =	sshrl.u32 s9, $0x3  }
0xc: {  	s3 =	sadd.s32 s8, s3;
	s4 =	sadd.s32 s5, s8;
	s9 =	sadd.s32 s6, s9  }
0xd: {  	s5 =	sadd.s32 s6, s7;
	s3 =	sadd.s32 $0xC00, s3;
	s6 =	sadd.s32 $0x1F40, s9  }
0xe: {  	v0 =	vimm.f32 $0.0e+00;
	s7 =	sadd.s32 $0x3E80, s9;
	s8 =	sadd.s32 $0x5DC0, s9;
	s9 =	sadd.s32 $0x7D00, s9  }
.LBB2_1:
0xf: {  	s19 =	simm.s32 $0x40;
	s20 =	simm.s32 $0x0  }
.LBB2_2:
0x10: {  	p0 =	sne.s32 s19, $0x9C00;
	[tilespmem:s20+$0x0] =	vst v0;
	s20 =	smov.u32 s19;
	s19 =	sadd.s32 $0x40, s19  }
.Ltmp0:
0x11: {  	(pc) =	sbr.rel @p0 .LBB2_2-.Ltmp0, $2  }
0x12: {  	_ =	sdelay $0x2  }
0x13: {  	s20 =	sshra.s32 s20, $0x2  }
0x14: {  	[tilespmem:s20+$0x0] =	vst v0;
	s19 =	simm.s32 $0x0  }
0x15: {  	[tilespmem:s11], [sflag:$0x1] =	stream.linear.gather [hbm4b:s3+s19], $0x2710, $0x38;
	[tilespmem:$0x7680] =	vst v63  }
0x16: {  	_ =	swait.ge [sflag:s12], $0x2710  }
0x17: {  	[sflag:s12] =	ssyncset.done $0x0  }
0x18: {  	[sflag:s12] =	ssyncadd.s32 $0xFFFFD8F0  }
0x19: {  	[tilespmem:s13], [sflag:$0x1] =	stream.linear.gather [hbm4b:s4+s19], $0x2710, $0x38;
	[tilespmem:$0x7680] =	vst v63  }
0x1a: {  	_ =	swait.ge [sflag:s12], $0x2710  }
0x1b: {  	[sflag:s12] =	ssyncset.done $0x0  }
0x1c: {  	s20 =	simm.s32 $0x0;
	s19 =	simm.s32 $0x40;
	[sflag:s12] =	ssyncadd.s32 $0xFFFFD8F0  }
.LBB2_4:
0x1d: {  	p0 =	sne.s32 s19, $0x9C00;
	v1 =	vld [tilespmem:s20+$0x2780];
	_ =	sdelay $0x2  }
0x1e: {  	v2 =	vld [tilespmem:s20+$0x4F00]  }
.Ltmp1:
0x1f: {  	(pc) =	sbr.rel @p0 .LBB2_4-.Ltmp1, $2  }
0x20: {  	_ =	sdelay $0x2  }
0x21: {  	s20 =	sshra.s32 s19, $0x2;
	s19 =	sadd.s32 $0x40, s19;
	[tilespmem:v1+s2+$0x0] =	vst.idx.add.f32.msk $0xffff, v2  }
0x22: {  	v1 =	vld [tilespmem:s20+$0x2780];
	_ =	sdelay $0x2  }
0x23: {  	v2 =	vld [tilespmem:s20+$0x4F00];
	_ =	sdelay $0x4  }
0x24: {  	[tilespmem:v1+s2+$0x0] =	vst.idx.add.f32.msk $0xffff, v2  }
0x25: {  	[hbm4b:s5+s2] =	stream.linear.scatter [tilespmem:s2], [sflag:$0x1], $0x7D0, $0x38;
	[tilespmem:$0x7680] =	vst v63  }
0x26: {  	_ =	swait.ge [sflag:s12], $0x7D0  }
0x27: {  	[sflag:s12] =	ssyncset.done $0x0  }
0x28: {  	[sflag:s12] =	ssyncadd.s32 $0xFFFFF830  }
0x29: {  	[hbm4b:s6+s2] =	stream.linear.scatter [tilespmem:s14], [sflag:$0x1], $0x7D0, $0x38;
	[tilespmem:$0x7680] =	vst v63  }
0x2a: {  	_ =	swait.ge [sflag:s12], $0x7D0  }
0x2b: {  	[sflag:s12] =	ssyncset.done $0x0  }
0x2c: {  	[sflag:s12] =	ssyncadd.s32 $0xFFFFF830  }
0x2d: {  	[hbm4b:s7+s2] =	stream.linear.scatter [tilespmem:s15], [sflag:$0x1], $0x7D0, $0x38;
	[tilespmem:$0x7680] =	vst v63  }
0x2e: {  	_ =	swait.ge [sflag:s12], $0x7D0  }
0x2f: {  	[sflag:s12] =	ssyncset.done $0x0  }
0x30: {  	[sflag:s12] =	ssyncadd.s32 $0xFFFFF830  }
0x31: {  	[hbm4b:s8+s2] =	stream.linear.scatter [tilespmem:s16], [sflag:$0x1], $0x7D0, $0x38;
	[tilespmem:$0x7680] =	vst v63  }
0x32: {  	s18 =	sadd.s32 $0x1, s18;
	_ =	swait.ge [sflag:s12], $0x7D0  }
0x33: {  	p0 =	sne.s32 s18, s10;
	[sflag:s12] =	ssyncset.done $0x0  }
.Ltmp2:
0x34: {  	[sflag:s12] =	ssyncadd.s32 $0xFFFFF830;
	(pc) =	sbr.rel @p0 .LBB2_1-.Ltmp2, $4  }
0x35: {  	[hbm4b:s9+s2] =	stream.linear.scatter [tilespmem:s17], [sflag:$0x1], $0x7D0, $0x38;
	[tilespmem:$0x7680] =	vst v63  }
0x36: {  	_ =	swait.ge [sflag:s12], $0x7D0  }
0x37: {  	[sflag:s12] =	ssyncset.done $0x0  }
0x38: {  	[sflag:s12] =	ssyncadd.s32 $0xFFFFF830  }
0x39: {  	_ =	sfence.sel $0x180000  }
0x3a: {  	[bflag:$0x0] =	sbarrier.arrive $0xFFFF  }
0x3b: {  	p0 =	sne.s32 s0, $0x0;
	_ =	strace $0x90000047  }
0x3c: {  	s0 =	sadd.s32 @!p0 $0x100000, s1;
	[bflag:$0x2] =	sbarrier.arrive $0xFFFF  }
0x3d: {  	[sflag:s0] =	ssyncadd.tile.s32 @!p0 $0x1;
	_ =	shalt  }
.Lfunc_end2:
_tile_overlayer_lowered:
.L_overlay_start_2:
0x3e: {  	(tag) =	ssettag $0x2  }
0x3f: {  	s0 =	rddreg [dreg:$0x0];
	s2 =	stileid.u32  }
0x40: {  	s1 =	rddreg [dreg:$0x1];
	p0 =	sne.s32 s2, $0x0  }
0x41: {  	s3 =	rddreg [dreg:$0x2];
	[bflag:$0x3] =	sbarrier.arrive $0xFFFF;
	s2 =	simm.s32 @!p0 $0x1C01  }
0x42: {  	[timem:s3], [sflag:s2] =	dma.local @!p0 [hbm:s0], s1  }
0x43: {  	s0 =	simm.s32 @!p0 $0x1  }
0x44: {  	_ =	swait.ge @!p0 [sflag:s0], s1  }
0x45: {  	s1 =	ssub.s32 @!p0 $0x0, s1;
	[sflag:s0] =	ssyncset.done @!p0 $0x0  }
0x46: {  	[sflag:s0] =	ssyncadd.s32 @!p0 s1  }
0x47: {  	[bflag:$0x3] =	sbarrier.arrive $0xFFFF  }
0x48: {  	_ =	shalt  }

// kernel: sc_edge_aggregate.3.cloned.1.call-start
scs
__scs_entry_jumppad:
0x0: {  	(pc) =	sbr.rel $0x88, $3  }
0x1: {  	(tag) =	ssettag $0x0;
	lr =	simm.s32 $0x1  }
0x2: {  	[smem:$0x3F9C] =	sst lr;
	_ =	strace $0xD0000000  }
0x3: {  	_ = 	snop  }
0x4: {  	_ = 	snop  }
0x5: {  	_ = 	snop  }
0x6: {  	_ = 	snop  }
0x7: {  	_ = 	snop  }
__scs_overlays_trampoline_lowered:
0x8: {  	[smem:$0x3FAB] =	sst s0  }
0x9: {  	[smem:$0x3FAC] =	sst s1  }
0xa: {  	[smem:$0x3FAD] =	sst s2  }
0xb: {  	[smem:$0x3FAE] =	sst s3  }
0xc: {  	[smem:$0x3FAF] =	sst s4  }
0xd: {  	[smem:$0x3FB0] =	sst s5  }
0xe: {  	[smem:$0x3FB1] =	sst s6  }
0xf: {  	[smem:$0x3FB2] =	sst s7  }
0x10: {  	[smem:$0x3FB3] =	sst s8  }
0x11: {  	[smem:$0x3FB4] =	sst s9;
	s0 =	simm.s32 @!p0 $0x0  }
0x12: {  	s1 =	sld [smem:$0x3F9A];
	s0 =	simm.s32 @p0 $0x1  }
0x13: {  	[smem:$0x3FB5] =	sst s0;
	s0 =	simm.s32 @!p1 $0x0  }
0x14: {  	s2 =	sld [smem:$0x3F99];
	s0 =	simm.s32 @p1 $0x1  }
0x15: {  	[smem:$0x3FB6] =	sst s0;
	s0 =	simm.s32 @!p2 $0x0  }
0x16: {  	s3 =	sld [smem:$0x3FDB];
	s0 =	simm.s32 @p2 $0x1  }
0x17: {  	s4 =	simm.s32 $0x1BF5;
	[smem:$0x3FB8] =	sst s0  }
0x18: {  	s0 =	sld [smem:$0x3F9B];
	_ =	swait.ge [sflag:s4], $0x0  }
0x19: {  	s7 =	sld [smem:$0x3F9C]  }
0x1a: {  	s8 =	sadd.s32 $0xFFFFE003, lr  }
0x1b: {  	s9 =	sadd.s32 $0xFFFFFEF7, lr;
	s5 =	simm.s32 $0xFFFFFFFF;
	p2 =	slt.u32 s8, $0xFFFFF086  }
0x1c: {  	p1 =	slt.u32 s9, $0xF7A;
	s5 =	simm.s32 @!p2 $0x0  }
0x1d: {  	s5 =	simm.s32 @p1 $0x1;
	p0 =	seq.s32 s7, s2  }
0x1e: {  	s7 =	smul.u32 @!p0 $0xF7A, s2;
	p2 =	seq.s32 @!p0 s5, $0x0  }
0x1f: {  	s9 =	smul.u32 $0xF7A, s1;
	s8 =	simm.s32 @!p0 $0x1BF5;
	p2 =	por !p2, p0  }
0x20: {  	[sflag:s8] =	ssyncset.s32 @!p0 $0xFFFFF086;
	s6 =	sadd.s32 @!p0 s3, s7;
	s7 =	simm.s32 @!p0 $0x108  }
0x21: {  	s3 =	sadd.s32 s3, s9;
	s6 =	sadd.s32 @!p0 $0x88, s6;
	s7 =	simm.s32 @p2 $0x1082  }
0x22: {  	[simem:s7], [sflag:s8] =	dma.local @!p0 [hbm:s6], $0xF7A  }
0x23: {  	s9 =	sor.u32 $0xD0000000, s2;
	s6 =	simm.s32 $0x108;
	_ =	swait.ge @!p0 [sflag:s8], $0x0  }
0x24: {  	s3 =	sadd.s32 $0x88, s3;
	s6 =	simm.s32 @!p1 $0x1082;
	[sflag:s4] =	ssyncset.s32 $0xFFFFF086  }
0x25: {  	[simem:s6], [sflag:s4] =	dma.local [hbm:s3], $0xF7A  }
0x26: {  	[smem:$0x3F9C] =	sst s1;
	(tag) =	ssettag s2;
	_ =	strace s9  }
0x27: {  	s1 =	sld [smem:$0x3FAC]  }
0x28: {  	s2 =	sld [smem:$0x3FAD]  }
0x29: {  	s4 =	sld [smem:$0x3FAF]  }
0x2a: {  	p0 =	seq.s32 s5, $0x0;
	s5 =	sld [smem:$0x3FB0]  }
0x2b: {  	s6 =	sld [smem:$0x3FB1]  }
0x2c: {  	s7 =	sld [smem:$0x3FB2]  }
0x2d: {  	s3 =	simm.s32 $0x108;
	s8 =	sld [smem:$0x3FB3]  }
0x2e: {  	s3 =	simm.s32 @!p0 $0x1082;
	s9 =	sld [smem:$0x3FB4]  }
0x2f: {  	lr =	sadd.s32 s0, s3;
	s0 =	sld [smem:$0x3FAB]  }
0x30: {  	s3 =	sld [smem:$0x3FAE]  }
0x31: {  	[smem:$0x3FB7] =	sst s10  }
0x32: {  	s10 =	sld [smem:$0x3FB5];
	_ =	sdelay $0x3  }
0x33: {  	p0 =	seq.s32 s10, $0x1;
	s10 =	sld [smem:$0x3FB7];
	_ =	sdelay $0x3  }
0x34: {  	[smem:$0x3FB7] =	sst s10  }
0x35: {  	s10 =	sld [smem:$0x3FB6];
	_ =	sdelay $0x3  }
0x36: {  	p1 =	seq.s32 s10, $0x1;
	s10 =	sld [smem:$0x3FB7];
	_ =	sdelay $0x3  }
0x37: {  	[smem:$0x3FB7] =	sst s10  }
0x38: {  	s10 =	sld [smem:$0x3FB8]  }
0x39: {  	_ = 	snop;
	(pc) =	sbr.ind lr, $3  }
0x3a: {  	_ = 	snop  }
0x3b: {  	_ = 	snop  }
0x3c: {  	p2 =	seq.s32 s10, $0x1;
	s10 =	sld [smem:$0x3FB7]  }
0x3d: {  	_ =	shalt  }
0x3e: {  	_ =	shalt  }
0x3f: {  	_ =	shalt  }
0x40: {  	_ =	shalt  }
0x41: {  	_ =	shalt  }
0x42: {  	_ =	shalt  }
0x43: {  	_ =	shalt  }
0x44: {  	_ =	shalt  }
0x45: {  	_ =	shalt  }
0x46: {  	_ =	shalt  }
0x47: {  	_ =	shalt  }
0x48: {  	_ =	shalt  }
0x49: {  	_ =	shalt  }
0x4a: {  	_ =	shalt  }
0x4b: {  	_ =	shalt  }
0x4c: {  	_ =	shalt  }
0x4d: {  	_ =	shalt  }
0x4e: {  	_ =	shalt  }
0x4f: {  	_ =	shalt  }
0x50: {  	_ =	shalt  }
0x51: {  	_ =	shalt  }
0x52: {  	_ =	shalt  }
0x53: {  	_ =	shalt  }
0x54: {  	_ =	shalt  }
0x55: {  	_ =	shalt  }
0x56: {  	_ =	shalt  }
0x57: {  	_ =	shalt  }
0x58: {  	_ =	shalt  }
0x59: {  	_ =	shalt  }
0x5a: {  	_ =	shalt  }
0x5b: {  	_ =	shalt  }
0x5c: {  	_ =	shalt  }
0x5d: {  	_ =	shalt  }
0x5e: {  	_ =	shalt  }
0x5f: {  	_ =	shalt  }
0x60: {  	_ =	shalt  }
0x61: {  	_ =	shalt  }
0x62: {  	_ =	shalt  }
0x63: {  	_ =	shalt  }
0x64: {  	_ =	shalt  }
0x65: {  	_ =	shalt  }
0x66: {  	_ =	shalt  }
0x67: {  	_ =	shalt  }
0x68: {  	_ =	shalt  }
0x69: {  	_ =	shalt  }
0x6a: {  	_ =	shalt  }
0x6b: {  	_ =	shalt  }
0x6c: {  	_ =	shalt  }
0x6d: {  	_ =	shalt  }
0x6e: {  	_ =	shalt  }
0x6f: {  	_ =	shalt  }
0x70: {  	_ =	shalt  }
0x71: {  	_ =	shalt  }
0x72: {  	_ =	shalt  }
0x73: {  	_ =	shalt  }
0x74: {  	_ =	shalt  }
0x75: {  	_ =	shalt  }
0x76: {  	_ =	shalt  }
0x77: {  	_ =	shalt  }
0x78: {  	_ =	shalt  }
0x79: {  	_ =	shalt  }
0x7a: {  	_ =	shalt  }
0x7b: {  	_ =	shalt  }
0x7c: {  	_ =	shalt  }
0x7d: {  	_ =	shalt  }
0x7e: {  	_ =	shalt  }
0x7f: {  	_ =	shalt  }
0x80: {  	_ =	shalt  }
0x81: {  	_ =	shalt  }
0x82: {  	_ =	shalt  }
0x83: {  	_ =	shalt  }
0x84: {  	_ =	shalt  }
0x85: {  	_ =	shalt  }
0x86: {  	_ =	shalt  }
0x87: {  	_ =	shalt  }
.Lfunc_end0:
.L_simem_size_0:
called_computation.1_lowered:
.L_overlay_start_0:
0x88: {  	s2 =	sld [smem:$0x3FD9]  }
0x89: {  	s3 =	sld [smem:$0x3FFE];
	_ =	sdelay $0x1  }
0x8a: {  	s1 =	srdreg.scid  }
0x8b: {  	s0 =	sand.u32 $0x1, s1  }
0x8c: {  	s14 =	sshll.u32 s0, $0xA;
	s2 =	sadd.s32 s3, s2  }
0x8d: {  	s2 =	sadd.s32 s2, s14  }
0x8e: {  	[smem:$0x3FC3] =	sst s2  }
0x8f: {  	_ = 	snop  }
0x90: {  	s2 =	sld [smem:$0x3FD0];
	_ =	sdelay $0x2  }
0x91: {  	s4 =	simm.s32 $0xA;
	s5 =	simm.s32 $0x10;
	s15 =	sld [smem:$0x3FC7]  }
0x92: {  	[smem:s5], [sflag:s4] =	dma.local [hbm:s2], $0x1  }
0x93: {  	_ =	swait.eq [sflag:s4], $0x1  }
0x94: {  	[sflag:s4] =	ssyncset.done $0x0  }
0x95: {  	s16 =	sld [smem:$0x10];
	[sflag:s4] =	ssyncadd.s32 $0xFFFFFFFF  }
0x96: {  	s17 =	sld [smem:$0x11];
	(tm) =	ssettm $0x1  }
0x97: {  	s18 =	sld [smem:$0x3FFB];
	_ =	sdelay $0x3  }
0x98: {  	_ =	strace s18  }
0x99: {  	s5 =	sld [smem:$0x3FFC];
	_ =	sdelay $0x3  }
0x9a: {  	_ =	strace s5  }
0x9b: {  	s5 =	sld [smem:$0x3FFD];
	_ =	sdelay $0x3  }
0x9c: {  	_ =	strace s5  }
0x9d: {  	_ =	strace $0x8FFFFFFF  }
0x9e: {  	s19 =	sld [smem:$0x3FDB];
	_ =	sdelay $0x1  }
0x9f: {  	s6 =	simm.s32 $_scs_section_size  }
0xa0: {  	s7 =	simm.s32 $_size__tile_overlayer_lowered;
	s8 =	simm.s32 $_tile_overlayer_lowered  }
0xa1: {  	s22 =	simm.s32 $0x1BFF;
	s21 =	sshll.u32 s8, $0x1;
	s5 =	sadd.s32 s6, s19  }
0xa2: {  	s9 =	simm.s32 $0x0;
	s20 =	sshll.u32 s7, $0x1;
	s7 =	sadd.s32 s21, s5  }
0xa3: {  	[timem:s9], [sflag:s22] =	dma.local [hbm:s7], s20  }
0xa4: {  	_ =	swait.ge [sflag:s22], s20  }
0xa5: {  	s6 =	ssub.s32 $0x0, s20;
	[sflag:s22] =	ssyncset.done $0x0  }
0xa6: {  	[sflag:s22] =	ssyncadd.s32 s6;
	_ =	sdelay $0x1  }
0xa7: {  	s23 =	simm.s32 $0x1B8B  }
0xa8: {  	_ =	swait.ge [sflag:s23], $0x1  }
0xa9: {  	[sflag:s23] =	ssyncset.done $0x0  }
0xaa: {  	s25 =	simm.s32 $0x1B8E;
	s24 =	sld [smem:$0x3FFE];
	[sflag:s23] =	ssyncadd.s32 $0xFFFFFFFF  }
0xab: {  	s26 =	simm.s32 $execute0_lowered;
	[smem:$0x3FD2] =	sst s25  }
0xac: {  	s7 =	sshll.u32 s26, $0x1;
	_ =	strace $0x80000049;
	[dreg:$0x1] =	wrdreg $0xFFFFFFFF  }
0xad: {  	s28 =	simm.s32 $_size_execute0_lowered;
	s5 =	sadd.s32 s5, s7;
	[dreg:$0x0] =	wrdreg $0x0  }
0xae: {  	s7 =	sshll.u32 s28, $0x1;
	[dreg:$0x2] =	wrdreg s5  }
0xaf: {  	[dreg:$0x3] =	wrdreg s7  }
0xb0: {  	[dreg:$0x4] =	wrdreg $0xC0  }
0xb1: {  	_ =	task [dreg:s9], $0x5FFFF  }
0xb2: {  	[dreg:$0x1] =	wrdreg $0xFFFFFFFF  }
0xb3: {  	[dreg:$0x0] =	wrdreg $0x60  }
0xb4: {  	[dreg:$0x2] =	wrdreg s17  }
0xb5: {  	[dreg:$0x3] =	wrdreg s16  }
0xb6: {  	[dreg:$0x4] =	wrdreg s24  }
0xb7: {  	[dreg:$0x5] =	wrdreg s15  }
0xb8: {  	[dreg:$0x6] =	wrdreg $0x0  }
0xb9: {  	[dreg:$0x7] =	wrdreg $0x9  }
0xba: {  	_ =	task.clear_ibuf [dreg:s9], $0x8FFFF;
	_ =	strace $0x90000049  }
0xbb: {  	s29 =	simm.s32 $0x9;
	_ =	strace $0x8000004B  }
0xbc: {  	_ =	swait.ge [sflag:s29], $0x1  }
0xbd: {  	[sflag:s29] =	ssyncadd.s32 $0xFFFFFFFF  }
0xbe: {  	_ =	strace $0x9000004B  }
0xbf: {  	_ =	sfence  }
0xc0: {  	s30 =	sld [smem:$0x0];
	_ =	sdelay $0x2  }
0xc1: {  	s31 =	sshll.u32 s1, $0xD;
	s1 =	sshrl.u32 s1, $0x2  }
0xc2: {  	s3 =	sand.u32 $0x4000, s31;
	s1 =	sadd.s32 s1, s30  }
0xc3: {  	s0 =	sor.u32 s3, s0;
	s1 =	sshll.u32 s1, $0x11  }
0xc4: {  	s0 =	sor.u32 s1, s0  }
0xc5: {  	s0 =	sadd.s32 $0x8F2B, s0  }
0xc6: {  	[sflag:s0] =	ssyncadd.remote.s32 $0x1  }
0xc7: {  	_ =	sfence.sel $0xFFFF  }
0xc8: {  	[dreg:$0x0] =	wrdreg $0xFFFFFFFF;
	(pc) =	sbr.abs _section_cstart, $3  }
0xc9: {  	[dreg:$0x1] =	wrdreg $0xFFFFFFFF  }
0xca: {  	_ =	task.clear_ibuf [dreg:s9], $0x2FFFF;
	_ =	strace $0x9FFFFFFF  }
0xcb: {  	(tm) =	ssettm $0x7FFFFFFF  }
tec
execute0_lowered:
.L_overlay_start_1:
0x0: {  	(tag) =	ssettag $0x1  }
0x1: {  	s11 =	rddreg [dreg:$0x1]  }
0x2: {  	s0 =	rddreg [dreg:$0x2]  }
0x3: {  	s3 =	rddreg [dreg:$0x3]  }
0x4: {  	s4 =	rddreg [dreg:$0x4];
	s1 =	srdreg.scid;
	s5 =	simm.s32 $0x0  }
0x5: {  	s13 =	stileid.u32;
	s20 =	simm.s32 $0x14820;
	s21 =	simm.s32 $0x50  }
0x6: {  	s28 =	simm.s32 $0x1;
	s17 =	simm.s32 $0x2;
	s1 =	sand.u32 $0x1, s1  }
0x7: {  	[smem:$0x7FF] =	sst s5;
	s24 =	smul.u32 $0x1F400, s13;
	s7 =	sadd.s32 $0xC00, s0  }
0x8: {  	s6 =	sadd.s32 $0xAA00, s0;
	s8 =	smul.u32 $0x7D000, s13;
	p0 =	sgt.u32 s13, $0x9  }
0x9: {  	s2 =	smul.u32 $0x138800, s1;
	_ =	strace $0x8000004A;
	[dreg:$0x6] =	wrdreg s6  }
0xa: {  	s25 =	sshll.u32 s1, $0x4;
	s1 =	ssub.s32 $0x2, s1;
	s5 =	sshll.u32 @!p0 s13, $0x6  }
0xb: {  	s6 =	sor.u32 s13, s25;
	s9 =	sshrl.u32 s1, $0x1;
	s26 =	sshrl.u32 s8, $0x2  }
0xc: {  	s8 =	simm.s32 $0x4;
	s2 =	sadd.s32 s24, s2;
	s10 =	smul.u32 $0x4E2, s6  }
0xd: {  	s1 =	ssub.s32 s1, s9;
	s12 =	smul.u32 $0x5, s6;
	s6 =	sor.u32 @!p0 $0x1C06, s5  }
0xe: {  	s5 =	simm.s32 $0x7;
	s1 =	smax.u32 s1, $0x1;
	[dreg:$0xc] =	wrdreg s6  }
0xf: {  	s2 =	sshrl.u32 s2, $0x3;
	s29 =	sadd.s32 s11, s10;
	[dreg:$0xb] =	wrdreg s1  }
0x10: {  	s0 =	sadd.s32 s2, s0;
	s30 =	sadd.s32 s7, s10;
	[dreg:$0x7] =	wrdreg s29  }
.Ltmp0:
0x11: {  	s31 =	sadd.s32 s3, s10;
	[dreg:$0x8] =	wrdreg s30;
	(pc) =	sbr.rel .LBB2_1-.Ltmp0, $4  }
0x12: {  	s2 =	sadd.s32 s26, s4;
	[dreg:$0x9] =	wrdreg s31;
	s0 =	sadd.s32 $0xEA00, s0  }
0x13: {  	s1 =	sshrl.u32 @!p0 s2, $0x3;
	[dreg:$0xa] =	wrdreg s0;
	s0 =	sadd.s32 s24, s4  }
0x14: {  	s9 =	simm.s32 $0x3;
	[dreg:$0xd] =	wrdreg s1;
	s0 =	sshrl.u32 @!p0 s0, $0x3  }
0x15: {  	s10 =	simm.s32 $0x5;
	s2 =	simm.s32 $0x0;
	[dreg:$0xe] =	wrdreg s0  }
.LBB2_36:
0x16: {  	_ =	swait.ge [sflag:s10], $0x2800  }
0x17: {  	[sflag:s10] =	ssyncset.done $0x0  }
0x18: {  	[sflag:s10] =	ssyncadd.s32 $0xFFFFD800  }
0x19: {  	_ =	swait.ge [sflag:s8], $0x2800  }
0x1a: {  	[sflag:s8] =	ssyncset.done $0x0  }
0x1b: {  	[sflag:s8] =	ssyncadd.s32 $0xFFFFD800  }
0x1c: {  	[bflag:$0x0] =	sbarrier.arrive $0xFFFF  }
0x1d: {  	s0 =	rddreg [dreg:$0xa]  }
0x1e: {  	s6 =	rddreg [dreg:$0xc]  }
0x1f: {  	s1 =	rddreg [dreg:$0xe]  }
0x20: {  	[hbm:s0], [sflag:s6] =	dma.local @!p0 [spmem:s1], $0x3E80  }
0x21: {  	s0 =	simm.s32 @!p0 $0x6  }
0x22: {  	_ =	swait.ge @!p0 [sflag:s0], $0x3E80  }
0x23: {  	s2 =	rddreg [dreg:$0xf]  }
0x24: {  	s31 =	rddreg [dreg:$0xb];
	s2 =	sadd.s32 $0x1, s2  }
0x25: {  	p1 =	sne.s32 s2, s31  }
.Ltmp1:
0x26: {  	_ = 	snop;
	(pc) =	sbr.rel @!p1 .LBB2_37-.Ltmp1, $3  }
0x27: {  	_ =	sdelay $0x1  }
0x28: {  	[sflag:s0] =	ssyncset.done @!p0 $0x0  }
0x29: {  	[sflag:s0] =	ssyncadd.s32 @!p0 $0xFFFFC180  }
.LBB2_1:
0x2a: {  	[dreg:$0xf] =	wrdreg s2  }
0x2b: {  	s0 =	rddreg [dreg:$0x6]  }
0x2c: {  	s1 =	rddreg [dreg:$0xd]  }
0x2d: {  	[spmem:s1], [sflag:s6] =	dma.local @!p0 [hbm:s0], $0x3E80  }
0x2e: {  	s1 =	simm.s32 @!p0 $0x6  }
0x2f: {  	_ =	swait.ge @!p0 [sflag:s1], $0x3E80  }
0x30: {  	[sflag:s1] =	ssyncset.done @!p0 $0x0  }
0x31: {  	[sflag:s1] =	ssyncadd.s32 @!p0 $0xFFFFC180  }
0x32: {  	s15 =	simm.s32 $0x0;
	[bflag:$0x0] =	sbarrier.arrive $0xFFFF  }
0x33: {  	s18 =	simm.s32 $0x13880;
	s19 =	simm.s32 $0x6;
	s16 =	rddreg [dreg:$0x7]  }
0x34: {  	[tilespmem:s18], [sflag:$0x6] =	stream.linear.gather [hbm4b:s16+s15], $0x7D0, $0x38;
	[tilespmem:$0x1DD80] =	vst v63  }
0x35: {  	_ =	swait.ge [sflag:s19], $0x7D0  }
0x36: {  	[sflag:s19] =	ssyncset.done $0x0  }
0x37: {  	s23 =	simm.s32 $0x14050;
	s22 =	rddreg [dreg:$0x8];
	[sflag:s19] =	ssyncadd.s32 $0xFFFFF830  }
0x38: {  	[tilespmem:s23], [sflag:$0x6] =	stream.linear.gather [hbm4b:s22+s15], $0x7D0, $0x38;
	[tilespmem:$0x1DD80] =	vst v63  }
0x39: {  	_ =	swait.ge [sflag:s19], $0x7D0  }
0x3a: {  	[sflag:s19] =	ssyncset.done $0x0  }
0x3b: {  	s24 =	rddreg [dreg:$0x9];
	[sflag:s19] =	ssyncadd.s32 $0xFFFFF830  }
0x3c: {  	[tilespmem:s20], [sflag:$0x6] =	stream.linear.gather [hbm4b:s24+s15], $0x7D0, $0x38;
	[tilespmem:$0x1DD80] =	vst v63  }
0x3d: {  	_ =	swait.ge [sflag:s19], $0x7D0  }
0x3e: {  	[sflag:s19] =	ssyncset.done $0x0  }
0x3f: {  	[sflag:s19] =	ssyncadd.s32 $0xFFFFF830  }
0x40: {  	v0 =	vld [tilespmem:$0x13880]  }
0x41: {  	v1 =	vld [tilespmem:$0x13890]  }
0x42: {  	v2 =	vld [tilespmem:$0x138A0]  }
0x43: {  	v3 =	vld [tilespmem:$0x138B0]  }
0x44: {  	v4 =	vld [tilespmem:$0x138C0]  }
0x45: {  	[tilespmem:$0x14FF0] =	vst v0  }
0x46: {  	[tilespmem:$0x15000] =	vst v1  }
0x47: {  	[tilespmem:$0x15010] =	vst v2  }
0x48: {  	[tilespmem:$0x15020] =	vst v3  }
0x49: {  	s26 =	simm.s32 $0x14FF0;
	s29 =	simm.s32 $0x15180;
	s25 =	rddreg [dreg:$0x0];
	[tilespmem:$0x15030] =	vst v4  }
0x4a: {  	[tilespmem:s29], [sflag:$0x1] =	stream.indirect.gather [hbm4b:s25+s21], $0x40, s26, s21, $0xb8;
	[tilespmem:$0x1DD80] =	vst v63  }
0x4b: {  	v59 =	vld [tilespmem:$0x138D0]  }
0x4c: {  	v60 =	vld [tilespmem:$0x138E0]  }
0x4d: {  	v61 =	vld [tilespmem:$0x138F0]  }
0x4e: {  	v62 =	vld [tilespmem:$0x13900]  }
0x4f: {  	v63 =	vld [tilespmem:$0x13910]  }
0x50: {  	[tilespmem:$0x15040] =	vst v59  }
.Ltmp2:
0x51: {  	[tilespmem:$0x15050] =	vst v60;
	(pc) =	sbr.rel .LBB2_2-.Ltmp2, $4  }
0x52: {  	[tilespmem:$0x15060] =	vst v61  }
0x53: {  	s30 =	simm.s32 $0x15040;
	[tilespmem:$0x15070] =	vst v62  }
0x54: {  	s31 =	simm.s32 $0x16580;
	s13 =	simm.s32 $0x0;
	s14 =	simm.s32 $0x0;
	[tilespmem:$0x15080] =	vst v63  }
0x55: {  	[tilespmem:s31], [sflag:$0x2] =	stream.indirect.gather [hbm4b:s25+s21], $0x40, s30, s21, $0xb8;
	[tilespmem:$0x1DD80] =	vst v63  }
.LBB2_35:
0x56: {  	s14 =	sadd.s32 $0x1, s14  }
0x57: {  	p1 =	sne.s32 s14, $0x7D  }
.Ltmp3:
0x58: {  	_ = 	snop;
	(pc) =	sbr.rel @!p1 .LBB2_36-.Ltmp3, $2  }
0x59: {  	_ =	sdelay $0x2  }
0x5a: {  	s13 =	sadd.s32 $0x50, s13  }
.LBB2_2:
0x5b: {  	s1 =	sadd.s32 $0x2, s14  }
0x5c: {  	s2 =	sand.u32 $0xFF, s1  }
0x5d: {  	s6 =	smul.u32 $0xAB, s2;
	_ =	sdelay $0x1  }
0x5e: {  	s6 =	sshrl.u32 s6, $0x9  }
0x5f: {  	s6 =	smul.u32 $0x3, s6;
	_ =	sdelay $0x1  }
0x60: {  	p1 =	sgt.u32 s14, $0x7A;
	s6 =	ssub.s32 s1, s6  }
0x61: {  	s6 =	sand.u32 @!p1 $0xFF, s6  }
0x62: {  	p2 =	sne.s32 @!p1 s6, $0x0  }
0x63: {  	p2 =	por p1, p2  }
.Ltmp4:
0x64: {  	_ = 	snop;
	(pc) =	sbr.rel @p2 .LBB2_4-.Ltmp4, $1  }
0x65: {  	_ =	sdelay $0x3  }
0x66: {  	s2 =	smul.u32 $0x29, s2;
	_ =	sdelay $0x1  }
0x67: {  	s2 =	sshrl.u32 s2, $0xA  }
0x68: {  	s2 =	smul.u32 $0x19, s2;
	_ =	sdelay $0x1  }
0x69: {  	s1 =	ssub.s32 s1, s2  }
0x6a: {  	s1 =	sand.u32 $0xFF, s1  }
0x6b: {  	s1 =	smul.u32 $0x140, s1;
	_ =	sdelay $0x1  }
0x6c: {  	s1 =	sshrl.u32 s1, $0x2  }
0x6d: {  	v0 =	vld [tilespmem:s1+$0x13880];
	_ =	sdelay $0x4  }
0x6e: {  	[tilespmem:$0x14FF0] =	vst v0  }
0x6f: {  	v0 =	vld [tilespmem:s1+$0x13890];
	_ =	sdelay $0x4  }
0x70: {  	[tilespmem:$0x15000] =	vst v0  }
0x71: {  	v0 =	vld [tilespmem:s1+$0x138A0];
	_ =	sdelay $0x4  }
0x72: {  	[tilespmem:$0x15010] =	vst v0  }
0x73: {  	v0 =	vld [tilespmem:s1+$0x138B0];
	_ =	sdelay $0x4  }
0x74: {  	[tilespmem:$0x15020] =	vst v0  }
0x75: {  	v0 =	vld [tilespmem:s1+$0x138C0];
	_ =	sdelay $0x1  }
.Ltmp5:
0x76: {  	_ = 	snop;
	(pc) =	sbr.rel .LBB2_7-.Ltmp5, $3  }
0x77: {  	_ =	sdelay $0x1  }
0x78: {  	s0 =	rddreg [dreg:$0x0];
	s30 =	simm.s32 $0x14FF0;
	s31 =	simm.s32 $0x15180;
	[tilespmem:$0x15030] =	vst v0  }
0x79: {  	[tilespmem:s31], [sflag:$0x1] =	stream.indirect.gather [hbm4b:s0+s21], $0x40, s30, s21, $0xb8;
	[tilespmem:$0x1DD80] =	vst v63  }
.LBB2_4:
0x7a: {  	p2 =	sne.s32 @!p1 s6, $0x1  }
0x7b: {  	p2 =	por p1, p2  }
.Ltmp6:
0x7c: {  	_ = 	snop;
	(pc) =	sbr.rel @p2 .LBB2_6-.Ltmp6, $1  }
0x7d: {  	_ =	sdelay $0x3  }
0x7e: {  	s2 =	smul.u32 $0x29, s2;
	_ =	sdelay $0x1  }
0x7f: {  	s2 =	sshrl.u32 s2, $0xA  }
0x80: {  	s2 =	smul.u32 $0x19, s2;
	_ =	sdelay $0x1  }
0x81: {  	s1 =	ssub.s32 s1, s2  }
0x82: {  	s1 =	sand.u32 $0xFF, s1  }
0x83: {  	s1 =	smul.u32 $0x140, s1;
	_ =	sdelay $0x1  }
0x84: {  	s1 =	sshrl.u32 s1, $0x2  }
0x85: {  	v0 =	vld [tilespmem:s1+$0x13880];
	_ =	sdelay $0x4  }
0x86: {  	[tilespmem:$0x15040] =	vst v0  }
0x87: {  	v0 =	vld [tilespmem:s1+$0x13890];
	_ =	sdelay $0x4  }
0x88: {  	[tilespmem:$0x15050] =	vst v0  }
0x89: {  	v0 =	vld [tilespmem:s1+$0x138A0];
	_ =	sdelay $0x4  }
0x8a: {  	[tilespmem:$0x15060] =	vst v0  }
0x8b: {  	v0 =	vld [tilespmem:s1+$0x138B0];
	_ =	sdelay $0x4  }
0x8c: {  	[tilespmem:$0x15070] =	vst v0  }
0x8d: {  	v0 =	vld [tilespmem:s1+$0x138C0];
	_ =	sdelay $0x1  }
.Ltmp7:
0x8e: {  	_ = 	snop;
	(pc) =	sbr.rel .LBB2_7-.Ltmp7, $3  }
0x8f: {  	_ =	sdelay $0x1  }
0x90: {  	s0 =	rddreg [dreg:$0x0];
	s30 =	simm.s32 $0x15040;
	s31 =	simm.s32 $0x16580;
	[tilespmem:$0x15080] =	vst v0  }
0x91: {  	[tilespmem:s31], [sflag:$0x2] =	stream.indirect.gather [hbm4b:s0+s21], $0x40, s30, s21, $0xb8;
	[tilespmem:$0x1DD80] =	vst v63  }
.LBB2_6:
0x92: {  	p2 =	sne.s32 @!p1 s6, $0x2  }
0x93: {  	p1 =	por p2, p1  }
0x94: {  	s2 =	sand.u32 @!p1 $0xFF, s1  }
0x95: {  	s2 =	smul.u32 @!p1 $0x29, s2;
	_ =	sdelay $0x1  }
0x96: {  	s2 =	sshrl.u32 @!p1 s2, $0xA  }
0x97: {  	s2 =	smul.u32 @!p1 $0x19, s2;
	_ =	sdelay $0x1  }
0x98: {  	s1 =	ssub.s32 @!p1 s1, s2  }
0x99: {  	s1 =	sand.u32 @!p1 $0xFF, s1  }
0x9a: {  	s1 =	smul.u32 @!p1 $0x140, s1;
	_ =	sdelay $0x1  }
0x9b: {  	s1 =	sshrl.u32 @!p1 s1, $0x2  }
0x9c: {  	v0 =	vld @!p1 [tilespmem:s1+$0x13880];
	_ =	sdelay $0x4  }
0x9d: {  	[tilespmem:$0x15090] =	vst @!p1 v0  }
0x9e: {  	v0 =	vld @!p1 [tilespmem:s1+$0x13890];
	_ =	sdelay $0x4  }
0x9f: {  	[tilespmem:$0x150A0] =	vst @!p1 v0  }
0xa0: {  	v0 =	vld @!p1 [tilespmem:s1+$0x138A0];
	_ =	sdelay $0x4  }
0xa1: {  	[tilespmem:$0x150B0] =	vst @!p1 v0  }
0xa2: {  	v0 =	vld @!p1 [tilespmem:s1+$0x138B0];
	_ =	sdelay $0x4  }
0xa3: {  	[tilespmem:$0x150C0] =	vst @!p1 v0  }
0xa4: {  	v0 =	vld @!p1 [tilespmem:s1+$0x138C0];
	_ =	sdelay $0x3  }
0xa5: {  	s0 =	rddreg [dreg:$0x0]  }
0xa6: {  	s6 =	simm.s32 @!p1 $0x17980;
	s2 =	simm.s32 @!p1 $0x15090;
	s1 =	simm.s32 @!p1 $0x50;
	[tilespmem:$0x150D0] =	vst @!p1 v0  }
0xa7: {  	[tilespmem:s6], [sflag:$0x3] =	stream.indirect.gather @!p1 [hbm4b:s0+s1], $0x40, s2, s1, $0xb8;
	[tilespmem:$0x1DD80] =	vst v63  }
.LBB2_7:
0xa8: {  	s1 =	sand.u32 $0xFF, s14  }
0xa9: {  	s2 =	smul.u32 $0x29, s1;
	_ =	sdelay $0x1  }
0xaa: {  	s16 =	sshrl.u32 s2, $0xA  }
0xab: {  	s2 =	smul.u32 $0x19, s16;
	_ =	sdelay $0x1  }
0xac: {  	p1 =	sgt.u32 s14, $0x63;
	s2 =	ssub.s32 s14, s2  }
0xad: {  	s25 =	sand.u32 @!p1 $0xFF, s2  }
0xae: {  	p2 =	sne.s32 @!p1 s25, $0x16  }
0xaf: {  	s1 =	smul.u32 $0xAB, s1;
	p2 =	por p2, p1  }
0xb0: {  	s11 =	sadd.s32 @!p2 s16, s12  }
0xb1: {  	s1 =	sshrl.u32 s1, $0x9;
	s11 =	smul.u32 @!p2 $0x7D0, s11  }
0xb2: {  	s1 =	smul.u32 $0x3, s1  }
0xb3: {  	s0 =	rddreg [dreg:$0x1];
	s11 =	sshrl.u32 @!p2 s11, $0x3  }
0xb4: {  	s18 =	ssub.s32 s14, s1;
	s1 =	sadd.s32 @!p2 s0, s11  }
0xb5: {  	s15 =	simm.s32 @!p2 $0x13880;
	s11 =	simm.s32 @!p2 $0x0;
	s1 =	sadd.s32 @!p2 $0xFA, s1  }
0xb6: {  	[tilespmem:s15], [sflag:$0x7] =	stream.linear.gather @!p2 [hbm4b:s1+s11], $0x7D0, $0x38;
	[tilespmem:$0x1DD80] =	vst v63  }
0xb7: {  	s26 =	sand.u32 $0xFF, s18;
	s11 =	sand.u32 $0x1, s14  }
0xb8: {  	s31 =	sor.u32 s26, s11  }
0xb9: {  	s6 =	smulhi.u32 $0x51EB851F, s14;
	p3 =	sne.s32 s31, $0x0  }
.Ltmp8:
0xba: {  	_ = 	snop;
	(pc) =	sbr.rel @p3 .LBB2_11-.Ltmp8, $4  }
0xbb: {  	s6 =	sshrl.u32 s6, $0x3;
	s1 =	simm.s32 @!p2 $0x7  }
0xbc: {  	s6 =	smul.u32 $0x7D0, s6;
	_ =	swait.ge @!p2 [sflag:s1], $0x7D0  }
0xbd: {  	[sflag:s1] =	ssyncset.done @!p2 $0x0  }
0xbe: {  	s24 =	sand.u32 $0xFF, s2;
	s15 =	ssub.s32 s13, s6;
	[sflag:s1] =	ssyncadd.s32 @!p2 $0xFFFFF830  }
0xbf: {  	s1 =	sadd.s32 $0xFFFFFFFE, s15  }
0xc0: {  	p2 =	slt.u32 s14, $0x2;
	s2 =	sadd.s32 $0x2, s1  }
0xc1: {  	s6 =	simm.s32 @!p2 $0x4;
	v0 =	vmov s2  }
0xc2: {  	_ =	swait.ge @!p2 [sflag:s6], $0x2800;
	v0 =	vand.u32 $0xFFFFFFFE, v0  }
0xc3: {  	[sflag:s6] =	ssyncset.done @!p2 $0x0;
	v0 =	vbroadcast v0, $0x0  }
0xc4: {  	[sflag:s6] =	ssyncadd.s32 @!p2 $0xFFFFD800  }
0xc5: {  	_ =	swait.ge [sflag:s28], $0x1400  }
0xc6: {  	s31 =	sadd.s32 $0x3, s1;
	[sflag:s28] =	ssyncset.done $0x0  }
0xc7: {  	s0 =	simm.s32 $0x151C0;
	v1 =	vmov s31;
	[sflag:s28] =	ssyncadd.s32 $0xFFFFEC00  }
0xc8: {  	v2 =	vld [tilespmem:s0+$0xFFFFFFC0]  }
0xc9: {  	v10 =	vld.idx.msk [tilespmem:v0+s20+$0x0], $0xffff;
	_ =	sdelay $0x1  }
0xca: {  	v3 =	vld [tilespmem:s0+$0x0]  }
0xcb: {  	v0 =	vld.idx.msk [tilespmem:v1+s20+$0x0], $0xffff  }
0xcc: {  	v1 =	vunpack.i.l.bf16.f32 v2  }
0xcd: {  	s22 =	sadd.s32 $0x0, s15;
	v2 =	vunpack.i.u.bf16.f32 v2;
	v1 =	vmul.f32 v1, v10  }
0xce: {  	s19 =	simm.s32 $0x18E00;
	s23 =	sadd.s32 $0x2, s22;
	v2 =	vmul.f32 v2, v10  }
0xcf: {  	v5 =	vmov s23;
	v4 =	vunpack.i.l.bf16.f32 v3;
	[tilespmem:s19+$0xFFFFFF80] =	vst v1  }
0xd0: {  	v1 =	vunpack.i.u.bf16.f32 v3;
	v3 =	vmul.f32 v4, v0;
	v4 =	vand.u32 $0xFFFFFFFE, v5;
	[tilespmem:s19+$0xFFFFFF90] =	vst v2  }
0xd1: {  	v1 =	vmul.f32 v1, v0;
	v2 =	vbroadcast v4, $0x0;
	v4 =	vld [tilespmem:s0+$0xFFFFFFD0]  }
0xd2: {  	[tilespmem:s19+$0x0] =	vst v3  }
0xd3: {  	s2 =	sadd.s32 $0x3, s22;
	[tilespmem:s19+$0x10] =	vst v1  }
0xd4: {  	v3 =	vmov s2;
	v5 =	vld [tilespmem:s0+$0x10]  }
0xd5: {  	s22 =	simm.s32 $0x15240  }
0xd6: {  	v6 =	vld [tilespmem:s22+$0xFFFFFFC0];
	v7 =	vunpack.i.l.bf16.f32 v4  }
0xd7: {  	v1 =	vld.idx.msk [tilespmem:v2+s20+$0x0], $0xffff;
	v2 =	vunpack.i.u.bf16.f32 v4;
	v4 =	vmul.f32 v7, v10  }
0xd8: {  	v7 =	vld [tilespmem:s22+$0x0];
	v8 =	vmul.f32 v2, v10  }
0xd9: {  	v2 =	vld.idx.msk [tilespmem:v3+s20+$0x0], $0xffff;
	v3 =	vunpack.i.l.bf16.f32 v5;
	[tilespmem:s19+$0xFFFFFFA0] =	vst v4  }
0xda: {  	v4 =	vunpack.i.u.bf16.f32 v5;
	v3 =	vmul.f32 v3, v0;
	[tilespmem:s19+$0xFFFFFFB0] =	vst v8  }
0xdb: {  	v4 =	vmul.f32 v4, v0;
	v8 =	vunpack.i.l.bf16.f32 v6;
	v5 =	vld [tilespmem:s0+$0xFFFFFFE0]  }
0xdc: {  	[tilespmem:s19+$0x20] =	vst v3;
	v3 =	vunpack.i.u.bf16.f32 v6;
	v6 =	vmul.f32 v8, v1  }
0xdd: {  	s31 =	sadd.s32 $0x2, s15;
	s6 =	simm.s32 $0x18F00;
	[tilespmem:s19+$0x30] =	vst v4;
	v4 =	vunpack.i.l.bf16.f32 v7;
	v3 =	vmul.f32 v3, v1  }
0xde: {  	s23 =	sadd.s32 $0x2, s31;
	v7 =	vunpack.i.u.bf16.f32 v7;
	v8 =	vld [tilespmem:s0+$0x20];
	v4 =	vmul.f32 v4, v2;
	[tilespmem:s6+$0xFFFFFF80] =	vst v6  }
0xdf: {  	v6 =	vmul.f32 v7, v2;
	[tilespmem:s6+$0xFFFFFF90] =	vst v3;
	v3 =	vmov s23  }
0xe0: {  	s2 =	sadd.s32 $0x3, s31;
	[tilespmem:s6+$0x0] =	vst v4;
	v7 =	vunpack.i.l.bf16.f32 v5;
	v9 =	vld [tilespmem:s22+$0xFFFFFFD0];
	v3 =	vand.u32 $0xFFFFFFFE, v3;
	v4 =	vunpack.i.u.bf16.f32 v5  }
0xe1: {  	[tilespmem:s6+$0x10] =	vst v6;
	v6 =	vmov s2;
	v5 =	vmul.f32 v7, v10;
	v11 =	vbroadcast v3, $0x0  }
0xe2: {  	v3 =	vmul.f32 v4, v10  }
0xe3: {  	s29 =	simm.s32 $0x152C0;
	v12 =	vld [tilespmem:s22+$0x10];
	v4 =	vunpack.i.l.bf16.f32 v8;
	[tilespmem:s19+$0xFFFFFFC0] =	vst v5  }
0xe4: {  	v7 =	vld [tilespmem:s29+$0xFFFFFFC0];
	v5 =	vunpack.i.u.bf16.f32 v8;
	v4 =	vmul.f32 v4, v0;
	[tilespmem:s19+$0xFFFFFFD0] =	vst v3  }
0xe5: {  	v5 =	vmul.f32 v5, v0;
	v13 =	vld [tilespmem:s0+$0xFFFFFFF0];
	v3 =	vunpack.i.l.bf16.f32 v9  }
0xe6: {  	[tilespmem:s19+$0x40] =	vst v4;
	v4 =	vunpack.i.u.bf16.f32 v9;
	v8 =	vmul.f32 v3, v1;
	v3 =	vld.idx.msk [tilespmem:v6+s20+$0x0], $0xffff  }
0xe7: {  	[tilespmem:s19+$0x50] =	vst v5;
	v5 =	vmul.f32 v4, v1;
	v4 =	vld.idx.msk [tilespmem:v11+s20+$0x0], $0xffff  }
0xe8: {  	v6 =	vunpack.i.l.bf16.f32 v12;
	[tilespmem:s6+$0xFFFFFFA0] =	vst v8;
	v8 =	vld [tilespmem:s29+$0x0]  }
0xe9: {  	v9 =	vunpack.i.u.bf16.f32 v12;
	v6 =	vmul.f32 v6, v2  }
0xea: {  	v12 =	vmul.f32 v9, v2;
	[tilespmem:s6+$0xFFFFFFB0] =	vst v5;
	v5 =	vld [tilespmem:s0+$0x30];
	v11 =	vunpack.i.u.bf16.f32 v13;
	v9 =	vunpack.i.l.bf16.f32 v13  }
0xeb: {  	s30 =	simm.s32 $0x4;
	[tilespmem:s6+$0x20] =	vst v6;
	v6 =	vld [tilespmem:s22+$0xFFFFFFE0];
	v9 =	vmul.f32 v9, v10;
	v10 =	vmul.f32 v11, v10  }
0xec: {  	s1 =	simm.s32 $0x152C0;
	s23 =	smul.u32 $0x50, s24;
	s2 =	simm.s32 $0x18F00;
	[tilespmem:s6+$0x30] =	vst v12;
	v11 =	vunpack.i.l.bf16.f32 v7  }
.LBB2_9:
0xed: {  	s31 =	sadd.s32 s30, s15;
	v7 =	vunpack.i.u.bf16.f32 v7;
	v11 =	vmul.f32 v11, v4;
	v12 =	vunpack.i.u.bf16.f32 v8;
	v13 =	vld [tilespmem:s22+$0x20];
	[tilespmem:s19+$0xFFFFFFF0] =	vst v10;
	v14 =	vmovc v4  }
0xee: {  	s6 =	sadd.s32 $0x100, s6;
	s0 =	sadd.s32 $0x2, s31;
	s31 =	sadd.s32 $0x3, s31;
	v4 =	vmul.f32 v7, v14;
	v7 =	vunpack.i.l.bf16.f32 v8;
	v8 =	vmul.f32 v12, v3;
	[tilespmem:s19+$0xFFFFFFE0] =	vst v9  }
0xef: {  	v9 =	vmov s0;
	v10 =	vmov s31;
	[tilespmem:s6+$0xFFFFFF80] =	vst v11;
	v7 =	vmul.f32 v7, v3  }
0xf0: {  	s30 =	sadd.s32 $0x2, s30;
	v11 =	vunpack.i.u.bf16.f32 v5;
	v9 =	vand.u32 $0xFFFFFFFE, v9;
	[tilespmem:s6+$0xFFFFFF90] =	vst v4;
	v4 =	vunpack.i.l.bf16.f32 v6  }
0xf1: {  	p2 =	slt.u32 s30, $0x4E;
	v6 =	vunpack.i.u.bf16.f32 v6;
	v9 =	vbroadcast v9, $0x0;
	v12 =	vld [tilespmem:s29+$0xFFFFFFD0];
	[tilespmem:s6+$0x0] =	vst v7;
	v4 =	vmul.f32 v4, v1  }
0xf2: {  	v6 =	vmul.f32 v6, v1;
	[tilespmem:s6+$0x10] =	vst v8;
	v7 =	vunpack.i.u.bf16.f32 v13;
	v8 =	vunpack.i.l.bf16.f32 v13  }
0xf3: {  	v5 =	vunpack.i.l.bf16.f32 v5;
	v13 =	vld [tilespmem:s29+$0x10];
	[tilespmem:s2+$0xFFFFFFC0] =	vst v4;
	v4 =	vmul.f32 v8, v2;
	v8 =	vmul.f32 v7, v2  }
0xf4: {  	v5 =	vmul.f32 v5, v0;
	v10 =	vld.idx.msk [tilespmem:v10+s20+$0x0], $0xffff;
	[tilespmem:s2+$0xFFFFFFD0] =	vst v6;
	v6 =	vmul.f32 v11, v0;
	v0 =	vmov v2  }
0xf5: {  	s29 =	sadd.s32 $0x80, s29;
	v2 =	vmov v3;
	v11 =	vld [tilespmem:s22+$0xFFFFFFF0];
	[tilespmem:s2+$0x40] =	vst v4  }
0xf6: {  	v7 =	vld [tilespmem:s29+$0xFFFFFFC0];
	v3 =	vunpack.i.l.bf16.f32 v12;
	[tilespmem:s2+$0x50] =	vst v8  }
0xf7: {  	v4 =	vld.idx.msk [tilespmem:v9+s20+$0x0], $0xffff;
	v9 =	vunpack.i.u.bf16.f32 v12;
	v16 =	vmul.f32 v3, v14;
	[tilespmem:s19+$0x60] =	vst v5  }
.Ltmp9:
0xf8: {  	v8 =	vld [tilespmem:s29+$0x0];
	v9 =	vmul.f32 v9, v14;
	v5 =	vunpack.i.u.bf16.f32 v13;
	v12 =	vunpack.i.l.bf16.f32 v13;
	[tilespmem:s19+$0x70] =	vst v6;
	s19 =	smov.u32 s2;
	s2 =	smov.u32 s6;
	(pc) =	sbr.rel @p2 .LBB2_9-.Ltmp9, $4  }
0xf9: {  	[tilespmem:s6+$0xFFFFFFA0] =	vst v16;
	v12 =	vmul.f32 v12, v2;
	v13 =	vmul.f32 v5, v2;
	v5 =	vld [tilespmem:s22+$0x30];
	s22 =	smov.u32 s1;
	s1 =	smov.u32 s29  }
0xfa: {  	v3 =	vmov v10;
	[tilespmem:s6+$0xFFFFFFB0] =	vst v9;
	v15 =	vunpack.i.u.bf16.f32 v11;
	v9 =	vunpack.i.l.bf16.f32 v11  }
0xfb: {  	v6 =	vld [tilespmem:s22+$0xFFFFFFE0];
	[tilespmem:s6+$0x20] =	vst v12;
	v9 =	vmul.f32 v9, v1;
	v10 =	vmul.f32 v15, v1;
	v1 =	vmov v14  }
0xfc: {  	v11 =	vunpack.i.l.bf16.f32 v7;
	[tilespmem:s6+$0x30] =	vst v13  }
0xfd: {  	v7 =	vunpack.i.u.bf16.f32 v7;
	v11 =	vmul.f32 v11, v4  }
0xfe: {  	v12 =	vunpack.i.l.bf16.f32 v8;
	s6 =	sadd.s32 $0x100, s6;
	v7 =	vmul.f32 v7, v4  }
0xff: {  	v29 =	vunpack.i.u.bf16.f32 v8;
	v30 =	vmul.f32 v12, v3;
	[tilespmem:s6+$0xFFFFFF80] =	vst v11  }
0x100: {  	v8 =	vmul.f32 v29, v3;
	[tilespmem:s6+$0xFFFFFF90] =	vst v7  }
0x101: {  	[tilespmem:s6+$0x0] =	vst v30;
	v7 =	vld [tilespmem:s29+$0xFFFFFFD0]  }
0x102: {  	[tilespmem:s6+$0x10] =	vst v8  }
0x103: {  	v8 =	vld [tilespmem:s29+$0x10];
	_ =	sdelay $0x2  }
0x104: {  	v31 =	vunpack.i.l.bf16.f32 v7  }
0x105: {  	v7 =	vunpack.i.u.bf16.f32 v7;
	v11 =	vmul.f32 v31, v4  }
0x106: {  	v32 =	vunpack.i.l.bf16.f32 v8;
	v7 =	vmul.f32 v7, v4  }
0x107: {  	v13 =	vld [tilespmem:s22+$0x20];
	v8 =	vunpack.i.u.bf16.f32 v8;
	v33 =	vmul.f32 v32, v3;
	[tilespmem:s6+$0xFFFFFFA0] =	vst v11  }
0x108: {  	v8 =	vmul.f32 v8, v3;
	[tilespmem:s6+$0xFFFFFFB0] =	vst v7  }
0x109: {  	[tilespmem:s6+$0x20] =	vst v33;
	v7 =	vld [tilespmem:s1+$0xFFFFFFE0]  }
0x10a: {  	v34 =	vunpack.i.l.bf16.f32 v6;
	[tilespmem:s6+$0x30] =	vst v8  }
0x10b: {  	[tilespmem:s19+$0xFFFFFFF0] =	vst v10;
	v35 =	vunpack.i.u.bf16.f32 v6;
	v36 =	vmul.f32 v34, v1;
	v37 =	vld [tilespmem:s1+$0x20]  }
0x10c: {  	[tilespmem:s19+$0xFFFFFFE0] =	vst v9;
	v6 =	vmul.f32 v35, v1;
	v38 =	vunpack.i.l.bf16.f32 v13  }
0x10d: {  	v39 =	vunpack.i.u.bf16.f32 v13;
	[tilespmem:s2+$0xFFFFFFC0] =	vst v36;
	v40 =	vmul.f32 v38, v2  }
0x10e: {  	v41 =	vmul.f32 v39, v2;
	[tilespmem:s2+$0xFFFFFFD0] =	vst v6;
	v42 =	vunpack.i.l.bf16.f32 v7  }
0x10f: {  	v43 =	vld [tilespmem:s22+$0xFFFFFFF0];
	[tilespmem:s2+$0x40] =	vst v40;
	v7 =	vunpack.i.u.bf16.f32 v7;
	v6 =	vmul.f32 v42, v4  }
0x110: {  	[tilespmem:s2+$0x50] =	vst v41;
	v44 =	vunpack.i.l.bf16.f32 v37;
	v7 =	vmul.f32 v7, v4  }
0x111: {  	v9 =	vld [tilespmem:s22+$0x30];
	v10 =	vunpack.i.u.bf16.f32 v37;
	v45 =	vmul.f32 v44, v3;
	[tilespmem:s6+$0xFFFFFFC0] =	vst v6  }
0x112: {  	v46 =	vunpack.i.l.bf16.f32 v5;
	v10 =	vmul.f32 v10, v3;
	[tilespmem:s6+$0xFFFFFFD0] =	vst v7  }
0x113: {  	v47 =	vunpack.i.u.bf16.f32 v5;
	v48 =	vmul.f32 v46, v0;
	[tilespmem:s6+$0x40] =	vst v45;
	v49 =	vld [tilespmem:s1+$0xFFFFFFF0]  }
0x114: {  	v50 =	vmul.f32 v47, v0;
	v51 =	vunpack.i.u.bf16.f32 v43;
	[tilespmem:s6+$0x50] =	vst v10  }
0x115: {  	[tilespmem:s19+$0x60] =	vst v48;
	v52 =	vunpack.i.l.bf16.f32 v43;
	v5 =	vmul.f32 v51, v1;
	v53 =	vld [tilespmem:s1+$0x30]  }
0x116: {  	[tilespmem:s19+$0x70] =	vst v50;
	v54 =	vmul.f32 v52, v1;
	v55 =	vunpack.i.l.bf16.f32 v9  }
0x117: {  	v56 =	vunpack.i.u.bf16.f32 v9;
	[tilespmem:s2+$0xFFFFFFF0] =	vst v5;
	v1 =	vmul.f32 v55, v2  }
0x118: {  	[tilespmem:s2+$0xFFFFFFE0] =	vst v54;
	v57 =	vmul.f32 v56, v2;
	v58 =	vunpack.i.u.bf16.f32 v49  }
0x119: {  	[tilespmem:s2+$0x60] =	vst v1;
	v59 =	vunpack.i.l.bf16.f32 v49;
	v2 =	vmul.f32 v58, v4  }
0x11a: {  	[tilespmem:s2+$0x70] =	vst v57;
	v61 =	vunpack.i.l.bf16.f32 v53;
	v60 =	vmul.f32 v59, v4  }
0x11b: {  	v62 =	vunpack.i.u.bf16.f32 v53;
	v1 =	vmul.f32 v61, v3;
	[tilespmem:s6+$0xFFFFFFF0] =	vst v2  }
0x11c: {  	v63 =	vmul.f32 v62, v3;
	[tilespmem:s6+$0xFFFFFFE0] =	vst v60  }
0x11d: {  	[tilespmem:s6+$0x60] =	vst v1  }
0x11e: {  	[tilespmem:s6+$0x70] =	vst v63  }
0x11f: {  	v0 =	vld [tilespmem:s23+$0x14050];
	_ =	sdelay $0x4  }
0x120: {  	[tilespmem:$0x150E0] =	vst v0  }
0x121: {  	v0 =	vld [tilespmem:s23+$0x14060];
	_ =	sdelay $0x4  }
0x122: {  	[tilespmem:$0x150F0] =	vst v0  }
0x123: {  	v0 =	vld [tilespmem:s23+$0x14070];
	_ =	sdelay $0x4  }
0x124: {  	[tilespmem:$0x15100] =	vst v0  }
0x125: {  	v0 =	vld [tilespmem:s23+$0x14080];
	_ =	sdelay $0x4  }
0x126: {  	p2 =	sne.s32 @!p1 s25, $0x18;
	[tilespmem:$0x15110] =	vst v0  }
0x127: {  	p2 =	por p2, p1;
	v0 =	vld [tilespmem:s23+$0x14090]  }
0x128: {  	s0 =	sadd.s32 @!p2 s16, s12  }
0x129: {  	s0 =	smul.u32 @!p2 $0x7D0, s0;
	_ =	sdelay $0x1  }
0x12a: {  	s0 =	sshrl.u32 @!p2 s0, $0x3  }
0x12b: {  	s30 =	simm.s32 $0x150E0;
	s31 =	simm.s32 $0x18D80;
	s0 =	sadd.s32 @!p2 $0xFA, s0;
	[tilespmem:$0x15120] =	vst v0  }
0x12c: {  	[spmem:s4] =	stream.indirect.scatter.add.f32 [tilespmem:s31], [sflag:$0x4], $0x80, s30, s21, $0xb8;
	[tilespmem:$0x1DD80] =	vst v63  }
0x12d: {  	s2 =	simm.s32 @!p2 $0x0;
	s1 =	sadd.s32 @!p2 s7, s0;
	s6 =	simm.s32 @!p2 $0x14050  }
0x12e: {  	[tilespmem:s6], [sflag:$0x7] =	stream.linear.gather @!p2 [hbm4b:s1+s2], $0x7D0, $0x38;
	[tilespmem:$0x1DD80] =	vst v63  }
0x12f: {  	s1 =	simm.s32 @!p2 $0x7  }
0x130: {  	_ =	swait.ge @!p2 [sflag:s1], $0x7D0  }
0x131: {  	[sflag:s1] =	ssyncset.done @!p2 $0x0  }
0x132: {  	s0 =	sadd.s32 @!p2 s3, s0;
	s6 =	simm.s32 @!p2 $0x14820;
	[sflag:s1] =	ssyncadd.s32 @!p2 $0xFFFFF830  }
0x133: {  	[tilespmem:s6], [sflag:$0x7] =	stream.linear.gather @!p2 [hbm4b:s0+s2], $0x7D0, $0x38;
	[tilespmem:$0x1DD80] =	vst v63  }
0x134: {  	_ =	swait.ge @!p2 [sflag:s1], $0x7D0  }
0x135: {  	[sflag:s1] =	ssyncset.done @!p2 $0x0  }
0x136: {  	[sflag:s1] =	ssyncadd.s32 @!p2 $0xFFFFF830  }
.LBB2_11:
0x137: {  	p3 =	seq.s32 s26, $0x0;
	p2 =	seq.s32 s11, $0x1  }
0x138: {  	p3 =	por !p3, !p2  }
0x139: {  	p3 =	por !p3, !p3  }
.Ltmp10:
0x13a: {  	_ = 	snop;
	(pc) =	sbr.rel @!p3 .LBB2_16-.Ltmp10, $1  }
0x13b: {  	_ =	sdelay $0x3  }
0x13c: {  	s0 =	sadd.s32 $0xFFFFFFFE, s15  }
0x13d: {  	p4 =	slt.u32 s14, $0x2;
	s1 =	sadd.s32 $0x2, s0  }
0x13e: {  	s2 =	simm.s32 @!p4 $0x5;
	v0 =	vmov s1  }
0x13f: {  	_ =	swait.ge @!p4 [sflag:s2], $0x2800;
	v0 =	vand.u32 $0xFFFFFFFE, v0  }
0x140: {  	[sflag:s2] =	ssyncset.done @!p4 $0x0;
	v0 =	vbroadcast v0, $0x0  }
0x141: {  	[sflag:s2] =	ssyncadd.s32 @!p4 $0xFFFFD800  }
0x142: {  	_ =	swait.ge [sflag:s28], $0x1400  }
0x143: {  	s0 =	sadd.s32 $0x3, s0;
	[sflag:s28] =	ssyncset.done $0x0  }
0x144: {  	s1 =	simm.s32 $0x151C0;
	v1 =	vmov s0;
	[sflag:s28] =	ssyncadd.s32 $0xFFFFEC00  }
0x145: {  	v2 =	vld [tilespmem:s1+$0xFFFFFFC0]  }
0x146: {  	v10 =	vld.idx.msk [tilespmem:v0+s20+$0x0], $0xffff;
	_ =	sdelay $0x1  }
0x147: {  	v3 =	vld [tilespmem:s1+$0x0]  }
0x148: {  	v0 =	vld.idx.msk [tilespmem:v1+s20+$0x0], $0xffff  }
0x149: {  	v1 =	vunpack.i.l.bf16.f32 v2  }
0x14a: {  	s6 =	sadd.s32 $0x0, s15;
	v2 =	vunpack.i.u.bf16.f32 v2;
	v1 =	vmul.f32 v1, v10  }
0x14b: {  	s19 =	simm.s32 $0x1B600;
	s22 =	sadd.s32 $0x2, s6;
	v2 =	vmul.f32 v2, v10  }
0x14c: {  	v5 =	vmov s22;
	v4 =	vunpack.i.l.bf16.f32 v3;
	[tilespmem:s19+$0xFFFFFF80] =	vst v1  }
0x14d: {  	v1 =	vunpack.i.u.bf16.f32 v3;
	v3 =	vmul.f32 v4, v0;
	v4 =	vand.u32 $0xFFFFFFFE, v5;
	[tilespmem:s19+$0xFFFFFF90] =	vst v2  }
0x14e: {  	v1 =	vmul.f32 v1, v0;
	v2 =	vbroadcast v4, $0x0;
	v4 =	vld [tilespmem:s1+$0xFFFFFFD0]  }
0x14f: {  	[tilespmem:s19+$0x0] =	vst v3  }
0x150: {  	s0 =	sadd.s32 $0x3, s6;
	[tilespmem:s19+$0x10] =	vst v1  }
0x151: {  	v3 =	vmov s0;
	v5 =	vld [tilespmem:s1+$0x10]  }
0x152: {  	s22 =	simm.s32 $0x15240  }
0x153: {  	v6 =	vld [tilespmem:s22+$0xFFFFFFC0];
	v7 =	vunpack.i.l.bf16.f32 v4  }
0x154: {  	v1 =	vld.idx.msk [tilespmem:v2+s20+$0x0], $0xffff;
	v2 =	vunpack.i.u.bf16.f32 v4;
	v4 =	vmul.f32 v7, v10  }
0x155: {  	v7 =	vld [tilespmem:s22+$0x0];
	v8 =	vmul.f32 v2, v10  }
0x156: {  	v2 =	vld.idx.msk [tilespmem:v3+s20+$0x0], $0xffff;
	v3 =	vunpack.i.l.bf16.f32 v5;
	[tilespmem:s19+$0xFFFFFFA0] =	vst v4  }
0x157: {  	v4 =	vunpack.i.u.bf16.f32 v5;
	v3 =	vmul.f32 v3, v0;
	[tilespmem:s19+$0xFFFFFFB0] =	vst v8  }
0x158: {  	v4 =	vmul.f32 v4, v0;
	v8 =	vunpack.i.l.bf16.f32 v6;
	v5 =	vld [tilespmem:s1+$0xFFFFFFE0]  }
0x159: {  	[tilespmem:s19+$0x20] =	vst v3;
	v3 =	vunpack.i.u.bf16.f32 v6;
	v6 =	vmul.f32 v8, v1  }
0x15a: {  	s23 =	sadd.s32 $0x2, s15;
	s6 =	simm.s32 $0x1B700;
	[tilespmem:s19+$0x30] =	vst v4;
	v4 =	vunpack.i.l.bf16.f32 v7;
	v3 =	vmul.f32 v3, v1  }
0x15b: {  	s31 =	sadd.s32 $0x2, s23;
	v7 =	vunpack.i.u.bf16.f32 v7;
	v8 =	vld [tilespmem:s1+$0x20];
	v4 =	vmul.f32 v4, v2;
	[tilespmem:s6+$0xFFFFFF80] =	vst v6  }
0x15c: {  	v6 =	vmul.f32 v7, v2;
	[tilespmem:s6+$0xFFFFFF90] =	vst v3;
	v3 =	vmov s31  }
0x15d: {  	s0 =	sadd.s32 $0x3, s23;
	[tilespmem:s6+$0x0] =	vst v4;
	v7 =	vunpack.i.l.bf16.f32 v5;
	v9 =	vld [tilespmem:s22+$0xFFFFFFD0];
	v3 =	vand.u32 $0xFFFFFFFE, v3;
	v4 =	vunpack.i.u.bf16.f32 v5  }
0x15e: {  	[tilespmem:s6+$0x10] =	vst v6;
	v6 =	vmov s0;
	v5 =	vmul.f32 v7, v10;
	v11 =	vbroadcast v3, $0x0  }
0x15f: {  	v3 =	vmul.f32 v4, v10  }
0x160: {  	s29 =	simm.s32 $0x152C0;
	v12 =	vld [tilespmem:s22+$0x10];
	v4 =	vunpack.i.l.bf16.f32 v8;
	[tilespmem:s19+$0xFFFFFFC0] =	vst v5  }
0x161: {  	v7 =	vld [tilespmem:s29+$0xFFFFFFC0];
	v5 =	vunpack.i.u.bf16.f32 v8;
	v4 =	vmul.f32 v4, v0;
	[tilespmem:s19+$0xFFFFFFD0] =	vst v3  }
0x162: {  	v5 =	vmul.f32 v5, v0;
	v13 =	vld [tilespmem:s1+$0xFFFFFFF0];
	v3 =	vunpack.i.l.bf16.f32 v9  }
0x163: {  	[tilespmem:s19+$0x40] =	vst v4;
	v4 =	vunpack.i.u.bf16.f32 v9;
	v8 =	vmul.f32 v3, v1;
	v3 =	vld.idx.msk [tilespmem:v6+s20+$0x0], $0xffff  }
0x164: {  	[tilespmem:s19+$0x50] =	vst v5;
	v5 =	vmul.f32 v4, v1;
	v4 =	vld.idx.msk [tilespmem:v11+s20+$0x0], $0xffff  }
0x165: {  	v6 =	vunpack.i.l.bf16.f32 v12;
	[tilespmem:s6+$0xFFFFFFA0] =	vst v8;
	v8 =	vld [tilespmem:s29+$0x0]  }
0x166: {  	v9 =	vunpack.i.u.bf16.f32 v12;
	v6 =	vmul.f32 v6, v2  }
0x167: {  	v12 =	vmul.f32 v9, v2;
	[tilespmem:s6+$0xFFFFFFB0] =	vst v5;
	v5 =	vld [tilespmem:s1+$0x30];
	v11 =	vunpack.i.u.bf16.f32 v13;
	v9 =	vunpack.i.l.bf16.f32 v13  }
0x168: {  	s30 =	simm.s32 $0x4;
	[tilespmem:s6+$0x20] =	vst v6;
	v6 =	vld [tilespmem:s22+$0xFFFFFFE0];
	v9 =	vmul.f32 v9, v10;
	v10 =	vmul.f32 v11, v10  }
0x169: {  	s2 =	simm.s32 $0x1B700;
	s23 =	smul.u32 $0x50, s24;
	s1 =	simm.s32 $0x152C0;
	[tilespmem:s6+$0x30] =	vst v12;
	v11 =	vunpack.i.l.bf16.f32 v7  }
.LBB2_13:
0x16a: {  	s0 =	sadd.s32 s30, s15;
	v7 =	vunpack.i.u.bf16.f32 v7;
	v11 =	vmul.f32 v11, v4;
	v12 =	vunpack.i.u.bf16.f32 v8;
	v13 =	vld [tilespmem:s22+$0x20];
	[tilespmem:s19+$0xFFFFFFF0] =	vst v10;
	v14 =	vmovc v4  }
0x16b: {  	s6 =	sadd.s32 $0x100, s6;
	s31 =	sadd.s32 $0x2, s0;
	s0 =	sadd.s32 $0x3, s0;
	v4 =	vmul.f32 v7, v14;
	v7 =	vunpack.i.l.bf16.f32 v8;
	v8 =	vmul.f32 v12, v3;
	[tilespmem:s19+$0xFFFFFFE0] =	vst v9  }
0x16c: {  	v9 =	vmov s31;
	v10 =	vmov s0;
	[tilespmem:s6+$0xFFFFFF80] =	vst v11;
	v7 =	vmul.f32 v7, v3  }
0x16d: {  	s30 =	sadd.s32 $0x2, s30;
	v11 =	vunpack.i.u.bf16.f32 v5;
	v9 =	vand.u32 $0xFFFFFFFE, v9;
	[tilespmem:s6+$0xFFFFFF90] =	vst v4;
	v4 =	vunpack.i.l.bf16.f32 v6  }
0x16e: {  	p4 =	slt.u32 s30, $0x4E;
	v6 =	vunpack.i.u.bf16.f32 v6;
	v9 =	vbroadcast v9, $0x0;
	v12 =	vld [tilespmem:s29+$0xFFFFFFD0];
	[tilespmem:s6+$0x0] =	vst v7;
	v4 =	vmul.f32 v4, v1  }
0x16f: {  	v6 =	vmul.f32 v6, v1;
	[tilespmem:s6+$0x10] =	vst v8;
	v7 =	vunpack.i.u.bf16.f32 v13;
	v8 =	vunpack.i.l.bf16.f32 v13  }
0x170: {  	v5 =	vunpack.i.l.bf16.f32 v5;
	v13 =	vld [tilespmem:s29+$0x10];
	[tilespmem:s2+$0xFFFFFFC0] =	vst v4;
	v4 =	vmul.f32 v8, v2;
	v8 =	vmul.f32 v7, v2  }
0x171: {  	v5 =	vmul.f32 v5, v0;
	v10 =	vld.idx.msk [tilespmem:v10+s20+$0x0], $0xffff;
	[tilespmem:s2+$0xFFFFFFD0] =	vst v6;
	v6 =	vmul.f32 v11, v0;
	v0 =	vmov v2  }
0x172: {  	s29 =	sadd.s32 $0x80, s29;
	v2 =	vmov v3;
	v11 =	vld [tilespmem:s22+$0xFFFFFFF0];
	[tilespmem:s2+$0x40] =	vst v4  }
0x173: {  	v7 =	vld [tilespmem:s29+$0xFFFFFFC0];
	v3 =	vunpack.i.l.bf16.f32 v12;
	[tilespmem:s2+$0x50] =	vst v8  }
0x174: {  	v4 =	vld.idx.msk [tilespmem:v9+s20+$0x0], $0xffff;
	v9 =	vunpack.i.u.bf16.f32 v12;
	v16 =	vmul.f32 v3, v14;
	[tilespmem:s19+$0x60] =	vst v5  }
.Ltmp11:
0x175: {  	v8 =	vld [tilespmem:s29+$0x0];
	v9 =	vmul.f32 v9, v14;
	v5 =	vunpack.i.u.bf16.f32 v13;
	v12 =	vunpack.i.l.bf16.f32 v13;
	[tilespmem:s19+$0x70] =	vst v6;
	s19 =	smov.u32 s2;
	s2 =	smov.u32 s6;
	(pc) =	sbr.rel @p4 .LBB2_13-.Ltmp11, $4  }
0x176: {  	[tilespmem:s6+$0xFFFFFFA0] =	vst v16;
	v12 =	vmul.f32 v12, v2;
	v13 =	vmul.f32 v5, v2;
	v5 =	vld [tilespmem:s22+$0x30];
	s22 =	smov.u32 s1;
	s1 =	smov.u32 s29  }
0x177: {  	v3 =	vmov v10;
	[tilespmem:s6+$0xFFFFFFB0] =	vst v9;
	v15 =	vunpack.i.u.bf16.f32 v11;
	v9 =	vunpack.i.l.bf16.f32 v11  }
0x178: {  	v6 =	vld [tilespmem:s22+$0xFFFFFFE0];
	[tilespmem:s6+$0x20] =	vst v12;
	v9 =	vmul.f32 v9, v1;
	v10 =	vmul.f32 v15, v1;
	v1 =	vmov v14  }
0x179: {  	v11 =	vunpack.i.l.bf16.f32 v7;
	[tilespmem:s6+$0x30] =	vst v13  }
0x17a: {  	v7 =	vunpack.i.u.bf16.f32 v7;
	v11 =	vmul.f32 v11, v4  }
0x17b: {  	v12 =	vunpack.i.l.bf16.f32 v8;
	s6 =	sadd.s32 $0x100, s6;
	v7 =	vmul.f32 v7, v4  }
0x17c: {  	v29 =	vunpack.i.u.bf16.f32 v8;
	v30 =	vmul.f32 v12, v3;
	[tilespmem:s6+$0xFFFFFF80] =	vst v11  }
0x17d: {  	v8 =	vmul.f32 v29, v3;
	[tilespmem:s6+$0xFFFFFF90] =	vst v7  }
0x17e: {  	[tilespmem:s6+$0x0] =	vst v30;
	v7 =	vld [tilespmem:s29+$0xFFFFFFD0]  }
0x17f: {  	[tilespmem:s6+$0x10] =	vst v8  }
0x180: {  	v8 =	vld [tilespmem:s29+$0x10];
	_ =	sdelay $0x2  }
0x181: {  	v31 =	vunpack.i.l.bf16.f32 v7  }
0x182: {  	v7 =	vunpack.i.u.bf16.f32 v7;
	v11 =	vmul.f32 v31, v4  }
0x183: {  	v32 =	vunpack.i.l.bf16.f32 v8;
	v7 =	vmul.f32 v7, v4  }
0x184: {  	v13 =	vld [tilespmem:s22+$0x20];
	v8 =	vunpack.i.u.bf16.f32 v8;
	v33 =	vmul.f32 v32, v3;
	[tilespmem:s6+$0xFFFFFFA0] =	vst v11  }
0x185: {  	v8 =	vmul.f32 v8, v3;
	[tilespmem:s6+$0xFFFFFFB0] =	vst v7  }
0x186: {  	[tilespmem:s6+$0x20] =	vst v33;
	v7 =	vld [tilespmem:s1+$0xFFFFFFE0]  }
0x187: {  	v34 =	vunpack.i.l.bf16.f32 v6;
	[tilespmem:s6+$0x30] =	vst v8  }
0x188: {  	[tilespmem:s19+$0xFFFFFFF0] =	vst v10;
	v35 =	vunpack.i.u.bf16.f32 v6;
	v36 =	vmul.f32 v34, v1;
	v37 =	vld [tilespmem:s1+$0x20]  }
0x189: {  	[tilespmem:s19+$0xFFFFFFE0] =	vst v9;
	v6 =	vmul.f32 v35, v1;
	v38 =	vunpack.i.l.bf16.f32 v13  }
0x18a: {  	v39 =	vunpack.i.u.bf16.f32 v13;
	[tilespmem:s2+$0xFFFFFFC0] =	vst v36;
	v40 =	vmul.f32 v38, v2  }
0x18b: {  	v41 =	vmul.f32 v39, v2;
	[tilespmem:s2+$0xFFFFFFD0] =	vst v6;
	v42 =	vunpack.i.l.bf16.f32 v7  }
0x18c: {  	v43 =	vld [tilespmem:s22+$0xFFFFFFF0];
	[tilespmem:s2+$0x40] =	vst v40;
	v7 =	vunpack.i.u.bf16.f32 v7;
	v6 =	vmul.f32 v42, v4  }
0x18d: {  	[tilespmem:s2+$0x50] =	vst v41;
	v44 =	vunpack.i.l.bf16.f32 v37;
	v7 =	vmul.f32 v7, v4  }
0x18e: {  	v9 =	vld [tilespmem:s22+$0x30];
	v10 =	vunpack.i.u.bf16.f32 v37;
	v45 =	vmul.f32 v44, v3;
	[tilespmem:s6+$0xFFFFFFC0] =	vst v6  }
0x18f: {  	v46 =	vunpack.i.l.bf16.f32 v5;
	v10 =	vmul.f32 v10, v3;
	[tilespmem:s6+$0xFFFFFFD0] =	vst v7  }
0x190: {  	v47 =	vunpack.i.u.bf16.f32 v5;
	v48 =	vmul.f32 v46, v0;
	[tilespmem:s6+$0x40] =	vst v45;
	v49 =	vld [tilespmem:s1+$0xFFFFFFF0]  }
0x191: {  	v50 =	vmul.f32 v47, v0;
	v51 =	vunpack.i.u.bf16.f32 v43;
	[tilespmem:s6+$0x50] =	vst v10  }
0x192: {  	[tilespmem:s19+$0x60] =	vst v48;
	v52 =	vunpack.i.l.bf16.f32 v43;
	v5 =	vmul.f32 v51, v1;
	v53 =	vld [tilespmem:s1+$0x30]  }
0x193: {  	[tilespmem:s19+$0x70] =	vst v50;
	v54 =	vmul.f32 v52, v1;
	v55 =	vunpack.i.l.bf16.f32 v9  }
0x194: {  	v56 =	vunpack.i.u.bf16.f32 v9;
	[tilespmem:s2+$0xFFFFFFF0] =	vst v5;
	v1 =	vmul.f32 v55, v2  }
0x195: {  	[tilespmem:s2+$0xFFFFFFE0] =	vst v54;
	v57 =	vmul.f32 v56, v2;
	v58 =	vunpack.i.u.bf16.f32 v49  }
0x196: {  	[tilespmem:s2+$0x60] =	vst v1;
	v59 =	vunpack.i.l.bf16.f32 v49;
	v2 =	vmul.f32 v58, v4  }
0x197: {  	[tilespmem:s2+$0x70] =	vst v57;
	v61 =	vunpack.i.l.bf16.f32 v53;
	v60 =	vmul.f32 v59, v4  }
0x198: {  	v62 =	vunpack.i.u.bf16.f32 v53;
	v1 =	vmul.f32 v61, v3;
	[tilespmem:s6+$0xFFFFFFF0] =	vst v2  }
0x199: {  	v63 =	vmul.f32 v62, v3;
	[tilespmem:s6+$0xFFFFFFE0] =	vst v60  }
0x19a: {  	[tilespmem:s6+$0x60] =	vst v1  }
0x19b: {  	[tilespmem:s6+$0x70] =	vst v63  }
0x19c: {  	v0 =	vld [tilespmem:s23+$0x14050];
	_ =	sdelay $0x4  }
0x19d: {  	[tilespmem:$0x15130] =	vst v0  }
0x19e: {  	v0 =	vld [tilespmem:s23+$0x14060];
	_ =	sdelay $0x4  }
0x19f: {  	[tilespmem:$0x15140] =	vst v0  }
0x1a0: {  	v0 =	vld [tilespmem:s23+$0x14070];
	_ =	sdelay $0x4  }
0x1a1: {  	[tilespmem:$0x15150] =	vst v0  }
0x1a2: {  	v0 =	vld [tilespmem:s23+$0x14080];
	_ =	sdelay $0x4  }
0x1a3: {  	[tilespmem:$0x15160] =	vst v0  }
0x1a4: {  	p4 =	seq.s32 @!p1 s25, $0x18;
	v0 =	vld [tilespmem:s23+$0x14090]  }
0x1a5: {  	p4 =	por p1, !p4  }
.Ltmp12:
0x1a6: {  	_ = 	snop;
	(pc) =	sbr.rel @!p4 .LBB2_22-.Ltmp12, $3  }
0x1a7: {  	_ =	sdelay $0x1  }
0x1a8: {  	s0 =	simm.s32 $0x15130;
	s31 =	simm.s32 $0x1B580;
	[tilespmem:$0x15170] =	vst v0  }
0x1a9: {  	[spmem:s4] =	stream.indirect.scatter.add.f32 [tilespmem:s31], [sflag:$0x5], $0x80, s0, s21, $0xb8;
	[tilespmem:$0x1DD80] =	vst v63  }
.Ltmp13:
0x1aa: {  	(pc) =	sbr.rel .LBB2_23-.Ltmp13, $3  }
0x1ab: {  	_ =	sdelay $0x1  }
0x1ac: {  	p3 =	por $0x0, $0x0  }
0x1ad: {  	p3 =	por @!p1 p3, p3  }
.LBB2_16:
0x1ae: {  	p4 =	sne.s32 s11, $0x0  }
0x1af: {  	s0 =	sand.u32 @!p4 $0xFF, s18  }
0x1b0: {  	p5 =	sne.s32 @!p4 s0, $0x1  }
0x1b1: {  	p5 =	por p4, p5  }
.Ltmp14:
0x1b2: {  	_ = 	snop;
	(pc) =	sbr.rel @p5 .LBB2_17-.Ltmp14, $1  }
0x1b3: {  	_ =	sdelay $0x3  }
0x1b4: {  	s0 =	sadd.s32 $0xFFFFFFFE, s15  }
0x1b5: {  	p4 =	slt.u32 s14, $0x2;
	s1 =	sadd.s32 $0x2, s0  }
0x1b6: {  	s2 =	simm.s32 @!p4 $0x4;
	v0 =	vmov s1  }
0x1b7: {  	_ =	swait.ge @!p4 [sflag:s2], $0x2800;
	v0 =	vand.u32 $0xFFFFFFFE, v0  }
0x1b8: {  	[sflag:s2] =	ssyncset.done @!p4 $0x0;
	v0 =	vbroadcast v0, $0x0  }
0x1b9: {  	[sflag:s2] =	ssyncadd.s32 @!p4 $0xFFFFD800  }
0x1ba: {  	_ =	swait.ge [sflag:s17], $0x1400  }
0x1bb: {  	s0 =	sadd.s32 $0x3, s0;
	[sflag:s17] =	ssyncset.done $0x0  }
0x1bc: {  	s1 =	simm.s32 $0x165C0;
	v1 =	vmov s0;
	[sflag:s17] =	ssyncadd.s32 $0xFFFFEC00  }
0x1bd: {  	v2 =	vld [tilespmem:s1+$0xFFFFFFC0]  }
0x1be: {  	v10 =	vld.idx.msk [tilespmem:v0+s20+$0x0], $0xffff;
	_ =	sdelay $0x1  }
0x1bf: {  	v3 =	vld [tilespmem:s1+$0x0]  }
0x1c0: {  	v0 =	vld.idx.msk [tilespmem:v1+s20+$0x0], $0xffff  }
0x1c1: {  	v1 =	vunpack.i.l.bf16.f32 v2  }
0x1c2: {  	s6 =	sadd.s32 $0x0, s15;
	v2 =	vunpack.i.u.bf16.f32 v2;
	v1 =	vmul.f32 v1, v10  }
0x1c3: {  	s19 =	simm.s32 $0x18E00;
	s22 =	sadd.s32 $0x2, s6;
	v2 =	vmul.f32 v2, v10  }
0x1c4: {  	v5 =	vmov s22;
	v4 =	vunpack.i.l.bf16.f32 v3;
	[tilespmem:s19+$0xFFFFFF80] =	vst v1  }
0x1c5: {  	v1 =	vunpack.i.u.bf16.f32 v3;
	v3 =	vmul.f32 v4, v0;
	v4 =	vand.u32 $0xFFFFFFFE, v5;
	[tilespmem:s19+$0xFFFFFF90] =	vst v2  }
0x1c6: {  	v1 =	vmul.f32 v1, v0;
	v2 =	vbroadcast v4, $0x0;
	v4 =	vld [tilespmem:s1+$0xFFFFFFD0]  }
0x1c7: {  	[tilespmem:s19+$0x0] =	vst v3  }
0x1c8: {  	s0 =	sadd.s32 $0x3, s6;
	[tilespmem:s19+$0x10] =	vst v1  }
0x1c9: {  	v3 =	vmov s0;
	v5 =	vld [tilespmem:s1+$0x10]  }
0x1ca: {  	s22 =	simm.s32 $0x16640  }
0x1cb: {  	v6 =	vld [tilespmem:s22+$0xFFFFFFC0];
	v7 =	vunpack.i.l.bf16.f32 v4  }
0x1cc: {  	v1 =	vld.idx.msk [tilespmem:v2+s20+$0x0], $0xffff;
	v2 =	vunpack.i.u.bf16.f32 v4;
	v4 =	vmul.f32 v7, v10  }
0x1cd: {  	v7 =	vld [tilespmem:s22+$0x0];
	v8 =	vmul.f32 v2, v10  }
0x1ce: {  	v2 =	vld.idx.msk [tilespmem:v3+s20+$0x0], $0xffff;
	v3 =	vunpack.i.l.bf16.f32 v5;
	[tilespmem:s19+$0xFFFFFFA0] =	vst v4  }
0x1cf: {  	v4 =	vunpack.i.u.bf16.f32 v5;
	v3 =	vmul.f32 v3, v0;
	[tilespmem:s19+$0xFFFFFFB0] =	vst v8  }
0x1d0: {  	v4 =	vmul.f32 v4, v0;
	v8 =	vunpack.i.l.bf16.f32 v6;
	v5 =	vld [tilespmem:s1+$0xFFFFFFE0]  }
0x1d1: {  	[tilespmem:s19+$0x20] =	vst v3;
	v3 =	vunpack.i.u.bf16.f32 v6;
	v6 =	vmul.f32 v8, v1  }
0x1d2: {  	s23 =	sadd.s32 $0x2, s15;
	s6 =	simm.s32 $0x18F00;
	[tilespmem:s19+$0x30] =	vst v4;
	v4 =	vunpack.i.l.bf16.f32 v7;
	v3 =	vmul.f32 v3, v1  }
0x1d3: {  	s31 =	sadd.s32 $0x2, s23;
	v7 =	vunpack.i.u.bf16.f32 v7;
	v8 =	vld [tilespmem:s1+$0x20];
	v4 =	vmul.f32 v4, v2;
	[tilespmem:s6+$0xFFFFFF80] =	vst v6  }
0x1d4: {  	v6 =	vmul.f32 v7, v2;
	[tilespmem:s6+$0xFFFFFF90] =	vst v3;
	v3 =	vmov s31  }
0x1d5: {  	s0 =	sadd.s32 $0x3, s23;
	[tilespmem:s6+$0x0] =	vst v4;
	v7 =	vunpack.i.l.bf16.f32 v5;
	v9 =	vld [tilespmem:s22+$0xFFFFFFD0];
	v3 =	vand.u32 $0xFFFFFFFE, v3;
	v4 =	vunpack.i.u.bf16.f32 v5  }
0x1d6: {  	[tilespmem:s6+$0x10] =	vst v6;
	v6 =	vmov s0;
	v5 =	vmul.f32 v7, v10;
	v11 =	vbroadcast v3, $0x0  }
0x1d7: {  	v3 =	vmul.f32 v4, v10  }
0x1d8: {  	s29 =	simm.s32 $0x166C0;
	v12 =	vld [tilespmem:s22+$0x10];
	v4 =	vunpack.i.l.bf16.f32 v8;
	[tilespmem:s19+$0xFFFFFFC0] =	vst v5  }
0x1d9: {  	v7 =	vld [tilespmem:s29+$0xFFFFFFC0];
	v5 =	vunpack.i.u.bf16.f32 v8;
	v4 =	vmul.f32 v4, v0;
	[tilespmem:s19+$0xFFFFFFD0] =	vst v3  }
0x1da: {  	v5 =	vmul.f32 v5, v0;
	v13 =	vld [tilespmem:s1+$0xFFFFFFF0];
	v3 =	vunpack.i.l.bf16.f32 v9  }
0x1db: {  	[tilespmem:s19+$0x40] =	vst v4;
	v4 =	vunpack.i.u.bf16.f32 v9;
	v8 =	vmul.f32 v3, v1;
	v3 =	vld.idx.msk [tilespmem:v6+s20+$0x0], $0xffff  }
0x1dc: {  	[tilespmem:s19+$0x50] =	vst v5;
	v5 =	vmul.f32 v4, v1;
	v4 =	vld.idx.msk [tilespmem:v11+s20+$0x0], $0xffff  }
0x1dd: {  	v6 =	vunpack.i.l.bf16.f32 v12;
	[tilespmem:s6+$0xFFFFFFA0] =	vst v8;
	v8 =	vld [tilespmem:s29+$0x0]  }
0x1de: {  	v9 =	vunpack.i.u.bf16.f32 v12;
	v6 =	vmul.f32 v6, v2  }
0x1df: {  	v12 =	vmul.f32 v9, v2;
	[tilespmem:s6+$0xFFFFFFB0] =	vst v5;
	v5 =	vld [tilespmem:s1+$0x30];
	v11 =	vunpack.i.u.bf16.f32 v13;
	v9 =	vunpack.i.l.bf16.f32 v13  }
0x1e0: {  	s30 =	simm.s32 $0x4;
	[tilespmem:s6+$0x20] =	vst v6;
	v6 =	vld [tilespmem:s22+$0xFFFFFFE0];
	v9 =	vmul.f32 v9, v10;
	v10 =	vmul.f32 v11, v10  }
0x1e1: {  	s2 =	simm.s32 $0x18F00;
	s23 =	smul.u32 $0x50, s24;
	s1 =	simm.s32 $0x166C0;
	[tilespmem:s6+$0x30] =	vst v12;
	v11 =	vunpack.i.l.bf16.f32 v7  }
.LBB2_19:
0x1e2: {  	s0 =	sadd.s32 s30, s15;
	v7 =	vunpack.i.u.bf16.f32 v7;
	v11 =	vmul.f32 v11, v4;
	v12 =	vunpack.i.u.bf16.f32 v8;
	v13 =	vld [tilespmem:s22+$0x20];
	[tilespmem:s19+$0xFFFFFFF0] =	vst v10;
	v14 =	vmovc v4  }
0x1e3: {  	s6 =	sadd.s32 $0x100, s6;
	s31 =	sadd.s32 $0x2, s0;
	s0 =	sadd.s32 $0x3, s0;
	v4 =	vmul.f32 v7, v14;
	v7 =	vunpack.i.l.bf16.f32 v8;
	v8 =	vmul.f32 v12, v3;
	[tilespmem:s19+$0xFFFFFFE0] =	vst v9  }
0x1e4: {  	v9 =	vmov s31;
	v10 =	vmov s0;
	[tilespmem:s6+$0xFFFFFF80] =	vst v11;
	v7 =	vmul.f32 v7, v3  }
0x1e5: {  	s30 =	sadd.s32 $0x2, s30;
	v11 =	vunpack.i.u.bf16.f32 v5;
	v9 =	vand.u32 $0xFFFFFFFE, v9;
	[tilespmem:s6+$0xFFFFFF90] =	vst v4;
	v4 =	vunpack.i.l.bf16.f32 v6  }
0x1e6: {  	p4 =	slt.u32 s30, $0x4E;
	v6 =	vunpack.i.u.bf16.f32 v6;
	v9 =	vbroadcast v9, $0x0;
	v12 =	vld [tilespmem:s29+$0xFFFFFFD0];
	[tilespmem:s6+$0x0] =	vst v7;
	v4 =	vmul.f32 v4, v1  }
0x1e7: {  	v6 =	vmul.f32 v6, v1;
	[tilespmem:s6+$0x10] =	vst v8;
	v7 =	vunpack.i.u.bf16.f32 v13;
	v8 =	vunpack.i.l.bf16.f32 v13  }
0x1e8: {  	v5 =	vunpack.i.l.bf16.f32 v5;
	v13 =	vld [tilespmem:s29+$0x10];
	[tilespmem:s2+$0xFFFFFFC0] =	vst v4;
	v4 =	vmul.f32 v8, v2;
	v8 =	vmul.f32 v7, v2  }
0x1e9: {  	v5 =	vmul.f32 v5, v0;
	v10 =	vld.idx.msk [tilespmem:v10+s20+$0x0], $0xffff;
	[tilespmem:s2+$0xFFFFFFD0] =	vst v6;
	v6 =	vmul.f32 v11, v0;
	v0 =	vmov v2  }
0x1ea: {  	s29 =	sadd.s32 $0x80, s29;
	v2 =	vmov v3;
	v11 =	vld [tilespmem:s22+$0xFFFFFFF0];
	[tilespmem:s2+$0x40] =	vst v4  }
0x1eb: {  	v7 =	vld [tilespmem:s29+$0xFFFFFFC0];
	v3 =	vunpack.i.l.bf16.f32 v12;
	[tilespmem:s2+$0x50] =	vst v8  }
0x1ec: {  	v4 =	vld.idx.msk [tilespmem:v9+s20+$0x0], $0xffff;
	v9 =	vunpack.i.u.bf16.f32 v12;
	v16 =	vmul.f32 v3, v14;
	[tilespmem:s19+$0x60] =	vst v5  }
.Ltmp15:
0x1ed: {  	v8 =	vld [tilespmem:s29+$0x0];
	v9 =	vmul.f32 v9, v14;
	v5 =	vunpack.i.u.bf16.f32 v13;
	v12 =	vunpack.i.l.bf16.f32 v13;
	[tilespmem:s19+$0x70] =	vst v6;
	s19 =	smov.u32 s2;
	s2 =	smov.u32 s6;
	(pc) =	sbr.rel @p4 .LBB2_19-.Ltmp15, $4  }
0x1ee: {  	[tilespmem:s6+$0xFFFFFFA0] =	vst v16;
	v12 =	vmul.f32 v12, v2;
	v13 =	vmul.f32 v5, v2;
	v5 =	vld [tilespmem:s22+$0x30];
	s22 =	smov.u32 s1;
	s1 =	smov.u32 s29  }
0x1ef: {  	v3 =	vmov v10;
	[tilespmem:s6+$0xFFFFFFB0] =	vst v9;
	v15 =	vunpack.i.u.bf16.f32 v11;
	v9 =	vunpack.i.l.bf16.f32 v11  }
0x1f0: {  	v6 =	vld [tilespmem:s22+$0xFFFFFFE0];
	[tilespmem:s6+$0x20] =	vst v12;
	v9 =	vmul.f32 v9, v1;
	v10 =	vmul.f32 v15, v1;
	v1 =	vmov v14  }
0x1f1: {  	v11 =	vunpack.i.l.bf16.f32 v7;
	[tilespmem:s6+$0x30] =	vst v13  }
0x1f2: {  	v7 =	vunpack.i.u.bf16.f32 v7;
	v11 =	vmul.f32 v11, v4  }
0x1f3: {  	v12 =	vunpack.i.l.bf16.f32 v8;
	s6 =	sadd.s32 $0x100, s6;
	v7 =	vmul.f32 v7, v4  }
0x1f4: {  	v29 =	vunpack.i.u.bf16.f32 v8;
	v30 =	vmul.f32 v12, v3;
	[tilespmem:s6+$0xFFFFFF80] =	vst v11  }
0x1f5: {  	v8 =	vmul.f32 v29, v3;
	[tilespmem:s6+$0xFFFFFF90] =	vst v7  }
0x1f6: {  	[tilespmem:s6+$0x0] =	vst v30;
	v7 =	vld [tilespmem:s29+$0xFFFFFFD0]  }
0x1f7: {  	[tilespmem:s6+$0x10] =	vst v8  }
0x1f8: {  	v8 =	vld [tilespmem:s29+$0x10];
	_ =	sdelay $0x2  }
0x1f9: {  	v31 =	vunpack.i.l.bf16.f32 v7  }
0x1fa: {  	v7 =	vunpack.i.u.bf16.f32 v7;
	v11 =	vmul.f32 v31, v4  }
0x1fb: {  	v32 =	vunpack.i.l.bf16.f32 v8;
	v7 =	vmul.f32 v7, v4  }
0x1fc: {  	v13 =	vld [tilespmem:s22+$0x20];
	v8 =	vunpack.i.u.bf16.f32 v8;
	v33 =	vmul.f32 v32, v3;
	[tilespmem:s6+$0xFFFFFFA0] =	vst v11  }
0x1fd: {  	v8 =	vmul.f32 v8, v3;
	[tilespmem:s6+$0xFFFFFFB0] =	vst v7  }
0x1fe: {  	[tilespmem:s6+$0x20] =	vst v33;
	v7 =	vld [tilespmem:s1+$0xFFFFFFE0]  }
0x1ff: {  	v34 =	vunpack.i.l.bf16.f32 v6;
	[tilespmem:s6+$0x30] =	vst v8  }
0x200: {  	[tilespmem:s19+$0xFFFFFFF0] =	vst v10;
	v35 =	vunpack.i.u.bf16.f32 v6;
	v36 =	vmul.f32 v34, v1;
	v37 =	vld [tilespmem:s1+$0x20]  }
0x201: {  	[tilespmem:s19+$0xFFFFFFE0] =	vst v9;
	v6 =	vmul.f32 v35, v1;
	v38 =	vunpack.i.l.bf16.f32 v13  }
0x202: {  	v39 =	vunpack.i.u.bf16.f32 v13;
	[tilespmem:s2+$0xFFFFFFC0] =	vst v36;
	v40 =	vmul.f32 v38, v2  }
0x203: {  	v41 =	vmul.f32 v39, v2;
	[tilespmem:s2+$0xFFFFFFD0] =	vst v6;
	v42 =	vunpack.i.l.bf16.f32 v7  }
0x204: {  	v43 =	vld [tilespmem:s22+$0xFFFFFFF0];
	[tilespmem:s2+$0x40] =	vst v40;
	v7 =	vunpack.i.u.bf16.f32 v7;
	v6 =	vmul.f32 v42, v4  }
0x205: {  	[tilespmem:s2+$0x50] =	vst v41;
	v44 =	vunpack.i.l.bf16.f32 v37;
	v7 =	vmul.f32 v7, v4  }
0x206: {  	v9 =	vld [tilespmem:s22+$0x30];
	v10 =	vunpack.i.u.bf16.f32 v37;
	v45 =	vmul.f32 v44, v3;
	[tilespmem:s6+$0xFFFFFFC0] =	vst v6  }
0x207: {  	v46 =	vunpack.i.l.bf16.f32 v5;
	v10 =	vmul.f32 v10, v3;
	[tilespmem:s6+$0xFFFFFFD0] =	vst v7  }
0x208: {  	v47 =	vunpack.i.u.bf16.f32 v5;
	v48 =	vmul.f32 v46, v0;
	[tilespmem:s6+$0x40] =	vst v45;
	v49 =	vld [tilespmem:s1+$0xFFFFFFF0]  }
0x209: {  	v50 =	vmul.f32 v47, v0;
	v51 =	vunpack.i.u.bf16.f32 v43;
	[tilespmem:s6+$0x50] =	vst v10  }
0x20a: {  	[tilespmem:s19+$0x60] =	vst v48;
	v52 =	vunpack.i.l.bf16.f32 v43;
	v5 =	vmul.f32 v51, v1;
	v53 =	vld [tilespmem:s1+$0x30]  }
0x20b: {  	[tilespmem:s19+$0x70] =	vst v50;
	v54 =	vmul.f32 v52, v1;
	v55 =	vunpack.i.l.bf16.f32 v9  }
0x20c: {  	v56 =	vunpack.i.u.bf16.f32 v9;
	[tilespmem:s2+$0xFFFFFFF0] =	vst v5;
	v1 =	vmul.f32 v55, v2  }
0x20d: {  	[tilespmem:s2+$0xFFFFFFE0] =	vst v54;
	v57 =	vmul.f32 v56, v2;
	v58 =	vunpack.i.u.bf16.f32 v49  }
0x20e: {  	[tilespmem:s2+$0x60] =	vst v1;
	v59 =	vunpack.i.l.bf16.f32 v49;
	v2 =	vmul.f32 v58, v4  }
0x20f: {  	[tilespmem:s2+$0x70] =	vst v57;
	v61 =	vunpack.i.l.bf16.f32 v53;
	v60 =	vmul.f32 v59, v4  }
0x210: {  	v62 =	vunpack.i.u.bf16.f32 v53;
	v1 =	vmul.f32 v61, v3;
	[tilespmem:s6+$0xFFFFFFF0] =	vst v2  }
0x211: {  	v63 =	vmul.f32 v62, v3;
	[tilespmem:s6+$0xFFFFFFE0] =	vst v60  }
0x212: {  	[tilespmem:s6+$0x60] =	vst v1  }
0x213: {  	[tilespmem:s6+$0x70] =	vst v63  }
0x214: {  	v0 =	vld [tilespmem:s23+$0x14050];
	_ =	sdelay $0x4  }
0x215: {  	[tilespmem:$0x150E0] =	vst v0  }
0x216: {  	v0 =	vld [tilespmem:s23+$0x14060];
	_ =	sdelay $0x4  }
0x217: {  	[tilespmem:$0x150F0] =	vst v0  }
0x218: {  	v0 =	vld [tilespmem:s23+$0x14070];
	_ =	sdelay $0x4  }
0x219: {  	[tilespmem:$0x15100] =	vst v0  }
0x21a: {  	v0 =	vld [tilespmem:s23+$0x14080];
	_ =	sdelay $0x4  }
0x21b: {  	[tilespmem:$0x15110] =	vst v0  }
0x21c: {  	p4 =	sne.s32 @!p1 s25, $0x18;
	v0 =	vld [tilespmem:s23+$0x14090]  }
0x21d: {  	p4 =	por p1, p4  }
.Ltmp16:
0x21e: {  	_ = 	snop;
	(pc) =	sbr.rel @p4 .LBB2_21-.Ltmp16, $3  }
0x21f: {  	_ =	sdelay $0x1  }
0x220: {  	s0 =	simm.s32 $0x150E0;
	s31 =	simm.s32 $0x18D80;
	[tilespmem:$0x15120] =	vst v0  }
0x221: {  	[spmem:s4] =	stream.indirect.scatter.add.f32 [tilespmem:s31], [sflag:$0x4], $0x80, s0, s21, $0xb8;
	[tilespmem:$0x1DD80] =	vst v63  }
.LBB2_22:
0x222: {  	s0 =	sadd.s32 s16, s12  }
0x223: {  	s0 =	smul.u32 $0x7D0, s0;
	_ =	sdelay $0x1  }
0x224: {  	s0 =	sshrl.u32 s0, $0x3  }
0x225: {  	s0 =	sadd.s32 $0xFA, s0  }
0x226: {  	s2 =	simm.s32 $0x0;
	s6 =	simm.s32 $0x14050;
	s1 =	sadd.s32 s7, s0  }
0x227: {  	[tilespmem:s6], [sflag:$0x7] =	stream.linear.gather [hbm4b:s1+s2], $0x7D0, $0x38;
	[tilespmem:$0x1DD80] =	vst v63  }
0x228: {  	_ =	swait.ge [sflag:s5], $0x7D0  }
0x229: {  	[sflag:s5] =	ssyncset.done $0x0  }
.Ltmp17:
0x22a: {  	s0 =	sadd.s32 s3, s0;
	[sflag:s5] =	ssyncadd.s32 $0xFFFFF830;
	(pc) =	sbr.rel .LBB2_23-.Ltmp17, $4  }
0x22b: {  	[tilespmem:s20], [sflag:$0x7] =	stream.linear.gather [hbm4b:s0+s2], $0x7D0, $0x38;
	[tilespmem:$0x1DD80] =	vst v63  }
0x22c: {  	_ =	swait.ge [sflag:s5], $0x7D0  }
0x22d: {  	[sflag:s5] =	ssyncset.done $0x0  }
0x22e: {  	p3 =	por !p3, !p3;
	[sflag:s5] =	ssyncadd.s32 $0xFFFFF830  }
.LBB2_17:
.Ltmp18:
0x22f: {  	(pc) =	sbr.rel .LBB2_23-.Ltmp18, $3  }
0x230: {  	_ =	sdelay $0x1  }
0x231: {  	p3 =	seq.s32 s26, $0x1  }
0x232: {  	p3 =	por @!p4 p3, p3  }
.LBB2_21:
0x233: {  	p3 =	por $0x1, $0x1  }
0x234: {  	p3 =	por @!p1 p3, p3  }
.LBB2_23:
0x235: {  	p3 =	por !p3, !p2  }
0x236: {  	p3 =	por !p3, !p3  }
.Ltmp19:
0x237: {  	_ = 	snop;
	(pc) =	sbr.rel @!p3 .LBB2_27-.Ltmp19, $1  }
0x238: {  	_ =	sdelay $0x3  }
0x239: {  	s0 =	sadd.s32 $0xFFFFFFFE, s15  }
0x23a: {  	p3 =	slt.u32 s14, $0x2;
	s1 =	sadd.s32 $0x2, s0  }
0x23b: {  	s2 =	simm.s32 @!p3 $0x5;
	v0 =	vmov s1  }
0x23c: {  	_ =	swait.ge @!p3 [sflag:s2], $0x2800;
	v0 =	vand.u32 $0xFFFFFFFE, v0  }
0x23d: {  	[sflag:s2] =	ssyncset.done @!p3 $0x0;
	v0 =	vbroadcast v0, $0x0  }
0x23e: {  	[sflag:s2] =	ssyncadd.s32 @!p3 $0xFFFFD800  }
0x23f: {  	_ =	swait.ge [sflag:s17], $0x1400  }
0x240: {  	s0 =	sadd.s32 $0x3, s0;
	[sflag:s17] =	ssyncset.done $0x0  }
0x241: {  	s1 =	simm.s32 $0x165C0;
	v1 =	vmov s0;
	[sflag:s17] =	ssyncadd.s32 $0xFFFFEC00  }
0x242: {  	v2 =	vld [tilespmem:s1+$0xFFFFFFC0]  }
0x243: {  	v10 =	vld.idx.msk [tilespmem:v0+s20+$0x0], $0xffff;
	_ =	sdelay $0x1  }
0x244: {  	v3 =	vld [tilespmem:s1+$0x0]  }
0x245: {  	v0 =	vld.idx.msk [tilespmem:v1+s20+$0x0], $0xffff  }
0x246: {  	v1 =	vunpack.i.l.bf16.f32 v2  }
0x247: {  	s6 =	sadd.s32 $0x0, s15;
	v2 =	vunpack.i.u.bf16.f32 v2;
	v1 =	vmul.f32 v1, v10  }
0x248: {  	s19 =	simm.s32 $0x1B600;
	s22 =	sadd.s32 $0x2, s6;
	v2 =	vmul.f32 v2, v10  }
0x249: {  	v5 =	vmov s22;
	v4 =	vunpack.i.l.bf16.f32 v3;
	[tilespmem:s19+$0xFFFFFF80] =	vst v1  }
0x24a: {  	v1 =	vunpack.i.u.bf16.f32 v3;
	v3 =	vmul.f32 v4, v0;
	v4 =	vand.u32 $0xFFFFFFFE, v5;
	[tilespmem:s19+$0xFFFFFF90] =	vst v2  }
0x24b: {  	v1 =	vmul.f32 v1, v0;
	v2 =	vbroadcast v4, $0x0;
	v4 =	vld [tilespmem:s1+$0xFFFFFFD0]  }
0x24c: {  	[tilespmem:s19+$0x0] =	vst v3  }
0x24d: {  	s0 =	sadd.s32 $0x3, s6;
	[tilespmem:s19+$0x10] =	vst v1  }
0x24e: {  	v3 =	vmov s0;
	v5 =	vld [tilespmem:s1+$0x10]  }
0x24f: {  	s22 =	simm.s32 $0x16640  }
0x250: {  	v6 =	vld [tilespmem:s22+$0xFFFFFFC0];
	v7 =	vunpack.i.l.bf16.f32 v4  }
0x251: {  	v1 =	vld.idx.msk [tilespmem:v2+s20+$0x0], $0xffff;
	v2 =	vunpack.i.u.bf16.f32 v4;
	v4 =	vmul.f32 v7, v10  }
0x252: {  	v7 =	vld [tilespmem:s22+$0x0];
	v8 =	vmul.f32 v2, v10  }
0x253: {  	v2 =	vld.idx.msk [tilespmem:v3+s20+$0x0], $0xffff;
	v3 =	vunpack.i.l.bf16.f32 v5;
	[tilespmem:s19+$0xFFFFFFA0] =	vst v4  }
0x254: {  	v4 =	vunpack.i.u.bf16.f32 v5;
	v3 =	vmul.f32 v3, v0;
	[tilespmem:s19+$0xFFFFFFB0] =	vst v8  }
0x255: {  	v4 =	vmul.f32 v4, v0;
	v8 =	vunpack.i.l.bf16.f32 v6;
	v5 =	vld [tilespmem:s1+$0xFFFFFFE0]  }
0x256: {  	[tilespmem:s19+$0x20] =	vst v3;
	v3 =	vunpack.i.u.bf16.f32 v6;
	v6 =	vmul.f32 v8, v1  }
0x257: {  	s23 =	sadd.s32 $0x2, s15;
	s6 =	simm.s32 $0x1B700;
	[tilespmem:s19+$0x30] =	vst v4;
	v4 =	vunpack.i.l.bf16.f32 v7;
	v3 =	vmul.f32 v3, v1  }
0x258: {  	s31 =	sadd.s32 $0x2, s23;
	v7 =	vunpack.i.u.bf16.f32 v7;
	v8 =	vld [tilespmem:s1+$0x20];
	v4 =	vmul.f32 v4, v2;
	[tilespmem:s6+$0xFFFFFF80] =	vst v6  }
0x259: {  	v6 =	vmul.f32 v7, v2;
	[tilespmem:s6+$0xFFFFFF90] =	vst v3;
	v3 =	vmov s31  }
0x25a: {  	s0 =	sadd.s32 $0x3, s23;
	[tilespmem:s6+$0x0] =	vst v4;
	v7 =	vunpack.i.l.bf16.f32 v5;
	v9 =	vld [tilespmem:s22+$0xFFFFFFD0];
	v3 =	vand.u32 $0xFFFFFFFE, v3;
	v4 =	vunpack.i.u.bf16.f32 v5  }
0x25b: {  	[tilespmem:s6+$0x10] =	vst v6;
	v6 =	vmov s0;
	v5 =	vmul.f32 v7, v10;
	v11 =	vbroadcast v3, $0x0  }
0x25c: {  	v3 =	vmul.f32 v4, v10  }
0x25d: {  	s29 =	simm.s32 $0x166C0;
	v12 =	vld [tilespmem:s22+$0x10];
	v4 =	vunpack.i.l.bf16.f32 v8;
	[tilespmem:s19+$0xFFFFFFC0] =	vst v5  }
0x25e: {  	v7 =	vld [tilespmem:s29+$0xFFFFFFC0];
	v5 =	vunpack.i.u.bf16.f32 v8;
	v4 =	vmul.f32 v4, v0;
	[tilespmem:s19+$0xFFFFFFD0] =	vst v3  }
0x25f: {  	v5 =	vmul.f32 v5, v0;
	v13 =	vld [tilespmem:s1+$0xFFFFFFF0];
	v3 =	vunpack.i.l.bf16.f32 v9  }
0x260: {  	[tilespmem:s19+$0x40] =	vst v4;
	v4 =	vunpack.i.u.bf16.f32 v9;
	v8 =	vmul.f32 v3, v1;
	v3 =	vld.idx.msk [tilespmem:v6+s20+$0x0], $0xffff  }
0x261: {  	[tilespmem:s19+$0x50] =	vst v5;
	v5 =	vmul.f32 v4, v1;
	v4 =	vld.idx.msk [tilespmem:v11+s20+$0x0], $0xffff  }
0x262: {  	v6 =	vunpack.i.l.bf16.f32 v12;
	[tilespmem:s6+$0xFFFFFFA0] =	vst v8;
	v8 =	vld [tilespmem:s29+$0x0]  }
0x263: {  	v9 =	vunpack.i.u.bf16.f32 v12;
	v6 =	vmul.f32 v6, v2  }
0x264: {  	v12 =	vmul.f32 v9, v2;
	[tilespmem:s6+$0xFFFFFFB0] =	vst v5;
	v5 =	vld [tilespmem:s1+$0x30];
	v11 =	vunpack.i.u.bf16.f32 v13;
	v9 =	vunpack.i.l.bf16.f32 v13  }
0x265: {  	s30 =	simm.s32 $0x4;
	[tilespmem:s6+$0x20] =	vst v6;
	v6 =	vld [tilespmem:s22+$0xFFFFFFE0];
	v9 =	vmul.f32 v9, v10;
	v10 =	vmul.f32 v11, v10  }
0x266: {  	s2 =	simm.s32 $0x1B700;
	s23 =	smul.u32 $0x50, s24;
	s1 =	simm.s32 $0x166C0;
	[tilespmem:s6+$0x30] =	vst v12;
	v11 =	vunpack.i.l.bf16.f32 v7  }
.LBB2_25:
0x267: {  	s0 =	sadd.s32 s30, s15;
	v7 =	vunpack.i.u.bf16.f32 v7;
	v11 =	vmul.f32 v11, v4;
	v12 =	vunpack.i.u.bf16.f32 v8;
	v13 =	vld [tilespmem:s22+$0x20];
	[tilespmem:s19+$0xFFFFFFF0] =	vst v10;
	v14 =	vmovc v4  }
0x268: {  	s6 =	sadd.s32 $0x100, s6;
	s31 =	sadd.s32 $0x2, s0;
	s0 =	sadd.s32 $0x3, s0;
	v4 =	vmul.f32 v7, v14;
	v7 =	vunpack.i.l.bf16.f32 v8;
	v8 =	vmul.f32 v12, v3;
	[tilespmem:s19+$0xFFFFFFE0] =	vst v9  }
0x269: {  	v9 =	vmov s31;
	v10 =	vmov s0;
	[tilespmem:s6+$0xFFFFFF80] =	vst v11;
	v7 =	vmul.f32 v7, v3  }
0x26a: {  	s30 =	sadd.s32 $0x2, s30;
	v11 =	vunpack.i.u.bf16.f32 v5;
	v9 =	vand.u32 $0xFFFFFFFE, v9;
	[tilespmem:s6+$0xFFFFFF90] =	vst v4;
	v4 =	vunpack.i.l.bf16.f32 v6  }
0x26b: {  	p3 =	slt.u32 s30, $0x4E;
	v6 =	vunpack.i.u.bf16.f32 v6;
	v9 =	vbroadcast v9, $0x0;
	v12 =	vld [tilespmem:s29+$0xFFFFFFD0];
	[tilespmem:s6+$0x0] =	vst v7;
	v4 =	vmul.f32 v4, v1  }
0x26c: {  	v6 =	vmul.f32 v6, v1;
	[tilespmem:s6+$0x10] =	vst v8;
	v7 =	vunpack.i.u.bf16.f32 v13;
	v8 =	vunpack.i.l.bf16.f32 v13  }
0x26d: {  	v5 =	vunpack.i.l.bf16.f32 v5;
	v13 =	vld [tilespmem:s29+$0x10];
	[tilespmem:s2+$0xFFFFFFC0] =	vst v4;
	v4 =	vmul.f32 v8, v2;
	v8 =	vmul.f32 v7, v2  }
0x26e: {  	v5 =	vmul.f32 v5, v0;
	v10 =	vld.idx.msk [tilespmem:v10+s20+$0x0], $0xffff;
	[tilespmem:s2+$0xFFFFFFD0] =	vst v6;
	v6 =	vmul.f32 v11, v0;
	v0 =	vmov v2  }
0x26f: {  	s29 =	sadd.s32 $0x80, s29;
	v2 =	vmov v3;
	v11 =	vld [tilespmem:s22+$0xFFFFFFF0];
	[tilespmem:s2+$0x40] =	vst v4  }
0x270: {  	v7 =	vld [tilespmem:s29+$0xFFFFFFC0];
	v3 =	vunpack.i.l.bf16.f32 v12;
	[tilespmem:s2+$0x50] =	vst v8  }
0x271: {  	v4 =	vld.idx.msk [tilespmem:v9+s20+$0x0], $0xffff;
	v9 =	vunpack.i.u.bf16.f32 v12;
	v16 =	vmul.f32 v3, v14;
	[tilespmem:s19+$0x60] =	vst v5  }
.Ltmp20:
0x272: {  	v8 =	vld [tilespmem:s29+$0x0];
	v9 =	vmul.f32 v9, v14;
	v5 =	vunpack.i.u.bf16.f32 v13;
	v12 =	vunpack.i.l.bf16.f32 v13;
	[tilespmem:s19+$0x70] =	vst v6;
	s19 =	smov.u32 s2;
	s2 =	smov.u32 s6;
	(pc) =	sbr.rel @p3 .LBB2_25-.Ltmp20, $4  }
0x273: {  	[tilespmem:s6+$0xFFFFFFA0] =	vst v16;
	v12 =	vmul.f32 v12, v2;
	v13 =	vmul.f32 v5, v2;
	v5 =	vld [tilespmem:s22+$0x30];
	s22 =	smov.u32 s1;
	s1 =	smov.u32 s29  }
0x274: {  	v3 =	vmov v10;
	[tilespmem:s6+$0xFFFFFFB0] =	vst v9;
	v15 =	vunpack.i.u.bf16.f32 v11;
	v9 =	vunpack.i.l.bf16.f32 v11  }
0x275: {  	v6 =	vld [tilespmem:s22+$0xFFFFFFE0];
	[tilespmem:s6+$0x20] =	vst v12;
	v9 =	vmul.f32 v9, v1;
	v10 =	vmul.f32 v15, v1;
	v1 =	vmov v14  }
0x276: {  	v11 =	vunpack.i.l.bf16.f32 v7;
	[tilespmem:s6+$0x30] =	vst v13  }
0x277: {  	v7 =	vunpack.i.u.bf16.f32 v7;
	v11 =	vmul.f32 v11, v4  }
0x278: {  	v12 =	vunpack.i.l.bf16.f32 v8;
	s6 =	sadd.s32 $0x100, s6;
	v7 =	vmul.f32 v7, v4  }
0x279: {  	v29 =	vunpack.i.u.bf16.f32 v8;
	v30 =	vmul.f32 v12, v3;
	[tilespmem:s6+$0xFFFFFF80] =	vst v11  }
0x27a: {  	v8 =	vmul.f32 v29, v3;
	[tilespmem:s6+$0xFFFFFF90] =	vst v7  }
0x27b: {  	[tilespmem:s6+$0x0] =	vst v30;
	v7 =	vld [tilespmem:s29+$0xFFFFFFD0]  }
0x27c: {  	[tilespmem:s6+$0x10] =	vst v8  }
0x27d: {  	v8 =	vld [tilespmem:s29+$0x10];
	_ =	sdelay $0x2  }
0x27e: {  	v31 =	vunpack.i.l.bf16.f32 v7  }
0x27f: {  	v7 =	vunpack.i.u.bf16.f32 v7;
	v11 =	vmul.f32 v31, v4  }
0x280: {  	v32 =	vunpack.i.l.bf16.f32 v8;
	v7 =	vmul.f32 v7, v4  }
0x281: {  	v13 =	vld [tilespmem:s22+$0x20];
	v8 =	vunpack.i.u.bf16.f32 v8;
	v33 =	vmul.f32 v32, v3;
	[tilespmem:s6+$0xFFFFFFA0] =	vst v11  }
0x282: {  	v8 =	vmul.f32 v8, v3;
	[tilespmem:s6+$0xFFFFFFB0] =	vst v7  }
0x283: {  	[tilespmem:s6+$0x20] =	vst v33;
	v7 =	vld [tilespmem:s1+$0xFFFFFFE0]  }
0x284: {  	v34 =	vunpack.i.l.bf16.f32 v6;
	[tilespmem:s6+$0x30] =	vst v8  }
0x285: {  	[tilespmem:s19+$0xFFFFFFF0] =	vst v10;
	v35 =	vunpack.i.u.bf16.f32 v6;
	v36 =	vmul.f32 v34, v1;
	v37 =	vld [tilespmem:s1+$0x20]  }
0x286: {  	[tilespmem:s19+$0xFFFFFFE0] =	vst v9;
	v6 =	vmul.f32 v35, v1;
	v38 =	vunpack.i.l.bf16.f32 v13  }
0x287: {  	v39 =	vunpack.i.u.bf16.f32 v13;
	[tilespmem:s2+$0xFFFFFFC0] =	vst v36;
	v40 =	vmul.f32 v38, v2  }
0x288: {  	v41 =	vmul.f32 v39, v2;
	[tilespmem:s2+$0xFFFFFFD0] =	vst v6;
	v42 =	vunpack.i.l.bf16.f32 v7  }
0x289: {  	v43 =	vld [tilespmem:s22+$0xFFFFFFF0];
	[tilespmem:s2+$0x40] =	vst v40;
	v7 =	vunpack.i.u.bf16.f32 v7;
	v6 =	vmul.f32 v42, v4  }
0x28a: {  	[tilespmem:s2+$0x50] =	vst v41;
	v44 =	vunpack.i.l.bf16.f32 v37;
	v7 =	vmul.f32 v7, v4  }
0x28b: {  	v9 =	vld [tilespmem:s22+$0x30];
	v10 =	vunpack.i.u.bf16.f32 v37;
	v45 =	vmul.f32 v44, v3;
	[tilespmem:s6+$0xFFFFFFC0] =	vst v6  }
0x28c: {  	v46 =	vunpack.i.l.bf16.f32 v5;
	v10 =	vmul.f32 v10, v3;
	[tilespmem:s6+$0xFFFFFFD0] =	vst v7  }
0x28d: {  	v47 =	vunpack.i.u.bf16.f32 v5;
	v48 =	vmul.f32 v46, v0;
	[tilespmem:s6+$0x40] =	vst v45;
	v49 =	vld [tilespmem:s1+$0xFFFFFFF0]  }
0x28e: {  	v50 =	vmul.f32 v47, v0;
	v51 =	vunpack.i.u.bf16.f32 v43;
	[tilespmem:s6+$0x50] =	vst v10  }
0x28f: {  	[tilespmem:s19+$0x60] =	vst v48;
	v52 =	vunpack.i.l.bf16.f32 v43;
	v5 =	vmul.f32 v51, v1;
	v53 =	vld [tilespmem:s1+$0x30]  }
0x290: {  	[tilespmem:s19+$0x70] =	vst v50;
	v54 =	vmul.f32 v52, v1;
	v55 =	vunpack.i.l.bf16.f32 v9  }
0x291: {  	v56 =	vunpack.i.u.bf16.f32 v9;
	[tilespmem:s2+$0xFFFFFFF0] =	vst v5;
	v1 =	vmul.f32 v55, v2  }
0x292: {  	[tilespmem:s2+$0xFFFFFFE0] =	vst v54;
	v57 =	vmul.f32 v56, v2;
	v58 =	vunpack.i.u.bf16.f32 v49  }
0x293: {  	[tilespmem:s2+$0x60] =	vst v1;
	v59 =	vunpack.i.l.bf16.f32 v49;
	v2 =	vmul.f32 v58, v4  }
0x294: {  	[tilespmem:s2+$0x70] =	vst v57;
	v61 =	vunpack.i.l.bf16.f32 v53;
	v60 =	vmul.f32 v59, v4  }
0x295: {  	v62 =	vunpack.i.u.bf16.f32 v53;
	v1 =	vmul.f32 v61, v3;
	[tilespmem:s6+$0xFFFFFFF0] =	vst v2  }
0x296: {  	v63 =	vmul.f32 v62, v3;
	[tilespmem:s6+$0xFFFFFFE0] =	vst v60  }
0x297: {  	[tilespmem:s6+$0x60] =	vst v1  }
0x298: {  	[tilespmem:s6+$0x70] =	vst v63  }
0x299: {  	v0 =	vld [tilespmem:s23+$0x14050];
	_ =	sdelay $0x4  }
0x29a: {  	[tilespmem:$0x15130] =	vst v0  }
0x29b: {  	v0 =	vld [tilespmem:s23+$0x14060];
	_ =	sdelay $0x4  }
0x29c: {  	[tilespmem:$0x15140] =	vst v0  }
0x29d: {  	v0 =	vld [tilespmem:s23+$0x14070];
	_ =	sdelay $0x4  }
0x29e: {  	[tilespmem:$0x15150] =	vst v0  }
0x29f: {  	v0 =	vld [tilespmem:s23+$0x14080];
	_ =	sdelay $0x4  }
0x2a0: {  	p3 =	sne.s32 @!p1 s25, $0x18;
	[tilespmem:$0x15160] =	vst v0  }
0x2a1: {  	p3 =	por p3, p1;
	v0 =	vld [tilespmem:s23+$0x14090]  }
0x2a2: {  	s0 =	sadd.s32 @!p3 s16, s12  }
0x2a3: {  	s0 =	smul.u32 @!p3 $0x7D0, s0;
	_ =	sdelay $0x1  }
0x2a4: {  	s0 =	sshrl.u32 @!p3 s0, $0x3  }
0x2a5: {  	s30 =	simm.s32 $0x15130;
	s31 =	simm.s32 $0x1B580;
	s0 =	sadd.s32 @!p3 $0xFA, s0;
	[tilespmem:$0x15170] =	vst v0  }
0x2a6: {  	[spmem:s4] =	stream.indirect.scatter.add.f32 [tilespmem:s31], [sflag:$0x5], $0x80, s30, s21, $0xb8;
	[tilespmem:$0x1DD80] =	vst v63  }
0x2a7: {  	s2 =	simm.s32 @!p3 $0x0;
	s1 =	sadd.s32 @!p3 s7, s0;
	s6 =	simm.s32 @!p3 $0x14050  }
0x2a8: {  	[tilespmem:s6], [sflag:$0x7] =	stream.linear.gather @!p3 [hbm4b:s1+s2], $0x7D0, $0x38;
	[tilespmem:$0x1DD80] =	vst v63  }
0x2a9: {  	s1 =	simm.s32 @!p3 $0x7  }
0x2aa: {  	_ =	swait.ge @!p3 [sflag:s1], $0x7D0  }
0x2ab: {  	[sflag:s1] =	ssyncset.done @!p3 $0x0  }
0x2ac: {  	s0 =	sadd.s32 @!p3 s3, s0;
	s6 =	simm.s32 @!p3 $0x14820;
	[sflag:s1] =	ssyncadd.s32 @!p3 $0xFFFFF830  }
0x2ad: {  	[tilespmem:s6], [sflag:$0x7] =	stream.linear.gather @!p3 [hbm4b:s0+s2], $0x7D0, $0x38;
	[tilespmem:$0x1DD80] =	vst v63  }
0x2ae: {  	_ =	swait.ge @!p3 [sflag:s1], $0x7D0  }
0x2af: {  	[sflag:s1] =	ssyncset.done @!p3 $0x0  }
0x2b0: {  	[sflag:s1] =	ssyncadd.s32 @!p3 $0xFFFFF830  }
.LBB2_27:
0x2b1: {  	p3 =	sne.s32 s11, $0x0  }
0x2b2: {  	s0 =	sand.u32 @!p3 $0xFF, s18  }
0x2b3: {  	p4 =	sne.s32 @!p3 s0, $0x2  }
0x2b4: {  	p3 =	por p3, p4  }
.Ltmp21:
0x2b5: {  	_ = 	snop;
	(pc) =	sbr.rel @p3 .LBB2_31-.Ltmp21, $1  }
0x2b6: {  	_ =	sdelay $0x3  }
0x2b7: {  	s0 =	sadd.s32 $0xFFFFFFFE, s15  }
0x2b8: {  	s1 =	sadd.s32 $0x2, s0  }
0x2b9: {  	v0 =	vmov s1  }
0x2ba: {  	_ =	swait.ge [sflag:s8], $0x2800;
	v0 =	vand.u32 $0xFFFFFFFE, v0  }
0x2bb: {  	[sflag:s8] =	ssyncset.done $0x0;
	v0 =	vbroadcast v0, $0x0  }
0x2bc: {  	[sflag:s8] =	ssyncadd.s32 $0xFFFFD800  }
0x2bd: {  	_ =	swait.ge [sflag:s9], $0x1400  }
0x2be: {  	s0 =	sadd.s32 $0x3, s0;
	[sflag:s9] =	ssyncset.done $0x0  }
0x2bf: {  	s23 =	simm.s32 $0x179C0;
	v1 =	vmov s0;
	[sflag:s9] =	ssyncadd.s32 $0xFFFFEC00  }
0x2c0: {  	v2 =	vld [tilespmem:s23+$0xFFFFFFC0]  }
0x2c1: {  	v10 =	vld.idx.msk [tilespmem:v0+s20+$0x0], $0xffff;
	_ =	sdelay $0x1  }
0x2c2: {  	v3 =	vld [tilespmem:s23+$0x0]  }
0x2c3: {  	v0 =	vld.idx.msk [tilespmem:v1+s20+$0x0], $0xffff  }
0x2c4: {  	v1 =	vunpack.i.l.bf16.f32 v2  }
0x2c5: {  	s29 =	sadd.s32 $0x0, s15;
	v2 =	vunpack.i.u.bf16.f32 v2;
	v1 =	vmul.f32 v1, v10  }
0x2c6: {  	s11 =	simm.s32 $0x18E00;
	s2 =	sadd.s32 $0x2, s29;
	v2 =	vmul.f32 v2, v10  }
0x2c7: {  	v5 =	vmov s2;
	v4 =	vunpack.i.l.bf16.f32 v3;
	[tilespmem:s11+$0xFFFFFF80] =	vst v1  }
0x2c8: {  	v1 =	vunpack.i.u.bf16.f32 v3;
	v3 =	vmul.f32 v4, v0;
	v4 =	vand.u32 $0xFFFFFFFE, v5;
	[tilespmem:s11+$0xFFFFFF90] =	vst v2  }
0x2c9: {  	v1 =	vmul.f32 v1, v0;
	v2 =	vbroadcast v4, $0x0;
	v4 =	vld [tilespmem:s23+$0xFFFFFFD0]  }
0x2ca: {  	[tilespmem:s11+$0x0] =	vst v3  }
0x2cb: {  	s0 =	sadd.s32 $0x3, s29;
	[tilespmem:s11+$0x10] =	vst v1  }
0x2cc: {  	v3 =	vmov s0;
	v5 =	vld [tilespmem:s23+$0x10]  }
0x2cd: {  	s18 =	simm.s32 $0x17A40  }
0x2ce: {  	v6 =	vld [tilespmem:s18+$0xFFFFFFC0];
	v7 =	vunpack.i.l.bf16.f32 v4  }
0x2cf: {  	v1 =	vld.idx.msk [tilespmem:v2+s20+$0x0], $0xffff;
	v2 =	vunpack.i.u.bf16.f32 v4;
	v4 =	vmul.f32 v7, v10  }
0x2d0: {  	v7 =	vld [tilespmem:s18+$0x0];
	v8 =	vmul.f32 v2, v10  }
0x2d1: {  	v2 =	vld.idx.msk [tilespmem:v3+s20+$0x0], $0xffff;
	v3 =	vunpack.i.l.bf16.f32 v5;
	[tilespmem:s11+$0xFFFFFFA0] =	vst v4  }
0x2d2: {  	v4 =	vunpack.i.u.bf16.f32 v5;
	v3 =	vmul.f32 v3, v0;
	[tilespmem:s11+$0xFFFFFFB0] =	vst v8  }
0x2d3: {  	v4 =	vmul.f32 v4, v0;
	v8 =	vunpack.i.l.bf16.f32 v6;
	v5 =	vld [tilespmem:s23+$0xFFFFFFE0]  }
0x2d4: {  	[tilespmem:s11+$0x20] =	vst v3;
	v3 =	vunpack.i.u.bf16.f32 v6;
	v6 =	vmul.f32 v8, v1  }
0x2d5: {  	s6 =	simm.s32 $0x18F00;
	s30 =	sadd.s32 $0x2, s15;
	[tilespmem:s11+$0x30] =	vst v4;
	v4 =	vunpack.i.l.bf16.f32 v7;
	v3 =	vmul.f32 v3, v1  }
0x2d6: {  	s31 =	sadd.s32 $0x2, s30;
	v7 =	vunpack.i.u.bf16.f32 v7;
	v8 =	vld [tilespmem:s23+$0x20];
	v4 =	vmul.f32 v4, v2;
	[tilespmem:s6+$0xFFFFFF80] =	vst v6  }
0x2d7: {  	v6 =	vmul.f32 v7, v2;
	[tilespmem:s6+$0xFFFFFF90] =	vst v3;
	v3 =	vmov s31  }
0x2d8: {  	s0 =	sadd.s32 $0x3, s30;
	[tilespmem:s6+$0x0] =	vst v4;
	v7 =	vunpack.i.l.bf16.f32 v5;
	v9 =	vld [tilespmem:s18+$0xFFFFFFD0];
	v3 =	vand.u32 $0xFFFFFFFE, v3;
	v4 =	vunpack.i.u.bf16.f32 v5  }
0x2d9: {  	[tilespmem:s6+$0x10] =	vst v6;
	v6 =	vmov s0;
	v5 =	vmul.f32 v7, v10;
	v11 =	vbroadcast v3, $0x0  }
0x2da: {  	v3 =	vmul.f32 v4, v10  }
0x2db: {  	s22 =	simm.s32 $0x17AC0;
	v12 =	vld [tilespmem:s18+$0x10];
	v4 =	vunpack.i.l.bf16.f32 v8;
	[tilespmem:s11+$0xFFFFFFC0] =	vst v5  }
0x2dc: {  	v7 =	vld [tilespmem:s22+$0xFFFFFFC0];
	v5 =	vunpack.i.u.bf16.f32 v8;
	v4 =	vmul.f32 v4, v0;
	[tilespmem:s11+$0xFFFFFFD0] =	vst v3  }
0x2dd: {  	v5 =	vmul.f32 v5, v0;
	v13 =	vld [tilespmem:s23+$0xFFFFFFF0];
	v3 =	vunpack.i.l.bf16.f32 v9  }
0x2de: {  	[tilespmem:s11+$0x40] =	vst v4;
	v4 =	vunpack.i.u.bf16.f32 v9;
	v8 =	vmul.f32 v3, v1;
	v3 =	vld.idx.msk [tilespmem:v6+s20+$0x0], $0xffff  }
0x2df: {  	[tilespmem:s11+$0x50] =	vst v5;
	v5 =	vmul.f32 v4, v1;
	v4 =	vld.idx.msk [tilespmem:v11+s20+$0x0], $0xffff  }
0x2e0: {  	v6 =	vunpack.i.l.bf16.f32 v12;
	[tilespmem:s6+$0xFFFFFFA0] =	vst v8;
	v8 =	vld [tilespmem:s22+$0x0]  }
0x2e1: {  	v9 =	vunpack.i.u.bf16.f32 v12;
	v6 =	vmul.f32 v6, v2  }
0x2e2: {  	v12 =	vmul.f32 v9, v2;
	[tilespmem:s6+$0xFFFFFFB0] =	vst v5;
	v5 =	vld [tilespmem:s23+$0x30];
	v11 =	vunpack.i.u.bf16.f32 v13;
	v9 =	vunpack.i.l.bf16.f32 v13  }
0x2e3: {  	s19 =	smul.u32 $0x50, s24;
	[tilespmem:s6+$0x20] =	vst v6;
	v6 =	vld [tilespmem:s18+$0xFFFFFFE0];
	v9 =	vmul.f32 v9, v10;
	v10 =	vmul.f32 v11, v10  }
0x2e4: {  	s2 =	simm.s32 $0x18F00;
	s1 =	simm.s32 $0x17AC0;
	s23 =	simm.s32 $0x4;
	[tilespmem:s6+$0x30] =	vst v12;
	v11 =	vunpack.i.l.bf16.f32 v7  }
.LBB2_29:
0x2e5: {  	s0 =	sadd.s32 s23, s15;
	v7 =	vunpack.i.u.bf16.f32 v7;
	v11 =	vmul.f32 v11, v4;
	v12 =	vunpack.i.u.bf16.f32 v8;
	v13 =	vld [tilespmem:s18+$0x20];
	[tilespmem:s11+$0xFFFFFFF0] =	vst v10;
	v14 =	vmovc v4  }
0x2e6: {  	s6 =	sadd.s32 $0x100, s6;
	s29 =	sadd.s32 $0x2, s0;
	s0 =	sadd.s32 $0x3, s0;
	v4 =	vmul.f32 v7, v14;
	v7 =	vunpack.i.l.bf16.f32 v8;
	v8 =	vmul.f32 v12, v3;
	[tilespmem:s11+$0xFFFFFFE0] =	vst v9  }
0x2e7: {  	v9 =	vmov s29;
	v10 =	vmov s0;
	[tilespmem:s6+$0xFFFFFF80] =	vst v11;
	v7 =	vmul.f32 v7, v3  }
0x2e8: {  	s23 =	sadd.s32 $0x2, s23;
	v11 =	vunpack.i.u.bf16.f32 v5;
	v9 =	vand.u32 $0xFFFFFFFE, v9;
	[tilespmem:s6+$0xFFFFFF90] =	vst v4;
	v4 =	vunpack.i.l.bf16.f32 v6  }
0x2e9: {  	p3 =	slt.u32 s23, $0x4E;
	v6 =	vunpack.i.u.bf16.f32 v6;
	v9 =	vbroadcast v9, $0x0;
	v12 =	vld [tilespmem:s22+$0xFFFFFFD0];
	[tilespmem:s6+$0x0] =	vst v7;
	v4 =	vmul.f32 v4, v1  }
0x2ea: {  	v6 =	vmul.f32 v6, v1;
	[tilespmem:s6+$0x10] =	vst v8;
	v7 =	vunpack.i.u.bf16.f32 v13;
	v8 =	vunpack.i.l.bf16.f32 v13  }
0x2eb: {  	v5 =	vunpack.i.l.bf16.f32 v5;
	v13 =	vld [tilespmem:s22+$0x10];
	[tilespmem:s2+$0xFFFFFFC0] =	vst v4;
	v4 =	vmul.f32 v8, v2;
	v8 =	vmul.f32 v7, v2  }
0x2ec: {  	v5 =	vmul.f32 v5, v0;
	v10 =	vld.idx.msk [tilespmem:v10+s20+$0x0], $0xffff;
	[tilespmem:s2+$0xFFFFFFD0] =	vst v6;
	v6 =	vmul.f32 v11, v0;
	v0 =	vmov v2  }
0x2ed: {  	s22 =	sadd.s32 $0x80, s22;
	v2 =	vmov v3;
	v11 =	vld [tilespmem:s18+$0xFFFFFFF0];
	[tilespmem:s2+$0x40] =	vst v4  }
0x2ee: {  	v7 =	vld [tilespmem:s22+$0xFFFFFFC0];
	v3 =	vunpack.i.l.bf16.f32 v12;
	[tilespmem:s2+$0x50] =	vst v8  }
0x2ef: {  	v4 =	vld.idx.msk [tilespmem:v9+s20+$0x0], $0xffff;
	v9 =	vunpack.i.u.bf16.f32 v12;
	v16 =	vmul.f32 v3, v14;
	[tilespmem:s11+$0x60] =	vst v5  }
.Ltmp22:
0x2f0: {  	v8 =	vld [tilespmem:s22+$0x0];
	v9 =	vmul.f32 v9, v14;
	v5 =	vunpack.i.u.bf16.f32 v13;
	v12 =	vunpack.i.l.bf16.f32 v13;
	[tilespmem:s11+$0x70] =	vst v6;
	s11 =	smov.u32 s2;
	s2 =	smov.u32 s6;
	(pc) =	sbr.rel @p3 .LBB2_29-.Ltmp22, $4  }
0x2f1: {  	[tilespmem:s6+$0xFFFFFFA0] =	vst v16;
	v12 =	vmul.f32 v12, v2;
	v13 =	vmul.f32 v5, v2;
	v5 =	vld [tilespmem:s18+$0x30];
	s18 =	smov.u32 s1;
	s1 =	smov.u32 s22  }
0x2f2: {  	v3 =	vmov v10;
	[tilespmem:s6+$0xFFFFFFB0] =	vst v9;
	v15 =	vunpack.i.u.bf16.f32 v11;
	v9 =	vunpack.i.l.bf16.f32 v11  }
0x2f3: {  	v6 =	vld [tilespmem:s18+$0xFFFFFFE0];
	[tilespmem:s6+$0x20] =	vst v12;
	v9 =	vmul.f32 v9, v1;
	v10 =	vmul.f32 v15, v1;
	v1 =	vmov v14  }
0x2f4: {  	v11 =	vunpack.i.l.bf16.f32 v7;
	[tilespmem:s6+$0x30] =	vst v13  }
0x2f5: {  	v7 =	vunpack.i.u.bf16.f32 v7;
	v11 =	vmul.f32 v11, v4  }
0x2f6: {  	v12 =	vunpack.i.l.bf16.f32 v8;
	s6 =	sadd.s32 $0x100, s6;
	v7 =	vmul.f32 v7, v4  }
0x2f7: {  	v29 =	vunpack.i.u.bf16.f32 v8;
	v30 =	vmul.f32 v12, v3;
	[tilespmem:s6+$0xFFFFFF80] =	vst v11  }
0x2f8: {  	v8 =	vmul.f32 v29, v3;
	[tilespmem:s6+$0xFFFFFF90] =	vst v7  }
0x2f9: {  	[tilespmem:s6+$0x0] =	vst v30;
	v7 =	vld [tilespmem:s22+$0xFFFFFFD0]  }
0x2fa: {  	[tilespmem:s6+$0x10] =	vst v8  }
0x2fb: {  	v8 =	vld [tilespmem:s22+$0x10];
	_ =	sdelay $0x2  }
0x2fc: {  	v31 =	vunpack.i.l.bf16.f32 v7  }
0x2fd: {  	v7 =	vunpack.i.u.bf16.f32 v7;
	v11 =	vmul.f32 v31, v4  }
0x2fe: {  	v32 =	vunpack.i.l.bf16.f32 v8;
	v7 =	vmul.f32 v7, v4  }
0x2ff: {  	v13 =	vld [tilespmem:s18+$0x20];
	v8 =	vunpack.i.u.bf16.f32 v8;
	v33 =	vmul.f32 v32, v3;
	[tilespmem:s6+$0xFFFFFFA0] =	vst v11  }
0x300: {  	v8 =	vmul.f32 v8, v3;
	[tilespmem:s6+$0xFFFFFFB0] =	vst v7  }
0x301: {  	[tilespmem:s6+$0x20] =	vst v33;
	v7 =	vld [tilespmem:s1+$0xFFFFFFE0]  }
0x302: {  	v34 =	vunpack.i.l.bf16.f32 v6;
	[tilespmem:s6+$0x30] =	vst v8  }
0x303: {  	[tilespmem:s11+$0xFFFFFFF0] =	vst v10;
	v35 =	vunpack.i.u.bf16.f32 v6;
	v36 =	vmul.f32 v34, v1;
	v37 =	vld [tilespmem:s1+$0x20]  }
0x304: {  	[tilespmem:s11+$0xFFFFFFE0] =	vst v9;
	v6 =	vmul.f32 v35, v1;
	v38 =	vunpack.i.l.bf16.f32 v13  }
0x305: {  	v39 =	vunpack.i.u.bf16.f32 v13;
	[tilespmem:s2+$0xFFFFFFC0] =	vst v36;
	v40 =	vmul.f32 v38, v2  }
0x306: {  	v41 =	vmul.f32 v39, v2;
	[tilespmem:s2+$0xFFFFFFD0] =	vst v6;
	v42 =	vunpack.i.l.bf16.f32 v7  }
0x307: {  	v43 =	vld [tilespmem:s18+$0xFFFFFFF0];
	[tilespmem:s2+$0x40] =	vst v40;
	v7 =	vunpack.i.u.bf16.f32 v7;
	v6 =	vmul.f32 v42, v4  }
0x308: {  	[tilespmem:s2+$0x50] =	vst v41;
	v44 =	vunpack.i.l.bf16.f32 v37;
	v7 =	vmul.f32 v7, v4  }
0x309: {  	v9 =	vld [tilespmem:s18+$0x30];
	v10 =	vunpack.i.u.bf16.f32 v37;
	v45 =	vmul.f32 v44, v3;
	[tilespmem:s6+$0xFFFFFFC0] =	vst v6  }
0x30a: {  	v46 =	vunpack.i.l.bf16.f32 v5;
	v10 =	vmul.f32 v10, v3;
	[tilespmem:s6+$0xFFFFFFD0] =	vst v7  }
0x30b: {  	v47 =	vunpack.i.u.bf16.f32 v5;
	v48 =	vmul.f32 v46, v0;
	[tilespmem:s6+$0x40] =	vst v45;
	v49 =	vld [tilespmem:s1+$0xFFFFFFF0]  }
0x30c: {  	v50 =	vmul.f32 v47, v0;
	v51 =	vunpack.i.u.bf16.f32 v43;
	[tilespmem:s6+$0x50] =	vst v10  }
0x30d: {  	[tilespmem:s11+$0x60] =	vst v48;
	v52 =	vunpack.i.l.bf16.f32 v43;
	v5 =	vmul.f32 v51, v1;
	v53 =	vld [tilespmem:s1+$0x30]  }
0x30e: {  	[tilespmem:s11+$0x70] =	vst v50;
	v54 =	vmul.f32 v52, v1;
	v55 =	vunpack.i.l.bf16.f32 v9  }
0x30f: {  	v56 =	vunpack.i.u.bf16.f32 v9;
	[tilespmem:s2+$0xFFFFFFF0] =	vst v5;
	v1 =	vmul.f32 v55, v2  }
0x310: {  	[tilespmem:s2+$0xFFFFFFE0] =	vst v54;
	v57 =	vmul.f32 v56, v2;
	v58 =	vunpack.i.u.bf16.f32 v49  }
0x311: {  	[tilespmem:s2+$0x60] =	vst v1;
	v59 =	vunpack.i.l.bf16.f32 v49;
	v2 =	vmul.f32 v58, v4  }
0x312: {  	[tilespmem:s2+$0x70] =	vst v57;
	v61 =	vunpack.i.l.bf16.f32 v53;
	v60 =	vmul.f32 v59, v4  }
0x313: {  	v62 =	vunpack.i.u.bf16.f32 v53;
	v1 =	vmul.f32 v61, v3;
	[tilespmem:s6+$0xFFFFFFF0] =	vst v2  }
0x314: {  	v63 =	vmul.f32 v62, v3;
	[tilespmem:s6+$0xFFFFFFE0] =	vst v60  }
0x315: {  	[tilespmem:s6+$0x60] =	vst v1  }
0x316: {  	[tilespmem:s6+$0x70] =	vst v63  }
0x317: {  	v0 =	vld [tilespmem:s19+$0x14050];
	_ =	sdelay $0x4  }
0x318: {  	[tilespmem:$0x150E0] =	vst v0  }
0x319: {  	v0 =	vld [tilespmem:s19+$0x14060];
	_ =	sdelay $0x4  }
0x31a: {  	[tilespmem:$0x150F0] =	vst v0  }
0x31b: {  	v0 =	vld [tilespmem:s19+$0x14070];
	_ =	sdelay $0x4  }
0x31c: {  	[tilespmem:$0x15100] =	vst v0  }
0x31d: {  	v0 =	vld [tilespmem:s19+$0x14080];
	_ =	sdelay $0x4  }
0x31e: {  	p3 =	sne.s32 @!p1 s25, $0x18;
	[tilespmem:$0x15110] =	vst v0  }
0x31f: {  	p3 =	por p3, p1;
	v0 =	vld [tilespmem:s19+$0x14090]  }
0x320: {  	s0 =	sadd.s32 @!p3 s16, s12  }
0x321: {  	s0 =	smul.u32 @!p3 $0x7D0, s0;
	_ =	sdelay $0x1  }
0x322: {  	s0 =	sshrl.u32 @!p3 s0, $0x3  }
0x323: {  	s30 =	simm.s32 $0x150E0;
	s31 =	simm.s32 $0x18D80;
	s0 =	sadd.s32 @!p3 $0xFA, s0;
	[tilespmem:$0x15120] =	vst v0  }
0x324: {  	[spmem:s4] =	stream.indirect.scatter.add.f32 [tilespmem:s31], [sflag:$0x4], $0x80, s30, s21, $0xb8;
	[tilespmem:$0x1DD80] =	vst v63  }
0x325: {  	s2 =	simm.s32 @!p3 $0x0;
	s1 =	sadd.s32 @!p3 s7, s0;
	s6 =	simm.s32 @!p3 $0x14050  }
0x326: {  	[tilespmem:s6], [sflag:$0x7] =	stream.linear.gather @!p3 [hbm4b:s1+s2], $0x7D0, $0x38;
	[tilespmem:$0x1DD80] =	vst v63  }
0x327: {  	s1 =	simm.s32 @!p3 $0x7  }
0x328: {  	_ =	swait.ge @!p3 [sflag:s1], $0x7D0  }
0x329: {  	[sflag:s1] =	ssyncset.done @!p3 $0x0  }
0x32a: {  	s0 =	sadd.s32 @!p3 s3, s0;
	s6 =	simm.s32 @!p3 $0x14820;
	[sflag:s1] =	ssyncadd.s32 @!p3 $0xFFFFF830  }
0x32b: {  	[tilespmem:s6], [sflag:$0x7] =	stream.linear.gather @!p3 [hbm4b:s0+s2], $0x7D0, $0x38;
	[tilespmem:$0x1DD80] =	vst v63  }
0x32c: {  	_ =	swait.ge @!p3 [sflag:s1], $0x7D0  }
0x32d: {  	[sflag:s1] =	ssyncset.done @!p3 $0x0  }
0x32e: {  	[sflag:s1] =	ssyncadd.s32 @!p3 $0xFFFFF830  }
.LBB2_31:
0x32f: {  	p3 =	sne.s32 s26, $0x2;
	p2 =	por !p2, !p2  }
0x330: {  	p2 =	por p3, p2  }
.Ltmp23:
0x331: {  	_ = 	snop;
	(pc) =	sbr.rel @p2 .LBB2_35-.Ltmp23, $1  }
0x332: {  	_ =	sdelay $0x3  }
0x333: {  	s0 =	sadd.s32 $0xFFFFFFFE, s15  }
0x334: {  	s1 =	sadd.s32 $0x2, s0  }
0x335: {  	v0 =	vmov s1  }
0x336: {  	_ =	swait.ge [sflag:s10], $0x2800;
	v0 =	vand.u32 $0xFFFFFFFE, v0  }
0x337: {  	[sflag:s10] =	ssyncset.done $0x0;
	v0 =	vbroadcast v0, $0x0  }
0x338: {  	[sflag:s10] =	ssyncadd.s32 $0xFFFFD800  }
0x339: {  	_ =	swait.ge [sflag:s9], $0x1400  }
0x33a: {  	s0 =	sadd.s32 $0x3, s0;
	[sflag:s9] =	ssyncset.done $0x0  }
0x33b: {  	s26 =	simm.s32 $0x179C0;
	v1 =	vmov s0;
	[sflag:s9] =	ssyncadd.s32 $0xFFFFEC00  }
0x33c: {  	v2 =	vld [tilespmem:s26+$0xFFFFFFC0]  }
0x33d: {  	v10 =	vld.idx.msk [tilespmem:v0+s20+$0x0], $0xffff;
	_ =	sdelay $0x1  }
0x33e: {  	v3 =	vld [tilespmem:s26+$0x0]  }
0x33f: {  	v0 =	vld.idx.msk [tilespmem:v1+s20+$0x0], $0xffff  }
0x340: {  	v1 =	vunpack.i.l.bf16.f32 v2  }
0x341: {  	s29 =	sadd.s32 $0x0, s15;
	v2 =	vunpack.i.u.bf16.f32 v2;
	v1 =	vmul.f32 v1, v10  }
0x342: {  	s11 =	simm.s32 $0x1B600;
	s2 =	sadd.s32 $0x2, s29;
	v2 =	vmul.f32 v2, v10  }
0x343: {  	v5 =	vmov s2;
	v4 =	vunpack.i.l.bf16.f32 v3;
	[tilespmem:s11+$0xFFFFFF80] =	vst v1  }
0x344: {  	v1 =	vunpack.i.u.bf16.f32 v3;
	v3 =	vmul.f32 v4, v0;
	v4 =	vand.u32 $0xFFFFFFFE, v5;
	[tilespmem:s11+$0xFFFFFF90] =	vst v2  }
0x345: {  	v1 =	vmul.f32 v1, v0;
	v2 =	vbroadcast v4, $0x0;
	v4 =	vld [tilespmem:s26+$0xFFFFFFD0]  }
0x346: {  	[tilespmem:s11+$0x0] =	vst v3  }
0x347: {  	s0 =	sadd.s32 $0x3, s29;
	[tilespmem:s11+$0x10] =	vst v1  }
0x348: {  	v3 =	vmov s0;
	v5 =	vld [tilespmem:s26+$0x10]  }
0x349: {  	s18 =	simm.s32 $0x17A40  }
0x34a: {  	v6 =	vld [tilespmem:s18+$0xFFFFFFC0];
	v7 =	vunpack.i.l.bf16.f32 v4  }
0x34b: {  	v1 =	vld.idx.msk [tilespmem:v2+s20+$0x0], $0xffff;
	v2 =	vunpack.i.u.bf16.f32 v4;
	v4 =	vmul.f32 v7, v10  }
0x34c: {  	v7 =	vld [tilespmem:s18+$0x0];
	v8 =	vmul.f32 v2, v10  }
0x34d: {  	v2 =	vld.idx.msk [tilespmem:v3+s20+$0x0], $0xffff;
	v3 =	vunpack.i.l.bf16.f32 v5;
	[tilespmem:s11+$0xFFFFFFA0] =	vst v4  }
0x34e: {  	v4 =	vunpack.i.u.bf16.f32 v5;
	v3 =	vmul.f32 v3, v0;
	[tilespmem:s11+$0xFFFFFFB0] =	vst v8  }
0x34f: {  	v4 =	vmul.f32 v4, v0;
	v8 =	vunpack.i.l.bf16.f32 v6;
	v5 =	vld [tilespmem:s26+$0xFFFFFFE0]  }
0x350: {  	[tilespmem:s11+$0x20] =	vst v3;
	v3 =	vunpack.i.u.bf16.f32 v6;
	v6 =	vmul.f32 v8, v1  }
0x351: {  	s6 =	simm.s32 $0x1B700;
	s30 =	sadd.s32 $0x2, s15;
	[tilespmem:s11+$0x30] =	vst v4;
	v4 =	vunpack.i.l.bf16.f32 v7;
	v3 =	vmul.f32 v3, v1  }
0x352: {  	s31 =	sadd.s32 $0x2, s30;
	v7 =	vunpack.i.u.bf16.f32 v7;
	v8 =	vld [tilespmem:s26+$0x20];
	v4 =	vmul.f32 v4, v2;
	[tilespmem:s6+$0xFFFFFF80] =	vst v6  }
0x353: {  	v6 =	vmul.f32 v7, v2;
	[tilespmem:s6+$0xFFFFFF90] =	vst v3;
	v3 =	vmov s31  }
0x354: {  	s0 =	sadd.s32 $0x3, s30;
	[tilespmem:s6+$0x0] =	vst v4;
	v7 =	vunpack.i.l.bf16.f32 v5;
	v9 =	vld [tilespmem:s18+$0xFFFFFFD0];
	v3 =	vand.u32 $0xFFFFFFFE, v3;
	v4 =	vunpack.i.u.bf16.f32 v5  }
0x355: {  	[tilespmem:s6+$0x10] =	vst v6;
	v6 =	vmov s0;
	v5 =	vmul.f32 v7, v10;
	v11 =	vbroadcast v3, $0x0  }
0x356: {  	v3 =	vmul.f32 v4, v10  }
0x357: {  	s22 =	simm.s32 $0x17AC0;
	v12 =	vld [tilespmem:s18+$0x10];
	v4 =	vunpack.i.l.bf16.f32 v8;
	[tilespmem:s11+$0xFFFFFFC0] =	vst v5  }
0x358: {  	v7 =	vld [tilespmem:s22+$0xFFFFFFC0];
	v5 =	vunpack.i.u.bf16.f32 v8;
	v4 =	vmul.f32 v4, v0;
	[tilespmem:s11+$0xFFFFFFD0] =	vst v3  }
0x359: {  	v5 =	vmul.f32 v5, v0;
	v13 =	vld [tilespmem:s26+$0xFFFFFFF0];
	v3 =	vunpack.i.l.bf16.f32 v9  }
0x35a: {  	[tilespmem:s11+$0x40] =	vst v4;
	v4 =	vunpack.i.u.bf16.f32 v9;
	v8 =	vmul.f32 v3, v1;
	v3 =	vld.idx.msk [tilespmem:v6+s20+$0x0], $0xffff  }
0x35b: {  	[tilespmem:s11+$0x50] =	vst v5;
	v5 =	vmul.f32 v4, v1;
	v4 =	vld.idx.msk [tilespmem:v11+s20+$0x0], $0xffff  }
0x35c: {  	v6 =	vunpack.i.l.bf16.f32 v12;
	[tilespmem:s6+$0xFFFFFFA0] =	vst v8;
	v8 =	vld [tilespmem:s22+$0x0]  }
0x35d: {  	v9 =	vunpack.i.u.bf16.f32 v12;
	v6 =	vmul.f32 v6, v2  }
0x35e: {  	v12 =	vmul.f32 v9, v2;
	[tilespmem:s6+$0xFFFFFFB0] =	vst v5;
	v5 =	vld [tilespmem:s26+$0x30];
	v11 =	vunpack.i.u.bf16.f32 v13;
	v9 =	vunpack.i.l.bf16.f32 v13  }
0x35f: {  	s19 =	smul.u32 $0x50, s24;
	[tilespmem:s6+$0x20] =	vst v6;
	v6 =	vld [tilespmem:s18+$0xFFFFFFE0];
	v9 =	vmul.f32 v9, v10;
	v10 =	vmul.f32 v11, v10  }
0x360: {  	s23 =	simm.s32 $0x4;
	s2 =	simm.s32 $0x1B700;
	s1 =	simm.s32 $0x17AC0;
	[tilespmem:s6+$0x30] =	vst v12;
	v11 =	vunpack.i.l.bf16.f32 v7  }
.LBB2_33:
0x361: {  	s0 =	sadd.s32 s23, s15;
	v7 =	vunpack.i.u.bf16.f32 v7;
	v11 =	vmul.f32 v11, v4;
	v12 =	vunpack.i.u.bf16.f32 v8;
	v13 =	vld [tilespmem:s18+$0x20];
	[tilespmem:s11+$0xFFFFFFF0] =	vst v10;
	v14 =	vmovc v4  }
0x362: {  	s6 =	sadd.s32 $0x100, s6;
	s24 =	sadd.s32 $0x2, s0;
	s0 =	sadd.s32 $0x3, s0;
	v4 =	vmul.f32 v7, v14;
	v7 =	vunpack.i.l.bf16.f32 v8;
	v8 =	vmul.f32 v12, v3;
	[tilespmem:s11+$0xFFFFFFE0] =	vst v9  }
0x363: {  	v9 =	vmov s24;
	v10 =	vmov s0;
	[tilespmem:s6+$0xFFFFFF80] =	vst v11;
	v7 =	vmul.f32 v7, v3  }
0x364: {  	s23 =	sadd.s32 $0x2, s23;
	v11 =	vunpack.i.u.bf16.f32 v5;
	v9 =	vand.u32 $0xFFFFFFFE, v9;
	[tilespmem:s6+$0xFFFFFF90] =	vst v4;
	v4 =	vunpack.i.l.bf16.f32 v6  }
0x365: {  	p2 =	slt.u32 s23, $0x4E;
	v6 =	vunpack.i.u.bf16.f32 v6;
	v9 =	vbroadcast v9, $0x0;
	v12 =	vld [tilespmem:s22+$0xFFFFFFD0];
	[tilespmem:s6+$0x0] =	vst v7;
	v4 =	vmul.f32 v4, v1  }
0x366: {  	v6 =	vmul.f32 v6, v1;
	[tilespmem:s6+$0x10] =	vst v8;
	v7 =	vunpack.i.u.bf16.f32 v13;
	v8 =	vunpack.i.l.bf16.f32 v13  }
0x367: {  	v5 =	vunpack.i.l.bf16.f32 v5;
	v13 =	vld [tilespmem:s22+$0x10];
	[tilespmem:s2+$0xFFFFFFC0] =	vst v4;
	v4 =	vmul.f32 v8, v2;
	v8 =	vmul.f32 v7, v2  }
0x368: {  	v5 =	vmul.f32 v5, v0;
	v10 =	vld.idx.msk [tilespmem:v10+s20+$0x0], $0xffff;
	[tilespmem:s2+$0xFFFFFFD0] =	vst v6;
	v6 =	vmul.f32 v11, v0;
	v0 =	vmov v2  }
0x369: {  	s22 =	sadd.s32 $0x80, s22;
	v2 =	vmov v3;
	v11 =	vld [tilespmem:s18+$0xFFFFFFF0];
	[tilespmem:s2+$0x40] =	vst v4  }
0x36a: {  	v7 =	vld [tilespmem:s22+$0xFFFFFFC0];
	v3 =	vunpack.i.l.bf16.f32 v12;
	[tilespmem:s2+$0x50] =	vst v8  }
0x36b: {  	v4 =	vld.idx.msk [tilespmem:v9+s20+$0x0], $0xffff;
	v9 =	vunpack.i.u.bf16.f32 v12;
	v16 =	vmul.f32 v3, v14;
	[tilespmem:s11+$0x60] =	vst v5  }
.Ltmp24:
0x36c: {  	v8 =	vld [tilespmem:s22+$0x0];
	v9 =	vmul.f32 v9, v14;
	v5 =	vunpack.i.u.bf16.f32 v13;
	v12 =	vunpack.i.l.bf16.f32 v13;
	[tilespmem:s11+$0x70] =	vst v6;
	s11 =	smov.u32 s2;
	s2 =	smov.u32 s6;
	(pc) =	sbr.rel @p2 .LBB2_33-.Ltmp24, $4  }
0x36d: {  	[tilespmem:s6+$0xFFFFFFA0] =	vst v16;
	v12 =	vmul.f32 v12, v2;
	v13 =	vmul.f32 v5, v2;
	v5 =	vld [tilespmem:s18+$0x30];
	s18 =	smov.u32 s1;
	s1 =	smov.u32 s22  }
0x36e: {  	v3 =	vmov v10;
	[tilespmem:s6+$0xFFFFFFB0] =	vst v9;
	v15 =	vunpack.i.u.bf16.f32 v11;
	v9 =	vunpack.i.l.bf16.f32 v11  }
0x36f: {  	v6 =	vld [tilespmem:s18+$0xFFFFFFE0];
	[tilespmem:s6+$0x20] =	vst v12;
	v9 =	vmul.f32 v9, v1;
	v10 =	vmul.f32 v15, v1;
	v1 =	vmov v14  }
0x370: {  	v11 =	vunpack.i.l.bf16.f32 v7;
	[tilespmem:s6+$0x30] =	vst v13  }
0x371: {  	v7 =	vunpack.i.u.bf16.f32 v7;
	v11 =	vmul.f32 v11, v4  }
0x372: {  	v12 =	vunpack.i.l.bf16.f32 v8;
	s6 =	sadd.s32 $0x100, s6;
	v7 =	vmul.f32 v7, v4  }
0x373: {  	v29 =	vunpack.i.u.bf16.f32 v8;
	v30 =	vmul.f32 v12, v3;
	[tilespmem:s6+$0xFFFFFF80] =	vst v11  }
0x374: {  	v8 =	vmul.f32 v29, v3;
	[tilespmem:s6+$0xFFFFFF90] =	vst v7  }
0x375: {  	[tilespmem:s6+$0x0] =	vst v30;
	v7 =	vld [tilespmem:s22+$0xFFFFFFD0]  }
0x376: {  	[tilespmem:s6+$0x10] =	vst v8  }
0x377: {  	v8 =	vld [tilespmem:s22+$0x10];
	_ =	sdelay $0x2  }
0x378: {  	v31 =	vunpack.i.l.bf16.f32 v7  }
0x379: {  	v7 =	vunpack.i.u.bf16.f32 v7;
	v11 =	vmul.f32 v31, v4  }
0x37a: {  	v32 =	vunpack.i.l.bf16.f32 v8;
	v7 =	vmul.f32 v7, v4  }
0x37b: {  	v13 =	vld [tilespmem:s18+$0x20];
	v8 =	vunpack.i.u.bf16.f32 v8;
	v33 =	vmul.f32 v32, v3;
	[tilespmem:s6+$0xFFFFFFA0] =	vst v11  }
0x37c: {  	v8 =	vmul.f32 v8, v3;
	[tilespmem:s6+$0xFFFFFFB0] =	vst v7  }
0x37d: {  	[tilespmem:s6+$0x20] =	vst v33;
	v7 =	vld [tilespmem:s1+$0xFFFFFFE0]  }
0x37e: {  	v34 =	vunpack.i.l.bf16.f32 v6;
	[tilespmem:s6+$0x30] =	vst v8  }
0x37f: {  	[tilespmem:s11+$0xFFFFFFF0] =	vst v10;
	v35 =	vunpack.i.u.bf16.f32 v6;
	v36 =	vmul.f32 v34, v1;
	v37 =	vld [tilespmem:s1+$0x20]  }
0x380: {  	[tilespmem:s11+$0xFFFFFFE0] =	vst v9;
	v6 =	vmul.f32 v35, v1;
	v38 =	vunpack.i.l.bf16.f32 v13  }
0x381: {  	v39 =	vunpack.i.u.bf16.f32 v13;
	[tilespmem:s2+$0xFFFFFFC0] =	vst v36;
	v40 =	vmul.f32 v38, v2  }
0x382: {  	v41 =	vmul.f32 v39, v2;
	[tilespmem:s2+$0xFFFFFFD0] =	vst v6;
	v42 =	vunpack.i.l.bf16.f32 v7  }
0x383: {  	v43 =	vld [tilespmem:s18+$0xFFFFFFF0];
	[tilespmem:s2+$0x40] =	vst v40;
	v7 =	vunpack.i.u.bf16.f32 v7;
	v6 =	vmul.f32 v42, v4  }
0x384: {  	[tilespmem:s2+$0x50] =	vst v41;
	v44 =	vunpack.i.l.bf16.f32 v37;
	v7 =	vmul.f32 v7, v4  }
0x385: {  	v9 =	vld [tilespmem:s18+$0x30];
	v10 =	vunpack.i.u.bf16.f32 v37;
	v45 =	vmul.f32 v44, v3;
	[tilespmem:s6+$0xFFFFFFC0] =	vst v6  }
0x386: {  	v46 =	vunpack.i.l.bf16.f32 v5;
	v10 =	vmul.f32 v10, v3;
	[tilespmem:s6+$0xFFFFFFD0] =	vst v7  }
0x387: {  	v47 =	vunpack.i.u.bf16.f32 v5;
	v48 =	vmul.f32 v46, v0;
	[tilespmem:s6+$0x40] =	vst v45;
	v49 =	vld [tilespmem:s1+$0xFFFFFFF0]  }
0x388: {  	v50 =	vmul.f32 v47, v0;
	v51 =	vunpack.i.u.bf16.f32 v43;
	[tilespmem:s6+$0x50] =	vst v10  }
0x389: {  	[tilespmem:s11+$0x60] =	vst v48;
	v52 =	vunpack.i.l.bf16.f32 v43;
	v5 =	vmul.f32 v51, v1;
	v53 =	vld [tilespmem:s1+$0x30]  }
0x38a: {  	[tilespmem:s11+$0x70] =	vst v50;
	v54 =	vmul.f32 v52, v1;
	v55 =	vunpack.i.l.bf16.f32 v9  }
0x38b: {  	v56 =	vunpack.i.u.bf16.f32 v9;
	[tilespmem:s2+$0xFFFFFFF0] =	vst v5;
	v1 =	vmul.f32 v55, v2  }
0x38c: {  	[tilespmem:s2+$0xFFFFFFE0] =	vst v54;
	v57 =	vmul.f32 v56, v2;
	v58 =	vunpack.i.u.bf16.f32 v49  }
0x38d: {  	[tilespmem:s2+$0x60] =	vst v1;
	v59 =	vunpack.i.l.bf16.f32 v49;
	v2 =	vmul.f32 v58, v4  }
0x38e: {  	[tilespmem:s2+$0x70] =	vst v57;
	v61 =	vunpack.i.l.bf16.f32 v53;
	v60 =	vmul.f32 v59, v4  }
0x38f: {  	v62 =	vunpack.i.u.bf16.f32 v53;
	v1 =	vmul.f32 v61, v3;
	[tilespmem:s6+$0xFFFFFFF0] =	vst v2  }
0x390: {  	v63 =	vmul.f32 v62, v3;
	[tilespmem:s6+$0xFFFFFFE0] =	vst v60  }
0x391: {  	[tilespmem:s6+$0x60] =	vst v1  }
0x392: {  	[tilespmem:s6+$0x70] =	vst v63  }
0x393: {  	v0 =	vld [tilespmem:s19+$0x14050];
	_ =	sdelay $0x4  }
0x394: {  	[tilespmem:$0x15130] =	vst v0  }
0x395: {  	v0 =	vld [tilespmem:s19+$0x14060];
	_ =	sdelay $0x4  }
0x396: {  	[tilespmem:$0x15140] =	vst v0  }
0x397: {  	v0 =	vld [tilespmem:s19+$0x14070];
	_ =	sdelay $0x4  }
0x398: {  	[tilespmem:$0x15150] =	vst v0  }
0x399: {  	v0 =	vld [tilespmem:s19+$0x14080];
	_ =	sdelay $0x4  }
0x39a: {  	p2 =	sne.s32 @!p1 s25, $0x18;
	[tilespmem:$0x15160] =	vst v0  }
0x39b: {  	p1 =	por p2, p1;
	v0 =	vld [tilespmem:s19+$0x14090]  }
0x39c: {  	s0 =	sadd.s32 @!p1 s16, s12  }
0x39d: {  	s0 =	smul.u32 @!p1 $0x7D0, s0;
	_ =	sdelay $0x1  }
0x39e: {  	s0 =	sshrl.u32 @!p1 s0, $0x3  }
0x39f: {  	s30 =	simm.s32 $0x15130;
	s31 =	simm.s32 $0x1B580;
	s0 =	sadd.s32 @!p1 $0xFA, s0;
	[tilespmem:$0x15170] =	vst v0  }
0x3a0: {  	[spmem:s4] =	stream.indirect.scatter.add.f32 [tilespmem:s31], [sflag:$0x5], $0x80, s30, s21, $0xb8;
	[tilespmem:$0x1DD80] =	vst v63  }
0x3a1: {  	s2 =	simm.s32 @!p1 $0x0;
	s1 =	sadd.s32 @!p1 s7, s0;
	s6 =	simm.s32 @!p1 $0x14050  }
0x3a2: {  	[tilespmem:s6], [sflag:$0x7] =	stream.linear.gather @!p1 [hbm4b:s1+s2], $0x7D0, $0x38;
	[tilespmem:$0x1DD80] =	vst v63  }
0x3a3: {  	s1 =	simm.s32 @!p1 $0x7  }
0x3a4: {  	_ =	swait.ge @!p1 [sflag:s1], $0x7D0  }
0x3a5: {  	[sflag:s1] =	ssyncset.done @!p1 $0x0  }
0x3a6: {  	s0 =	sadd.s32 @!p1 s3, s0;
	[sflag:s1] =	ssyncadd.s32 @!p1 $0xFFFFF830;
	s1 =	simm.s32 @!p1 $0x14820  }
0x3a7: {  	[tilespmem:s1], [sflag:$0x6] =	stream.linear.gather @!p1 [hbm4b:s0+s2], $0x7D0, $0x38;
	[tilespmem:$0x1DD80] =	vst v63  }
.Ltmp25:
0x3a8: {  	_ = 	snop;
	(pc) =	sbr.rel .LBB2_35-.Ltmp25, $4  }
0x3a9: {  	s0 =	simm.s32 @!p1 $0x6  }
0x3aa: {  	_ =	swait.ge @!p1 [sflag:s0], $0x7D0  }
0x3ab: {  	[sflag:s0] =	ssyncset.done @!p1 $0x0  }
0x3ac: {  	[sflag:s0] =	ssyncadd.s32 @!p1 $0xFFFFF830  }
.LBB2_37:
0x3ad: {  	_ =	sfence.sel $0x180000  }
0x3ae: {  	[bflag:$0x0] =	sbarrier.arrive $0xFFFF  }
0x3af: {  	_ =	strace $0x9000004A  }
0x3b0: {  	s0 =	stileid.u32;
	[bflag:$0x2] =	sbarrier.arrive $0xFFFF  }
0x3b1: {  	p0 =	sne.s32 s0, $0x0;
	s0 =	rddreg [dreg:$0x5]  }
0x3b2: {  	s0 =	sadd.s32 @!p0 $0x100000, s0  }
0x3b3: {  	[sflag:s0] =	ssyncadd.tile.s32 @!p0 $0x1;
	_ =	shalt  }
.Lfunc_end2:
_tile_overlayer_lowered:
.L_overlay_start_2:
0x3b4: {  	(tag) =	ssettag $0x2  }
0x3b5: {  	s0 =	rddreg [dreg:$0x0];
	s2 =	stileid.u32  }
0x3b6: {  	s1 =	rddreg [dreg:$0x1];
	p0 =	sne.s32 s2, $0x0  }
0x3b7: {  	s3 =	rddreg [dreg:$0x2];
	[bflag:$0x3] =	sbarrier.arrive $0xFFFF;
	s2 =	simm.s32 @!p0 $0x1C06  }
0x3b8: {  	[timem:s3], [sflag:s2] =	dma.local @!p0 [hbm:s0], s1  }
0x3b9: {  	s0 =	simm.s32 @!p0 $0x6  }
0x3ba: {  	_ =	swait.ge @!p0 [sflag:s0], s1  }
0x3bb: {  	s1 =	ssub.s32 @!p0 $0x0, s1;
	[sflag:s0] =	ssyncset.done @!p0 $0x0  }
0x3bc: {  	[sflag:s0] =	ssyncadd.s32 @!p0 s1  }
0x3bd: {  	[bflag:$0x3] =	sbarrier.arrive $0xFFFF  }
0x3be: {  	_ =	shalt  }

</sc_bundles>
